<compile_context>
chip_gen: v7x
topology: tpu7x:2x2x1
jax: 0.10.2.dev20260603
libtpu: 0.0.44.dev20260713+nightly
codegen_flags: <defaults>
</compile_context>

<pallas_src>
import jax
import jax.numpy as jnp
from jax import lax
from jax.experimental import pallas as pl
from jax.experimental.pallas import tpu as pltpu
from jax.experimental.pallas import tpu_sc as plsc

_B = 16384
_D = 16
_NW = 32
_BPW = _B // _NW
_G = 16
_NWAVE = _BPW // _G


def _body(uid_hbm, cid_hbm, wd_hbm, tf_hbm,
          ut_hbm, ct_hbm, wt_hbm, tt_hbm,
          out_hbm,
          iu, ic, iw, it, cbuf, wbuf, tbuf, chunk, slab, sem, g0sem, g1sem):
    wid = lax.axis_index("s") * 2 + lax.axis_index("c")
    base = wid * _BPW
    iota = lax.iota(jnp.int32, _D)

    pltpu.sync_copy(uid_hbm.at[pl.ds(base, _BPW)], iu)
    pltpu.sync_copy(cid_hbm.at[pl.ds(base, _BPW)], ic)
    pltpu.sync_copy(wd_hbm.at[pl.ds(base, _BPW)], iw)
    pltpu.sync_copy(tf_hbm.at[pl.ds(base, _BPW)], it)
    cp_c = pltpu.async_copy(ct_hbm, cbuf, sem)
    cp_w = pltpu.async_copy(wt_hbm, wbuf, sem)
    cp_t = pltpu.async_copy(tt_hbm, tbuf, sem)
    cp_c.wait()
    cp_w.wait()
    cp_t.wait()

    gsems = (g0sem, g1sem)

    def fire(g, half):
        uvec = iu[pl.ds(g * _G, _G)]
        starts = uvec & jnp.int32(-128)
        for j in range(_G):
            pltpu.async_copy(
                ut_hbm.at[:, pl.ds(pl.multiple_of(starts[j], 128), 128)],
                chunk.at[half * _G + j],
                gsems[half],
            )

    def drain(half):
        for j in range(_G):
            pltpu.make_async_copy(
                ut_hbm.at[:, pl.ds(0, 128)], chunk.at[half * _G + j],
                gsems[half],
            ).wait()

    def process(g, half):
        uvec = iu[pl.ds(g * _G, _G)]
        lanes = uvec & jnp.int32(127)
        cvec = ic[pl.ds(g * _G, _G)]
        wvec = iw[pl.ds(g * _G, _G)]
        tvec = it[pl.ds(g * _G, _G)]
        wave = chunk.at[pl.ds(half * _G, _G)]
        col = pl.multiple_of(g * _G, _G)
        for c in range(_D):
            cc = jnp.broadcast_to(jnp.int32(c), (_D,))
            slab[c, pl.ds(col, _G)] = plsc.load_gather(
                wave, [iota, cc, lanes])
            slab[_D + c, pl.ds(col, _G)] = plsc.load_gather(cbuf, [cc, cvec])
            slab[2 * _D + c, pl.ds(col, _G)] = plsc.load_gather(
                wbuf, [cc, wvec])
            slab[3 * _D + c, pl.ds(col, _G)] = plsc.load_gather(
                tbuf, [cc, tvec])

    fire(0, 0)

    def pair(p, _):
        g0 = 2 * p
        fire(g0 + 1, 1)
        drain(0)
        process(g0, 0)

        @pl.when(p < _NWAVE // 2 - 1)
        def _():
            fire(g0 + 2, 0)

        drain(1)
        process(g0 + 1, 1)
        return 0

    lax.fori_loop(0, _NWAVE // 2, pair, 0)

    pltpu.sync_copy(slab, out_hbm.at[:, pl.ds(base, _BPW)])


@jax.jit
def _run(uid, cid, wd, tf, utT, ctT, wtT, ttT):
    mesh = plsc.VectorSubcoreMesh(core_axis_name="c", subcore_axis_name="s")
    out_t = pl.kernel(
        _body,
        out_type=jax.ShapeDtypeStruct((4 * _D, _B), jnp.float32),
        mesh=mesh,
        scratch_types=[
            pltpu.VMEM((_BPW,), jnp.int32),
            pltpu.VMEM((_BPW,), jnp.int32),
            pltpu.VMEM((_BPW,), jnp.int32),
            pltpu.VMEM((_BPW,), jnp.int32),
            pltpu.VMEM((_D, 1001), jnp.float32),
            pltpu.VMEM((_D, 8), jnp.float32),
            pltpu.VMEM((_D, 25), jnp.float32),
            pltpu.VMEM((2 * _G, _D, 128), jnp.float32),
            pltpu.VMEM((4 * _D, _BPW), jnp.float32),
            pltpu.SemaphoreType.DMA,
            pltpu.SemaphoreType.DMA,
            pltpu.SemaphoreType.DMA,
        ],
        compiler_params=pltpu.CompilerParams(needs_layout_passes=False),
    )(uid, cid, wd, tf, utT, ctT, wtT, ttT)
    return out_t.T


def kernel(user_id, category_id, weekday, time_frames,
           user_table, category_table, weekday_table, time_frame_table):
    return _run(user_id.astype(jnp.int32), category_id.astype(jnp.int32),
                weekday.astype(jnp.int32), time_frames.astype(jnp.int32),
                user_table.T, category_table.T, weekday_table.T,
                time_frame_table.T)

# --- scband reference (transcript-rebuilt; emitter-appended) ---
"""Pipeline reference for scband-category-recommender-28398323761195 (READ-ONLY COPY).

The authoritative reference and input builder live on the scoring server;
editing this copy changes nothing except your own understanding.
"""

import jax, jax.numpy as jnp
import numpy as np

USER_VOCAB = 1000001
CAT_VOCAB = 1001
WD_VOCAB = 8
TF_VOCAB = 25
EMBED_DIM = 16
BATCH = 16384


def setup_inputs(seed: int = 0) -> dict:
    key = jax.random.key(seed)
    k1, k2, k3, k4, k5, k6, k7, k8 = jax.random.split(key, 8)
    user_id = jax.random.randint(k1, (BATCH,), 0, 1000000, dtype=jnp.int32).astype(jnp.int64)
    category_id = jax.random.randint(k2, (BATCH,), 0, 1000, dtype=jnp.int32).astype(jnp.int64)
    weekday = jax.random.randint(k3, (BATCH,), 0, 7, dtype=jnp.int32).astype(jnp.int64)
    time_frames = jax.random.randint(k4, (BATCH,), 0, 24, dtype=jnp.int32).astype(jnp.int64)
    user_table = jax.random.normal(k5, (USER_VOCAB, EMBED_DIM), dtype=jnp.float32) * 0.05
    category_table = jax.random.normal(k6, (CAT_VOCAB, EMBED_DIM), dtype=jnp.float32) * 0.05
    weekday_table = jax.random.normal(k7, (WD_VOCAB, EMBED_DIM), dtype=jnp.float32) * 0.05
    time_frame_table = jax.random.normal(k8, (TF_VOCAB, EMBED_DIM), dtype=jnp.float32) * 0.05
    return {
        "user_id": user_id,
        "category_id": category_id,
        "weekday": weekday,
        "time_frames": time_frames,
        "user_table": user_table,
        "category_table": category_table,
        "weekday_table": weekday_table,
        "time_frame_table": time_frame_table,
    }


def reference(user_id, category_id, weekday, time_frames,
              user_table, category_table, weekday_table, time_frame_table):
    # CategoryRecommender.call: four embedding lookups followed by concat on axis=1
    user_features = jnp.take(user_table, user_id, axis=0)
    category_features = jnp.take(category_table, category_id, axis=0)
    weekday_features = jnp.take(weekday_table, weekday, axis=0)
    time_frame_features = jnp.take(time_frame_table, time_frames, axis=0)
    return jnp.concatenate(
        [user_features, category_features, weekday_features, time_frame_features],
        axis=1,
    )

if __name__ == "__main__":
    import jax
    _d = setup_inputs()
    print(jax.jit(kernel)(*tuple(_d.values())))

</pallas_src>

<mosaic_0001>
#map = affine_map<(d0, d1) -> (0)>
#map1 = affine_map<(d0, d1) -> (0, 0)>
module attributes {stable_mosaic.version = 14 : i64} {
  func.func @_body(%arg0: i32, %arg1: i32, %arg2: memref<16384xi32, #tpu.memory_space<hbm>>, %arg3: memref<16384xi32, #tpu.memory_space<hbm>>, %arg4: memref<16384xi32, #tpu.memory_space<hbm>>, %arg5: memref<16384xi32, #tpu.memory_space<hbm>>, %arg6: memref<16x1000001xf32, #tpu.memory_space<hbm>>, %arg7: memref<16x1001xf32, #tpu.memory_space<hbm>>, %arg8: memref<16x8xf32, #tpu.memory_space<hbm>>, %arg9: memref<16x25xf32, #tpu.memory_space<hbm>>, %arg10: memref<64x16384xf32, #tpu.memory_space<hbm>>, %arg11: memref<512xi32, #tpu.memory_space<vmem>>, %arg12: memref<512xi32, #tpu.memory_space<vmem>>, %arg13: memref<512xi32, #tpu.memory_space<vmem>>, %arg14: memref<512xi32, #tpu.memory_space<vmem>>, %arg15: memref<16x1001xf32, #tpu.memory_space<vmem>>, %arg16: memref<16x8xf32, #tpu.memory_space<vmem>>, %arg17: memref<16x25xf32, #tpu.memory_space<vmem>>, %arg18: memref<32x16x128xf32, #tpu.memory_space<vmem>>, %arg19: memref<64x512xf32, #tpu.memory_space<vmem>>, %arg20: memref<!tpu.dma_semaphore, #tpu.memory_space<semaphore_mem>>, %arg21: memref<!tpu.dma_semaphore, #tpu.memory_space<semaphore_mem>>, %arg22: memref<!tpu.dma_semaphore, #tpu.memory_space<semaphore_mem>>) attributes {dimension_semantics = [#tpu.dimension_semantics<core_parallel>, #tpu.dimension_semantics<subcore_parallel>], iteration_bounds = array<i64: 2, 16>, scalar_prefetch = 0 : i64, scratch_operands = 12 : i64, tpu.core_type = #tpu.core_type<sc_vector_subcore>, window_params = [{transform_indices = #map}, {transform_indices = #map}, {transform_indices = #map}, {transform_indices = #map}, {transform_indices = #map1}, {transform_indices = #map1}, {transform_indices = #map1}, {transform_indices = #map1}, {transform_indices = #map1}]} {
    %mul3A = arith.constant 2 : i32
    %mul3A_0 = arith.muli %arg1, %mul3A : i32
    %add3A = arith.addi %mul3A_0, %arg0 : i32
    %mul3A_1 = arith.constant 512 : i32
    %mul3A_2 = arith.muli %add3A, %mul3A_1 : i32
    %iota3A = tpu.iota {dimensions = array<i32: 0>} : vector<16xi32>
    "tpu.region"() ({
      %run_scoped3A = tpu.sem_alloc : memref<!tpu.dma_semaphore, #tpu.memory_space<semaphore_mem>>
      %dma_start3A_264 = tpu.memref_slice %arg2[%mul3A_2] : memref<16384xi32, #tpu.memory_space<hbm>> -> memref<512xi32, #tpu.memory_space<hbm>>
      %dma_start3A_265 = tpu.memref_slice %arg2[%mul3A_2] : memref<16384xi32, #tpu.memory_space<hbm>> -> memref<512xi32, #tpu.memory_space<hbm>>
      tpu.enqueue_dma source(%dma_start3A_265 : memref<512xi32, #tpu.memory_space<hbm>>) target(%arg11 : memref<512xi32, #tpu.memory_space<vmem>>) target_semaphore(%run_scoped3A : memref<!tpu.dma_semaphore, #tpu.memory_space<semaphore_mem>>)
      %dma_wait3A = tpu.memref_slice %arg2[%mul3A_2] : memref<16384xi32, #tpu.memory_space<hbm>> -> memref<512xi32, #tpu.memory_space<hbm>>
      %dma_wait3A_266 = tpu.memref_slice %arg2[%mul3A_2] : memref<16384xi32, #tpu.memory_space<hbm>> -> memref<512xi32, #tpu.memory_space<hbm>>
      tpu.wait_dma2 semaphore(%run_scoped3A : memref<!tpu.dma_semaphore, #tpu.memory_space<semaphore_mem>>) src(%dma_wait3A_266 : memref<512xi32, #tpu.memory_space<hbm>>) dst(%arg11 : memref<512xi32, #tpu.memory_space<vmem>>)
      tpu.yield
    }) : () -> ()
    "tpu.region"() ({
      %run_scoped3A = tpu.sem_alloc : memref<!tpu.dma_semaphore, #tpu.memory_space<semaphore_mem>>
      %dma_start3A_264 = tpu.memref_slice %arg3[%mul3A_2] : memref<16384xi32, #tpu.memory_space<hbm>> -> memref<512xi32, #tpu.memory_space<hbm>>
      %dma_start3A_265 = tpu.memref_slice %arg3[%mul3A_2] : memref<16384xi32, #tpu.memory_space<hbm>> -> memref<512xi32, #tpu.memory_space<hbm>>
      tpu.enqueue_dma source(%dma_start3A_265 : memref<512xi32, #tpu.memory_space<hbm>>) target(%arg12 : memref<512xi32, #tpu.memory_space<vmem>>) target_semaphore(%run_scoped3A : memref<!tpu.dma_semaphore, #tpu.memory_space<semaphore_mem>>)
      %dma_wait3A = tpu.memref_slice %arg3[%mul3A_2] : memref<16384xi32, #tpu.memory_space<hbm>> -> memref<512xi32, #tpu.memory_space<hbm>>
      %dma_wait3A_266 = tpu.memref_slice %arg3[%mul3A_2] : memref<16384xi32, #tpu.memory_space<hbm>> -> memref<512xi32, #tpu.memory_space<hbm>>
      tpu.wait_dma2 semaphore(%run_scoped3A : memref<!tpu.dma_semaphore, #tpu.memory_space<semaphore_mem>>) src(%dma_wait3A_266 : memref<512xi32, #tpu.memory_space<hbm>>) dst(%arg12 : memref<512xi32, #tpu.memory_space<vmem>>)
      tpu.yield
    }) : () -> ()
    "tpu.region"() ({
      %run_scoped3A = tpu.sem_alloc : memref<!tpu.dma_semaphore, #tpu.memory_space<semaphore_mem>>
      %dma_start3A_264 = tpu.memref_slice %arg4[%mul3A_2] : memref<16384xi32, #tpu.memory_space<hbm>> -> memref<512xi32, #tpu.memory_space<hbm>>
      %dma_start3A_265 = tpu.memref_slice %arg4[%mul3A_2] : memref<16384xi32, #tpu.memory_space<hbm>> -> memref<512xi32, #tpu.memory_space<hbm>>
      tpu.enqueue_dma source(%dma_start3A_265 : memref<512xi32, #tpu.memory_space<hbm>>) target(%arg13 : memref<512xi32, #tpu.memory_space<vmem>>) target_semaphore(%run_scoped3A : memref<!tpu.dma_semaphore, #tpu.memory_space<semaphore_mem>>)
      %dma_wait3A = tpu.memref_slice %arg4[%mul3A_2] : memref<16384xi32, #tpu.memory_space<hbm>> -> memref<512xi32, #tpu.memory_space<hbm>>
      %dma_wait3A_266 = tpu.memref_slice %arg4[%mul3A_2] : memref<16384xi32, #tpu.memory_space<hbm>> -> memref<512xi32, #tpu.memory_space<hbm>>
      tpu.wait_dma2 semaphore(%run_scoped3A : memref<!tpu.dma_semaphore, #tpu.memory_space<semaphore_mem>>) src(%dma_wait3A_266 : memref<512xi32, #tpu.memory_space<hbm>>) dst(%arg13 : memref<512xi32, #tpu.memory_space<vmem>>)
      tpu.yield
    }) : () -> ()
    "tpu.region"() ({
      %run_scoped3A = tpu.sem_alloc : memref<!tpu.dma_semaphore, #tpu.memory_space<semaphore_mem>>
      %dma_start3A_264 = tpu.memref_slice %arg5[%mul3A_2] : memref<16384xi32, #tpu.memory_space<hbm>> -> memref<512xi32, #tpu.memory_space<hbm>>
      %dma_start3A_265 = tpu.memref_slice %arg5[%mul3A_2] : memref<16384xi32, #tpu.memory_space<hbm>> -> memref<512xi32, #tpu.memory_space<hbm>>
      tpu.enqueue_dma source(%dma_start3A_265 : memref<512xi32, #tpu.memory_space<hbm>>) target(%arg14 : memref<512xi32, #tpu.memory_space<vmem>>) target_semaphore(%run_scoped3A : memref<!tpu.dma_semaphore, #tpu.memory_space<semaphore_mem>>)
      %dma_wait3A = tpu.memref_slice %arg5[%mul3A_2] : memref<16384xi32, #tpu.memory_space<hbm>> -> memref<512xi32, #tpu.memory_space<hbm>>
      %dma_wait3A_266 = tpu.memref_slice %arg5[%mul3A_2] : memref<16384xi32, #tpu.memory_space<hbm>> -> memref<512xi32, #tpu.memory_space<hbm>>
      tpu.wait_dma2 semaphore(%run_scoped3A : memref<!tpu.dma_semaphore, #tpu.memory_space<semaphore_mem>>) src(%dma_wait3A_266 : memref<512xi32, #tpu.memory_space<hbm>>) dst(%arg14 : memref<512xi32, #tpu.memory_space<vmem>>)
      tpu.yield
    }) : () -> ()
    tpu.enqueue_dma source(%arg7 : memref<16x1001xf32, #tpu.memory_space<hbm>>) target(%arg15 : memref<16x1001xf32, #tpu.memory_space<vmem>>) target_semaphore(%arg20 : memref<!tpu.dma_semaphore, #tpu.memory_space<semaphore_mem>>)
    tpu.enqueue_dma source(%arg8 : memref<16x8xf32, #tpu.memory_space<hbm>>) target(%arg16 : memref<16x8xf32, #tpu.memory_space<vmem>>) target_semaphore(%arg20 : memref<!tpu.dma_semaphore, #tpu.memory_space<semaphore_mem>>)
    tpu.enqueue_dma source(%arg9 : memref<16x25xf32, #tpu.memory_space<hbm>>) target(%arg17 : memref<16x25xf32, #tpu.memory_space<vmem>>) target_semaphore(%arg20 : memref<!tpu.dma_semaphore, #tpu.memory_space<semaphore_mem>>)
    tpu.wait_dma2 semaphore(%arg20 : memref<!tpu.dma_semaphore, #tpu.memory_space<semaphore_mem>>) src(%arg7 : memref<16x1001xf32, #tpu.memory_space<hbm>>) dst(%arg15 : memref<16x1001xf32, #tpu.memory_space<vmem>>)
    tpu.wait_dma2 semaphore(%arg20 : memref<!tpu.dma_semaphore, #tpu.memory_space<semaphore_mem>>) src(%arg8 : memref<16x8xf32, #tpu.memory_space<hbm>>) dst(%arg16 : memref<16x8xf32, #tpu.memory_space<vmem>>)
    tpu.wait_dma2 semaphore(%arg20 : memref<!tpu.dma_semaphore, #tpu.memory_space<semaphore_mem>>) src(%arg9 : memref<16x25xf32, #tpu.memory_space<hbm>>) dst(%arg17 : memref<16x25xf32, #tpu.memory_space<vmem>>)
    %get3A = arith.constant 0 : index
    %get3A_3 = tpu.vector_load %arg11[%get3A] {strides = array<i32>} : memref<512xi32, #tpu.memory_space<vmem>>, vector<16xi32>,
    %and3A = arith.constant -128 : i32
    %and3A_4 = vector.broadcast %and3A : i32 to vector<16xi32>
    %and3A_5 = arith.andi %get3A_3, %and3A_4 : vector<16xi32>
    %slice3A = vector.extract_strided_slice %and3A_5 {offsets = [0], sizes = [1], strides = [1]} : vector<16xi32> to vector<1xi32>
    %squeeze3A = vector.extract %slice3A[0] : i32 from vector<1xi32>
    %multiple_of3A = tpu.assume_multiple %squeeze3A, 128 : i32
    %dma_start3A = arith.constant 0 : i32
    %dma_start3A_6 = arith.constant 0 : i32
    %dma_start3A_7 = arith.constant 0 : i32
    %dma_start3A_8 = tpu.memref_slice %arg18[%dma_start3A, %dma_start3A_6, %dma_start3A_7] : memref<32x16x128xf32, #tpu.memory_space<vmem>> -> memref<1x16x128xf32, #tpu.memory_space<vmem>>
    %dma_start3A_9 = tpu.memref_squeeze %dma_start3A_8 : memref<1x16x128xf32, #tpu.memory_space<vmem>> -> memref<16x128xf32, #tpu.memory_space<vmem>>
    %dma_start3A_10 = arith.constant 0 : i32
    %dma_start3A_11 = tpu.memref_slice %arg6[%dma_start3A_10, %multiple_of3A] : memref<16x1000001xf32, #tpu.memory_space<hbm>> -> memref<16x128xf32, #tpu.memory_space<hbm>>
    %dma_start3A_12 = arith.constant 0 : i32
    %dma_start3A_13 = arith.constant 0 : i32
    %dma_start3A_14 = tpu.memref_slice %arg18[%dma_start3A, %dma_start3A_12, %dma_start3A_13] : memref<32x16x128xf32, #tpu.memory_space<vmem>> -> memref<1x16x128xf32, #tpu.memory_space<vmem>>
    %dma_start3A_15 = tpu.memref_squeeze %dma_start3A_14 : memref<1x16x128xf32, #tpu.memory_space<vmem>> -> memref<16x128xf32, #tpu.memory_space<vmem>>
    %dma_start3A_16 = arith.constant 0 : i32
    %dma_start3A_17 = tpu.memref_slice %arg6[%dma_start3A_16, %multiple_of3A] : memref<16x1000001xf32, #tpu.memory_space<hbm>> -> memref<16x128xf32, #tpu.memory_space<hbm>>
    tpu.enqueue_dma source(%dma_start3A_17 : memref<16x128xf32, #tpu.memory_space<hbm>>) target(%dma_start3A_15 : memref<16x128xf32, #tpu.memory_space<vmem>>) target_semaphore(%arg21 : memref<!tpu.dma_semaphore, #tpu.memory_space<semaphore_mem>>)
    %slice3A_18 = vector.extract_strided_slice %and3A_5 {offsets = [1], sizes = [1], strides = [1]} : vector<16xi32> to vector<1xi32>
    %squeeze3A_19 = vector.extract %slice3A_18[0] : i32 from vector<1xi32>
    %multiple_of3A_20 = tpu.assume_multiple %squeeze3A_19, 128 : i32
    %dma_start3A_21 = arith.constant 1 : i32
    %dma_start3A_22 = arith.constant 0 : i32
    %dma_start3A_23 = arith.constant 0 : i32
    %dma_start3A_24 = tpu.memref_slice %arg18[%dma_start3A_21, %dma_start3A_22, %dma_start3A_23] : memref<32x16x128xf32, #tpu.memory_space<vmem>> -> memref<1x16x128xf32, #tpu.memory_space<vmem>>
    %dma_start3A_25 = tpu.memref_squeeze %dma_start3A_24 : memref<1x16x128xf32, #tpu.memory_space<vmem>> -> memref<16x128xf32, #tpu.memory_space<vmem>>
    %dma_start3A_26 = arith.constant 0 : i32
    %dma_start3A_27 = tpu.memref_slice %arg6[%dma_start3A_26, %multiple_of3A_20] : memref<16x1000001xf32, #tpu.memory_space<hbm>> -> memref<16x128xf32, #tpu.memory_space<hbm>>
    %dma_start3A_28 = arith.constant 0 : i32
    %dma_start3A_29 = arith.constant 0 : i32
    %dma_start3A_30 = tpu.memref_slice %arg18[%dma_start3A_21, %dma_start3A_28, %dma_start3A_29] : memref<32x16x128xf32, #tpu.memory_space<vmem>> -> memref<1x16x128xf32, #tpu.memory_space<vmem>>
    %dma_start3A_31 = tpu.memref_squeeze %dma_start3A_30 : memref<1x16x128xf32, #tpu.memory_space<vmem>> -> memref<16x128xf32, #tpu.memory_space<vmem>>
    %dma_start3A_32 = arith.constant 0 : i32
    %dma_start3A_33 = tpu.memref_slice %arg6[%dma_start3A_32, %multiple_of3A_20] : memref<16x1000001xf32, #tpu.memory_space<hbm>> -> memref<16x128xf32, #tpu.memory_space<hbm>>
    tpu.enqueue_dma source(%dma_start3A_33 : memref<16x128xf32, #tpu.memory_space<hbm>>) target(%dma_start3A_31 : memref<16x128xf32, #tpu.memory_space<vmem>>) target_semaphore(%arg21 : memref<!tpu.dma_semaphore, #tpu.memory_space<semaphore_mem>>)
    %slice3A_34 = vector.extract_strided_slice %and3A_5 {offsets = [2], sizes = [1], strides = [1]} : vector<16xi32> to vector<1xi32>
    %squeeze3A_35 = vector.extract %slice3A_34[0] : i32 from vector<1xi32>
    %multiple_of3A_36 = tpu.assume_multiple %squeeze3A_35, 128 : i32
    %dma_start3A_37 = arith.constant 2 : i32
    %dma_start3A_38 = arith.constant 0 : i32
    %dma_start3A_39 = arith.constant 0 : i32
    %dma_start3A_40 = tpu.memref_slice %arg18[%dma_start3A_37, %dma_start3A_38, %dma_start3A_39] : memref<32x16x128xf32, #tpu.memory_space<vmem>> -> memref<1x16x128xf32, #tpu.memory_space<vmem>>
    %dma_start3A_41 = tpu.memref_squeeze %dma_start3A_40 : memref<1x16x128xf32, #tpu.memory_space<vmem>> -> memref<16x128xf32, #tpu.memory_space<vmem>>
    %dma_start3A_42 = arith.constant 0 : i32
    %dma_start3A_43 = tpu.memref_slice %arg6[%dma_start3A_42, %multiple_of3A_36] : memref<16x1000001xf32, #tpu.memory_space<hbm>> -> memref<16x128xf32, #tpu.memory_space<hbm>>
    %dma_start3A_44 = arith.constant 0 : i32
    %dma_start3A_45 = arith.constant 0 : i32
    %dma_start3A_46 = tpu.memref_slice %arg18[%dma_start3A_37, %dma_start3A_44, %dma_start3A_45] : memref<32x16x128xf32, #tpu.memory_space<vmem>> -> memref<1x16x128xf32, #tpu.memory_space<vmem>>
    %dma_start3A_47 = tpu.memref_squeeze %dma_start3A_46 : memref<1x16x128xf32, #tpu.memory_space<vmem>> -> memref<16x128xf32, #tpu.memory_space<vmem>>
    %dma_start3A_48 = arith.constant 0 : i32
    %dma_start3A_49 = tpu.memref_slice %arg6[%dma_start3A_48, %multiple_of3A_36] : memref<16x1000001xf32, #tpu.memory_space<hbm>> -> memref<16x128xf32, #tpu.memory_space<hbm>>
    tpu.enqueue_dma source(%dma_start3A_49 : memref<16x128xf32, #tpu.memory_space<hbm>>) target(%dma_start3A_47 : memref<16x128xf32, #tpu.memory_space<vmem>>) target_semaphore(%arg21 : memref<!tpu.dma_semaphore, #tpu.memory_space<semaphore_mem>>)
    %slice3A_50 = vector.extract_strided_slice %and3A_5 {offsets = [3], sizes = [1], strides = [1]} : vector<16xi32> to vector<1xi32>
    %squeeze3A_51 = vector.extract %slice3A_50[0] : i32 from vector<1xi32>
    %multiple_of3A_52 = tpu.assume_multiple %squeeze3A_51, 128 : i32
    %dma_start3A_53 = arith.constant 3 : i32
    %dma_start3A_54 = arith.constant 0 : i32
    %dma_start3A_55 = arith.constant 0 : i32
    %dma_start3A_56 = tpu.memref_slice %arg18[%dma_start3A_53, %dma_start3A_54, %dma_start3A_55] : memref<32x16x128xf32, #tpu.memory_space<vmem>> -> memref<1x16x128xf32, #tpu.memory_space<vmem>>
    %dma_start3A_57 = tpu.memref_squeeze %dma_start3A_56 : memref<1x16x128xf32, #tpu.memory_space<vmem>> -> memref<16x128xf32, #tpu.memory_space<vmem>>
    %dma_start3A_58 = arith.constant 0 : i32
    %dma_start3A_59 = tpu.memref_slice %arg6[%dma_start3A_58, %multiple_of3A_52] : memref<16x1000001xf32, #tpu.memory_space<hbm>> -> memref<16x128xf32, #tpu.memory_space<hbm>>
    %dma_start3A_60 = arith.constant 0 : i32
    %dma_start3A_61 = arith.constant 0 : i32
    %dma_start3A_62 = tpu.memref_slice %arg18[%dma_start3A_53, %dma_start3A_60, %dma_start3A_61] : memref<32x16x128xf32, #tpu.memory_space<vmem>> -> memref<1x16x128xf32, #tpu.memory_space<vmem>>
    %dma_start3A_63 = tpu.memref_squeeze %dma_start3A_62 : memref<1x16x128xf32, #tpu.memory_space<vmem>> -> memref<16x128xf32, #tpu.memory_space<vmem>>
    %dma_start3A_64 = arith.constant 0 : i32
    %dma_start3A_65 = tpu.memref_slice %arg6[%dma_start3A_64, %multiple_of3A_52] : memref<16x1000001xf32, #tpu.memory_space<hbm>> -> memref<16x128xf32, #tpu.memory_space<hbm>>
    tpu.enqueue_dma source(%dma_start3A_65 : memref<16x128xf32, #tpu.memory_space<hbm>>) target(%dma_start3A_63 : memref<16x128xf32, #tpu.memory_space<vmem>>) target_semaphore(%arg21 : memref<!tpu.dma_semaphore, #tpu.memory_space<semaphore_mem>>)
    %slice3A_66 = vector.extract_strided_slice %and3A_5 {offsets = [4], sizes = [1], strides = [1]} : vector<16xi32> to vector<1xi32>
    %squeeze3A_67 = vector.extract %slice3A_66[0] : i32 from vector<1xi32>
    %multiple_of3A_68 = tpu.assume_multiple %squeeze3A_67, 128 : i32
    %dma_start3A_69 = arith.constant 4 : i32
    %dma_start3A_70 = arith.constant 0 : i32
    %dma_start3A_71 = arith.constant 0 : i32
    %dma_start3A_72 = tpu.memref_slice %arg18[%dma_start3A_69, %dma_start3A_70, %dma_start3A_71] : memref<32x16x128xf32, #tpu.memory_space<vmem>> -> memref<1x16x128xf32, #tpu.memory_space<vmem>>
    %dma_start3A_73 = tpu.memref_squeeze %dma_start3A_72 : memref<1x16x128xf32, #tpu.memory_space<vmem>> -> memref<16x128xf32, #tpu.memory_space<vmem>>
    %dma_start3A_74 = arith.constant 0 : i32
    %dma_start3A_75 = tpu.memref_slice %arg6[%dma_start3A_74, %multiple_of3A_68] : memref<16x1000001xf32, #tpu.memory_space<hbm>> -> memref<16x128xf32, #tpu.memory_space<hbm>>
    %dma_start3A_76 = arith.constant 0 : i32
    %dma_start3A_77 = arith.constant 0 : i32
    %dma_start3A_78 = tpu.memref_slice %arg18[%dma_start3A_69, %dma_start3A_76, %dma_start3A_77] : memref<32x16x128xf32, #tpu.memory_space<vmem>> -> memref<1x16x128xf32, #tpu.memory_space<vmem>>
    %dma_start3A_79 = tpu.memref_squeeze %dma_start3A_78 : memref<1x16x128xf32, #tpu.memory_space<vmem>> -> memref<16x128xf32, #tpu.memory_space<vmem>>
    %dma_start3A_80 = arith.constant 0 : i32
    %dma_start3A_81 = tpu.memref_slice %arg6[%dma_start3A_80, %multiple_of3A_68] : memref<16x1000001xf32, #tpu.memory_space<hbm>> -> memref<16x128xf32, #tpu.memory_space<hbm>>
    tpu.enqueue_dma source(%dma_start3A_81 : memref<16x128xf32, #tpu.memory_space<hbm>>) target(%dma_start3A_79 : memref<16x128xf32, #tpu.memory_space<vmem>>) target_semaphore(%arg21 : memref<!tpu.dma_semaphore, #tpu.memory_space<semaphore_mem>>)
    %slice3A_82 = vector.extract_strided_slice %and3A_5 {offsets = [5], sizes = [1], strides = [1]} : vector<16xi32> to vector<1xi32>
    %squeeze3A_83 = vector.extract %slice3A_82[0] : i32 from vector<1xi32>
    %multiple_of3A_84 = tpu.assume_multiple %squeeze3A_83, 128 : i32
    %dma_start3A_85 = arith.constant 5 : i32
    %dma_start3A_86 = arith.constant 0 : i32
    %dma_start3A_87 = arith.constant 0 : i32
    %dma_start3A_88 = tpu.memref_slice %arg18[%dma_start3A_85, %dma_start3A_86, %dma_start3A_87] : memref<32x16x128xf32, #tpu.memory_space<vmem>> -> memref<1x16x128xf32, #tpu.memory_space<vmem>>
    %dma_start3A_89 = tpu.memref_squeeze %dma_start3A_88 : memref<1x16x128xf32, #tpu.memory_space<vmem>> -> memref<16x128xf32, #tpu.memory_space<vmem>>
    %dma_start3A_90 = arith.constant 0 : i32
    %dma_start3A_91 = tpu.memref_slice %arg6[%dma_start3A_90, %multiple_of3A_84] : memref<16x1000001xf32, #tpu.memory_space<hbm>> -> memref<16x128xf32, #tpu.memory_space<hbm>>
    %dma_start3A_92 = arith.constant 0 : i32
    %dma_start3A_93 = arith.constant 0 : i32
    %dma_start3A_94 = tpu.memref_slice %arg18[%dma_start3A_85, %dma_start3A_92, %dma_start3A_93] : memref<32x16x128xf32, #tpu.memory_space<vmem>> -> memref<1x16x128xf32, #tpu.memory_space<vmem>>
    %dma_start3A_95 = tpu.memref_squeeze %dma_start3A_94 : memref<1x16x128xf32, #tpu.memory_space<vmem>> -> memref<16x128xf32, #tpu.memory_space<vmem>>
    %dma_start3A_96 = arith.constant 0 : i32
    %dma_start3A_97 = tpu.memref_slice %arg6[%dma_start3A_96, %multiple_of3A_84] : memref<16x1000001xf32, #tpu.memory_space<hbm>> -> memref<16x128xf32, #tpu.memory_space<hbm>>
    tpu.enqueue_dma source(%dma_start3A_97 : memref<16x128xf32, #tpu.memory_space<hbm>>) target(%dma_start3A_95 : memref<16x128xf32, #tpu.memory_space<vmem>>) target_semaphore(%arg21 : memref<!tpu.dma_semaphore, #tpu.memory_space<semaphore_mem>>)
    %slice3A_98 = vector.extract_strided_slice %and3A_5 {offsets = [6], sizes = [1], strides = [1]} : vector<16xi32> to vector<1xi32>
    %squeeze3A_99 = vector.extract %slice3A_98[0] : i32 from vector<1xi32>
    %multiple_of3A_100 = tpu.assume_multiple %squeeze3A_99, 128 : i32
    %dma_start3A_101 = arith.constant 6 : i32
    %dma_start3A_102 = arith.constant 0 : i32
    %dma_start3A_103 = arith.constant 0 : i32
    %dma_start3A_104 = tpu.memref_slice %arg18[%dma_start3A_101, %dma_start3A_102, %dma_start3A_103] : memref<32x16x128xf32, #tpu.memory_space<vmem>> -> memref<1x16x128xf32, #tpu.memory_space<vmem>>
    %dma_start3A_105 = tpu.memref_squeeze %dma_start3A_104 : memref<1x16x128xf32, #tpu.memory_space<vmem>> -> memref<16x128xf32, #tpu.memory_space<vmem>>
    %dma_start3A_106 = arith.constant 0 : i32
    %dma_start3A_107 = tpu.memref_slice %arg6[%dma_start3A_106, %multiple_of3A_100] : memref<16x1000001xf32, #tpu.memory_space<hbm>> -> memref<16x128xf32, #tpu.memory_space<hbm>>
    %dma_start3A_108 = arith.constant 0 : i32
    %dma_start3A_109 = arith.constant 0 : i32
    %dma_start3A_110 = tpu.memref_slice %arg18[%dma_start3A_101, %dma_start3A_108, %dma_start3A_109] : memref<32x16x128xf32, #tpu.memory_space<vmem>> -> memref<1x16x128xf32, #tpu.memory_space<vmem>>
    %dma_start3A_111 = tpu.memref_squeeze %dma_start3A_110 : memref<1x16x128xf32, #tpu.memory_space<vmem>> -> memref<16x128xf32, #tpu.memory_space<vmem>>
    %dma_start3A_112 = arith.constant 0 : i32
    %dma_start3A_113 = tpu.memref_slice %arg6[%dma_start3A_112, %multiple_of3A_100] : memref<16x1000001xf32, #tpu.memory_space<hbm>> -> memref<16x128xf32, #tpu.memory_space<hbm>>
    tpu.enqueue_dma source(%dma_start3A_113 : memref<16x128xf32, #tpu.memory_space<hbm>>) target(%dma_start3A_111 : memref<16x128xf32, #tpu.memory_space<vmem>>) target_semaphore(%arg21 : memref<!tpu.dma_semaphore, #tpu.memory_space<semaphore_mem>>)
    %slice3A_114 = vector.extract_strided_slice %and3A_5 {offsets = [7], sizes = [1], strides = [1]} : vector<16xi32> to vector<1xi32>
    %squeeze3A_115 = vector.extract %slice3A_114[0] : i32 from vector<1xi32>
    %multiple_of3A_116 = tpu.assume_multiple %squeeze3A_115, 128 : i32
    %dma_start3A_117 = arith.constant 7 : i32
    %dma_start3A_118 = arith.constant 0 : i32
    %dma_start3A_119 = arith.constant 0 : i32
    %dma_start3A_120 = tpu.memref_slice %arg18[%dma_start3A_117, %dma_start3A_118, %dma_start3A_119] : memref<32x16x128xf32, #tpu.memory_space<vmem>> -> memref<1x16x128xf32, #tpu.memory_space<vmem>>
    %dma_start3A_121 = tpu.memref_squeeze %dma_start3A_120 : memref<1x16x128xf32, #tpu.memory_space<vmem>> -> memref<16x128xf32, #tpu.memory_space<vmem>>
    %dma_start3A_122 = arith.constant 0 : i32
    %dma_start3A_123 = tpu.memref_slice %arg6[%dma_start3A_122, %multiple_of3A_116] : memref<16x1000001xf32, #tpu.memory_space<hbm>> -> memref<16x128xf32, #tpu.memory_space<hbm>>
    %dma_start3A_124 = arith.constant 0 : i32
    %dma_start3A_125 = arith.constant 0 : i32
    %dma_start3A_126 = tpu.memref_slice %arg18[%dma_start3A_117, %dma_start3A_124, %dma_start3A_125] : memref<32x16x128xf32, #tpu.memory_space<vmem>> -> memref<1x16x128xf32, #tpu.memory_space<vmem>>
    %dma_start3A_127 = tpu.memref_squeeze %dma_start3A_126 : memref<1x16x128xf32, #tpu.memory_space<vmem>> -> memref<16x128xf32, #tpu.memory_space<vmem>>
    %dma_start3A_128 = arith.constant 0 : i32
    %dma_start3A_129 = tpu.memref_slice %arg6[%dma_start3A_128, %multiple_of3A_116] : memref<16x1000001xf32, #tpu.memory_space<hbm>> -> memref<16x128xf32, #tpu.memory_space<hbm>>
    tpu.enqueue_dma source(%dma_start3A_129 : memref<16x128xf32, #tpu.memory_space<hbm>>) target(%dma_start3A_127 : memref<16x128xf32, #tpu.memory_space<vmem>>) target_semaphore(%arg21 : memref<!tpu.dma_semaphore, #tpu.memory_space<semaphore_mem>>)
    %slice3A_130 = vector.extract_strided_slice %and3A_5 {offsets = [8], sizes = [1], strides = [1]} : vector<16xi32> to vector<1xi32>
    %squeeze3A_131 = vector.extract %slice3A_130[0] : i32 from vector<1xi32>
    %multiple_of3A_132 = tpu.assume_multiple %squeeze3A_131, 128 : i32
    %dma_start3A_133 = arith.constant 8 : i32
    %dma_start3A_134 = arith.constant 0 : i32
    %dma_start3A_135 = arith.constant 0 : i32
    %dma_start3A_136 = tpu.memref_slice %arg18[%dma_start3A_133, %dma_start3A_134, %dma_start3A_135] : memref<32x16x128xf32, #tpu.memory_space<vmem>> -> memref<1x16x128xf32, #tpu.memory_space<vmem>>
    %dma_start3A_137 = tpu.memref_squeeze %dma_start3A_136 : memref<1x16x128xf32, #tpu.memory_space<vmem>> -> memref<16x128xf32, #tpu.memory_space<vmem>>
    %dma_start3A_138 = arith.constant 0 : i32
    %dma_start3A_139 = tpu.memref_slice %arg6[%dma_start3A_138, %multiple_of3A_132] : memref<16x1000001xf32, #tpu.memory_space<hbm>> -> memref<16x128xf32, #tpu.memory_space<hbm>>
    %dma_start3A_140 = arith.constant 0 : i32
    %dma_start3A_141 = arith.constant 0 : i32
    %dma_start3A_142 = tpu.memref_slice %arg18[%dma_start3A_133, %dma_start3A_140, %dma_start3A_141] : memref<32x16x128xf32, #tpu.memory_space<vmem>> -> memref<1x16x128xf32, #tpu.memory_space<vmem>>
    %dma_start3A_143 = tpu.memref_squeeze %dma_start3A_142 : memref<1x16x128xf32, #tpu.memory_space<vmem>> -> memref<16x128xf32, #tpu.memory_space<vmem>>
    %dma_start3A_144 = arith.constant 0 : i32
    %dma_start3A_145 = tpu.memref_slice %arg6[%dma_start3A_144, %multiple_of3A_132] : memref<16x1000001xf32, #tpu.memory_space<hbm>> -> memref<16x128xf32, #tpu.memory_space<hbm>>
    tpu.enqueue_dma source(%dma_start3A_145 : memref<16x128xf32, #tpu.memory_space<hbm>>) target(%dma_start3A_143 : memref<16x128xf32, #tpu.memory_space<vmem>>) target_semaphore(%arg21 : memref<!tpu.dma_semaphore, #tpu.memory_space<semaphore_mem>>)
    %slice3A_146 = vector.extract_strided_slice %and3A_5 {offsets = [9], sizes = [1], strides = [1]} : vector<16xi32> to vector<1xi32>
    %squeeze3A_147 = vector.extract %slice3A_146[0] : i32 from vector<1xi32>
    %multiple_of3A_148 = tpu.assume_multiple %squeeze3A_147, 128 : i32
    %dma_start3A_149 = arith.constant 9 : i32
    %dma_start3A_150 = arith.constant 0 : i32
    %dma_start3A_151 = arith.constant 0 : i32
    %dma_start3A_152 = tpu.memref_slice %arg18[%dma_start3A_149, %dma_start3A_150, %dma_start3A_151] : memref<32x16x128xf32, #tpu.memory_space<vmem>> -> memref<1x16x128xf32, #tpu.memory_space<vmem>>
    %dma_start3A_153 = tpu.memref_squeeze %dma_start3A_152 : memref<1x16x128xf32, #tpu.memory_space<vmem>> -> memref<16x128xf32, #tpu.memory_space<vmem>>
    %dma_start3A_154 = arith.constant 0 : i32
    %dma_start3A_155 = tpu.memref_slice %arg6[%dma_start3A_154, %multiple_of3A_148] : memref<16x1000001xf32, #tpu.memory_space<hbm>> -> memref<16x128xf32, #tpu.memory_space<hbm>>
    %dma_start3A_156 = arith.constant 0 : i32
    %dma_start3A_157 = arith.constant 0 : i32
    %dma_start3A_158 = tpu.memref_slice %arg18[%dma_start3A_149, %dma_start3A_156, %dma_start3A_157] : memref<32x16x128xf32, #tpu.memory_space<vmem>> -> memref<1x16x128xf32, #tpu.memory_space<vmem>>
    %dma_start3A_159 = tpu.memref_squeeze %dma_start3A_158 : memref<1x16x128xf32, #tpu.memory_space<vmem>> -> memref<16x128xf32, #tpu.memory_space<vmem>>
    %dma_start3A_160 = arith.constant 0 : i32
    %dma_start3A_161 = tpu.memref_slice %arg6[%dma_start3A_160, %multiple_of3A_148] : memref<16x1000001xf32, #tpu.memory_space<hbm>> -> memref<16x128xf32, #tpu.memory_space<hbm>>
    tpu.enqueue_dma source(%dma_start3A_161 : memref<16x128xf32, #tpu.memory_space<hbm>>) target(%dma_start3A_159 : memref<16x128xf32, #tpu.memory_space<vmem>>) target_semaphore(%arg21 : memref<!tpu.dma_semaphore, #tpu.memory_space<semaphore_mem>>)
    %slice3A_162 = vector.extract_strided_slice %and3A_5 {offsets = [10], sizes = [1], strides = [1]} : vector<16xi32> to vector<1xi32>
    %squeeze3A_163 = vector.extract %slice3A_162[0] : i32 from vector<1xi32>
    %multiple_of3A_164 = tpu.assume_multiple %squeeze3A_163, 128 : i32
    %dma_start3A_165 = arith.constant 10 : i32
    %dma_start3A_166 = arith.constant 0 : i32
    %dma_start3A_167 = arith.constant 0 : i32
    %dma_start3A_168 = tpu.memref_slice %arg18[%dma_start3A_165, %dma_start3A_166, %dma_start3A_167] : memref<32x16x128xf32, #tpu.memory_space<vmem>> -> memref<1x16x128xf32, #tpu.memory_space<vmem>>
    %dma_start3A_169 = tpu.memref_squeeze %dma_start3A_168 : memref<1x16x128xf32, #tpu.memory_space<vmem>> -> memref<16x128xf32, #tpu.memory_space<vmem>>
    %dma_start3A_170 = arith.constant 0 : i32
    %dma_start3A_171 = tpu.memref_slice %arg6[%dma_start3A_170, %multiple_of3A_164] : memref<16x1000001xf32, #tpu.memory_space<hbm>> -> memref<16x128xf32, #tpu.memory_space<hbm>>
    %dma_start3A_172 = arith.constant 0 : i32
    %dma_start3A_173 = arith.constant 0 : i32
    %dma_start3A_174 = tpu.memref_slice %arg18[%dma_start3A_165, %dma_start3A_172, %dma_start3A_173] : memref<32x16x128xf32, #tpu.memory_space<vmem>> -> memref<1x16x128xf32, #tpu.memory_space<vmem>>
    %dma_start3A_175 = tpu.memref_squeeze %dma_start3A_174 : memref<1x16x128xf32, #tpu.memory_space<vmem>> -> memref<16x128xf32, #tpu.memory_space<vmem>>
    %dma_start3A_176 = arith.constant 0 : i32
    %dma_start3A_177 = tpu.memref_slice %arg6[%dma_start3A_176, %multiple_of3A_164] : memref<16x1000001xf32, #tpu.memory_space<hbm>> -> memref<16x128xf32, #tpu.memory_space<hbm>>
    tpu.enqueue_dma source(%dma_start3A_177 : memref<16x128xf32, #tpu.memory_space<hbm>>) target(%dma_start3A_175 : memref<16x128xf32, #tpu.memory_space<vmem>>) target_semaphore(%arg21 : memref<!tpu.dma_semaphore, #tpu.memory_space<semaphore_mem>>)
    %slice3A_178 = vector.extract_strided_slice %and3A_5 {offsets = [11], sizes = [1], strides = [1]} : vector<16xi32> to vector<1xi32>
    %squeeze3A_179 = vector.extract %slice3A_178[0] : i32 from vector<1xi32>
    %multiple_of3A_180 = tpu.assume_multiple %squeeze3A_179, 128 : i32
    %dma_start3A_181 = arith.constant 11 : i32
    %dma_start3A_182 = arith.constant 0 : i32
    %dma_start3A_183 = arith.constant 0 : i32
    %dma_start3A_184 = tpu.memref_slice %arg18[%dma_start3A_181, %dma_start3A_182, %dma_start3A_183] : memref<32x16x128xf32, #tpu.memory_space<vmem>> -> memref<1x16x128xf32, #tpu.memory_space<vmem>>
    %dma_start3A_185 = tpu.memref_squeeze %dma_start3A_184 : memref<1x16x128xf32, #tpu.memory_space<vmem>> -> memref<16x128xf32, #tpu.memory_space<vmem>>
    %dma_start3A_186 = arith.constant 0 : i32
    %dma_start3A_187 = tpu.memref_slice %arg6[%dma_start3A_186, %multiple_of3A_180] : memref<16x1000001xf32, #tpu.memory_space<hbm>> -> memref<16x128xf32, #tpu.memory_space<hbm>>
    %dma_start3A_188 = arith.constant 0 : i32
    %dma_start3A_189 = arith.constant 0 : i32
    %dma_start3A_190 = tpu.memref_slice %arg18[%dma_start3A_181, %dma_start3A_188, %dma_start3A_189] : memref<32x16x128xf32, #tpu.memory_space<vmem>> -> memref<1x16x128xf32, #tpu.memory_space<vmem>>
    %dma_start3A_191 = tpu.memref_squeeze %dma_start3A_190 : memref<1x16x128xf32, #tpu.memory_space<vmem>> -> memref<16x128xf32, #tpu.memory_space<vmem>>
    %dma_start3A_192 = arith.constant 0 : i32
    %dma_start3A_193 = tpu.memref_slice %arg6[%dma_start3A_192, %multiple_of3A_180] : memref<16x1000001xf32, #tpu.memory_space<hbm>> -> memref<16x128xf32, #tpu.memory_space<hbm>>
    tpu.enqueue_dma source(%dma_start3A_193 : memref<16x128xf32, #tpu.memory_space<hbm>>) target(%dma_start3A_191 : memref<16x128xf32, #tpu.memory_space<vmem>>) target_semaphore(%arg21 : memref<!tpu.dma_semaphore, #tpu.memory_space<semaphore_mem>>)
    %slice3A_194 = vector.extract_strided_slice %and3A_5 {offsets = [12], sizes = [1], strides = [1]} : vector<16xi32> to vector<1xi32>
    %squeeze3A_195 = vector.extract %slice3A_194[0] : i32 from vector<1xi32>
    %multiple_of3A_196 = tpu.assume_multiple %squeeze3A_195, 128 : i32
    %dma_start3A_197 = arith.constant 12 : i32
    %dma_start3A_198 = arith.constant 0 : i32
    %dma_start3A_199 = arith.constant 0 : i32
    %dma_start3A_200 = tpu.memref_slice %arg18[%dma_start3A_197, %dma_start3A_198, %dma_start3A_199] : memref<32x16x128xf32, #tpu.memory_space<vmem>> -> memref<1x16x128xf32, #tpu.memory_space<vmem>>
    %dma_start3A_201 = tpu.memref_squeeze %dma_start3A_200 : memref<1x16x128xf32, #tpu.memory_space<vmem>> -> memref<16x128xf32, #tpu.memory_space<vmem>>
    %dma_start3A_202 = arith.constant 0 : i32
    %dma_start3A_203 = tpu.memref_slice %arg6[%dma_start3A_202, %multiple_of3A_196] : memref<16x1000001xf32, #tpu.memory_space<hbm>> -> memref<16x128xf32, #tpu.memory_space<hbm>>
    %dma_start3A_204 = arith.constant 0 : i32
    %dma_start3A_205 = arith.constant 0 : i32
    %dma_start3A_206 = tpu.memref_slice %arg18[%dma_start3A_197, %dma_start3A_204, %dma_start3A_205] : memref<32x16x128xf32, #tpu.memory_space<vmem>> -> memref<1x16x128xf32, #tpu.memory_space<vmem>>
    %dma_start3A_207 = tpu.memref_squeeze %dma_start3A_206 : memref<1x16x128xf32, #tpu.memory_space<vmem>> -> memref<16x128xf32, #tpu.memory_space<vmem>>
    %dma_start3A_208 = arith.constant 0 : i32
    %dma_start3A_209 = tpu.memref_slice %arg6[%dma_start3A_208, %multiple_of3A_196] : memref<16x1000001xf32, #tpu.memory_space<hbm>> -> memref<16x128xf32, #tpu.memory_space<hbm>>
    tpu.enqueue_dma source(%dma_start3A_209 : memref<16x128xf32, #tpu.memory_space<hbm>>) target(%dma_start3A_207 : memref<16x128xf32, #tpu.memory_space<vmem>>) target_semaphore(%arg21 : memref<!tpu.dma_semaphore, #tpu.memory_space<semaphore_mem>>)
    %slice3A_210 = vector.extract_strided_slice %and3A_5 {offsets = [13], sizes = [1], strides = [1]} : vector<16xi32> to vector<1xi32>
    %squeeze3A_211 = vector.extract %slice3A_210[0] : i32 from vector<1xi32>
    %multiple_of3A_212 = tpu.assume_multiple %squeeze3A_211, 128 : i32
    %dma_start3A_213 = arith.constant 13 : i32
    %dma_start3A_214 = arith.constant 0 : i32
    %dma_start3A_215 = arith.constant 0 : i32
    %dma_start3A_216 = tpu.memref_slice %arg18[%dma_start3A_213, %dma_start3A_214, %dma_start3A_215] : memref<32x16x128xf32, #tpu.memory_space<vmem>> -> memref<1x16x128xf32, #tpu.memory_space<vmem>>
    %dma_start3A_217 = tpu.memref_squeeze %dma_start3A_216 : memref<1x16x128xf32, #tpu.memory_space<vmem>> -> memref<16x128xf32, #tpu.memory_space<vmem>>
    %dma_start3A_218 = arith.constant 0 : i32
    %dma_start3A_219 = tpu.memref_slice %arg6[%dma_start3A_218, %multiple_of3A_212] : memref<16x1000001xf32, #tpu.memory_space<hbm>> -> memref<16x128xf32, #tpu.memory_space<hbm>>
    %dma_start3A_220 = arith.constant 0 : i32
    %dma_start3A_221 = arith.constant 0 : i32
    %dma_start3A_222 = tpu.memref_slice %arg18[%dma_start3A_213, %dma_start3A_220, %dma_start3A_221] : memref<32x16x128xf32, #tpu.memory_space<vmem>> -> memref<1x16x128xf32, #tpu.memory_space<vmem>>
    %dma_start3A_223 = tpu.memref_squeeze %dma_start3A_222 : memref<1x16x128xf32, #tpu.memory_space<vmem>> -> memref<16x128xf32, #tpu.memory_space<vmem>>
    %dma_start3A_224 = arith.constant 0 : i32
    %dma_start3A_225 = tpu.memref_slice %arg6[%dma_start3A_224, %multiple_of3A_212] : memref<16x1000001xf32, #tpu.memory_space<hbm>> -> memref<16x128xf32, #tpu.memory_space<hbm>>
    tpu.enqueue_dma source(%dma_start3A_225 : memref<16x128xf32, #tpu.memory_space<hbm>>) target(%dma_start3A_223 : memref<16x128xf32, #tpu.memory_space<vmem>>) target_semaphore(%arg21 : memref<!tpu.dma_semaphore, #tpu.memory_space<semaphore_mem>>)
    %slice3A_226 = vector.extract_strided_slice %and3A_5 {offsets = [14], sizes = [1], strides = [1]} : vector<16xi32> to vector<1xi32>
    %squeeze3A_227 = vector.extract %slice3A_226[0] : i32 from vector<1xi32>
    %multiple_of3A_228 = tpu.assume_multiple %squeeze3A_227, 128 : i32
    %dma_start3A_229 = arith.constant 14 : i32
    %dma_start3A_230 = arith.constant 0 : i32
    %dma_start3A_231 = arith.constant 0 : i32
    %dma_start3A_232 = tpu.memref_slice %arg18[%dma_start3A_229, %dma_start3A_230, %dma_start3A_231] : memref<32x16x128xf32, #tpu.memory_space<vmem>> -> memref<1x16x128xf32, #tpu.memory_space<vmem>>
    %dma_start3A_233 = tpu.memref_squeeze %dma_start3A_232 : memref<1x16x128xf32, #tpu.memory_space<vmem>> -> memref<16x128xf32, #tpu.memory_space<vmem>>
    %dma_start3A_234 = arith.constant 0 : i32
    %dma_start3A_235 = tpu.memref_slice %arg6[%dma_start3A_234, %multiple_of3A_228] : memref<16x1000001xf32, #tpu.memory_space<hbm>> -> memref<16x128xf32, #tpu.memory_space<hbm>>
    %dma_start3A_236 = arith.constant 0 : i32
    %dma_start3A_237 = arith.constant 0 : i32
    %dma_start3A_238 = tpu.memref_slice %arg18[%dma_start3A_229, %dma_start3A_236, %dma_start3A_237] : memref<32x16x128xf32, #tpu.memory_space<vmem>> -> memref<1x16x128xf32, #tpu.memory_space<vmem>>
    %dma_start3A_239 = tpu.memref_squeeze %dma_start3A_238 : memref<1x16x128xf32, #tpu.memory_space<vmem>> -> memref<16x128xf32, #tpu.memory_space<vmem>>
    %dma_start3A_240 = arith.constant 0 : i32
    %dma_start3A_241 = tpu.memref_slice %arg6[%dma_start3A_240, %multiple_of3A_228] : memref<16x1000001xf32, #tpu.memory_space<hbm>> -> memref<16x128xf32, #tpu.memory_space<hbm>>
    tpu.enqueue_dma source(%dma_start3A_241 : memref<16x128xf32, #tpu.memory_space<hbm>>) target(%dma_start3A_239 : memref<16x128xf32, #tpu.memory_space<vmem>>) target_semaphore(%arg21 : memref<!tpu.dma_semaphore, #tpu.memory_space<semaphore_mem>>)
    %slice3A_242 = vector.extract_strided_slice %and3A_5 {offsets = [15], sizes = [1], strides = [1]} : vector<16xi32> to vector<1xi32>
    %squeeze3A_243 = vector.extract %slice3A_242[0] : i32 from vector<1xi32>
    %multiple_of3A_244 = tpu.assume_multiple %squeeze3A_243, 128 : i32
    %dma_start3A_245 = arith.constant 15 : i32
    %dma_start3A_246 = arith.constant 0 : i32
    %dma_start3A_247 = arith.constant 0 : i32
    %dma_start3A_248 = tpu.memref_slice %arg18[%dma_start3A_245, %dma_start3A_246, %dma_start3A_247] : memref<32x16x128xf32, #tpu.memory_space<vmem>> -> memref<1x16x128xf32, #tpu.memory_space<vmem>>
    %dma_start3A_249 = tpu.memref_squeeze %dma_start3A_248 : memref<1x16x128xf32, #tpu.memory_space<vmem>> -> memref<16x128xf32, #tpu.memory_space<vmem>>
    %dma_start3A_250 = arith.constant 0 : i32
    %dma_start3A_251 = tpu.memref_slice %arg6[%dma_start3A_250, %multiple_of3A_244] : memref<16x1000001xf32, #tpu.memory_space<hbm>> -> memref<16x128xf32, #tpu.memory_space<hbm>>
    %dma_start3A_252 = arith.constant 0 : i32
    %dma_start3A_253 = arith.constant 0 : i32
    %dma_start3A_254 = tpu.memref_slice %arg18[%dma_start3A_245, %dma_start3A_252, %dma_start3A_253] : memref<32x16x128xf32, #tpu.memory_space<vmem>> -> memref<1x16x128xf32, #tpu.memory_space<vmem>>
    %dma_start3A_255 = tpu.memref_squeeze %dma_start3A_254 : memref<1x16x128xf32, #tpu.memory_space<vmem>> -> memref<16x128xf32, #tpu.memory_space<vmem>>
    %dma_start3A_256 = arith.constant 0 : i32
    %dma_start3A_257 = tpu.memref_slice %arg6[%dma_start3A_256, %multiple_of3A_244] : memref<16x1000001xf32, #tpu.memory_space<hbm>> -> memref<16x128xf32, #tpu.memory_space<hbm>>
    tpu.enqueue_dma source(%dma_start3A_257 : memref<16x128xf32, #tpu.memory_space<hbm>>) target(%dma_start3A_255 : memref<16x128xf32, #tpu.memory_space<vmem>>) target_semaphore(%arg21 : memref<!tpu.dma_semaphore, #tpu.memory_space<semaphore_mem>>)
    %scan3A = arith.constant 0 : i32
    %scan3A_258 = arith.constant 0 : i32
    %scan3A_259 = arith.constant 16 : i32
    %scan3A_260 = arith.addi %scan3A_258, %scan3A_259 : i32
    %scan3A_261 = arith.constant 1 : i32
    %scan3A_262 = scf.for %scan3A_264 = %scan3A_258 to %scan3A_260 step %scan3A_261 iter_args(%scan3A_265 = %scan3A) -> (i32)  : i32 {
      %mul3A_266 = arith.constant 2 : i32
      %mul3A_267 = arith.muli %mul3A_266, %scan3A_264 : i32
      %add3A_268 = arith.constant 1 : i32
      %add3A_269 = arith.addi %mul3A_267, %add3A_268 : i32
      %mul3A_270 = arith.constant 16 : i32
      %mul3A_271 = arith.muli %add3A_269, %mul3A_270 : i32
      %get3A_272 = arith.index_cast %mul3A_271 : i32 to index
      %get3A_273 = tpu.vector_load %arg11[%get3A_272] {strides = array<i32>} : memref<512xi32, #tpu.memory_space<vmem>>, vector<16xi32>,
      %and3A_274 = arith.constant -128 : i32
      %and3A_275 = vector.broadcast %and3A_274 : i32 to vector<16xi32>
      %and3A_276 = arith.andi %get3A_273, %and3A_275 : vector<16xi32>
      %slice3A_277 = vector.extract_strided_slice %and3A_276 {offsets = [0], sizes = [1], strides = [1]} : vector<16xi32> to vector<1xi32>
      %squeeze3A_278 = vector.extract %slice3A_277[0] : i32 from vector<1xi32>
      %multiple_of3A_279 = tpu.assume_multiple %squeeze3A_278, 128 : i32
      %dma_start3A_280 = arith.constant 16 : i32
      %dma_start3A_281 = arith.constant 0 : i32
      %dma_start3A_282 = arith.constant 0 : i32
      %dma_start3A_283 = tpu.memref_slice %arg18[%dma_start3A_280, %dma_start3A_281, %dma_start3A_282] : memref<32x16x128xf32, #tpu.memory_space<vmem>> -> memref<1x16x128xf32, #tpu.memory_space<vmem>>
      %dma_start3A_284 = tpu.memref_squeeze %dma_start3A_283 : memref<1x16x128xf32, #tpu.memory_space<vmem>> -> memref<16x128xf32, #tpu.memory_space<vmem>>
      %dma_start3A_285 = arith.constant 0 : i32
      %dma_start3A_286 = tpu.memref_slice %arg6[%dma_start3A_285, %multiple_of3A_279] : memref<16x1000001xf32, #tpu.memory_space<hbm>> -> memref<16x128xf32, #tpu.memory_space<hbm>>
      %dma_start3A_287 = arith.constant 0 : i32
      %dma_start3A_288 = arith.constant 0 : i32
      %dma_start3A_289 = tpu.memref_slice %arg18[%dma_start3A_280, %dma_start3A_287, %dma_start3A_288] : memref<32x16x128xf32, #tpu.memory_space<vmem>> -> memref<1x16x128xf32, #tpu.memory_space<vmem>>
      %dma_start3A_290 = tpu.memref_squeeze %dma_start3A_289 : memref<1x16x128xf32, #tpu.memory_space<vmem>> -> memref<16x128xf32, #tpu.memory_space<vmem>>
      %dma_start3A_291 = arith.constant 0 : i32
      %dma_start3A_292 = tpu.memref_slice %arg6[%dma_start3A_291, %multiple_of3A_279] : memref<16x1000001xf32, #tpu.memory_space<hbm>> -> memref<16x128xf32, #tpu.memory_space<hbm>>
      tpu.enqueue_dma source(%dma_start3A_292 : memref<16x128xf32, #tpu.memory_space<hbm>>) target(%dma_start3A_290 : memref<16x128xf32, #tpu.memory_space<vmem>>) target_semaphore(%arg22 : memref<!tpu.dma_semaphore, #tpu.memory_space<semaphore_mem>>)
      %slice3A_293 = vector.extract_strided_slice %and3A_276 {offsets = [1], sizes = [1], strides = [1]} : vector<16xi32> to vector<1xi32>
      %squeeze3A_294 = vector.extract %slice3A_293[0] : i32 from vector<1xi32>
      %multiple_of3A_295 = tpu.assume_multiple %squeeze3A_294, 128 : i32
      %dma_start3A_296 = arith.constant 17 : i32
      %dma_start3A_297 = arith.constant 0 : i32
      %dma_start3A_298 = arith.constant 0 : i32
      %dma_start3A_299 = tpu.memref_slice %arg18[%dma_start3A_296, %dma_start3A_297, %dma_start3A_298] : memref<32x16x128xf32, #tpu.memory_space<vmem>> -> memref<1x16x128xf32, #tpu.memory_space<vmem>>
      %dma_start3A_300 = tpu.memref_squeeze %dma_start3A_299 : memref<1x16x128xf32, #tpu.memory_space<vmem>> -> memref<16x128xf32, #tpu.memory_space<vmem>>
      %dma_start3A_301 = arith.constant 0 : i32
      %dma_start3A_302 = tpu.memref_slice %arg6[%dma_start3A_301, %multiple_of3A_295] : memref<16x1000001xf32, #tpu.memory_space<hbm>> -> memref<16x128xf32, #tpu.memory_space<hbm>>
      %dma_start3A_303 = arith.constant 0 : i32
      %dma_start3A_304 = arith.constant 0 : i32
      %dma_start3A_305 = tpu.memref_slice %arg18[%dma_start3A_296, %dma_start3A_303, %dma_start3A_304] : memref<32x16x128xf32, #tpu.memory_space<vmem>> -> memref<1x16x128xf32, #tpu.memory_space<vmem>>
      %dma_start3A_306 = tpu.memref_squeeze %dma_start3A_305 : memref<1x16x128xf32, #tpu.memory_space<vmem>> -> memref<16x128xf32, #tpu.memory_space<vmem>>
      %dma_start3A_307 = arith.constant 0 : i32
      %dma_start3A_308 = tpu.memref_slice %arg6[%dma_start3A_307, %multiple_of3A_295] : memref<16x1000001xf32, #tpu.memory_space<hbm>> -> memref<16x128xf32, #tpu.memory_space<hbm>>
      tpu.enqueue_dma source(%dma_start3A_308 : memref<16x128xf32, #tpu.memory_space<hbm>>) target(%dma_start3A_306 : memref<16x128xf32, #tpu.memory_space<vmem>>) target_semaphore(%arg22 : memref<!tpu.dma_semaphore, #tpu.memory_space<semaphore_mem>>)
      %slice3A_309 = vector.extract_strided_slice %and3A_276 {offsets = [2], sizes = [1], strides = [1]} : vector<16xi32> to vector<1xi32>
      %squeeze3A_310 = vector.extract %slice3A_309[0] : i32 from vector<1xi32>
      %multiple_of3A_311 = tpu.assume_multiple %squeeze3A_310, 128 : i32
      %dma_start3A_312 = arith.constant 18 : i32
      %dma_start3A_313 = arith.constant 0 : i32
      %dma_start3A_314 = arith.constant 0 : i32
      %dma_start3A_315 = tpu.memref_slice %arg18[%dma_start3A_312, %dma_start3A_313, %dma_start3A_314] : memref<32x16x128xf32, #tpu.memory_space<vmem>> -> memref<1x16x128xf32, #tpu.memory_space<vmem>>
      %dma_start3A_316 = tpu.memref_squeeze %dma_start3A_315 : memref<1x16x128xf32, #tpu.memory_space<vmem>> -> memref<16x128xf32, #tpu.memory_space<vmem>>
      %dma_start3A_317 = arith.constant 0 : i32
      %dma_start3A_318 = tpu.memref_slice %arg6[%dma_start3A_317, %multiple_of3A_311] : memref<16x1000001xf32, #tpu.memory_space<hbm>> -> memref<16x128xf32, #tpu.memory_space<hbm>>
      %dma_start3A_319 = arith.constant 0 : i32
      %dma_start3A_320 = arith.constant 0 : i32
      %dma_start3A_321 = tpu.memref_slice %arg18[%dma_start3A_312, %dma_start3A_319, %dma_start3A_320] : memref<32x16x128xf32, #tpu.memory_space<vmem>> -> memref<1x16x128xf32, #tpu.memory_space<vmem>>
      %dma_start3A_322 = tpu.memref_squeeze %dma_start3A_321 : memref<1x16x128xf32, #tpu.memory_space<vmem>> -> memref<16x128xf32, #tpu.memory_space<vmem>>
      %dma_start3A_323 = arith.constant 0 : i32
      %dma_start3A_324 = tpu.memref_slice %arg6[%dma_start3A_323, %multiple_of3A_311] : memref<16x1000001xf32, #tpu.memory_space<hbm>> -> memref<16x128xf32, #tpu.memory_space<hbm>>
      tpu.enqueue_dma source(%dma_start3A_324 : memref<16x128xf32, #tpu.memory_space<hbm>>) target(%dma_start3A_322 : memref<16x128xf32, #tpu.memory_space<vmem>>) target_semaphore(%arg22 : memref<!tpu.dma_semaphore, #tpu.memory_space<semaphore_mem>>)
      %slice3A_325 = vector.extract_strided_slice %and3A_276 {offsets = [3], sizes = [1], strides = [1]} : vector<16xi32> to vector<1xi32>
      %squeeze3A_326 = vector.extract %slice3A_325[0] : i32 from vector<1xi32>
      %multiple_of3A_327 = tpu.assume_multiple %squeeze3A_326, 128 : i32
      %dma_start3A_328 = arith.constant 19 : i32
      %dma_start3A_329 = arith.constant 0 : i32
      %dma_start3A_330 = arith.constant 0 : i32
      %dma_start3A_331 = tpu.memref_slice %arg18[%dma_start3A_328, %dma_start3A_329, %dma_start3A_330] : memref<32x16x128xf32, #tpu.memory_space<vmem>> -> memref<1x16x128xf32, #tpu.memory_space<vmem>>
      %dma_start3A_332 = tpu.memref_squeeze %dma_start3A_331 : memref<1x16x128xf32, #tpu.memory_space<vmem>> -> memref<16x128xf32, #tpu.memory_space<vmem>>
      %dma_start3A_333 = arith.constant 0 : i32
      %dma_start3A_334 = tpu.memref_slice %arg6[%dma_start3A_333, %multiple_of3A_327] : memref<16x1000001xf32, #tpu.memory_space<hbm>> -> memref<16x128xf32, #tpu.memory_space<hbm>>
      %dma_start3A_335 = arith.constant 0 : i32
      %dma_start3A_336 = arith.constant 0 : i32
      %dma_start3A_337 = tpu.memref_slice %arg18[%dma_start3A_328, %dma_start3A_335, %dma_start3A_336] : memref<32x16x128xf32, #tpu.memory_space<vmem>> -> memref<1x16x128xf32, #tpu.memory_space<vmem>>
      %dma_start3A_338 = tpu.memref_squeeze %dma_start3A_337 : memref<1x16x128xf32, #tpu.memory_space<vmem>> -> memref<16x128xf32, #tpu.memory_space<vmem>>
      %dma_start3A_339 = arith.constant 0 : i32
      %dma_start3A_340 = tpu.memref_slice %arg6[%dma_start3A_339, %multiple_of3A_327] : memref<16x1000001xf32, #tpu.memory_space<hbm>> -> memref<16x128xf32, #tpu.memory_space<hbm>>
      tpu.enqueue_dma source(%dma_start3A_340 : memref<16x128xf32, #tpu.memory_space<hbm>>) target(%dma_start3A_338 : memref<16x128xf32, #tpu.memory_space<vmem>>) target_semaphore(%arg22 : memref<!tpu.dma_semaphore, #tpu.memory_space<semaphore_mem>>)
      %slice3A_341 = vector.extract_strided_slice %and3A_276 {offsets = [4], sizes = [1], strides = [1]} : vector<16xi32> to vector<1xi32>
      %squeeze3A_342 = vector.extract %slice3A_341[0] : i32 from vector<1xi32>
      %multiple_of3A_343 = tpu.assume_multiple %squeeze3A_342, 128 : i32
      %dma_start3A_344 = arith.constant 20 : i32
      %dma_start3A_345 = arith.constant 0 : i32
      %dma_start3A_346 = arith.constant 0 : i32
      %dma_start3A_347 = tpu.memref_slice %arg18[%dma_start3A_344, %dma_start3A_345, %dma_start3A_346] : memref<32x16x128xf32, #tpu.memory_space<vmem>> -> memref<1x16x128xf32, #tpu.memory_space<vmem>>
      %dma_start3A_348 = tpu.memref_squeeze %dma_start3A_347 : memref<1x16x128xf32, #tpu.memory_space<vmem>> -> memref<16x128xf32, #tpu.memory_space<vmem>>
      %dma_start3A_349 = arith.constant 0 : i32
      %dma_start3A_350 = tpu.memref_slice %arg6[%dma_start3A_349, %multiple_of3A_343] : memref<16x1000001xf32, #tpu.memory_space<hbm>> -> memref<16x128xf32, #tpu.memory_space<hbm>>
      %dma_start3A_351 = arith.constant 0 : i32
      %dma_start3A_352 = arith.constant 0 : i32
      %dma_start3A_353 = tpu.memref_slice %arg18[%dma_start3A_344, %dma_start3A_351, %dma_start3A_352] : memref<32x16x128xf32, #tpu.memory_space<vmem>> -> memref<1x16x128xf32, #tpu.memory_space<vmem>>
      %dma_start3A_354 = tpu.memref_squeeze %dma_start3A_353 : memref<1x16x128xf32, #tpu.memory_space<vmem>> -> memref<16x128xf32, #tpu.memory_space<vmem>>
      %dma_start3A_355 = arith.constant 0 : i32
      %dma_start3A_356 = tpu.memref_slice %arg6[%dma_start3A_355, %multiple_of3A_343] : memref<16x1000001xf32, #tpu.memory_space<hbm>> -> memref<16x128xf32, #tpu.memory_space<hbm>>
      tpu.enqueue_dma source(%dma_start3A_356 : memref<16x128xf32, #tpu.memory_space<hbm>>) target(%dma_start3A_354 : memref<16x128xf32, #tpu.memory_space<vmem>>) target_semaphore(%arg22 : memref<!tpu.dma_semaphore, #tpu.memory_space<semaphore_mem>>)
      %slice3A_357 = vector.extract_strided_slice %and3A_276 {offsets = [5], sizes = [1], strides = [1]} : vector<16xi32> to vector<1xi32>
      %squeeze3A_358 = vector.extract %slice3A_357[0] : i32 from vector<1xi32>
      %multiple_of3A_359 = tpu.assume_multiple %squeeze3A_358, 128 : i32
      %dma_start3A_360 = arith.constant 21 : i32
      %dma_start3A_361 = arith.constant 0 : i32
      %dma_start3A_362 = arith.constant 0 : i32
      %dma_start3A_363 = tpu.memref_slice %arg18[%dma_start3A_360, %dma_start3A_361, %dma_start3A_362] : memref<32x16x128xf32, #tpu.memory_space<vmem>> -> memref<1x16x128xf32, #tpu.memory_space<vmem>>
      %dma_start3A_364 = tpu.memref_squeeze %dma_start3A_363 : memref<1x16x128xf32, #tpu.memory_space<vmem>> -> memref<16x128xf32, #tpu.memory_space<vmem>>
      %dma_start3A_365 = arith.constant 0 : i32
      %dma_start3A_366 = tpu.memref_slice %arg6[%dma_start3A_365, %multiple_of3A_359] : memref<16x1000001xf32, #tpu.memory_space<hbm>> -> memref<16x128xf32, #tpu.memory_space<hbm>>
      %dma_start3A_367 = arith.constant 0 : i32
      %dma_start3A_368 = arith.constant 0 : i32
      %dma_start3A_369 = tpu.memref_slice %arg18[%dma_start3A_360, %dma_start3A_367, %dma_start3A_368] : memref<32x16x128xf32, #tpu.memory_space<vmem>> -> memref<1x16x128xf32, #tpu.memory_space<vmem>>
      %dma_start3A_370 = tpu.memref_squeeze %dma_start3A_369 : memref<1x16x128xf32, #tpu.memory_space<vmem>> -> memref<16x128xf32, #tpu.memory_space<vmem>>
      %dma_start3A_371 = arith.constant 0 : i32
      %dma_start3A_372 = tpu.memref_slice %arg6[%dma_start3A_371, %multiple_of3A_359] : memref<16x1000001xf32, #tpu.memory_space<hbm>> -> memref<16x128xf32, #tpu.memory_space<hbm>>
      tpu.enqueue_dma source(%dma_start3A_372 : memref<16x128xf32, #tpu.memory_space<hbm>>) target(%dma_start3A_370 : memref<16x128xf32, #tpu.memory_space<vmem>>) target_semaphore(%arg22 : memref<!tpu.dma_semaphore, #tpu.memory_space<semaphore_mem>>)
      %slice3A_373 = vector.extract_strided_slice %and3A_276 {offsets = [6], sizes = [1], strides = [1]} : vector<16xi32> to vector<1xi32>
      %squeeze3A_374 = vector.extract %slice3A_373[0] : i32 from vector<1xi32>
      %multiple_of3A_375 = tpu.assume_multiple %squeeze3A_374, 128 : i32
      %dma_start3A_376 = arith.constant 22 : i32
      %dma_start3A_377 = arith.constant 0 : i32
      %dma_start3A_378 = arith.constant 0 : i32
      %dma_start3A_379 = tpu.memref_slice %arg18[%dma_start3A_376, %dma_start3A_377, %dma_start3A_378] : memref<32x16x128xf32, #tpu.memory_space<vmem>> -> memref<1x16x128xf32, #tpu.memory_space<vmem>>
      %dma_start3A_380 = tpu.memref_squeeze %dma_start3A_379 : memref<1x16x128xf32, #tpu.memory_space<vmem>> -> memref<16x128xf32, #tpu.memory_space<vmem>>
      %dma_start3A_381 = arith.constant 0 : i32
      %dma_start3A_382 = tpu.memref_slice %arg6[%dma_start3A_381, %multiple_of3A_375] : memref<16x1000001xf32, #tpu.memory_space<hbm>> -> memref<16x128xf32, #tpu.memory_space<hbm>>
      %dma_start3A_383 = arith.constant 0 : i32
      %dma_start3A_384 = arith.constant 0 : i32
      %dma_start3A_385 = tpu.memref_slice %arg18[%dma_start3A_376, %dma_start3A_383, %dma_start3A_384] : memref<32x16x128xf32, #tpu.memory_space<vmem>> -> memref<1x16x128xf32, #tpu.memory_space<vmem>>
      %dma_start3A_386 = tpu.memref_squeeze %dma_start3A_385 : memref<1x16x128xf32, #tpu.memory_space<vmem>> -> memref<16x128xf32, #tpu.memory_space<vmem>>
      %dma_start3A_387 = arith.constant 0 : i32
      %dma_start3A_388 = tpu.memref_slice %arg6[%dma_start3A_387, %multiple_of3A_375] : memref<16x1000001xf32, #tpu.memory_space<hbm>> -> memref<16x128xf32, #tpu.memory_space<hbm>>
      tpu.enqueue_dma source(%dma_start3A_388 : memref<16x128xf32, #tpu.memory_space<hbm>>) target(%dma_start3A_386 : memref<16x128xf32, #tpu.memory_space<vmem>>) target_semaphore(%arg22 : memref<!tpu.dma_semaphore, #tpu.memory_space<semaphore_mem>>)
      %slice3A_389 = vector.extract_strided_slice %and3A_276 {offsets = [7], sizes = [1], strides = [1]} : vector<16xi32> to vector<1xi32>
      %squeeze3A_390 = vector.extract %slice3A_389[0] : i32 from vector<1xi32>
      %multiple_of3A_391 = tpu.assume_multiple %squeeze3A_390, 128 : i32
      %dma_start3A_392 = arith.constant 23 : i32
      %dma_start3A_393 = arith.constant 0 : i32
      %dma_start3A_394 = arith.constant 0 : i32
      %dma_start3A_395 = tpu.memref_slice %arg18[%dma_start3A_392, %dma_start3A_393, %dma_start3A_394] : memref<32x16x128xf32, #tpu.memory_space<vmem>> -> memref<1x16x128xf32, #tpu.memory_space<vmem>>
      %dma_start3A_396 = tpu.memref_squeeze %dma_start3A_395 : memref<1x16x128xf32, #tpu.memory_space<vmem>> -> memref<16x128xf32, #tpu.memory_space<vmem>>
      %dma_start3A_397 = arith.constant 0 : i32
      %dma_start3A_398 = tpu.memref_slice %arg6[%dma_start3A_397, %multiple_of3A_391] : memref<16x1000001xf32, #tpu.memory_space<hbm>> -> memref<16x128xf32, #tpu.memory_space<hbm>>
      %dma_start3A_399 = arith.constant 0 : i32
      %dma_start3A_400 = arith.constant 0 : i32
      %dma_start3A_401 = tpu.memref_slice %arg18[%dma_start3A_392, %dma_start3A_399, %dma_start3A_400] : memref<32x16x128xf32, #tpu.memory_space<vmem>> -> memref<1x16x128xf32, #tpu.memory_space<vmem>>
      %dma_start3A_402 = tpu.memref_squeeze %dma_start3A_401 : memref<1x16x128xf32, #tpu.memory_space<vmem>> -> memref<16x128xf32, #tpu.memory_space<vmem>>
      %dma_start3A_403 = arith.constant 0 : i32
      %dma_start3A_404 = tpu.memref_slice %arg6[%dma_start3A_403, %multiple_of3A_391] : memref<16x1000001xf32, #tpu.memory_space<hbm>> -> memref<16x128xf32, #tpu.memory_space<hbm>>
      tpu.enqueue_dma source(%dma_start3A_404 : memref<16x128xf32, #tpu.memory_space<hbm>>) target(%dma_start3A_402 : memref<16x128xf32, #tpu.memory_space<vmem>>) target_semaphore(%arg22 : memref<!tpu.dma_semaphore, #tpu.memory_space<semaphore_mem>>)
      %slice3A_405 = vector.extract_strided_slice %and3A_276 {offsets = [8], sizes = [1], strides = [1]} : vector<16xi32> to vector<1xi32>
      %squeeze3A_406 = vector.extract %slice3A_405[0] : i32 from vector<1xi32>
      %multiple_of3A_407 = tpu.assume_multiple %squeeze3A_406, 128 : i32
      %dma_start3A_408 = arith.constant 24 : i32
      %dma_start3A_409 = arith.constant 0 : i32
      %dma_start3A_410 = arith.constant 0 : i32
      %dma_start3A_411 = tpu.memref_slice %arg18[%dma_start3A_408, %dma_start3A_409, %dma_start3A_410] : memref<32x16x128xf32, #tpu.memory_space<vmem>> -> memref<1x16x128xf32, #tpu.memory_space<vmem>>
      %dma_start3A_412 = tpu.memref_squeeze %dma_start3A_411 : memref<1x16x128xf32, #tpu.memory_space<vmem>> -> memref<16x128xf32, #tpu.memory_space<vmem>>
      %dma_start3A_413 = arith.constant 0 : i32
      %dma_start3A_414 = tpu.memref_slice %arg6[%dma_start3A_413, %multiple_of3A_407] : memref<16x1000001xf32, #tpu.memory_space<hbm>> -> memref<16x128xf32, #tpu.memory_space<hbm>>
      %dma_start3A_415 = arith.constant 0 : i32
      %dma_start3A_416 = arith.constant 0 : i32
      %dma_start3A_417 = tpu.memref_slice %arg18[%dma_start3A_408, %dma_start3A_415, %dma_start3A_416] : memref<32x16x128xf32, #tpu.memory_space<vmem>> -> memref<1x16x128xf32, #tpu.memory_space<vmem>>
      %dma_start3A_418 = tpu.memref_squeeze %dma_start3A_417 : memref<1x16x128xf32, #tpu.memory_space<vmem>> -> memref<16x128xf32, #tpu.memory_space<vmem>>
      %dma_start3A_419 = arith.constant 0 : i32
      %dma_start3A_420 = tpu.memref_slice %arg6[%dma_start3A_419, %multiple_of3A_407] : memref<16x1000001xf32, #tpu.memory_space<hbm>> -> memref<16x128xf32, #tpu.memory_space<hbm>>
      tpu.enqueue_dma source(%dma_start3A_420 : memref<16x128xf32, #tpu.memory_space<hbm>>) target(%dma_start3A_418 : memref<16x128xf32, #tpu.memory_space<vmem>>) target_semaphore(%arg22 : memref<!tpu.dma_semaphore, #tpu.memory_space<semaphore_mem>>)
      %slice3A_421 = vector.extract_strided_slice %and3A_276 {offsets = [9], sizes = [1], strides = [1]} : vector<16xi32> to vector<1xi32>
      %squeeze3A_422 = vector.extract %slice3A_421[0] : i32 from vector<1xi32>
      %multiple_of3A_423 = tpu.assume_multiple %squeeze3A_422, 128 : i32
      %dma_start3A_424 = arith.constant 25 : i32
      %dma_start3A_425 = arith.constant 0 : i32
      %dma_start3A_426 = arith.constant 0 : i32
      %dma_start3A_427 = tpu.memref_slice %arg18[%dma_start3A_424, %dma_start3A_425, %dma_start3A_426] : memref<32x16x128xf32, #tpu.memory_space<vmem>> -> memref<1x16x128xf32, #tpu.memory_space<vmem>>
      %dma_start3A_428 = tpu.memref_squeeze %dma_start3A_427 : memref<1x16x128xf32, #tpu.memory_space<vmem>> -> memref<16x128xf32, #tpu.memory_space<vmem>>
      %dma_start3A_429 = arith.constant 0 : i32
      %dma_start3A_430 = tpu.memref_slice %arg6[%dma_start3A_429, %multiple_of3A_423] : memref<16x1000001xf32, #tpu.memory_space<hbm>> -> memref<16x128xf32, #tpu.memory_space<hbm>>
      %dma_start3A_431 = arith.constant 0 : i32
      %dma_start3A_432 = arith.constant 0 : i32
      %dma_start3A_433 = tpu.memref_slice %arg18[%dma_start3A_424, %dma_start3A_431, %dma_start3A_432] : memref<32x16x128xf32, #tpu.memory_space<vmem>> -> memref<1x16x128xf32, #tpu.memory_space<vmem>>
      %dma_start3A_434 = tpu.memref_squeeze %dma_start3A_433 : memref<1x16x128xf32, #tpu.memory_space<vmem>> -> memref<16x128xf32, #tpu.memory_space<vmem>>
      %dma_start3A_435 = arith.constant 0 : i32
      %dma_start3A_436 = tpu.memref_slice %arg6[%dma_start3A_435, %multiple_of3A_423] : memref<16x1000001xf32, #tpu.memory_space<hbm>> -> memref<16x128xf32, #tpu.memory_space<hbm>>
      tpu.enqueue_dma source(%dma_start3A_436 : memref<16x128xf32, #tpu.memory_space<hbm>>) target(%dma_start3A_434 : memref<16x128xf32, #tpu.memory_space<vmem>>) target_semaphore(%arg22 : memref<!tpu.dma_semaphore, #tpu.memory_space<semaphore_mem>>)
      %slice3A_437 = vector.extract_strided_slice %and3A_276 {offsets = [10], sizes = [1], strides = [1]} : vector<16xi32> to vector<1xi32>
      %squeeze3A_438 = vector.extract %slice3A_437[0] : i32 from vector<1xi32>
      %multiple_of3A_439 = tpu.assume_multiple %squeeze3A_438, 128 : i32
      %dma_start3A_440 = arith.constant 26 : i32
      %dma_start3A_441 = arith.constant 0 : i32
      %dma_start3A_442 = arith.constant 0 : i32
      %dma_start3A_443 = tpu.memref_slice %arg18[%dma_start3A_440, %dma_start3A_441, %dma_start3A_442] : memref<32x16x128xf32, #tpu.memory_space<vmem>> -> memref<1x16x128xf32, #tpu.memory_space<vmem>>
      %dma_start3A_444 = tpu.memref_squeeze %dma_start3A_443 : memref<1x16x128xf32, #tpu.memory_space<vmem>> -> memref<16x128xf32, #tpu.memory_space<vmem>>
      %dma_start3A_445 = arith.constant 0 : i32
      %dma_start3A_446 = tpu.memref_slice %arg6[%dma_start3A_445, %multiple_of3A_439] : memref<16x1000001xf32, #tpu.memory_space<hbm>> -> memref<16x128xf32, #tpu.memory_space<hbm>>
      %dma_start3A_447 = arith.constant 0 : i32
      %dma_start3A_448 = arith.constant 0 : i32
      %dma_start3A_449 = tpu.memref_slice %arg18[%dma_start3A_440, %dma_start3A_447, %dma_start3A_448] : memref<32x16x128xf32, #tpu.memory_space<vmem>> -> memref<1x16x128xf32, #tpu.memory_space<vmem>>
      %dma_start3A_450 = tpu.memref_squeeze %dma_start3A_449 : memref<1x16x128xf32, #tpu.memory_space<vmem>> -> memref<16x128xf32, #tpu.memory_space<vmem>>
      %dma_start3A_451 = arith.constant 0 : i32
      %dma_start3A_452 = tpu.memref_slice %arg6[%dma_start3A_451, %multiple_of3A_439] : memref<16x1000001xf32, #tpu.memory_space<hbm>> -> memref<16x128xf32, #tpu.memory_space<hbm>>
      tpu.enqueue_dma source(%dma_start3A_452 : memref<16x128xf32, #tpu.memory_space<hbm>>) target(%dma_start3A_450 : memref<16x128xf32, #tpu.memory_space<vmem>>) target_semaphore(%arg22 : memref<!tpu.dma_semaphore, #tpu.memory_space<semaphore_mem>>)
      %slice3A_453 = vector.extract_strided_slice %and3A_276 {offsets = [11], sizes = [1], strides = [1]} : vector<16xi32> to vector<1xi32>
      %squeeze3A_454 = vector.extract %slice3A_453[0] : i32 from vector<1xi32>
      %multiple_of3A_455 = tpu.assume_multiple %squeeze3A_454, 128 : i32
      %dma_start3A_456 = arith.constant 27 : i32
      %dma_start3A_457 = arith.constant 0 : i32
      %dma_start3A_458 = arith.constant 0 : i32
      %dma_start3A_459 = tpu.memref_slice %arg18[%dma_start3A_456, %dma_start3A_457, %dma_start3A_458] : memref<32x16x128xf32, #tpu.memory_space<vmem>> -> memref<1x16x128xf32, #tpu.memory_space<vmem>>
      %dma_start3A_460 = tpu.memref_squeeze %dma_start3A_459 : memref<1x16x128xf32, #tpu.memory_space<vmem>> -> memref<16x128xf32, #tpu.memory_space<vmem>>
      %dma_start3A_461 = arith.constant 0 : i32
      %dma_start3A_462 = tpu.memref_slice %arg6[%dma_start3A_461, %multiple_of3A_455] : memref<16x1000001xf32, #tpu.memory_space<hbm>> -> memref<16x128xf32, #tpu.memory_space<hbm>>
      %dma_start3A_463 = arith.constant 0 : i32
      %dma_start3A_464 = arith.constant 0 : i32
      %dma_start3A_465 = tpu.memref_slice %arg18[%dma_start3A_456, %dma_start3A_463, %dma_start3A_464] : memref<32x16x128xf32, #tpu.memory_space<vmem>> -> memref<1x16x128xf32, #tpu.memory_space<vmem>>
      %dma_start3A_466 = tpu.memref_squeeze %dma_start3A_465 : memref<1x16x128xf32, #tpu.memory_space<vmem>> -> memref<16x128xf32, #tpu.memory_space<vmem>>
      %dma_start3A_467 = arith.constant 0 : i32
      %dma_start3A_468 = tpu.memref_slice %arg6[%dma_start3A_467, %multiple_of3A_455] : memref<16x1000001xf32, #tpu.memory_space<hbm>> -> memref<16x128xf32, #tpu.memory_space<hbm>>
      tpu.enqueue_dma source(%dma_start3A_468 : memref<16x128xf32, #tpu.memory_space<hbm>>) target(%dma_start3A_466 : memref<16x128xf32, #tpu.memory_space<vmem>>) target_semaphore(%arg22 : memref<!tpu.dma_semaphore, #tpu.memory_space<semaphore_mem>>)
      %slice3A_469 = vector.extract_strided_slice %and3A_276 {offsets = [12], sizes = [1], strides = [1]} : vector<16xi32> to vector<1xi32>
      %squeeze3A_470 = vector.extract %slice3A_469[0] : i32 from vector<1xi32>
      %multiple_of3A_471 = tpu.assume_multiple %squeeze3A_470, 128 : i32
      %dma_start3A_472 = arith.constant 28 : i32
      %dma_start3A_473 = arith.constant 0 : i32
      %dma_start3A_474 = arith.constant 0 : i32
      %dma_start3A_475 = tpu.memref_slice %arg18[%dma_start3A_472, %dma_start3A_473, %dma_start3A_474] : memref<32x16x128xf32, #tpu.memory_space<vmem>> -> memref<1x16x128xf32, #tpu.memory_space<vmem>>
      %dma_start3A_476 = tpu.memref_squeeze %dma_start3A_475 : memref<1x16x128xf32, #tpu.memory_space<vmem>> -> memref<16x128xf32, #tpu.memory_space<vmem>>
      %dma_start3A_477 = arith.constant 0 : i32
      %dma_start3A_478 = tpu.memref_slice %arg6[%dma_start3A_477, %multiple_of3A_471] : memref<16x1000001xf32, #tpu.memory_space<hbm>> -> memref<16x128xf32, #tpu.memory_space<hbm>>
      %dma_start3A_479 = arith.constant 0 : i32
      %dma_start3A_480 = arith.constant 0 : i32
      %dma_start3A_481 = tpu.memref_slice %arg18[%dma_start3A_472, %dma_start3A_479, %dma_start3A_480] : memref<32x16x128xf32, #tpu.memory_space<vmem>> -> memref<1x16x128xf32, #tpu.memory_space<vmem>>
      %dma_start3A_482 = tpu.memref_squeeze %dma_start3A_481 : memref<1x16x128xf32, #tpu.memory_space<vmem>> -> memref<16x128xf32, #tpu.memory_space<vmem>>
      %dma_start3A_483 = arith.constant 0 : i32
      %dma_start3A_484 = tpu.memref_slice %arg6[%dma_start3A_483, %multiple_of3A_471] : memref<16x1000001xf32, #tpu.memory_space<hbm>> -> memref<16x128xf32, #tpu.memory_space<hbm>>
      tpu.enqueue_dma source(%dma_start3A_484 : memref<16x128xf32, #tpu.memory_space<hbm>>) target(%dma_start3A_482 : memref<16x128xf32, #tpu.memory_space<vmem>>) target_semaphore(%arg22 : memref<!tpu.dma_semaphore, #tpu.memory_space<semaphore_mem>>)
      %slice3A_485 = vector.extract_strided_slice %and3A_276 {offsets = [13], sizes = [1], strides = [1]} : vector<16xi32> to vector<1xi32>
      %squeeze3A_486 = vector.extract %slice3A_485[0] : i32 from vector<1xi32>
      %multiple_of3A_487 = tpu.assume_multiple %squeeze3A_486, 128 : i32
      %dma_start3A_488 = arith.constant 29 : i32
      %dma_start3A_489 = arith.constant 0 : i32
      %dma_start3A_490 = arith.constant 0 : i32
      %dma_start3A_491 = tpu.memref_slice %arg18[%dma_start3A_488, %dma_start3A_489, %dma_start3A_490] : memref<32x16x128xf32, #tpu.memory_space<vmem>> -> memref<1x16x128xf32, #tpu.memory_space<vmem>>
      %dma_start3A_492 = tpu.memref_squeeze %dma_start3A_491 : memref<1x16x128xf32, #tpu.memory_space<vmem>> -> memref<16x128xf32, #tpu.memory_space<vmem>>
      %dma_start3A_493 = arith.constant 0 : i32
      %dma_start3A_494 = tpu.memref_slice %arg6[%dma_start3A_493, %multiple_of3A_487] : memref<16x1000001xf32, #tpu.memory_space<hbm>> -> memref<16x128xf32, #tpu.memory_space<hbm>>
      %dma_start3A_495 = arith.constant 0 : i32
      %dma_start3A_496 = arith.constant 0 : i32
      %dma_start3A_497 = tpu.memref_slice %arg18[%dma_start3A_488, %dma_start3A_495, %dma_start3A_496] : memref<32x16x128xf32, #tpu.memory_space<vmem>> -> memref<1x16x128xf32, #tpu.memory_space<vmem>>
      %dma_start3A_498 = tpu.memref_squeeze %dma_start3A_497 : memref<1x16x128xf32, #tpu.memory_space<vmem>> -> memref<16x128xf32, #tpu.memory_space<vmem>>
      %dma_start3A_499 = arith.constant 0 : i32
      %dma_start3A_500 = tpu.memref_slice %arg6[%dma_start3A_499, %multiple_of3A_487] : memref<16x1000001xf32, #tpu.memory_space<hbm>> -> memref<16x128xf32, #tpu.memory_space<hbm>>
      tpu.enqueue_dma source(%dma_start3A_500 : memref<16x128xf32, #tpu.memory_space<hbm>>) target(%dma_start3A_498 : memref<16x128xf32, #tpu.memory_space<vmem>>) target_semaphore(%arg22 : memref<!tpu.dma_semaphore, #tpu.memory_space<semaphore_mem>>)
      %slice3A_501 = vector.extract_strided_slice %and3A_276 {offsets = [14], sizes = [1], strides = [1]} : vector<16xi32> to vector<1xi32>
      %squeeze3A_502 = vector.extract %slice3A_501[0] : i32 from vector<1xi32>
      %multiple_of3A_503 = tpu.assume_multiple %squeeze3A_502, 128 : i32
      %dma_start3A_504 = arith.constant 30 : i32
      %dma_start3A_505 = arith.constant 0 : i32
      %dma_start3A_506 = arith.constant 0 : i32
      %dma_start3A_507 = tpu.memref_slice %arg18[%dma_start3A_504, %dma_start3A_505, %dma_start3A_506] : memref<32x16x128xf32, #tpu.memory_space<vmem>> -> memref<1x16x128xf32, #tpu.memory_space<vmem>>
      %dma_start3A_508 = tpu.memref_squeeze %dma_start3A_507 : memref<1x16x128xf32, #tpu.memory_space<vmem>> -> memref<16x128xf32, #tpu.memory_space<vmem>>
      %dma_start3A_509 = arith.constant 0 : i32
      %dma_start3A_510 = tpu.memref_slice %arg6[%dma_start3A_509, %multiple_of3A_503] : memref<16x1000001xf32, #tpu.memory_space<hbm>> -> memref<16x128xf32, #tpu.memory_space<hbm>>
      %dma_start3A_511 = arith.constant 0 : i32
      %dma_start3A_512 = arith.constant 0 : i32
      %dma_start3A_513 = tpu.memref_slice %arg18[%dma_start3A_504, %dma_start3A_511, %dma_start3A_512] : memref<32x16x128xf32, #tpu.memory_space<vmem>> -> memref<1x16x128xf32, #tpu.memory_space<vmem>>
      %dma_start3A_514 = tpu.memref_squeeze %dma_start3A_513 : memref<1x16x128xf32, #tpu.memory_space<vmem>> -> memref<16x128xf32, #tpu.memory_space<vmem>>
      %dma_start3A_515 = arith.constant 0 : i32
      %dma_start3A_516 = tpu.memref_slice %arg6[%dma_start3A_515, %multiple_of3A_503] : memref<16x1000001xf32, #tpu.memory_space<hbm>> -> memref<16x128xf32, #tpu.memory_space<hbm>>
      tpu.enqueue_dma source(%dma_start3A_516 : memref<16x128xf32, #tpu.memory_space<hbm>>) target(%dma_start3A_514 : memref<16x128xf32, #tpu.memory_space<vmem>>) target_semaphore(%arg22 : memref<!tpu.dma_semaphore, #tpu.memory_space<semaphore_mem>>)
      %slice3A_517 = vector.extract_strided_slice %and3A_276 {offsets = [15], sizes = [1], strides = [1]} : vector<16xi32> to vector<1xi32>
      %squeeze3A_518 = vector.extract %slice3A_517[0] : i32 from vector<1xi32>
      %multiple_of3A_519 = tpu.assume_multiple %squeeze3A_518, 128 : i32
      %dma_start3A_520 = arith.constant 31 : i32
      %dma_start3A_521 = arith.constant 0 : i32
      %dma_start3A_522 = arith.constant 0 : i32
      %dma_start3A_523 = tpu.memref_slice %arg18[%dma_start3A_520, %dma_start3A_521, %dma_start3A_522] : memref<32x16x128xf32, #tpu.memory_space<vmem>> -> memref<1x16x128xf32, #tpu.memory_space<vmem>>
      %dma_start3A_524 = tpu.memref_squeeze %dma_start3A_523 : memref<1x16x128xf32, #tpu.memory_space<vmem>> -> memref<16x128xf32, #tpu.memory_space<vmem>>
      %dma_start3A_525 = arith.constant 0 : i32
      %dma_start3A_526 = tpu.memref_slice %arg6[%dma_start3A_525, %multiple_of3A_519] : memref<16x1000001xf32, #tpu.memory_space<hbm>> -> memref<16x128xf32, #tpu.memory_space<hbm>>
      %dma_start3A_527 = arith.constant 0 : i32
      %dma_start3A_528 = arith.constant 0 : i32
      %dma_start3A_529 = tpu.memref_slice %arg18[%dma_start3A_520, %dma_start3A_527, %dma_start3A_528] : memref<32x16x128xf32, #tpu.memory_space<vmem>> -> memref<1x16x128xf32, #tpu.memory_space<vmem>>
      %dma_start3A_530 = tpu.memref_squeeze %dma_start3A_529 : memref<1x16x128xf32, #tpu.memory_space<vmem>> -> memref<16x128xf32, #tpu.memory_space<vmem>>
      %dma_start3A_531 = arith.constant 0 : i32
      %dma_start3A_532 = tpu.memref_slice %arg6[%dma_start3A_531, %multiple_of3A_519] : memref<16x1000001xf32, #tpu.memory_space<hbm>> -> memref<16x128xf32, #tpu.memory_space<hbm>>
      tpu.enqueue_dma source(%dma_start3A_532 : memref<16x128xf32, #tpu.memory_space<hbm>>) target(%dma_start3A_530 : memref<16x128xf32, #tpu.memory_space<vmem>>) target_semaphore(%arg22 : memref<!tpu.dma_semaphore, #tpu.memory_space<semaphore_mem>>)
      %dma_wait3A = arith.constant 0 : i32
      %dma_wait3A_533 = arith.constant 0 : i32
      %dma_wait3A_534 = arith.constant 0 : i32
      %dma_wait3A_535 = tpu.memref_slice %arg18[%dma_wait3A, %dma_wait3A_533, %dma_wait3A_534] : memref<32x16x128xf32, #tpu.memory_space<vmem>> -> memref<1x16x128xf32, #tpu.memory_space<vmem>>
      %dma_wait3A_536 = tpu.memref_squeeze %dma_wait3A_535 : memref<1x16x128xf32, #tpu.memory_space<vmem>> -> memref<16x128xf32, #tpu.memory_space<vmem>>
      %dma_wait3A_537 = arith.constant 0 : i32
      %dma_wait3A_538 = arith.constant 0 : i32
      %dma_wait3A_539 = tpu.memref_slice %arg6[%dma_wait3A_537, %dma_wait3A_538] : memref<16x1000001xf32, #tpu.memory_space<hbm>> -> memref<16x128xf32, #tpu.memory_space<hbm>>
      %dma_wait3A_540 = arith.constant 0 : i32
      %dma_wait3A_541 = arith.constant 0 : i32
      %dma_wait3A_542 = tpu.memref_slice %arg18[%dma_wait3A, %dma_wait3A_540, %dma_wait3A_541] : memref<32x16x128xf32, #tpu.memory_space<vmem>> -> memref<1x16x128xf32, #tpu.memory_space<vmem>>
      %dma_wait3A_543 = tpu.memref_squeeze %dma_wait3A_542 : memref<1x16x128xf32, #tpu.memory_space<vmem>> -> memref<16x128xf32, #tpu.memory_space<vmem>>
      %dma_wait3A_544 = arith.constant 0 : i32
      %dma_wait3A_545 = arith.constant 0 : i32
      %dma_wait3A_546 = tpu.memref_slice %arg6[%dma_wait3A_544, %dma_wait3A_545] : memref<16x1000001xf32, #tpu.memory_space<hbm>> -> memref<16x128xf32, #tpu.memory_space<hbm>>
      tpu.wait_dma2 semaphore(%arg21 : memref<!tpu.dma_semaphore, #tpu.memory_space<semaphore_mem>>) src(%dma_wait3A_546 : memref<16x128xf32, #tpu.memory_space<hbm>>) dst(%dma_wait3A_543 : memref<16x128xf32, #tpu.memory_space<vmem>>)
      %dma_wait3A_547 = arith.constant 1 : i32
      %dma_wait3A_548 = arith.constant 0 : i32
      %dma_wait3A_549 = arith.constant 0 : i32
      %dma_wait3A_550 = tpu.memref_slice %arg18[%dma_wait3A_547, %dma_wait3A_548, %dma_wait3A_549] : memref<32x16x128xf32, #tpu.memory_space<vmem>> -> memref<1x16x128xf32, #tpu.memory_space<vmem>>
      %dma_wait3A_551 = tpu.memref_squeeze %dma_wait3A_550 : memref<1x16x128xf32, #tpu.memory_space<vmem>> -> memref<16x128xf32, #tpu.memory_space<vmem>>
      %dma_wait3A_552 = arith.constant 0 : i32
      %dma_wait3A_553 = arith.constant 0 : i32
      %dma_wait3A_554 = tpu.memref_slice %arg6[%dma_wait3A_552, %dma_wait3A_553] : memref<16x1000001xf32, #tpu.memory_space<hbm>> -> memref<16x128xf32, #tpu.memory_space<hbm>>
      %dma_wait3A_555 = arith.constant 0 : i32
      %dma_wait3A_556 = arith.constant 0 : i32
      %dma_wait3A_557 = tpu.memref_slice %arg18[%dma_wait3A_547, %dma_wait3A_555, %dma_wait3A_556] : memref<32x16x128xf32, #tpu.memory_space<vmem>> -> memref<1x16x128xf32, #tpu.memory_space<vmem>>
      %dma_wait3A_558 = tpu.memref_squeeze %dma_wait3A_557 : memref<1x16x128xf32, #tpu.memory_space<vmem>> -> memref<16x128xf32, #tpu.memory_space<vmem>>
      %dma_wait3A_559 = arith.constant 0 : i32
      %dma_wait3A_560 = arith.constant 0 : i32
      %dma_wait3A_561 = tpu.memref_slice %arg6[%dma_wait3A_559, %dma_wait3A_560] : memref<16x1000001xf32, #tpu.memory_space<hbm>> -> memref<16x128xf32, #tpu.memory_space<hbm>>
      tpu.wait_dma2 semaphore(%arg21 : memref<!tpu.dma_semaphore, #tpu.memory_space<semaphore_mem>>) src(%dma_wait3A_561 : memref<16x128xf32, #tpu.memory_space<hbm>>) dst(%dma_wait3A_558 : memref<16x128xf32, #tpu.memory_space<vmem>>)
      %dma_wait3A_562 = arith.constant 2 : i32
      %dma_wait3A_563 = arith.constant 0 : i32
      %dma_wait3A_564 = arith.constant 0 : i32
      %dma_wait3A_565 = tpu.memref_slice %arg18[%dma_wait3A_562, %dma_wait3A_563, %dma_wait3A_564] : memref<32x16x128xf32, #tpu.memory_space<vmem>> -> memref<1x16x128xf32, #tpu.memory_space<vmem>>
      %dma_wait3A_566 = tpu.memref_squeeze %dma_wait3A_565 : memref<1x16x128xf32, #tpu.memory_space<vmem>> -> memref<16x128xf32, #tpu.memory_space<vmem>>
      %dma_wait3A_567 = arith.constant 0 : i32
      %dma_wait3A_568 = arith.constant 0 : i32
      %dma_wait3A_569 = tpu.memref_slice %arg6[%dma_wait3A_567, %dma_wait3A_568] : memref<16x1000001xf32, #tpu.memory_space<hbm>> -> memref<16x128xf32, #tpu.memory_space<hbm>>
      %dma_wait3A_570 = arith.constant 0 : i32
      %dma_wait3A_571 = arith.constant 0 : i32
      %dma_wait3A_572 = tpu.memref_slice %arg18[%dma_wait3A_562, %dma_wait3A_570, %dma_wait3A_571] : memref<32x16x128xf32, #tpu.memory_space<vmem>> -> memref<1x16x128xf32, #tpu.memory_space<vmem>>
      %dma_wait3A_573 = tpu.memref_squeeze %dma_wait3A_572 : memref<1x16x128xf32, #tpu.memory_space<vmem>> -> memref<16x128xf32, #tpu.memory_space<vmem>>
      %dma_wait3A_574 = arith.constant 0 : i32
      %dma_wait3A_575 = arith.constant 0 : i32
      %dma_wait3A_576 = tpu.memref_slice %arg6[%dma_wait3A_574, %dma_wait3A_575] : memref<16x1000001xf32, #tpu.memory_space<hbm>> -> memref<16x128xf32, #tpu.memory_space<hbm>>
      tpu.wait_dma2 semaphore(%arg21 : memref<!tpu.dma_semaphore, #tpu.memory_space<semaphore_mem>>) src(%dma_wait3A_576 : memref<16x128xf32, #tpu.memory_space<hbm>>) dst(%dma_wait3A_573 : memref<16x128xf32, #tpu.memory_space<vmem>>)
      %dma_wait3A_577 = arith.constant 3 : i32
      %dma_wait3A_578 = arith.constant 0 : i32
      %dma_wait3A_579 = arith.constant 0 : i32
      %dma_wait3A_580 = tpu.memref_slice %arg18[%dma_wait3A_577, %dma_wait3A_578, %dma_wait3A_579] : memref<32x16x128xf32, #tpu.memory_space<vmem>> -> memref<1x16x128xf32, #tpu.memory_space<vmem>>
      %dma_wait3A_581 = tpu.memref_squeeze %dma_wait3A_580 : memref<1x16x128xf32, #tpu.memory_space<vmem>> -> memref<16x128xf32, #tpu.memory_space<vmem>>
      %dma_wait3A_582 = arith.constant 0 : i32
      %dma_wait3A_583 = arith.constant 0 : i32
      %dma_wait3A_584 = tpu.memref_slice %arg6[%dma_wait3A_582, %dma_wait3A_583] : memref<16x1000001xf32, #tpu.memory_space<hbm>> -> memref<16x128xf32, #tpu.memory_space<hbm>>
      %dma_wait3A_585 = arith.constant 0 : i32
      %dma_wait3A_586 = arith.constant 0 : i32
      %dma_wait3A_587 = tpu.memref_slice %arg18[%dma_wait3A_577, %dma_wait3A_585, %dma_wait3A_586] : memref<32x16x128xf32, #tpu.memory_space<vmem>> -> memref<1x16x128xf32, #tpu.memory_space<vmem>>
      %dma_wait3A_588 = tpu.memref_squeeze %dma_wait3A_587 : memref<1x16x128xf32, #tpu.memory_space<vmem>> -> memref<16x128xf32, #tpu.memory_space<vmem>>
      %dma_wait3A_589 = arith.constant 0 : i32
      %dma_wait3A_590 = arith.constant 0 : i32
      %dma_wait3A_591 = tpu.memref_slice %arg6[%dma_wait3A_589, %dma_wait3A_590] : memref<16x1000001xf32, #tpu.memory_space<hbm>> -> memref<16x128xf32, #tpu.memory_space<hbm>>
      tpu.wait_dma2 semaphore(%arg21 : memref<!tpu.dma_semaphore, #tpu.memory_space<semaphore_mem>>) src(%dma_wait3A_591 : memref<16x128xf32, #tpu.memory_space<hbm>>) dst(%dma_wait3A_588 : memref<16x128xf32, #tpu.memory_space<vmem>>)
      %dma_wait3A_592 = arith.constant 4 : i32
      %dma_wait3A_593 = arith.constant 0 : i32
      %dma_wait3A_594 = arith.constant 0 : i32
      %dma_wait3A_595 = tpu.memref_slice %arg18[%dma_wait3A_592, %dma_wait3A_593, %dma_wait3A_594] : memref<32x16x128xf32, #tpu.memory_space<vmem>> -> memref<1x16x128xf32, #tpu.memory_space<vmem>>
      %dma_wait3A_596 = tpu.memref_squeeze %dma_wait3A_595 : memref<1x16x128xf32, #tpu.memory_space<vmem>> -> memref<16x128xf32, #tpu.memory_space<vmem>>
      %dma_wait3A_597 = arith.constant 0 : i32
      %dma_wait3A_598 = arith.constant 0 : i32
      %dma_wait3A_599 = tpu.memref_slice %arg6[%dma_wait3A_597, %dma_wait3A_598] : memref<16x1000001xf32, #tpu.memory_space<hbm>> -> memref<16x128xf32, #tpu.memory_space<hbm>>
      %dma_wait3A_600 = arith.constant 0 : i32
      %dma_wait3A_601 = arith.constant 0 : i32
      %dma_wait3A_602 = tpu.memref_slice %arg18[%dma_wait3A_592, %dma_wait3A_600, %dma_wait3A_601] : memref<32x16x128xf32, #tpu.memory_space<vmem>> -> memref<1x16x128xf32, #tpu.memory_space<vmem>>
      %dma_wait3A_603 = tpu.memref_squeeze %dma_wait3A_602 : memref<1x16x128xf32, #tpu.memory_space<vmem>> -> memref<16x128xf32, #tpu.memory_space<vmem>>
      %dma_wait3A_604 = arith.constant 0 : i32
      %dma_wait3A_605 = arith.constant 0 : i32
      %dma_wait3A_606 = tpu.memref_slice %arg6[%dma_wait3A_604, %dma_wait3A_605] : memref<16x1000001xf32, #tpu.memory_space<hbm>> -> memref<16x128xf32, #tpu.memory_space<hbm>>
      tpu.wait_dma2 semaphore(%arg21 : memref<!tpu.dma_semaphore, #tpu.memory_space<semaphore_mem>>) src(%dma_wait3A_606 : memref<16x128xf32, #tpu.memory_space<hbm>>) dst(%dma_wait3A_603 : memref<16x128xf32, #tpu.memory_space<vmem>>)
      %dma_wait3A_607 = arith.constant 5 : i32
      %dma_wait3A_608 = arith.constant 0 : i32
      %dma_wait3A_609 = arith.constant 0 : i32
      %dma_wait3A_610 = tpu.memref_slice %arg18[%dma_wait3A_607, %dma_wait3A_608, %dma_wait3A_609] : memref<32x16x128xf32, #tpu.memory_space<vmem>> -> memref<1x16x128xf32, #tpu.memory_space<vmem>>
      %dma_wait3A_611 = tpu.memref_squeeze %dma_wait3A_610 : memref<1x16x128xf32, #tpu.memory_space<vmem>> -> memref<16x128xf32, #tpu.memory_space<vmem>>
      %dma_wait3A_612 = arith.constant 0 : i32
      %dma_wait3A_613 = arith.constant 0 : i32
      %dma_wait3A_614 = tpu.memref_slice %arg6[%dma_wait3A_612, %dma_wait3A_613] : memref<16x1000001xf32, #tpu.memory_space<hbm>> -> memref<16x128xf32, #tpu.memory_space<hbm>>
      %dma_wait3A_615 = arith.constant 0 : i32
      %dma_wait3A_616 = arith.constant 0 : i32
      %dma_wait3A_617 = tpu.memref_slice %arg18[%dma_wait3A_607, %dma_wait3A_615, %dma_wait3A_616] : memref<32x16x128xf32, #tpu.memory_space<vmem>> -> memref<1x16x128xf32, #tpu.memory_space<vmem>>
      %dma_wait3A_618 = tpu.memref_squeeze %dma_wait3A_617 : memref<1x16x128xf32, #tpu.memory_space<vmem>> -> memref<16x128xf32, #tpu.memory_space<vmem>>
      %dma_wait3A_619 = arith.constant 0 : i32
      %dma_wait3A_620 = arith.constant 0 : i32
      %dma_wait3A_621 = tpu.memref_slice %arg6[%dma_wait3A_619, %dma_wait3A_620] : memref<16x1000001xf32, #tpu.memory_space<hbm>> -> memref<16x128xf32, #tpu.memory_space<hbm>>
      tpu.wait_dma2 semaphore(%arg21 : memref<!tpu.dma_semaphore, #tpu.memory_space<semaphore_mem>>) src(%dma_wait3A_621 : memref<16x128xf32, #tpu.memory_space<hbm>>) dst(%dma_wait3A_618 : memref<16x128xf32, #tpu.memory_space<vmem>>)
      %dma_wait3A_622 = arith.constant 6 : i32
      %dma_wait3A_623 = arith.constant 0 : i32
      %dma_wait3A_624 = arith.constant 0 : i32
      %dma_wait3A_625 = tpu.memref_slice %arg18[%dma_wait3A_622, %dma_wait3A_623, %dma_wait3A_624] : memref<32x16x128xf32, #tpu.memory_space<vmem>> -> memref<1x16x128xf32, #tpu.memory_space<vmem>>
      %dma_wait3A_626 = tpu.memref_squeeze %dma_wait3A_625 : memref<1x16x128xf32, #tpu.memory_space<vmem>> -> memref<16x128xf32, #tpu.memory_space<vmem>>
      %dma_wait3A_627 = arith.constant 0 : i32
      %dma_wait3A_628 = arith.constant 0 : i32
      %dma_wait3A_629 = tpu.memref_slice %arg6[%dma_wait3A_627, %dma_wait3A_628] : memref<16x1000001xf32, #tpu.memory_space<hbm>> -> memref<16x128xf32, #tpu.memory_space<hbm>>
      %dma_wait3A_630 = arith.constant 0 : i32
      %dma_wait3A_631 = arith.constant 0 : i32
      %dma_wait3A_632 = tpu.memref_slice %arg18[%dma_wait3A_622, %dma_wait3A_630, %dma_wait3A_631] : memref<32x16x128xf32, #tpu.memory_space<vmem>> -> memref<1x16x128xf32, #tpu.memory_space<vmem>>
      %dma_wait3A_633 = tpu.memref_squeeze %dma_wait3A_632 : memref<1x16x128xf32, #tpu.memory_space<vmem>> -> memref<16x128xf32, #tpu.memory_space<vmem>>
      %dma_wait3A_634 = arith.constant 0 : i32
      %dma_wait3A_635 = arith.constant 0 : i32
      %dma_wait3A_636 = tpu.memref_slice %arg6[%dma_wait3A_634, %dma_wait3A_635] : memref<16x1000001xf32, #tpu.memory_space<hbm>> -> memref<16x128xf32, #tpu.memory_space<hbm>>
      tpu.wait_dma2 semaphore(%arg21 : memref<!tpu.dma_semaphore, #tpu.memory_space<semaphore_mem>>) src(%dma_wait3A_636 : memref<16x128xf32, #tpu.memory_space<hbm>>) dst(%dma_wait3A_633 : memref<16x128xf32, #tpu.memory_space<vmem>>)
      %dma_wait3A_637 = arith.constant 7 : i32
      %dma_wait3A_638 = arith.constant 0 : i32
      %dma_wait3A_639 = arith.constant 0 : i32
      %dma_wait3A_640 = tpu.memref_slice %arg18[%dma_wait3A_637, %dma_wait3A_638, %dma_wait3A_639] : memref<32x16x128xf32, #tpu.memory_space<vmem>> -> memref<1x16x128xf32, #tpu.memory_space<vmem>>
      %dma_wait3A_641 = tpu.memref_squeeze %dma_wait3A_640 : memref<1x16x128xf32, #tpu.memory_space<vmem>> -> memref<16x128xf32, #tpu.memory_space<vmem>>
      %dma_wait3A_642 = arith.constant 0 : i32
      %dma_wait3A_643 = arith.constant 0 : i32
      %dma_wait3A_644 = tpu.memref_slice %arg6[%dma_wait3A_642, %dma_wait3A_643] : memref<16x1000001xf32, #tpu.memory_space<hbm>> -> memref<16x128xf32, #tpu.memory_space<hbm>>
      %dma_wait3A_645 = arith.constant 0 : i32
      %dma_wait3A_646 = arith.constant 0 : i32
      %dma_wait3A_647 = tpu.memref_slice %arg18[%dma_wait3A_637, %dma_wait3A_645, %dma_wait3A_646] : memref<32x16x128xf32, #tpu.memory_space<vmem>> -> memref<1x16x128xf32, #tpu.memory_space<vmem>>
      %dma_wait3A_648 = tpu.memref_squeeze %dma_wait3A_647 : memref<1x16x128xf32, #tpu.memory_space<vmem>> -> memref<16x128xf32, #tpu.memory_space<vmem>>
      %dma_wait3A_649 = arith.constant 0 : i32
      %dma_wait3A_650 = arith.constant 0 : i32
      %dma_wait3A_651 = tpu.memref_slice %arg6[%dma_wait3A_649, %dma_wait3A_650] : memref<16x1000001xf32, #tpu.memory_space<hbm>> -> memref<16x128xf32, #tpu.memory_space<hbm>>
      tpu.wait_dma2 semaphore(%arg21 : memref<!tpu.dma_semaphore, #tpu.memory_space<semaphore_mem>>) src(%dma_wait3A_651 : memref<16x128xf32, #tpu.memory_space<hbm>>) dst(%dma_wait3A_648 : memref<16x128xf32, #tpu.memory_space<vmem>>)
      %dma_wait3A_652 = arith.constant 8 : i32
      %dma_wait3A_653 = arith.constant 0 : i32
      %dma_wait3A_654 = arith.constant 0 : i32
      %dma_wait3A_655 = tpu.memref_slice %arg18[%dma_wait3A_652, %dma_wait3A_653, %dma_wait3A_654] : memref<32x16x128xf32, #tpu.memory_space<vmem>> -> memref<1x16x128xf32, #tpu.memory_space<vmem>>
      %dma_wait3A_656 = tpu.memref_squeeze %dma_wait3A_655 : memref<1x16x128xf32, #tpu.memory_space<vmem>> -> memref<16x128xf32, #tpu.memory_space<vmem>>
      %dma_wait3A_657 = arith.constant 0 : i32
      %dma_wait3A_658 = arith.constant 0 : i32
      %dma_wait3A_659 = tpu.memref_slice %arg6[%dma_wait3A_657, %dma_wait3A_658] : memref<16x1000001xf32, #tpu.memory_space<hbm>> -> memref<16x128xf32, #tpu.memory_space<hbm>>
      %dma_wait3A_660 = arith.constant 0 : i32
      %dma_wait3A_661 = arith.constant 0 : i32
      %dma_wait3A_662 = tpu.memref_slice %arg18[%dma_wait3A_652, %dma_wait3A_660, %dma_wait3A_661] : memref<32x16x128xf32, #tpu.memory_space<vmem>> -> memref<1x16x128xf32, #tpu.memory_space<vmem>>
      %dma_wait3A_663 = tpu.memref_squeeze %dma_wait3A_662 : memref<1x16x128xf32, #tpu.memory_space<vmem>> -> memref<16x128xf32, #tpu.memory_space<vmem>>
      %dma_wait3A_664 = arith.constant 0 : i32
      %dma_wait3A_665 = arith.constant 0 : i32
      %dma_wait3A_666 = tpu.memref_slice %arg6[%dma_wait3A_664, %dma_wait3A_665] : memref<16x1000001xf32, #tpu.memory_space<hbm>> -> memref<16x128xf32, #tpu.memory_space<hbm>>
      tpu.wait_dma2 semaphore(%arg21 : memref<!tpu.dma_semaphore, #tpu.memory_space<semaphore_mem>>) src(%dma_wait3A_666 : memref<16x128xf32, #tpu.memory_space<hbm>>) dst(%dma_wait3A_663 : memref<16x128xf32, #tpu.memory_space<vmem>>)
      %dma_wait3A_667 = arith.constant 9 : i32
      %dma_wait3A_668 = arith.constant 0 : i32
      %dma_wait3A_669 = arith.constant 0 : i32
      %dma_wait3A_670 = tpu.memref_slice %arg18[%dma_wait3A_667, %dma_wait3A_668, %dma_wait3A_669] : memref<32x16x128xf32, #tpu.memory_space<vmem>> -> memref<1x16x128xf32, #tpu.memory_space<vmem>>
      %dma_wait3A_671 = tpu.memref_squeeze %dma_wait3A_670 : memref<1x16x128xf32, #tpu.memory_space<vmem>> -> memref<16x128xf32, #tpu.memory_space<vmem>>
      %dma_wait3A_672 = arith.constant 0 : i32
      %dma_wait3A_673 = arith.constant 0 : i32
      %dma_wait3A_674 = tpu.memref_slice %arg6[%dma_wait3A_672, %dma_wait3A_673] : memref<16x1000001xf32, #tpu.memory_space<hbm>> -> memref<16x128xf32, #tpu.memory_space<hbm>>
      %dma_wait3A_675 = arith.constant 0 : i32
      %dma_wait3A_676 = arith.constant 0 : i32
      %dma_wait3A_677 = tpu.memref_slice %arg18[%dma_wait3A_667, %dma_wait3A_675, %dma_wait3A_676] : memref<32x16x128xf32, #tpu.memory_space<vmem>> -> memref<1x16x128xf32, #tpu.memory_space<vmem>>
      %dma_wait3A_678 = tpu.memref_squeeze %dma_wait3A_677 : memref<1x16x128xf32, #tpu.memory_space<vmem>> -> memref<16x128xf32, #tpu.memory_space<vmem>>
      %dma_wait3A_679 = arith.constant 0 : i32
      %dma_wait3A_680 = arith.constant 0 : i32
      %dma_wait3A_681 = tpu.memref_slice %arg6[%dma_wait3A_679, %dma_wait3A_680] : memref<16x1000001xf32, #tpu.memory_space<hbm>> -> memref<16x128xf32, #tpu.memory_space<hbm>>
      tpu.wait_dma2 semaphore(%arg21 : memref<!tpu.dma_semaphore, #tpu.memory_space<semaphore_mem>>) src(%dma_wait3A_681 : memref<16x128xf32, #tpu.memory_space<hbm>>) dst(%dma_wait3A_678 : memref<16x128xf32, #tpu.memory_space<vmem>>)
      %dma_wait3A_682 = arith.constant 10 : i32
      %dma_wait3A_683 = arith.constant 0 : i32
      %dma_wait3A_684 = arith.constant 0 : i32
      %dma_wait3A_685 = tpu.memref_slice %arg18[%dma_wait3A_682, %dma_wait3A_683, %dma_wait3A_684] : memref<32x16x128xf32, #tpu.memory_space<vmem>> -> memref<1x16x128xf32, #tpu.memory_space<vmem>>
      %dma_wait3A_686 = tpu.memref_squeeze %dma_wait3A_685 : memref<1x16x128xf32, #tpu.memory_space<vmem>> -> memref<16x128xf32, #tpu.memory_space<vmem>>
      %dma_wait3A_687 = arith.constant 0 : i32
      %dma_wait3A_688 = arith.constant 0 : i32
      %dma_wait3A_689 = tpu.memref_slice %arg6[%dma_wait3A_687, %dma_wait3A_688] : memref<16x1000001xf32, #tpu.memory_space<hbm>> -> memref<16x128xf32, #tpu.memory_space<hbm>>
      %dma_wait3A_690 = arith.constant 0 : i32
      %dma_wait3A_691 = arith.constant 0 : i32
      %dma_wait3A_692 = tpu.memref_slice %arg18[%dma_wait3A_682, %dma_wait3A_690, %dma_wait3A_691] : memref<32x16x128xf32, #tpu.memory_space<vmem>> -> memref<1x16x128xf32, #tpu.memory_space<vmem>>
      %dma_wait3A_693 = tpu.memref_squeeze %dma_wait3A_692 : memref<1x16x128xf32, #tpu.memory_space<vmem>> -> memref<16x128xf32, #tpu.memory_space<vmem>>
      %dma_wait3A_694 = arith.constant 0 : i32
      %dma_wait3A_695 = arith.constant 0 : i32
      %dma_wait3A_696 = tpu.memref_slice %arg6[%dma_wait3A_694, %dma_wait3A_695] : memref<16x1000001xf32, #tpu.memory_space<hbm>> -> memref<16x128xf32, #tpu.memory_space<hbm>>
      tpu.wait_dma2 semaphore(%arg21 : memref<!tpu.dma_semaphore, #tpu.memory_space<semaphore_mem>>) src(%dma_wait3A_696 : memref<16x128xf32, #tpu.memory_space<hbm>>) dst(%dma_wait3A_693 : memref<16x128xf32, #tpu.memory_space<vmem>>)
      %dma_wait3A_697 = arith.constant 11 : i32
      %dma_wait3A_698 = arith.constant 0 : i32
      %dma_wait3A_699 = arith.constant 0 : i32
      %dma_wait3A_700 = tpu.memref_slice %arg18[%dma_wait3A_697, %dma_wait3A_698, %dma_wait3A_699] : memref<32x16x128xf32, #tpu.memory_space<vmem>> -> memref<1x16x128xf32, #tpu.memory_space<vmem>>
      %dma_wait3A_701 = tpu.memref_squeeze %dma_wait3A_700 : memref<1x16x128xf32, #tpu.memory_space<vmem>> -> memref<16x128xf32, #tpu.memory_space<vmem>>
      %dma_wait3A_702 = arith.constant 0 : i32
      %dma_wait3A_703 = arith.constant 0 : i32
      %dma_wait3A_704 = tpu.memref_slice %arg6[%dma_wait3A_702, %dma_wait3A_703] : memref<16x1000001xf32, #tpu.memory_space<hbm>> -> memref<16x128xf32, #tpu.memory_space<hbm>>
      %dma_wait3A_705 = arith.constant 0 : i32
      %dma_wait3A_706 = arith.constant 0 : i32
      %dma_wait3A_707 = tpu.memref_slice %arg18[%dma_wait3A_697, %dma_wait3A_705, %dma_wait3A_706] : memref<32x16x128xf32, #tpu.memory_space<vmem>> -> memref<1x16x128xf32, #tpu.memory_space<vmem>>
      %dma_wait3A_708 = tpu.memref_squeeze %dma_wait3A_707 : memref<1x16x128xf32, #tpu.memory_space<vmem>> -> memref<16x128xf32, #tpu.memory_space<vmem>>
      %dma_wait3A_709 = arith.constant 0 : i32
      %dma_wait3A_710 = arith.constant 0 : i32
      %dma_wait3A_711 = tpu.memref_slice %arg6[%dma_wait3A_709, %dma_wait3A_710] : memref<16x1000001xf32, #tpu.memory_space<hbm>> -> memref<16x128xf32, #tpu.memory_space<hbm>>
      tpu.wait_dma2 semaphore(%arg21 : memref<!tpu.dma_semaphore, #tpu.memory_space<semaphore_mem>>) src(%dma_wait3A_711 : memref<16x128xf32, #tpu.memory_space<hbm>>) dst(%dma_wait3A_708 : memref<16x128xf32, #tpu.memory_space<vmem>>)
      %dma_wait3A_712 = arith.constant 12 : i32
      %dma_wait3A_713 = arith.constant 0 : i32
      %dma_wait3A_714 = arith.constant 0 : i32
      %dma_wait3A_715 = tpu.memref_slice %arg18[%dma_wait3A_712, %dma_wait3A_713, %dma_wait3A_714] : memref<32x16x128xf32, #tpu.memory_space<vmem>> -> memref<1x16x128xf32, #tpu.memory_space<vmem>>
      %dma_wait3A_716 = tpu.memref_squeeze %dma_wait3A_715 : memref<1x16x128xf32, #tpu.memory_space<vmem>> -> memref<16x128xf32, #tpu.memory_space<vmem>>
      %dma_wait3A_717 = arith.constant 0 : i32
      %dma_wait3A_718 = arith.constant 0 : i32
      %dma_wait3A_719 = tpu.memref_slice %arg6[%dma_wait3A_717, %dma_wait3A_718] : memref<16x1000001xf32, #tpu.memory_space<hbm>> -> memref<16x128xf32, #tpu.memory_space<hbm>>
      %dma_wait3A_720 = arith.constant 0 : i32
      %dma_wait3A_721 = arith.constant 0 : i32
      %dma_wait3A_722 = tpu.memref_slice %arg18[%dma_wait3A_712, %dma_wait3A_720, %dma_wait3A_721] : memref<32x16x128xf32, #tpu.memory_space<vmem>> -> memref<1x16x128xf32, #tpu.memory_space<vmem>>
      %dma_wait3A_723 = tpu.memref_squeeze %dma_wait3A_722 : memref<1x16x128xf32, #tpu.memory_space<vmem>> -> memref<16x128xf32, #tpu.memory_space<vmem>>
      %dma_wait3A_724 = arith.constant 0 : i32
      %dma_wait3A_725 = arith.constant 0 : i32
      %dma_wait3A_726 = tpu.memref_slice %arg6[%dma_wait3A_724, %dma_wait3A_725] : memref<16x1000001xf32, #tpu.memory_space<hbm>> -> memref<16x128xf32, #tpu.memory_space<hbm>>
      tpu.wait_dma2 semaphore(%arg21 : memref<!tpu.dma_semaphore, #tpu.memory_space<semaphore_mem>>) src(%dma_wait3A_726 : memref<16x128xf32, #tpu.memory_space<hbm>>) dst(%dma_wait3A_723 : memref<16x128xf32, #tpu.memory_space<vmem>>)
      %dma_wait3A_727 = arith.constant 13 : i32
      %dma_wait3A_728 = arith.constant 0 : i32
      %dma_wait3A_729 = arith.constant 0 : i32
      %dma_wait3A_730 = tpu.memref_slice %arg18[%dma_wait3A_727, %dma_wait3A_728, %dma_wait3A_729] : memref<32x16x128xf32, #tpu.memory_space<vmem>> -> memref<1x16x128xf32, #tpu.memory_space<vmem>>
      %dma_wait3A_731 = tpu.memref_squeeze %dma_wait3A_730 : memref<1x16x128xf32, #tpu.memory_space<vmem>> -> memref<16x128xf32, #tpu.memory_space<vmem>>
      %dma_wait3A_732 = arith.constant 0 : i32
      %dma_wait3A_733 = arith.constant 0 : i32
      %dma_wait3A_734 = tpu.memref_slice %arg6[%dma_wait3A_732, %dma_wait3A_733] : memref<16x1000001xf32, #tpu.memory_space<hbm>> -> memref<16x128xf32, #tpu.memory_space<hbm>>
      %dma_wait3A_735 = arith.constant 0 : i32
      %dma_wait3A_736 = arith.constant 0 : i32
      %dma_wait3A_737 = tpu.memref_slice %arg18[%dma_wait3A_727, %dma_wait3A_735, %dma_wait3A_736] : memref<32x16x128xf32, #tpu.memory_space<vmem>> -> memref<1x16x128xf32, #tpu.memory_space<vmem>>
      %dma_wait3A_738 = tpu.memref_squeeze %dma_wait3A_737 : memref<1x16x128xf32, #tpu.memory_space<vmem>> -> memref<16x128xf32, #tpu.memory_space<vmem>>
      %dma_wait3A_739 = arith.constant 0 : i32
      %dma_wait3A_740 = arith.constant 0 : i32
      %dma_wait3A_741 = tpu.memref_slice %arg6[%dma_wait3A_739, %dma_wait3A_740] : memref<16x1000001xf32, #tpu.memory_space<hbm>> -> memref<16x128xf32, #tpu.memory_space<hbm>>
      tpu.wait_dma2 semaphore(%arg21 : memref<!tpu.dma_semaphore, #tpu.memory_space<semaphore_mem>>) src(%dma_wait3A_741 : memref<16x128xf32, #tpu.memory_space<hbm>>) dst(%dma_wait3A_738 : memref<16x128xf32, #tpu.memory_space<vmem>>)
      %dma_wait3A_742 = arith.constant 14 : i32
      %dma_wait3A_743 = arith.constant 0 : i32
      %dma_wait3A_744 = arith.constant 0 : i32
      %dma_wait3A_745 = tpu.memref_slice %arg18[%dma_wait3A_742, %dma_wait3A_743, %dma_wait3A_744] : memref<32x16x128xf32, #tpu.memory_space<vmem>> -> memref<1x16x128xf32, #tpu.memory_space<vmem>>
      %dma_wait3A_746 = tpu.memref_squeeze %dma_wait3A_745 : memref<1x16x128xf32, #tpu.memory_space<vmem>> -> memref<16x128xf32, #tpu.memory_space<vmem>>
      %dma_wait3A_747 = arith.constant 0 : i32
      %dma_wait3A_748 = arith.constant 0 : i32
      %dma_wait3A_749 = tpu.memref_slice %arg6[%dma_wait3A_747, %dma_wait3A_748] : memref<16x1000001xf32, #tpu.memory_space<hbm>> -> memref<16x128xf32, #tpu.memory_space<hbm>>
      %dma_wait3A_750 = arith.constant 0 : i32
      %dma_wait3A_751 = arith.constant 0 : i32
      %dma_wait3A_752 = tpu.memref_slice %arg18[%dma_wait3A_742, %dma_wait3A_750, %dma_wait3A_751] : memref<32x16x128xf32, #tpu.memory_space<vmem>> -> memref<1x16x128xf32, #tpu.memory_space<vmem>>
      %dma_wait3A_753 = tpu.memref_squeeze %dma_wait3A_752 : memref<1x16x128xf32, #tpu.memory_space<vmem>> -> memref<16x128xf32, #tpu.memory_space<vmem>>
      %dma_wait3A_754 = arith.constant 0 : i32
      %dma_wait3A_755 = arith.constant 0 : i32
      %dma_wait3A_756 = tpu.memref_slice %arg6[%dma_wait3A_754, %dma_wait3A_755] : memref<16x1000001xf32, #tpu.memory_space<hbm>> -> memref<16x128xf32, #tpu.memory_space<hbm>>
      tpu.wait_dma2 semaphore(%arg21 : memref<!tpu.dma_semaphore, #tpu.memory_space<semaphore_mem>>) src(%dma_wait3A_756 : memref<16x128xf32, #tpu.memory_space<hbm>>) dst(%dma_wait3A_753 : memref<16x128xf32, #tpu.memory_space<vmem>>)
      %dma_wait3A_757 = arith.constant 15 : i32
      %dma_wait3A_758 = arith.constant 0 : i32
      %dma_wait3A_759 = arith.constant 0 : i32
      %dma_wait3A_760 = tpu.memref_slice %arg18[%dma_wait3A_757, %dma_wait3A_758, %dma_wait3A_759] : memref<32x16x128xf32, #tpu.memory_space<vmem>> -> memref<1x16x128xf32, #tpu.memory_space<vmem>>
      %dma_wait3A_761 = tpu.memref_squeeze %dma_wait3A_760 : memref<1x16x128xf32, #tpu.memory_space<vmem>> -> memref<16x128xf32, #tpu.memory_space<vmem>>
      %dma_wait3A_762 = arith.constant 0 : i32
      %dma_wait3A_763 = arith.constant 0 : i32
      %dma_wait3A_764 = tpu.memref_slice %arg6[%dma_wait3A_762, %dma_wait3A_763] : memref<16x1000001xf32, #tpu.memory_space<hbm>> -> memref<16x128xf32, #tpu.memory_space<hbm>>
      %dma_wait3A_765 = arith.constant 0 : i32
      %dma_wait3A_766 = arith.constant 0 : i32
      %dma_wait3A_767 = tpu.memref_slice %arg18[%dma_wait3A_757, %dma_wait3A_765, %dma_wait3A_766] : memref<32x16x128xf32, #tpu.memory_space<vmem>> -> memref<1x16x128xf32, #tpu.memory_space<vmem>>
      %dma_wait3A_768 = tpu.memref_squeeze %dma_wait3A_767 : memref<1x16x128xf32, #tpu.memory_space<vmem>> -> memref<16x128xf32, #tpu.memory_space<vmem>>
      %dma_wait3A_769 = arith.constant 0 : i32
      %dma_wait3A_770 = arith.constant 0 : i32
      %dma_wait3A_771 = tpu.memref_slice %arg6[%dma_wait3A_769, %dma_wait3A_770] : memref<16x1000001xf32, #tpu.memory_space<hbm>> -> memref<16x128xf32, #tpu.memory_space<hbm>>
      tpu.wait_dma2 semaphore(%arg21 : memref<!tpu.dma_semaphore, #tpu.memory_space<semaphore_mem>>) src(%dma_wait3A_771 : memref<16x128xf32, #tpu.memory_space<hbm>>) dst(%dma_wait3A_768 : memref<16x128xf32, #tpu.memory_space<vmem>>)
      %mul3A_772 = arith.constant 16 : i32
      %mul3A_773 = arith.muli %mul3A_267, %mul3A_772 : i32
      %get3A_774 = arith.index_cast %mul3A_773 : i32 to index
      %get3A_775 = tpu.vector_load %arg11[%get3A_774] {strides = array<i32>} : memref<512xi32, #tpu.memory_space<vmem>>, vector<16xi32>,
      %and3A_776 = arith.constant 127 : i32
      %and3A_777 = vector.broadcast %and3A_776 : i32 to vector<16xi32>
      %and3A_778 = arith.andi %get3A_775, %and3A_777 : vector<16xi32>
      %mul3A_779 = arith.constant 16 : i32
      %mul3A_780 = arith.muli %mul3A_267, %mul3A_779 : i32
      %get3A_781 = arith.index_cast %mul3A_780 : i32 to index
      %get3A_782 = tpu.vector_load %arg12[%get3A_781] {strides = array<i32>} : memref<512xi32, #tpu.memory_space<vmem>>, vector<16xi32>,
      %mul3A_783 = arith.constant 16 : i32
      %mul3A_784 = arith.muli %mul3A_267, %mul3A_783 : i32
      %get3A_785 = arith.index_cast %mul3A_784 : i32 to index
      %get3A_786 = tpu.vector_load %arg13[%get3A_785] {strides = array<i32>} : memref<512xi32, #tpu.memory_space<vmem>>, vector<16xi32>,
      %mul3A_787 = arith.constant 16 : i32
      %mul3A_788 = arith.muli %mul3A_267, %mul3A_787 : i32
      %get3A_789 = arith.index_cast %mul3A_788 : i32 to index
      %get3A_790 = tpu.vector_load %arg14[%get3A_789] {strides = array<i32>} : memref<512xi32, #tpu.memory_space<vmem>>, vector<16xi32>,
      %mul3A_791 = arith.constant 16 : i32
      %mul3A_792 = arith.muli %mul3A_267, %mul3A_791 : i32
      %multiple_of3A_793 = tpu.assume_multiple %mul3A_792, 16 : i32
      %broadcast_in_dim3A = arith.constant 0 : i32
      %broadcast_in_dim3A_794 = vector.broadcast %broadcast_in_dim3A : i32 to vector<16xi32>
      %gather3A = arith.constant 0 : i32
      %gather3A_795 = arith.constant 0 : i32
      %gather3A_796 = arith.constant 0 : i32
      %gather3A_797 = tpu.memref_slice %arg18[%gather3A, %gather3A_795, %gather3A_796] : memref<32x16x128xf32, #tpu.memory_space<vmem>> -> memref<16x16x128xf32, #tpu.memory_space<vmem>>
      %gather3A_798 = tpu.vector_load_idx %gather3A_797[%iota3A, %broadcast_in_dim3A_794, %and3A_778] : memref<16x16x128xf32, #tpu.memory_space<vmem>>[vector<16xi32>, vector<16xi32>, vector<16xi32>], vector<16xf32>,
      %swap3A = arith.constant 0 : i32
      %swap3A_799 = arith.index_cast %swap3A : i32 to index
      %swap3A_800 = arith.index_cast %multiple_of3A_793 : i32 to index
      %swap3A_801 = tpu.vector_load %arg19[%swap3A_799, %swap3A_800] {strides = array<i32>} : memref<64x512xf32, #tpu.memory_space<vmem>>, vector<16xf32>,
      tpu.vector_store %arg19[%swap3A_799, %swap3A_800], %gather3A_798 {strides = array<i32>} : memref<64x512xf32, #tpu.memory_space<vmem>>, vector<16xf32>,
      %gather3A_802 = tpu.vector_load_idx %arg15[%broadcast_in_dim3A_794, %get3A_782] : memref<16x1001xf32, #tpu.memory_space<vmem>>[vector<16xi32>, vector<16xi32>], vector<16xf32>,
      %swap3A_803 = arith.constant 16 : i32
      %swap3A_804 = arith.index_cast %swap3A_803 : i32 to index
      %swap3A_805 = arith.index_cast %multiple_of3A_793 : i32 to index
      %swap3A_806 = tpu.vector_load %arg19[%swap3A_804, %swap3A_805] {strides = array<i32>} : memref<64x512xf32, #tpu.memory_space<vmem>>, vector<16xf32>,
      tpu.vector_store %arg19[%swap3A_804, %swap3A_805], %gather3A_802 {strides = array<i32>} : memref<64x512xf32, #tpu.memory_space<vmem>>, vector<16xf32>,
      %gather3A_807 = tpu.vector_load_idx %arg16[%broadcast_in_dim3A_794, %get3A_786] : memref<16x8xf32, #tpu.memory_space<vmem>>[vector<16xi32>, vector<16xi32>], vector<16xf32>,
      %swap3A_808 = arith.constant 32 : i32
      %swap3A_809 = arith.index_cast %swap3A_808 : i32 to index
      %swap3A_810 = arith.index_cast %multiple_of3A_793 : i32 to index
      %swap3A_811 = tpu.vector_load %arg19[%swap3A_809, %swap3A_810] {strides = array<i32>} : memref<64x512xf32, #tpu.memory_space<vmem>>, vector<16xf32>,
      tpu.vector_store %arg19[%swap3A_809, %swap3A_810], %gather3A_807 {strides = array<i32>} : memref<64x512xf32, #tpu.memory_space<vmem>>, vector<16xf32>,
      %gather3A_812 = tpu.vector_load_idx %arg17[%broadcast_in_dim3A_794, %get3A_790] : memref<16x25xf32, #tpu.memory_space<vmem>>[vector<16xi32>, vector<16xi32>], vector<16xf32>,
      %swap3A_813 = arith.constant 48 : i32
      %swap3A_814 = arith.index_cast %swap3A_813 : i32 to index
      %swap3A_815 = arith.index_cast %multiple_of3A_793 : i32 to index
      %swap3A_816 = tpu.vector_load %arg19[%swap3A_814, %swap3A_815] {strides = array<i32>} : memref<64x512xf32, #tpu.memory_space<vmem>>, vector<16xf32>,
      tpu.vector_store %arg19[%swap3A_814, %swap3A_815], %gather3A_812 {strides = array<i32>} : memref<64x512xf32, #tpu.memory_space<vmem>>, vector<16xf32>,
      %broadcast_in_dim3A_817 = arith.constant 1 : i32
      %broadcast_in_dim3A_818 = vector.broadcast %broadcast_in_dim3A_817 : i32 to vector<16xi32>
      %gather3A_819 = arith.constant 0 : i32
      %gather3A_820 = arith.constant 0 : i32
      %gather3A_821 = arith.constant 0 : i32
      %gather3A_822 = tpu.memref_slice %arg18[%gather3A_819, %gather3A_820, %gather3A_821] : memref<32x16x128xf32, #tpu.memory_space<vmem>> -> memref<16x16x128xf32, #tpu.memory_space<vmem>>
      %gather3A_823 = tpu.vector_load_idx %gather3A_822[%iota3A, %broadcast_in_dim3A_818, %and3A_778] : memref<16x16x128xf32, #tpu.memory_space<vmem>>[vector<16xi32>, vector<16xi32>, vector<16xi32>], vector<16xf32>,
      %swap3A_824 = arith.constant 1 : i32
      %swap3A_825 = arith.index_cast %swap3A_824 : i32 to index
      %swap3A_826 = arith.index_cast %multiple_of3A_793 : i32 to index
      %swap3A_827 = tpu.vector_load %arg19[%swap3A_825, %swap3A_826] {strides = array<i32>} : memref<64x512xf32, #tpu.memory_space<vmem>>, vector<16xf32>,
      tpu.vector_store %arg19[%swap3A_825, %swap3A_826], %gather3A_823 {strides = array<i32>} : memref<64x512xf32, #tpu.memory_space<vmem>>, vector<16xf32>,
      %gather3A_828 = tpu.vector_load_idx %arg15[%broadcast_in_dim3A_818, %get3A_782] : memref<16x1001xf32, #tpu.memory_space<vmem>>[vector<16xi32>, vector<16xi32>], vector<16xf32>,
      %swap3A_829 = arith.constant 17 : i32
      %swap3A_830 = arith.index_cast %swap3A_829 : i32 to index
      %swap3A_831 = arith.index_cast %multiple_of3A_793 : i32 to index
      %swap3A_832 = tpu.vector_load %arg19[%swap3A_830, %swap3A_831] {strides = array<i32>} : memref<64x512xf32, #tpu.memory_space<vmem>>, vector<16xf32>,
      tpu.vector_store %arg19[%swap3A_830, %swap3A_831], %gather3A_828 {strides = array<i32>} : memref<64x512xf32, #tpu.memory_space<vmem>>, vector<16xf32>,
      %gather3A_833 = tpu.vector_load_idx %arg16[%broadcast_in_dim3A_818, %get3A_786] : memref<16x8xf32, #tpu.memory_space<vmem>>[vector<16xi32>, vector<16xi32>], vector<16xf32>,
      %swap3A_834 = arith.constant 33 : i32
      %swap3A_835 = arith.index_cast %swap3A_834 : i32 to index
      %swap3A_836 = arith.index_cast %multiple_of3A_793 : i32 to index
      %swap3A_837 = tpu.vector_load %arg19[%swap3A_835, %swap3A_836] {strides = array<i32>} : memref<64x512xf32, #tpu.memory_space<vmem>>, vector<16xf32>,
      tpu.vector_store %arg19[%swap3A_835, %swap3A_836], %gather3A_833 {strides = array<i32>} : memref<64x512xf32, #tpu.memory_space<vmem>>, vector<16xf32>,
      %gather3A_838 = tpu.vector_load_idx %arg17[%broadcast_in_dim3A_818, %get3A_790] : memref<16x25xf32, #tpu.memory_space<vmem>>[vector<16xi32>, vector<16xi32>], vector<16xf32>,
      %swap3A_839 = arith.constant 49 : i32
      %swap3A_840 = arith.index_cast %swap3A_839 : i32 to index
      %swap3A_841 = arith.index_cast %multiple_of3A_793 : i32 to index
      %swap3A_842 = tpu.vector_load %arg19[%swap3A_840, %swap3A_841] {strides = array<i32>} : memref<64x512xf32, #tpu.memory_space<vmem>>, vector<16xf32>,
      tpu.vector_store %arg19[%swap3A_840, %swap3A_841], %gather3A_838 {strides = array<i32>} : memref<64x512xf32, #tpu.memory_space<vmem>>, vector<16xf32>,
      %broadcast_in_dim3A_843 = arith.constant 2 : i32
      %broadcast_in_dim3A_844 = vector.broadcast %broadcast_in_dim3A_843 : i32 to vector<16xi32>
      %gather3A_845 = arith.constant 0 : i32
      %gather3A_846 = arith.constant 0 : i32
      %gather3A_847 = arith.constant 0 : i32
      %gather3A_848 = tpu.memref_slice %arg18[%gather3A_845, %gather3A_846, %gather3A_847] : memref<32x16x128xf32, #tpu.memory_space<vmem>> -> memref<16x16x128xf32, #tpu.memory_space<vmem>>
      %gather3A_849 = tpu.vector_load_idx %gather3A_848[%iota3A, %broadcast_in_dim3A_844, %and3A_778] : memref<16x16x128xf32, #tpu.memory_space<vmem>>[vector<16xi32>, vector<16xi32>, vector<16xi32>], vector<16xf32>,
      %swap3A_850 = arith.constant 2 : i32
      %swap3A_851 = arith.index_cast %swap3A_850 : i32 to index
      %swap3A_852 = arith.index_cast %multiple_of3A_793 : i32 to index
      %swap3A_853 = tpu.vector_load %arg19[%swap3A_851, %swap3A_852] {strides = array<i32>} : memref<64x512xf32, #tpu.memory_space<vmem>>, vector<16xf32>,
      tpu.vector_store %arg19[%swap3A_851, %swap3A_852], %gather3A_849 {strides = array<i32>} : memref<64x512xf32, #tpu.memory_space<vmem>>, vector<16xf32>,
      %gather3A_854 = tpu.vector_load_idx %arg15[%broadcast_in_dim3A_844, %get3A_782] : memref<16x1001xf32, #tpu.memory_space<vmem>>[vector<16xi32>, vector<16xi32>], vector<16xf32>,
      %swap3A_855 = arith.constant 18 : i32
      %swap3A_856 = arith.index_cast %swap3A_855 : i32 to index
      %swap3A_857 = arith.index_cast %multiple_of3A_793 : i32 to index
      %swap3A_858 = tpu.vector_load %arg19[%swap3A_856, %swap3A_857] {strides = array<i32>} : memref<64x512xf32, #tpu.memory_space<vmem>>, vector<16xf32>,
      tpu.vector_store %arg19[%swap3A_856, %swap3A_857], %gather3A_854 {strides = array<i32>} : memref<64x512xf32, #tpu.memory_space<vmem>>, vector<16xf32>,
      %gather3A_859 = tpu.vector_load_idx %arg16[%broadcast_in_dim3A_844, %get3A_786] : memref<16x8xf32, #tpu.memory_space<vmem>>[vector<16xi32>, vector<16xi32>], vector<16xf32>,
      %swap3A_860 = arith.constant 34 : i32
      %swap3A_861 = arith.index_cast %swap3A_860 : i32 to index
      %swap3A_862 = arith.index_cast %multiple_of3A_793 : i32 to index
      %swap3A_863 = tpu.vector_load %arg19[%swap3A_861, %swap3A_862] {strides = array<i32>} : memref<64x512xf32, #tpu.memory_space<vmem>>, vector<16xf32>,
      tpu.vector_store %arg19[%swap3A_861, %swap3A_862], %gather3A_859 {strides = array<i32>} : memref<64x512xf32, #tpu.memory_space<vmem>>, vector<16xf32>,
      %gather3A_864 = tpu.vector_load_idx %arg17[%broadcast_in_dim3A_844, %get3A_790] : memref<16x25xf32, #tpu.memory_space<vmem>>[vector<16xi32>, vector<16xi32>], vector<16xf32>,
      %swap3A_865 = arith.constant 50 : i32
      %swap3A_866 = arith.index_cast %swap3A_865 : i32 to index
      %swap3A_867 = arith.index_cast %multiple_of3A_793 : i32 to index
      %swap3A_868 = tpu.vector_load %arg19[%swap3A_866, %swap3A_867] {strides = array<i32>} : memref<64x512xf32, #tpu.memory_space<vmem>>, vector<16xf32>,
      tpu.vector_store %arg19[%swap3A_866, %swap3A_867], %gather3A_864 {strides = array<i32>} : memref<64x512xf32, #tpu.memory_space<vmem>>, vector<16xf32>,
      %broadcast_in_dim3A_869 = arith.constant 3 : i32
      %broadcast_in_dim3A_870 = vector.broadcast %broadcast_in_dim3A_869 : i32 to vector<16xi32>
      %gather3A_871 = arith.constant 0 : i32
      %gather3A_872 = arith.constant 0 : i32
      %gather3A_873 = arith.constant 0 : i32
      %gather3A_874 = tpu.memref_slice %arg18[%gather3A_871, %gather3A_872, %gather3A_873] : memref<32x16x128xf32, #tpu.memory_space<vmem>> -> memref<16x16x128xf32, #tpu.memory_space<vmem>>
      %gather3A_875 = tpu.vector_load_idx %gather3A_874[%iota3A, %broadcast_in_dim3A_870, %and3A_778] : memref<16x16x128xf32, #tpu.memory_space<vmem>>[vector<16xi32>, vector<16xi32>, vector<16xi32>], vector<16xf32>,
      %swap3A_876 = arith.constant 3 : i32
      %swap3A_877 = arith.index_cast %swap3A_876 : i32 to index
      %swap3A_878 = arith.index_cast %multiple_of3A_793 : i32 to index
      %swap3A_879 = tpu.vector_load %arg19[%swap3A_877, %swap3A_878] {strides = array<i32>} : memref<64x512xf32, #tpu.memory_space<vmem>>, vector<16xf32>,
      tpu.vector_store %arg19[%swap3A_877, %swap3A_878], %gather3A_875 {strides = array<i32>} : memref<64x512xf32, #tpu.memory_space<vmem>>, vector<16xf32>,
      %gather3A_880 = tpu.vector_load_idx %arg15[%broadcast_in_dim3A_870, %get3A_782] : memref<16x1001xf32, #tpu.memory_space<vmem>>[vector<16xi32>, vector<16xi32>], vector<16xf32>,
      %swap3A_881 = arith.constant 19 : i32
      %swap3A_882 = arith.index_cast %swap3A_881 : i32 to index
      %swap3A_883 = arith.index_cast %multiple_of3A_793 : i32 to index
      %swap3A_884 = tpu.vector_load %arg19[%swap3A_882, %swap3A_883] {strides = array<i32>} : memref<64x512xf32, #tpu.memory_space<vmem>>, vector<16xf32>,
      tpu.vector_store %arg19[%swap3A_882, %swap3A_883], %gather3A_880 {strides = array<i32>} : memref<64x512xf32, #tpu.memory_space<vmem>>, vector<16xf32>,
      %gather3A_885 = tpu.vector_load_idx %arg16[%broadcast_in_dim3A_870, %get3A_786] : memref<16x8xf32, #tpu.memory_space<vmem>>[vector<16xi32>, vector<16xi32>], vector<16xf32>,
      %swap3A_886 = arith.constant 35 : i32
      %swap3A_887 = arith.index_cast %swap3A_886 : i32 to index
      %swap3A_888 = arith.index_cast %multiple_of3A_793 : i32 to index
      %swap3A_889 = tpu.vector_load %arg19[%swap3A_887, %swap3A_888] {strides = array<i32>} : memref<64x512xf32, #tpu.memory_space<vmem>>, vector<16xf32>,
      tpu.vector_store %arg19[%swap3A_887, %swap3A_888], %gather3A_885 {strides = array<i32>} : memref<64x512xf32, #tpu.memory_space<vmem>>, vector<16xf32>,
      %gather3A_890 = tpu.vector_load_idx %arg17[%broadcast_in_dim3A_870, %get3A_790] : memref<16x25xf32, #tpu.memory_space<vmem>>[vector<16xi32>, vector<16xi32>], vector<16xf32>,
      %swap3A_891 = arith.constant 51 : i32
      %swap3A_892 = arith.index_cast %swap3A_891 : i32 to index
      %swap3A_893 = arith.index_cast %multiple_of3A_793 : i32 to index
      %swap3A_894 = tpu.vector_load %arg19[%swap3A_892, %swap3A_893] {strides = array<i32>} : memref<64x512xf32, #tpu.memory_space<vmem>>, vector<16xf32>,
      tpu.vector_store %arg19[%swap3A_892, %swap3A_893], %gather3A_890 {strides = array<i32>} : memref<64x512xf32, #tpu.memory_space<vmem>>, vector<16xf32>,
      %broadcast_in_dim3A_895 = arith.constant 4 : i32
      %broadcast_in_dim3A_896 = vector.broadcast %broadcast_in_dim3A_895 : i32 to vector<16xi32>
      %gather3A_897 = arith.constant 0 : i32
      %gather3A_898 = arith.constant 0 : i32
      %gather3A_899 = arith.constant 0 : i32
      %gather3A_900 = tpu.memref_slice %arg18[%gather3A_897, %gather3A_898, %gather3A_899] : memref<32x16x128xf32, #tpu.memory_space<vmem>> -> memref<16x16x128xf32, #tpu.memory_space<vmem>>
      %gather3A_901 = tpu.vector_load_idx %gather3A_900[%iota3A, %broadcast_in_dim3A_896, %and3A_778] : memref<16x16x128xf32, #tpu.memory_space<vmem>>[vector<16xi32>, vector<16xi32>, vector<16xi32>], vector<16xf32>,
      %swap3A_902 = arith.constant 4 : i32
      %swap3A_903 = arith.index_cast %swap3A_902 : i32 to index
      %swap3A_904 = arith.index_cast %multiple_of3A_793 : i32 to index
      %swap3A_905 = tpu.vector_load %arg19[%swap3A_903, %swap3A_904] {strides = array<i32>} : memref<64x512xf32, #tpu.memory_space<vmem>>, vector<16xf32>,
      tpu.vector_store %arg19[%swap3A_903, %swap3A_904], %gather3A_901 {strides = array<i32>} : memref<64x512xf32, #tpu.memory_space<vmem>>, vector<16xf32>,
      %gather3A_906 = tpu.vector_load_idx %arg15[%broadcast_in_dim3A_896, %get3A_782] : memref<16x1001xf32, #tpu.memory_space<vmem>>[vector<16xi32>, vector<16xi32>], vector<16xf32>,
      %swap3A_907 = arith.constant 20 : i32
      %swap3A_908 = arith.index_cast %swap3A_907 : i32 to index
      %swap3A_909 = arith.index_cast %multiple_of3A_793 : i32 to index
      %swap3A_910 = tpu.vector_load %arg19[%swap3A_908, %swap3A_909] {strides = array<i32>} : memref<64x512xf32, #tpu.memory_space<vmem>>, vector<16xf32>,
      tpu.vector_store %arg19[%swap3A_908, %swap3A_909], %gather3A_906 {strides = array<i32>} : memref<64x512xf32, #tpu.memory_space<vmem>>, vector<16xf32>,
      %gather3A_911 = tpu.vector_load_idx %arg16[%broadcast_in_dim3A_896, %get3A_786] : memref<16x8xf32, #tpu.memory_space<vmem>>[vector<16xi32>, vector<16xi32>], vector<16xf32>,
      %swap3A_912 = arith.constant 36 : i32
      %swap3A_913 = arith.index_cast %swap3A_912 : i32 to index
      %swap3A_914 = arith.index_cast %multiple_of3A_793 : i32 to index
      %swap3A_915 = tpu.vector_load %arg19[%swap3A_913, %swap3A_914] {strides = array<i32>} : memref<64x512xf32, #tpu.memory_space<vmem>>, vector<16xf32>,
      tpu.vector_store %arg19[%swap3A_913, %swap3A_914], %gather3A_911 {strides = array<i32>} : memref<64x512xf32, #tpu.memory_space<vmem>>, vector<16xf32>,
      %gather3A_916 = tpu.vector_load_idx %arg17[%broadcast_in_dim3A_896, %get3A_790] : memref<16x25xf32, #tpu.memory_space<vmem>>[vector<16xi32>, vector<16xi32>], vector<16xf32>,
      %swap3A_917 = arith.constant 52 : i32
      %swap3A_918 = arith.index_cast %swap3A_917 : i32 to index
      %swap3A_919 = arith.index_cast %multiple_of3A_793 : i32 to index
      %swap3A_920 = tpu.vector_load %arg19[%swap3A_918, %swap3A_919] {strides = array<i32>} : memref<64x512xf32, #tpu.memory_space<vmem>>, vector<16xf32>,
      tpu.vector_store %arg19[%swap3A_918, %swap3A_919], %gather3A_916 {strides = array<i32>} : memref<64x512xf32, #tpu.memory_space<vmem>>, vector<16xf32>,
      %broadcast_in_dim3A_921 = arith.constant 5 : i32
      %broadcast_in_dim3A_922 = vector.broadcast %broadcast_in_dim3A_921 : i32 to vector<16xi32>
      %gather3A_923 = arith.constant 0 : i32
      %gather3A_924 = arith.constant 0 : i32
      %gather3A_925 = arith.constant 0 : i32
      %gather3A_926 = tpu.memref_slice %arg18[%gather3A_923, %gather3A_924, %gather3A_925] : memref<32x16x128xf32, #tpu.memory_space<vmem>> -> memref<16x16x128xf32, #tpu.memory_space<vmem>>
      %gather3A_927 = tpu.vector_load_idx %gather3A_926[%iota3A, %broadcast_in_dim3A_922, %and3A_778] : memref<16x16x128xf32, #tpu.memory_space<vmem>>[vector<16xi32>, vector<16xi32>, vector<16xi32>], vector<16xf32>,
      %swap3A_928 = arith.constant 5 : i32
      %swap3A_929 = arith.index_cast %swap3A_928 : i32 to index
      %swap3A_930 = arith.index_cast %multiple_of3A_793 : i32 to index
      %swap3A_931 = tpu.vector_load %arg19[%swap3A_929, %swap3A_930] {strides = array<i32>} : memref<64x512xf32, #tpu.memory_space<vmem>>, vector<16xf32>,
      tpu.vector_store %arg19[%swap3A_929, %swap3A_930], %gather3A_927 {strides = array<i32>} : memref<64x512xf32, #tpu.memory_space<vmem>>, vector<16xf32>,
      %gather3A_932 = tpu.vector_load_idx %arg15[%broadcast_in_dim3A_922, %get3A_782] : memref<16x1001xf32, #tpu.memory_space<vmem>>[vector<16xi32>, vector<16xi32>], vector<16xf32>,
      %swap3A_933 = arith.constant 21 : i32
      %swap3A_934 = arith.index_cast %swap3A_933 : i32 to index
      %swap3A_935 = arith.index_cast %multiple_of3A_793 : i32 to index
      %swap3A_936 = tpu.vector_load %arg19[%swap3A_934, %swap3A_935] {strides = array<i32>} : memref<64x512xf32, #tpu.memory_space<vmem>>, vector<16xf32>,
      tpu.vector_store %arg19[%swap3A_934, %swap3A_935], %gather3A_932 {strides = array<i32>} : memref<64x512xf32, #tpu.memory_space<vmem>>, vector<16xf32>,
      %gather3A_937 = tpu.vector_load_idx %arg16[%broadcast_in_dim3A_922, %get3A_786] : memref<16x8xf32, #tpu.memory_space<vmem>>[vector<16xi32>, vector<16xi32>], vector<16xf32>,
      %swap3A_938 = arith.constant 37 : i32
      %swap3A_939 = arith.index_cast %swap3A_938 : i32 to index
      %swap3A_940 = arith.index_cast %multiple_of3A_793 : i32 to index
      %swap3A_941 = tpu.vector_load %arg19[%swap3A_939, %swap3A_940] {strides = array<i32>} : memref<64x512xf32, #tpu.memory_space<vmem>>, vector<16xf32>,
      tpu.vector_store %arg19[%swap3A_939, %swap3A_940], %gather3A_937 {strides = array<i32>} : memref<64x512xf32, #tpu.memory_space<vmem>>, vector<16xf32>,
      %gather3A_942 = tpu.vector_load_idx %arg17[%broadcast_in_dim3A_922, %get3A_790] : memref<16x25xf32, #tpu.memory_space<vmem>>[vector<16xi32>, vector<16xi32>], vector<16xf32>,
      %swap3A_943 = arith.constant 53 : i32
      %swap3A_944 = arith.index_cast %swap3A_943 : i32 to index
      %swap3A_945 = arith.index_cast %multiple_of3A_793 : i32 to index
      %swap3A_946 = tpu.vector_load %arg19[%swap3A_944, %swap3A_945] {strides = array<i32>} : memref<64x512xf32, #tpu.memory_space<vmem>>, vector<16xf32>,
      tpu.vector_store %arg19[%swap3A_944, %swap3A_945], %gather3A_942 {strides = array<i32>} : memref<64x512xf32, #tpu.memory_space<vmem>>, vector<16xf32>,
      %broadcast_in_dim3A_947 = arith.constant 6 : i32
      %broadcast_in_dim3A_948 = vector.broadcast %broadcast_in_dim3A_947 : i32 to vector<16xi32>
      %gather3A_949 = arith.constant 0 : i32
      %gather3A_950 = arith.constant 0 : i32
      %gather3A_951 = arith.constant 0 : i32
      %gather3A_952 = tpu.memref_slice %arg18[%gather3A_949, %gather3A_950, %gather3A_951] : memref<32x16x128xf32, #tpu.memory_space<vmem>> -> memref<16x16x128xf32, #tpu.memory_space<vmem>>
      %gather3A_953 = tpu.vector_load_idx %gather3A_952[%iota3A, %broadcast_in_dim3A_948, %and3A_778] : memref<16x16x128xf32, #tpu.memory_space<vmem>>[vector<16xi32>, vector<16xi32>, vector<16xi32>], vector<16xf32>,
      %swap3A_954 = arith.constant 6 : i32
      %swap3A_955 = arith.index_cast %swap3A_954 : i32 to index
      %swap3A_956 = arith.index_cast %multiple_of3A_793 : i32 to index
      %swap3A_957 = tpu.vector_load %arg19[%swap3A_955, %swap3A_956] {strides = array<i32>} : memref<64x512xf32, #tpu.memory_space<vmem>>, vector<16xf32>,
      tpu.vector_store %arg19[%swap3A_955, %swap3A_956], %gather3A_953 {strides = array<i32>} : memref<64x512xf32, #tpu.memory_space<vmem>>, vector<16xf32>,
      %gather3A_958 = tpu.vector_load_idx %arg15[%broadcast_in_dim3A_948, %get3A_782] : memref<16x1001xf32, #tpu.memory_space<vmem>>[vector<16xi32>, vector<16xi32>], vector<16xf32>,
      %swap3A_959 = arith.constant 22 : i32
      %swap3A_960 = arith.index_cast %swap3A_959 : i32 to index
      %swap3A_961 = arith.index_cast %multiple_of3A_793 : i32 to index
      %swap3A_962 = tpu.vector_load %arg19[%swap3A_960, %swap3A_961] {strides = array<i32>} : memref<64x512xf32, #tpu.memory_space<vmem>>, vector<16xf32>,
      tpu.vector_store %arg19[%swap3A_960, %swap3A_961], %gather3A_958 {strides = array<i32>} : memref<64x512xf32, #tpu.memory_space<vmem>>, vector<16xf32>,
      %gather3A_963 = tpu.vector_load_idx %arg16[%broadcast_in_dim3A_948, %get3A_786] : memref<16x8xf32, #tpu.memory_space<vmem>>[vector<16xi32>, vector<16xi32>], vector<16xf32>,
      %swap3A_964 = arith.constant 38 : i32
      %swap3A_965 = arith.index_cast %swap3A_964 : i32 to index
      %swap3A_966 = arith.index_cast %multiple_of3A_793 : i32 to index
      %swap3A_967 = tpu.vector_load %arg19[%swap3A_965, %swap3A_966] {strides = array<i32>} : memref<64x512xf32, #tpu.memory_space<vmem>>, vector<16xf32>,
      tpu.vector_store %arg19[%swap3A_965, %swap3A_966], %gather3A_963 {strides = array<i32>} : memref<64x512xf32, #tpu.memory_space<vmem>>, vector<16xf32>,
      %gather3A_968 = tpu.vector_load_idx %arg17[%broadcast_in_dim3A_948, %get3A_790] : memref<16x25xf32, #tpu.memory_space<vmem>>[vector<16xi32>, vector<16xi32>], vector<16xf32>,
      %swap3A_969 = arith.constant 54 : i32
      %swap3A_970 = arith.index_cast %swap3A_969 : i32 to index
      %swap3A_971 = arith.index_cast %multiple_of3A_793 : i32 to index
      %swap3A_972 = tpu.vector_load %arg19[%swap3A_970, %swap3A_971] {strides = array<i32>} : memref<64x512xf32, #tpu.memory_space<vmem>>, vector<16xf32>,
      tpu.vector_store %arg19[%swap3A_970, %swap3A_971], %gather3A_968 {strides = array<i32>} : memref<64x512xf32, #tpu.memory_space<vmem>>, vector<16xf32>,
      %broadcast_in_dim3A_973 = arith.constant 7 : i32
      %broadcast_in_dim3A_974 = vector.broadcast %broadcast_in_dim3A_973 : i32 to vector<16xi32>
      %gather3A_975 = arith.constant 0 : i32
      %gather3A_976 = arith.constant 0 : i32
      %gather3A_977 = arith.constant 0 : i32
      %gather3A_978 = tpu.memref_slice %arg18[%gather3A_975, %gather3A_976, %gather3A_977] : memref<32x16x128xf32, #tpu.memory_space<vmem>> -> memref<16x16x128xf32, #tpu.memory_space<vmem>>
      %gather3A_979 = tpu.vector_load_idx %gather3A_978[%iota3A, %broadcast_in_dim3A_974, %and3A_778] : memref<16x16x128xf32, #tpu.memory_space<vmem>>[vector<16xi32>, vector<16xi32>, vector<16xi32>], vector<16xf32>,
      %swap3A_980 = arith.constant 7 : i32
      %swap3A_981 = arith.index_cast %swap3A_980 : i32 to index
      %swap3A_982 = arith.index_cast %multiple_of3A_793 : i32 to index
      %swap3A_983 = tpu.vector_load %arg19[%swap3A_981, %swap3A_982] {strides = array<i32>} : memref<64x512xf32, #tpu.memory_space<vmem>>, vector<16xf32>,
      tpu.vector_store %arg19[%swap3A_981, %swap3A_982], %gather3A_979 {strides = array<i32>} : memref<64x512xf32, #tpu.memory_space<vmem>>, vector<16xf32>,
      %gather3A_984 = tpu.vector_load_idx %arg15[%broadcast_in_dim3A_974, %get3A_782] : memref<16x1001xf32, #tpu.memory_space<vmem>>[vector<16xi32>, vector<16xi32>], vector<16xf32>,
      %swap3A_985 = arith.constant 23 : i32
      %swap3A_986 = arith.index_cast %swap3A_985 : i32 to index
      %swap3A_987 = arith.index_cast %multiple_of3A_793 : i32 to index
      %swap3A_988 = tpu.vector_load %arg19[%swap3A_986, %swap3A_987] {strides = array<i32>} : memref<64x512xf32, #tpu.memory_space<vmem>>, vector<16xf32>,
      tpu.vector_store %arg19[%swap3A_986, %swap3A_987], %gather3A_984 {strides = array<i32>} : memref<64x512xf32, #tpu.memory_space<vmem>>, vector<16xf32>,
      %gather3A_989 = tpu.vector_load_idx %arg16[%broadcast_in_dim3A_974, %get3A_786] : memref<16x8xf32, #tpu.memory_space<vmem>>[vector<16xi32>, vector<16xi32>], vector<16xf32>,
      %swap3A_990 = arith.constant 39 : i32
      %swap3A_991 = arith.index_cast %swap3A_990 : i32 to index
      %swap3A_992 = arith.index_cast %multiple_of3A_793 : i32 to index
      %swap3A_993 = tpu.vector_load %arg19[%swap3A_991, %swap3A_992] {strides = array<i32>} : memref<64x512xf32, #tpu.memory_space<vmem>>, vector<16xf32>,
      tpu.vector_store %arg19[%swap3A_991, %swap3A_992], %gather3A_989 {strides = array<i32>} : memref<64x512xf32, #tpu.memory_space<vmem>>, vector<16xf32>,
      %gather3A_994 = tpu.vector_load_idx %arg17[%broadcast_in_dim3A_974, %get3A_790] : memref<16x25xf32, #tpu.memory_space<vmem>>[vector<16xi32>, vector<16xi32>], vector<16xf32>,
      %swap3A_995 = arith.constant 55 : i32
      %swap3A_996 = arith.index_cast %swap3A_995 : i32 to index
      %swap3A_997 = arith.index_cast %multiple_of3A_793 : i32 to index
      %swap3A_998 = tpu.vector_load %arg19[%swap3A_996, %swap3A_997] {strides = array<i32>} : memref<64x512xf32, #tpu.memory_space<vmem>>, vector<16xf32>,
      tpu.vector_store %arg19[%swap3A_996, %swap3A_997], %gather3A_994 {strides = array<i32>} : memref<64x512xf32, #tpu.memory_space<vmem>>, vector<16xf32>,
      %broadcast_in_dim3A_999 = arith.constant 8 : i32
      %broadcast_in_dim3A_1000 = vector.broadcast %broadcast_in_dim3A_999 : i32 to vector<16xi32>
      %gather3A_1001 = arith.constant 0 : i32
      %gather3A_1002 = arith.constant 0 : i32
      %gather3A_1003 = arith.constant 0 : i32
      %gather3A_1004 = tpu.memref_slice %arg18[%gather3A_1001, %gather3A_1002, %gather3A_1003] : memref<32x16x128xf32, #tpu.memory_space<vmem>> -> memref<16x16x128xf32, #tpu.memory_space<vmem>>
      %gather3A_1005 = tpu.vector_load_idx %gather3A_1004[%iota3A, %broadcast_in_dim3A_1000, %and3A_778] : memref<16x16x128xf32, #tpu.memory_space<vmem>>[vector<16xi32>, vector<16xi32>, vector<16xi32>], vector<16xf32>,
      %swap3A_1006 = arith.constant 8 : i32
      %swap3A_1007 = arith.index_cast %swap3A_1006 : i32 to index
      %swap3A_1008 = arith.index_cast %multiple_of3A_793 : i32 to index
      %swap3A_1009 = tpu.vector_load %arg19[%swap3A_1007, %swap3A_1008] {strides = array<i32>} : memref<64x512xf32, #tpu.memory_space<vmem>>, vector<16xf32>,
      tpu.vector_store %arg19[%swap3A_1007, %swap3A_1008], %gather3A_1005 {strides = array<i32>} : memref<64x512xf32, #tpu.memory_space<vmem>>, vector<16xf32>,
      %gather3A_1010 = tpu.vector_load_idx %arg15[%broadcast_in_dim3A_1000, %get3A_782] : memref<16x1001xf32, #tpu.memory_space<vmem>>[vector<16xi32>, vector<16xi32>], vector<16xf32>,
      %swap3A_1011 = arith.constant 24 : i32
      %swap3A_1012 = arith.index_cast %swap3A_1011 : i32 to index
      %swap3A_1013 = arith.index_cast %multiple_of3A_793 : i32 to index
      %swap3A_1014 = tpu.vector_load %arg19[%swap3A_1012, %swap3A_1013] {strides = array<i32>} : memref<64x512xf32, #tpu.memory_space<vmem>>, vector<16xf32>,
      tpu.vector_store %arg19[%swap3A_1012, %swap3A_1013], %gather3A_1010 {strides = array<i32>} : memref<64x512xf32, #tpu.memory_space<vmem>>, vector<16xf32>,
      %gather3A_1015 = tpu.vector_load_idx %arg16[%broadcast_in_dim3A_1000, %get3A_786] : memref<16x8xf32, #tpu.memory_space<vmem>>[vector<16xi32>, vector<16xi32>], vector<16xf32>,
      %swap3A_1016 = arith.constant 40 : i32
      %swap3A_1017 = arith.index_cast %swap3A_1016 : i32 to index
      %swap3A_1018 = arith.index_cast %multiple_of3A_793 : i32 to index
      %swap3A_1019 = tpu.vector_load %arg19[%swap3A_1017, %swap3A_1018] {strides = array<i32>} : memref<64x512xf32, #tpu.memory_space<vmem>>, vector<16xf32>,
      tpu.vector_store %arg19[%swap3A_1017, %swap3A_1018], %gather3A_1015 {strides = array<i32>} : memref<64x512xf32, #tpu.memory_space<vmem>>, vector<16xf32>,
      %gather3A_1020 = tpu.vector_load_idx %arg17[%broadcast_in_dim3A_1000, %get3A_790] : memref<16x25xf32, #tpu.memory_space<vmem>>[vector<16xi32>, vector<16xi32>], vector<16xf32>,
      %swap3A_1021 = arith.constant 56 : i32
      %swap3A_1022 = arith.index_cast %swap3A_1021 : i32 to index
      %swap3A_1023 = arith.index_cast %multiple_of3A_793 : i32 to index
      %swap3A_1024 = tpu.vector_load %arg19[%swap3A_1022, %swap3A_1023] {strides = array<i32>} : memref<64x512xf32, #tpu.memory_space<vmem>>, vector<16xf32>,
      tpu.vector_store %arg19[%swap3A_1022, %swap3A_1023], %gather3A_1020 {strides = array<i32>} : memref<64x512xf32, #tpu.memory_space<vmem>>, vector<16xf32>,
      %broadcast_in_dim3A_1025 = arith.constant 9 : i32
      %broadcast_in_dim3A_1026 = vector.broadcast %broadcast_in_dim3A_1025 : i32 to vector<16xi32>
      %gather3A_1027 = arith.constant 0 : i32
      %gather3A_1028 = arith.constant 0 : i32
      %gather3A_1029 = arith.constant 0 : i32
      %gather3A_1030 = tpu.memref_slice %arg18[%gather3A_1027, %gather3A_1028, %gather3A_1029] : memref<32x16x128xf32, #tpu.memory_space<vmem>> -> memref<16x16x128xf32, #tpu.memory_space<vmem>>
      %gather3A_1031 = tpu.vector_load_idx %gather3A_1030[%iota3A, %broadcast_in_dim3A_1026, %and3A_778] : memref<16x16x128xf32, #tpu.memory_space<vmem>>[vector<16xi32>, vector<16xi32>, vector<16xi32>], vector<16xf32>,
      %swap3A_1032 = arith.constant 9 : i32
      %swap3A_1033 = arith.index_cast %swap3A_1032 : i32 to index
      %swap3A_1034 = arith.index_cast %multiple_of3A_793 : i32 to index
      %swap3A_1035 = tpu.vector_load %arg19[%swap3A_1033, %swap3A_1034] {strides = array<i32>} : memref<64x512xf32, #tpu.memory_space<vmem>>, vector<16xf32>,
      tpu.vector_store %arg19[%swap3A_1033, %swap3A_1034], %gather3A_1031 {strides = array<i32>} : memref<64x512xf32, #tpu.memory_space<vmem>>, vector<16xf32>,
      %gather3A_1036 = tpu.vector_load_idx %arg15[%broadcast_in_dim3A_1026, %get3A_782] : memref<16x1001xf32, #tpu.memory_space<vmem>>[vector<16xi32>, vector<16xi32>], vector<16xf32>,
      %swap3A_1037 = arith.constant 25 : i32
      %swap3A_1038 = arith.index_cast %swap3A_1037 : i32 to index
      %swap3A_1039 = arith.index_cast %multiple_of3A_793 : i32 to index
      %swap3A_1040 = tpu.vector_load %arg19[%swap3A_1038, %swap3A_1039] {strides = array<i32>} : memref<64x512xf32, #tpu.memory_space<vmem>>, vector<16xf32>,
      tpu.vector_store %arg19[%swap3A_1038, %swap3A_1039], %gather3A_1036 {strides = array<i32>} : memref<64x512xf32, #tpu.memory_space<vmem>>, vector<16xf32>,
      %gather3A_1041 = tpu.vector_load_idx %arg16[%broadcast_in_dim3A_1026, %get3A_786] : memref<16x8xf32, #tpu.memory_space<vmem>>[vector<16xi32>, vector<16xi32>], vector<16xf32>,
      %swap3A_1042 = arith.constant 41 : i32
      %swap3A_1043 = arith.index_cast %swap3A_1042 : i32 to index
      %swap3A_1044 = arith.index_cast %multiple_of3A_793 : i32 to index
      %swap3A_1045 = tpu.vector_load %arg19[%swap3A_1043, %swap3A_1044] {strides = array<i32>} : memref<64x512xf32, #tpu.memory_space<vmem>>, vector<16xf32>,
      tpu.vector_store %arg19[%swap3A_1043, %swap3A_1044], %gather3A_1041 {strides = array<i32>} : memref<64x512xf32, #tpu.memory_space<vmem>>, vector<16xf32>,
      %gather3A_1046 = tpu.vector_load_idx %arg17[%broadcast_in_dim3A_1026, %get3A_790] : memref<16x25xf32, #tpu.memory_space<vmem>>[vector<16xi32>, vector<16xi32>], vector<16xf32>,
      %swap3A_1047 = arith.constant 57 : i32
      %swap3A_1048 = arith.index_cast %swap3A_1047 : i32 to index
      %swap3A_1049 = arith.index_cast %multiple_of3A_793 : i32 to index
      %swap3A_1050 = tpu.vector_load %arg19[%swap3A_1048, %swap3A_1049] {strides = array<i32>} : memref<64x512xf32, #tpu.memory_space<vmem>>, vector<16xf32>,
      tpu.vector_store %arg19[%swap3A_1048, %swap3A_1049], %gather3A_1046 {strides = array<i32>} : memref<64x512xf32, #tpu.memory_space<vmem>>, vector<16xf32>,
      %broadcast_in_dim3A_1051 = arith.constant 10 : i32
      %broadcast_in_dim3A_1052 = vector.broadcast %broadcast_in_dim3A_1051 : i32 to vector<16xi32>
      %gather3A_1053 = arith.constant 0 : i32
      %gather3A_1054 = arith.constant 0 : i32
      %gather3A_1055 = arith.constant 0 : i32
      %gather3A_1056 = tpu.memref_slice %arg18[%gather3A_1053, %gather3A_1054, %gather3A_1055] : memref<32x16x128xf32, #tpu.memory_space<vmem>> -> memref<16x16x128xf32, #tpu.memory_space<vmem>>
      %gather3A_1057 = tpu.vector_load_idx %gather3A_1056[%iota3A, %broadcast_in_dim3A_1052, %and3A_778] : memref<16x16x128xf32, #tpu.memory_space<vmem>>[vector<16xi32>, vector<16xi32>, vector<16xi32>], vector<16xf32>,
      %swap3A_1058 = arith.constant 10 : i32
      %swap3A_1059 = arith.index_cast %swap3A_1058 : i32 to index
      %swap3A_1060 = arith.index_cast %multiple_of3A_793 : i32 to index
      %swap3A_1061 = tpu.vector_load %arg19[%swap3A_1059, %swap3A_1060] {strides = array<i32>} : memref<64x512xf32, #tpu.memory_space<vmem>>, vector<16xf32>,
      tpu.vector_store %arg19[%swap3A_1059, %swap3A_1060], %gather3A_1057 {strides = array<i32>} : memref<64x512xf32, #tpu.memory_space<vmem>>, vector<16xf32>,
      %gather3A_1062 = tpu.vector_load_idx %arg15[%broadcast_in_dim3A_1052, %get3A_782] : memref<16x1001xf32, #tpu.memory_space<vmem>>[vector<16xi32>, vector<16xi32>], vector<16xf32>,
      %swap3A_1063 = arith.constant 26 : i32
      %swap3A_1064 = arith.index_cast %swap3A_1063 : i32 to index
      %swap3A_1065 = arith.index_cast %multiple_of3A_793 : i32 to index
      %swap3A_1066 = tpu.vector_load %arg19[%swap3A_1064, %swap3A_1065] {strides = array<i32>} : memref<64x512xf32, #tpu.memory_space<vmem>>, vector<16xf32>,
      tpu.vector_store %arg19[%swap3A_1064, %swap3A_1065], %gather3A_1062 {strides = array<i32>} : memref<64x512xf32, #tpu.memory_space<vmem>>, vector<16xf32>,
      %gather3A_1067 = tpu.vector_load_idx %arg16[%broadcast_in_dim3A_1052, %get3A_786] : memref<16x8xf32, #tpu.memory_space<vmem>>[vector<16xi32>, vector<16xi32>], vector<16xf32>,
      %swap3A_1068 = arith.constant 42 : i32
      %swap3A_1069 = arith.index_cast %swap3A_1068 : i32 to index
      %swap3A_1070 = arith.index_cast %multiple_of3A_793 : i32 to index
      %swap3A_1071 = tpu.vector_load %arg19[%swap3A_1069, %swap3A_1070] {strides = array<i32>} : memref<64x512xf32, #tpu.memory_space<vmem>>, vector<16xf32>,
      tpu.vector_store %arg19[%swap3A_1069, %swap3A_1070], %gather3A_1067 {strides = array<i32>} : memref<64x512xf32, #tpu.memory_space<vmem>>, vector<16xf32>,
      %gather3A_1072 = tpu.vector_load_idx %arg17[%broadcast_in_dim3A_1052, %get3A_790] : memref<16x25xf32, #tpu.memory_space<vmem>>[vector<16xi32>, vector<16xi32>], vector<16xf32>,
      %swap3A_1073 = arith.constant 58 : i32
      %swap3A_1074 = arith.index_cast %swap3A_1073 : i32 to index
      %swap3A_1075 = arith.index_cast %multiple_of3A_793 : i32 to index
      %swap3A_1076 = tpu.vector_load %arg19[%swap3A_1074, %swap3A_1075] {strides = array<i32>} : memref<64x512xf32, #tpu.memory_space<vmem>>, vector<16xf32>,
      tpu.vector_store %arg19[%swap3A_1074, %swap3A_1075], %gather3A_1072 {strides = array<i32>} : memref<64x512xf32, #tpu.memory_space<vmem>>, vector<16xf32>,
      %broadcast_in_dim3A_1077 = arith.constant 11 : i32
      %broadcast_in_dim3A_1078 = vector.broadcast %broadcast_in_dim3A_1077 : i32 to vector<16xi32>
      %gather3A_1079 = arith.constant 0 : i32
      %gather3A_1080 = arith.constant 0 : i32
      %gather3A_1081 = arith.constant 0 : i32
      %gather3A_1082 = tpu.memref_slice %arg18[%gather3A_1079, %gather3A_1080, %gather3A_1081] : memref<32x16x128xf32, #tpu.memory_space<vmem>> -> memref<16x16x128xf32, #tpu.memory_space<vmem>>
      %gather3A_1083 = tpu.vector_load_idx %gather3A_1082[%iota3A, %broadcast_in_dim3A_1078, %and3A_778] : memref<16x16x128xf32, #tpu.memory_space<vmem>>[vector<16xi32>, vector<16xi32>, vector<16xi32>], vector<16xf32>,
      %swap3A_1084 = arith.constant 11 : i32
      %swap3A_1085 = arith.index_cast %swap3A_1084 : i32 to index
      %swap3A_1086 = arith.index_cast %multiple_of3A_793 : i32 to index
      %swap3A_1087 = tpu.vector_load %arg19[%swap3A_1085, %swap3A_1086] {strides = array<i32>} : memref<64x512xf32, #tpu.memory_space<vmem>>, vector<16xf32>,
      tpu.vector_store %arg19[%swap3A_1085, %swap3A_1086], %gather3A_1083 {strides = array<i32>} : memref<64x512xf32, #tpu.memory_space<vmem>>, vector<16xf32>,
      %gather3A_1088 = tpu.vector_load_idx %arg15[%broadcast_in_dim3A_1078, %get3A_782] : memref<16x1001xf32, #tpu.memory_space<vmem>>[vector<16xi32>, vector<16xi32>], vector<16xf32>,
      %swap3A_1089 = arith.constant 27 : i32
      %swap3A_1090 = arith.index_cast %swap3A_1089 : i32 to index
      %swap3A_1091 = arith.index_cast %multiple_of3A_793 : i32 to index
      %swap3A_1092 = tpu.vector_load %arg19[%swap3A_1090, %swap3A_1091] {strides = array<i32>} : memref<64x512xf32, #tpu.memory_space<vmem>>, vector<16xf32>,
      tpu.vector_store %arg19[%swap3A_1090, %swap3A_1091], %gather3A_1088 {strides = array<i32>} : memref<64x512xf32, #tpu.memory_space<vmem>>, vector<16xf32>,
      %gather3A_1093 = tpu.vector_load_idx %arg16[%broadcast_in_dim3A_1078, %get3A_786] : memref<16x8xf32, #tpu.memory_space<vmem>>[vector<16xi32>, vector<16xi32>], vector<16xf32>,
      %swap3A_1094 = arith.constant 43 : i32
      %swap3A_1095 = arith.index_cast %swap3A_1094 : i32 to index
      %swap3A_1096 = arith.index_cast %multiple_of3A_793 : i32 to index
      %swap3A_1097 = tpu.vector_load %arg19[%swap3A_1095, %swap3A_1096] {strides = array<i32>} : memref<64x512xf32, #tpu.memory_space<vmem>>, vector<16xf32>,
      tpu.vector_store %arg19[%swap3A_1095, %swap3A_1096], %gather3A_1093 {strides = array<i32>} : memref<64x512xf32, #tpu.memory_space<vmem>>, vector<16xf32>,
      %gather3A_1098 = tpu.vector_load_idx %arg17[%broadcast_in_dim3A_1078, %get3A_790] : memref<16x25xf32, #tpu.memory_space<vmem>>[vector<16xi32>, vector<16xi32>], vector<16xf32>,
      %swap3A_1099 = arith.constant 59 : i32
      %swap3A_1100 = arith.index_cast %swap3A_1099 : i32 to index
      %swap3A_1101 = arith.index_cast %multiple_of3A_793 : i32 to index
      %swap3A_1102 = tpu.vector_load %arg19[%swap3A_1100, %swap3A_1101] {strides = array<i32>} : memref<64x512xf32, #tpu.memory_space<vmem>>, vector<16xf32>,
      tpu.vector_store %arg19[%swap3A_1100, %swap3A_1101], %gather3A_1098 {strides = array<i32>} : memref<64x512xf32, #tpu.memory_space<vmem>>, vector<16xf32>,
      %broadcast_in_dim3A_1103 = arith.constant 12 : i32
      %broadcast_in_dim3A_1104 = vector.broadcast %broadcast_in_dim3A_1103 : i32 to vector<16xi32>
      %gather3A_1105 = arith.constant 0 : i32
      %gather3A_1106 = arith.constant 0 : i32
      %gather3A_1107 = arith.constant 0 : i32
      %gather3A_1108 = tpu.memref_slice %arg18[%gather3A_1105, %gather3A_1106, %gather3A_1107] : memref<32x16x128xf32, #tpu.memory_space<vmem>> -> memref<16x16x128xf32, #tpu.memory_space<vmem>>
      %gather3A_1109 = tpu.vector_load_idx %gather3A_1108[%iota3A, %broadcast_in_dim3A_1104, %and3A_778] : memref<16x16x128xf32, #tpu.memory_space<vmem>>[vector<16xi32>, vector<16xi32>, vector<16xi32>], vector<16xf32>,
      %swap3A_1110 = arith.constant 12 : i32
      %swap3A_1111 = arith.index_cast %swap3A_1110 : i32 to index
      %swap3A_1112 = arith.index_cast %multiple_of3A_793 : i32 to index
      %swap3A_1113 = tpu.vector_load %arg19[%swap3A_1111, %swap3A_1112] {strides = array<i32>} : memref<64x512xf32, #tpu.memory_space<vmem>>, vector<16xf32>,
      tpu.vector_store %arg19[%swap3A_1111, %swap3A_1112], %gather3A_1109 {strides = array<i32>} : memref<64x512xf32, #tpu.memory_space<vmem>>, vector<16xf32>,
      %gather3A_1114 = tpu.vector_load_idx %arg15[%broadcast_in_dim3A_1104, %get3A_782] : memref<16x1001xf32, #tpu.memory_space<vmem>>[vector<16xi32>, vector<16xi32>], vector<16xf32>,
      %swap3A_1115 = arith.constant 28 : i32
      %swap3A_1116 = arith.index_cast %swap3A_1115 : i32 to index
      %swap3A_1117 = arith.index_cast %multiple_of3A_793 : i32 to index
      %swap3A_1118 = tpu.vector_load %arg19[%swap3A_1116, %swap3A_1117] {strides = array<i32>} : memref<64x512xf32, #tpu.memory_space<vmem>>, vector<16xf32>,
      tpu.vector_store %arg19[%swap3A_1116, %swap3A_1117], %gather3A_1114 {strides = array<i32>} : memref<64x512xf32, #tpu.memory_space<vmem>>, vector<16xf32>,
      %gather3A_1119 = tpu.vector_load_idx %arg16[%broadcast_in_dim3A_1104, %get3A_786] : memref<16x8xf32, #tpu.memory_space<vmem>>[vector<16xi32>, vector<16xi32>], vector<16xf32>,
      %swap3A_1120 = arith.constant 44 : i32
      %swap3A_1121 = arith.index_cast %swap3A_1120 : i32 to index
      %swap3A_1122 = arith.index_cast %multiple_of3A_793 : i32 to index
      %swap3A_1123 = tpu.vector_load %arg19[%swap3A_1121, %swap3A_1122] {strides = array<i32>} : memref<64x512xf32, #tpu.memory_space<vmem>>, vector<16xf32>,
      tpu.vector_store %arg19[%swap3A_1121, %swap3A_1122], %gather3A_1119 {strides = array<i32>} : memref<64x512xf32, #tpu.memory_space<vmem>>, vector<16xf32>,
      %gather3A_1124 = tpu.vector_load_idx %arg17[%broadcast_in_dim3A_1104, %get3A_790] : memref<16x25xf32, #tpu.memory_space<vmem>>[vector<16xi32>, vector<16xi32>], vector<16xf32>,
      %swap3A_1125 = arith.constant 60 : i32
      %swap3A_1126 = arith.index_cast %swap3A_1125 : i32 to index
      %swap3A_1127 = arith.index_cast %multiple_of3A_793 : i32 to index
      %swap3A_1128 = tpu.vector_load %arg19[%swap3A_1126, %swap3A_1127] {strides = array<i32>} : memref<64x512xf32, #tpu.memory_space<vmem>>, vector<16xf32>,
      tpu.vector_store %arg19[%swap3A_1126, %swap3A_1127], %gather3A_1124 {strides = array<i32>} : memref<64x512xf32, #tpu.memory_space<vmem>>, vector<16xf32>,
      %broadcast_in_dim3A_1129 = arith.constant 13 : i32
      %broadcast_in_dim3A_1130 = vector.broadcast %broadcast_in_dim3A_1129 : i32 to vector<16xi32>
      %gather3A_1131 = arith.constant 0 : i32
      %gather3A_1132 = arith.constant 0 : i32
      %gather3A_1133 = arith.constant 0 : i32
      %gather3A_1134 = tpu.memref_slice %arg18[%gather3A_1131, %gather3A_1132, %gather3A_1133] : memref<32x16x128xf32, #tpu.memory_space<vmem>> -> memref<16x16x128xf32, #tpu.memory_space<vmem>>
      %gather3A_1135 = tpu.vector_load_idx %gather3A_1134[%iota3A, %broadcast_in_dim3A_1130, %and3A_778] : memref<16x16x128xf32, #tpu.memory_space<vmem>>[vector<16xi32>, vector<16xi32>, vector<16xi32>], vector<16xf32>,
      %swap3A_1136 = arith.constant 13 : i32
      %swap3A_1137 = arith.index_cast %swap3A_1136 : i32 to index
      %swap3A_1138 = arith.index_cast %multiple_of3A_793 : i32 to index
      %swap3A_1139 = tpu.vector_load %arg19[%swap3A_1137, %swap3A_1138] {strides = array<i32>} : memref<64x512xf32, #tpu.memory_space<vmem>>, vector<16xf32>,
      tpu.vector_store %arg19[%swap3A_1137, %swap3A_1138], %gather3A_1135 {strides = array<i32>} : memref<64x512xf32, #tpu.memory_space<vmem>>, vector<16xf32>,
      %gather3A_1140 = tpu.vector_load_idx %arg15[%broadcast_in_dim3A_1130, %get3A_782] : memref<16x1001xf32, #tpu.memory_space<vmem>>[vector<16xi32>, vector<16xi32>], vector<16xf32>,
      %swap3A_1141 = arith.constant 29 : i32
      %swap3A_1142 = arith.index_cast %swap3A_1141 : i32 to index
      %swap3A_1143 = arith.index_cast %multiple_of3A_793 : i32 to index
      %swap3A_1144 = tpu.vector_load %arg19[%swap3A_1142, %swap3A_1143] {strides = array<i32>} : memref<64x512xf32, #tpu.memory_space<vmem>>, vector<16xf32>,
      tpu.vector_store %arg19[%swap3A_1142, %swap3A_1143], %gather3A_1140 {strides = array<i32>} : memref<64x512xf32, #tpu.memory_space<vmem>>, vector<16xf32>,
      %gather3A_1145 = tpu.vector_load_idx %arg16[%broadcast_in_dim3A_1130, %get3A_786] : memref<16x8xf32, #tpu.memory_space<vmem>>[vector<16xi32>, vector<16xi32>], vector<16xf32>,
      %swap3A_1146 = arith.constant 45 : i32
      %swap3A_1147 = arith.index_cast %swap3A_1146 : i32 to index
      %swap3A_1148 = arith.index_cast %multiple_of3A_793 : i32 to index
      %swap3A_1149 = tpu.vector_load %arg19[%swap3A_1147, %swap3A_1148] {strides = array<i32>} : memref<64x512xf32, #tpu.memory_space<vmem>>, vector<16xf32>,
      tpu.vector_store %arg19[%swap3A_1147, %swap3A_1148], %gather3A_1145 {strides = array<i32>} : memref<64x512xf32, #tpu.memory_space<vmem>>, vector<16xf32>,
      %gather3A_1150 = tpu.vector_load_idx %arg17[%broadcast_in_dim3A_1130, %get3A_790] : memref<16x25xf32, #tpu.memory_space<vmem>>[vector<16xi32>, vector<16xi32>], vector<16xf32>,
      %swap3A_1151 = arith.constant 61 : i32
      %swap3A_1152 = arith.index_cast %swap3A_1151 : i32 to index
      %swap3A_1153 = arith.index_cast %multiple_of3A_793 : i32 to index
      %swap3A_1154 = tpu.vector_load %arg19[%swap3A_1152, %swap3A_1153] {strides = array<i32>} : memref<64x512xf32, #tpu.memory_space<vmem>>, vector<16xf32>,
      tpu.vector_store %arg19[%swap3A_1152, %swap3A_1153], %gather3A_1150 {strides = array<i32>} : memref<64x512xf32, #tpu.memory_space<vmem>>, vector<16xf32>,
      %broadcast_in_dim3A_1155 = arith.constant 14 : i32
      %broadcast_in_dim3A_1156 = vector.broadcast %broadcast_in_dim3A_1155 : i32 to vector<16xi32>
      %gather3A_1157 = arith.constant 0 : i32
      %gather3A_1158 = arith.constant 0 : i32
      %gather3A_1159 = arith.constant 0 : i32
      %gather3A_1160 = tpu.memref_slice %arg18[%gather3A_1157, %gather3A_1158, %gather3A_1159] : memref<32x16x128xf32, #tpu.memory_space<vmem>> -> memref<16x16x128xf32, #tpu.memory_space<vmem>>
      %gather3A_1161 = tpu.vector_load_idx %gather3A_1160[%iota3A, %broadcast_in_dim3A_1156, %and3A_778] : memref<16x16x128xf32, #tpu.memory_space<vmem>>[vector<16xi32>, vector<16xi32>, vector<16xi32>], vector<16xf32>,
      %swap3A_1162 = arith.constant 14 : i32
      %swap3A_1163 = arith.index_cast %swap3A_1162 : i32 to index
      %swap3A_1164 = arith.index_cast %multiple_of3A_793 : i32 to index
      %swap3A_1165 = tpu.vector_load %arg19[%swap3A_1163, %swap3A_1164] {strides = array<i32>} : memref<64x512xf32, #tpu.memory_space<vmem>>, vector<16xf32>,
      tpu.vector_store %arg19[%swap3A_1163, %swap3A_1164], %gather3A_1161 {strides = array<i32>} : memref<64x512xf32, #tpu.memory_space<vmem>>, vector<16xf32>,
      %gather3A_1166 = tpu.vector_load_idx %arg15[%broadcast_in_dim3A_1156, %get3A_782] : memref<16x1001xf32, #tpu.memory_space<vmem>>[vector<16xi32>, vector<16xi32>], vector<16xf32>,
      %swap3A_1167 = arith.constant 30 : i32
      %swap3A_1168 = arith.index_cast %swap3A_1167 : i32 to index
      %swap3A_1169 = arith.index_cast %multiple_of3A_793 : i32 to index
      %swap3A_1170 = tpu.vector_load %arg19[%swap3A_1168, %swap3A_1169] {strides = array<i32>} : memref<64x512xf32, #tpu.memory_space<vmem>>, vector<16xf32>,
      tpu.vector_store %arg19[%swap3A_1168, %swap3A_1169], %gather3A_1166 {strides = array<i32>} : memref<64x512xf32, #tpu.memory_space<vmem>>, vector<16xf32>,
      %gather3A_1171 = tpu.vector_load_idx %arg16[%broadcast_in_dim3A_1156, %get3A_786] : memref<16x8xf32, #tpu.memory_space<vmem>>[vector<16xi32>, vector<16xi32>], vector<16xf32>,
      %swap3A_1172 = arith.constant 46 : i32
      %swap3A_1173 = arith.index_cast %swap3A_1172 : i32 to index
      %swap3A_1174 = arith.index_cast %multiple_of3A_793 : i32 to index
      %swap3A_1175 = tpu.vector_load %arg19[%swap3A_1173, %swap3A_1174] {strides = array<i32>} : memref<64x512xf32, #tpu.memory_space<vmem>>, vector<16xf32>,
      tpu.vector_store %arg19[%swap3A_1173, %swap3A_1174], %gather3A_1171 {strides = array<i32>} : memref<64x512xf32, #tpu.memory_space<vmem>>, vector<16xf32>,
      %gather3A_1176 = tpu.vector_load_idx %arg17[%broadcast_in_dim3A_1156, %get3A_790] : memref<16x25xf32, #tpu.memory_space<vmem>>[vector<16xi32>, vector<16xi32>], vector<16xf32>,
      %swap3A_1177 = arith.constant 62 : i32
      %swap3A_1178 = arith.index_cast %swap3A_1177 : i32 to index
      %swap3A_1179 = arith.index_cast %multiple_of3A_793 : i32 to index
      %swap3A_1180 = tpu.vector_load %arg19[%swap3A_1178, %swap3A_1179] {strides = array<i32>} : memref<64x512xf32, #tpu.memory_space<vmem>>, vector<16xf32>,
      tpu.vector_store %arg19[%swap3A_1178, %swap3A_1179], %gather3A_1176 {strides = array<i32>} : memref<64x512xf32, #tpu.memory_space<vmem>>, vector<16xf32>,
      %broadcast_in_dim3A_1181 = arith.constant 15 : i32
      %broadcast_in_dim3A_1182 = vector.broadcast %broadcast_in_dim3A_1181 : i32 to vector<16xi32>
      %gather3A_1183 = arith.constant 0 : i32
      %gather3A_1184 = arith.constant 0 : i32
      %gather3A_1185 = arith.constant 0 : i32
      %gather3A_1186 = tpu.memref_slice %arg18[%gather3A_1183, %gather3A_1184, %gather3A_1185] : memref<32x16x128xf32, #tpu.memory_space<vmem>> -> memref<16x16x128xf32, #tpu.memory_space<vmem>>
      %gather3A_1187 = tpu.vector_load_idx %gather3A_1186[%iota3A, %broadcast_in_dim3A_1182, %and3A_778] : memref<16x16x128xf32, #tpu.memory_space<vmem>>[vector<16xi32>, vector<16xi32>, vector<16xi32>], vector<16xf32>,
      %swap3A_1188 = arith.constant 15 : i32
      %swap3A_1189 = arith.index_cast %swap3A_1188 : i32 to index
      %swap3A_1190 = arith.index_cast %multiple_of3A_793 : i32 to index
      %swap3A_1191 = tpu.vector_load %arg19[%swap3A_1189, %swap3A_1190] {strides = array<i32>} : memref<64x512xf32, #tpu.memory_space<vmem>>, vector<16xf32>,
      tpu.vector_store %arg19[%swap3A_1189, %swap3A_1190], %gather3A_1187 {strides = array<i32>} : memref<64x512xf32, #tpu.memory_space<vmem>>, vector<16xf32>,
      %gather3A_1192 = tpu.vector_load_idx %arg15[%broadcast_in_dim3A_1182, %get3A_782] : memref<16x1001xf32, #tpu.memory_space<vmem>>[vector<16xi32>, vector<16xi32>], vector<16xf32>,
      %swap3A_1193 = arith.constant 31 : i32
      %swap3A_1194 = arith.index_cast %swap3A_1193 : i32 to index
      %swap3A_1195 = arith.index_cast %multiple_of3A_793 : i32 to index
      %swap3A_1196 = tpu.vector_load %arg19[%swap3A_1194, %swap3A_1195] {strides = array<i32>} : memref<64x512xf32, #tpu.memory_space<vmem>>, vector<16xf32>,
      tpu.vector_store %arg19[%swap3A_1194, %swap3A_1195], %gather3A_1192 {strides = array<i32>} : memref<64x512xf32, #tpu.memory_space<vmem>>, vector<16xf32>,
      %gather3A_1197 = tpu.vector_load_idx %arg16[%broadcast_in_dim3A_1182, %get3A_786] : memref<16x8xf32, #tpu.memory_space<vmem>>[vector<16xi32>, vector<16xi32>], vector<16xf32>,
      %swap3A_1198 = arith.constant 47 : i32
      %swap3A_1199 = arith.index_cast %swap3A_1198 : i32 to index
      %swap3A_1200 = arith.index_cast %multiple_of3A_793 : i32 to index
      %swap3A_1201 = tpu.vector_load %arg19[%swap3A_1199, %swap3A_1200] {strides = array<i32>} : memref<64x512xf32, #tpu.memory_space<vmem>>, vector<16xf32>,
      tpu.vector_store %arg19[%swap3A_1199, %swap3A_1200], %gather3A_1197 {strides = array<i32>} : memref<64x512xf32, #tpu.memory_space<vmem>>, vector<16xf32>,
      %gather3A_1202 = tpu.vector_load_idx %arg17[%broadcast_in_dim3A_1182, %get3A_790] : memref<16x25xf32, #tpu.memory_space<vmem>>[vector<16xi32>, vector<16xi32>], vector<16xf32>,
      %swap3A_1203 = arith.constant 63 : i32
      %swap3A_1204 = arith.index_cast %swap3A_1203 : i32 to index
      %swap3A_1205 = arith.index_cast %multiple_of3A_793 : i32 to index
      %swap3A_1206 = tpu.vector_load %arg19[%swap3A_1204, %swap3A_1205] {strides = array<i32>} : memref<64x512xf32, #tpu.memory_space<vmem>>, vector<16xf32>,
      tpu.vector_store %arg19[%swap3A_1204, %swap3A_1205], %gather3A_1202 {strides = array<i32>} : memref<64x512xf32, #tpu.memory_space<vmem>>, vector<16xf32>,
      %lt3A = arith.constant 15 : i32
      %lt3A_1207 = arith.cmpi slt, %scan3A_264, %lt3A : i32
      %convert_element_type3A = arith.extui %lt3A_1207 : i1 to i32
      %cond3A = arith.constant 0 : i32
      %cond3A_1208 = arith.cmpi ne, %convert_element_type3A, %cond3A : i32
      scf.if %cond3A_1208 {
        %add3A_1890 = arith.constant 2 : i32
        %add3A_1891 = arith.addi %mul3A_267, %add3A_1890 : i32
        %mul3A_1892 = arith.constant 16 : i32
        %mul3A_1893 = arith.muli %add3A_1891, %mul3A_1892 : i32
        %get3A_1894 = arith.index_cast %mul3A_1893 : i32 to index
        %get3A_1895 = tpu.vector_load %arg11[%get3A_1894] {strides = array<i32>} : memref<512xi32, #tpu.memory_space<vmem>>, vector<16xi32>,
        %and3A_1896 = arith.constant -128 : i32
        %and3A_1897 = vector.broadcast %and3A_1896 : i32 to vector<16xi32>
        %and3A_1898 = arith.andi %get3A_1895, %and3A_1897 : vector<16xi32>
        %slice3A_1899 = vector.extract_strided_slice %and3A_1898 {offsets = [0], sizes = [1], strides = [1]} : vector<16xi32> to vector<1xi32>
        %squeeze3A_1900 = vector.extract %slice3A_1899[0] : i32 from vector<1xi32>
        %multiple_of3A_1901 = tpu.assume_multiple %squeeze3A_1900, 128 : i32
        %dma_start3A_1902 = arith.constant 0 : i32
        %dma_start3A_1903 = arith.constant 0 : i32
        %dma_start3A_1904 = arith.constant 0 : i32
        %dma_start3A_1905 = tpu.memref_slice %arg18[%dma_start3A_1902, %dma_start3A_1903, %dma_start3A_1904] : memref<32x16x128xf32, #tpu.memory_space<vmem>> -> memref<1x16x128xf32, #tpu.memory_space<vmem>>
        %dma_start3A_1906 = tpu.memref_squeeze %dma_start3A_1905 : memref<1x16x128xf32, #tpu.memory_space<vmem>> -> memref<16x128xf32, #tpu.memory_space<vmem>>
        %dma_start3A_1907 = arith.constant 0 : i32
        %dma_start3A_1908 = tpu.memref_slice %arg6[%dma_start3A_1907, %multiple_of3A_1901] : memref<16x1000001xf32, #tpu.memory_space<hbm>> -> memref<16x128xf32, #tpu.memory_space<hbm>>
        %dma_start3A_1909 = arith.constant 0 : i32
        %dma_start3A_1910 = arith.constant 0 : i32
        %dma_start3A_1911 = tpu.memref_slice %arg18[%dma_start3A_1902, %dma_start3A_1909, %dma_start3A_1910] : memref<32x16x128xf32, #tpu.memory_space<vmem>> -> memref<1x16x128xf32, #tpu.memory_space<vmem>>
        %dma_start3A_1912 = tpu.memref_squeeze %dma_start3A_1911 : memref<1x16x128xf32, #tpu.memory_space<vmem>> -> memref<16x128xf32, #tpu.memory_space<vmem>>
        %dma_start3A_1913 = arith.constant 0 : i32
        %dma_start3A_1914 = tpu.memref_slice %arg6[%dma_start3A_1913, %multiple_of3A_1901] : memref<16x1000001xf32, #tpu.memory_space<hbm>> -> memref<16x128xf32, #tpu.memory_space<hbm>>
        tpu.enqueue_dma source(%dma_start3A_1914 : memref<16x128xf32, #tpu.memory_space<hbm>>) target(%dma_start3A_1912 : memref<16x128xf32, #tpu.memory_space<vmem>>) target_semaphore(%arg21 : memref<!tpu.dma_semaphore, #tpu.memory_space<semaphore_mem>>)
        %slice3A_1915 = vector.extract_strided_slice %and3A_1898 {offsets = [1], sizes = [1], strides = [1]} : vector<16xi32> to vector<1xi32>
        %squeeze3A_1916 = vector.extract %slice3A_1915[0] : i32 from vector<1xi32>
        %multiple_of3A_1917 = tpu.assume_multiple %squeeze3A_1916, 128 : i32
        %dma_start3A_1918 = arith.constant 1 : i32
        %dma_start3A_1919 = arith.constant 0 : i32
        %dma_start3A_1920 = arith.constant 0 : i32
        %dma_start3A_1921 = tpu.memref_slice %arg18[%dma_start3A_1918, %dma_start3A_1919, %dma_start3A_1920] : memref<32x16x128xf32, #tpu.memory_space<vmem>> -> memref<1x16x128xf32, #tpu.memory_space<vmem>>
        %dma_start3A_1922 = tpu.memref_squeeze %dma_start3A_1921 : memref<1x16x128xf32, #tpu.memory_space<vmem>> -> memref<16x128xf32, #tpu.memory_space<vmem>>
        %dma_start3A_1923 = arith.constant 0 : i32
        %dma_start3A_1924 = tpu.memref_slice %arg6[%dma_start3A_1923, %multiple_of3A_1917] : memref<16x1000001xf32, #tpu.memory_space<hbm>> -> memref<16x128xf32, #tpu.memory_space<hbm>>
        %dma_start3A_1925 = arith.constant 0 : i32
        %dma_start3A_1926 = arith.constant 0 : i32
        %dma_start3A_1927 = tpu.memref_slice %arg18[%dma_start3A_1918, %dma_start3A_1925, %dma_start3A_1926] : memref<32x16x128xf32, #tpu.memory_space<vmem>> -> memref<1x16x128xf32, #tpu.memory_space<vmem>>
        %dma_start3A_1928 = tpu.memref_squeeze %dma_start3A_1927 : memref<1x16x128xf32, #tpu.memory_space<vmem>> -> memref<16x128xf32, #tpu.memory_space<vmem>>
        %dma_start3A_1929 = arith.constant 0 : i32
        %dma_start3A_1930 = tpu.memref_slice %arg6[%dma_start3A_1929, %multiple_of3A_1917] : memref<16x1000001xf32, #tpu.memory_space<hbm>> -> memref<16x128xf32, #tpu.memory_space<hbm>>
        tpu.enqueue_dma source(%dma_start3A_1930 : memref<16x128xf32, #tpu.memory_space<hbm>>) target(%dma_start3A_1928 : memref<16x128xf32, #tpu.memory_space<vmem>>) target_semaphore(%arg21 : memref<!tpu.dma_semaphore, #tpu.memory_space<semaphore_mem>>)
        %slice3A_1931 = vector.extract_strided_slice %and3A_1898 {offsets = [2], sizes = [1], strides = [1]} : vector<16xi32> to vector<1xi32>
        %squeeze3A_1932 = vector.extract %slice3A_1931[0] : i32 from vector<1xi32>
        %multiple_of3A_1933 = tpu.assume_multiple %squeeze3A_1932, 128 : i32
        %dma_start3A_1934 = arith.constant 2 : i32
        %dma_start3A_1935 = arith.constant 0 : i32
        %dma_start3A_1936 = arith.constant 0 : i32
        %dma_start3A_1937 = tpu.memref_slice %arg18[%dma_start3A_1934, %dma_start3A_1935, %dma_start3A_1936] : memref<32x16x128xf32, #tpu.memory_space<vmem>> -> memref<1x16x128xf32, #tpu.memory_space<vmem>>
        %dma_start3A_1938 = tpu.memref_squeeze %dma_start3A_1937 : memref<1x16x128xf32, #tpu.memory_space<vmem>> -> memref<16x128xf32, #tpu.memory_space<vmem>>
        %dma_start3A_1939 = arith.constant 0 : i32
        %dma_start3A_1940 = tpu.memref_slice %arg6[%dma_start3A_1939, %multiple_of3A_1933] : memref<16x1000001xf32, #tpu.memory_space<hbm>> -> memref<16x128xf32, #tpu.memory_space<hbm>>
        %dma_start3A_1941 = arith.constant 0 : i32
        %dma_start3A_1942 = arith.constant 0 : i32
        %dma_start3A_1943 = tpu.memref_slice %arg18[%dma_start3A_1934, %dma_start3A_1941, %dma_start3A_1942] : memref<32x16x128xf32, #tpu.memory_space<vmem>> -> memref<1x16x128xf32, #tpu.memory_space<vmem>>
        %dma_start3A_1944 = tpu.memref_squeeze %dma_start3A_1943 : memref<1x16x128xf32, #tpu.memory_space<vmem>> -> memref<16x128xf32, #tpu.memory_space<vmem>>
        %dma_start3A_1945 = arith.constant 0 : i32
        %dma_start3A_1946 = tpu.memref_slice %arg6[%dma_start3A_1945, %multiple_of3A_1933] : memref<16x1000001xf32, #tpu.memory_space<hbm>> -> memref<16x128xf32, #tpu.memory_space<hbm>>
        tpu.enqueue_dma source(%dma_start3A_1946 : memref<16x128xf32, #tpu.memory_space<hbm>>) target(%dma_start3A_1944 : memref<16x128xf32, #tpu.memory_space<vmem>>) target_semaphore(%arg21 : memref<!tpu.dma_semaphore, #tpu.memory_space<semaphore_mem>>)
        %slice3A_1947 = vector.extract_strided_slice %and3A_1898 {offsets = [3], sizes = [1], strides = [1]} : vector<16xi32> to vector<1xi32>
        %squeeze3A_1948 = vector.extract %slice3A_1947[0] : i32 from vector<1xi32>
        %multiple_of3A_1949 = tpu.assume_multiple %squeeze3A_1948, 128 : i32
        %dma_start3A_1950 = arith.constant 3 : i32
        %dma_start3A_1951 = arith.constant 0 : i32
        %dma_start3A_1952 = arith.constant 0 : i32
        %dma_start3A_1953 = tpu.memref_slice %arg18[%dma_start3A_1950, %dma_start3A_1951, %dma_start3A_1952] : memref<32x16x128xf32, #tpu.memory_space<vmem>> -> memref<1x16x128xf32, #tpu.memory_space<vmem>>
        %dma_start3A_1954 = tpu.memref_squeeze %dma_start3A_1953 : memref<1x16x128xf32, #tpu.memory_space<vmem>> -> memref<16x128xf32, #tpu.memory_space<vmem>>
        %dma_start3A_1955 = arith.constant 0 : i32
        %dma_start3A_1956 = tpu.memref_slice %arg6[%dma_start3A_1955, %multiple_of3A_1949] : memref<16x1000001xf32, #tpu.memory_space<hbm>> -> memref<16x128xf32, #tpu.memory_space<hbm>>
        %dma_start3A_1957 = arith.constant 0 : i32
        %dma_start3A_1958 = arith.constant 0 : i32
        %dma_start3A_1959 = tpu.memref_slice %arg18[%dma_start3A_1950, %dma_start3A_1957, %dma_start3A_1958] : memref<32x16x128xf32, #tpu.memory_space<vmem>> -> memref<1x16x128xf32, #tpu.memory_space<vmem>>
        %dma_start3A_1960 = tpu.memref_squeeze %dma_start3A_1959 : memref<1x16x128xf32, #tpu.memory_space<vmem>> -> memref<16x128xf32, #tpu.memory_space<vmem>>
        %dma_start3A_1961 = arith.constant 0 : i32
        %dma_start3A_1962 = tpu.memref_slice %arg6[%dma_start3A_1961, %multiple_of3A_1949] : memref<16x1000001xf32, #tpu.memory_space<hbm>> -> memref<16x128xf32, #tpu.memory_space<hbm>>
        tpu.enqueue_dma source(%dma_start3A_1962 : memref<16x128xf32, #tpu.memory_space<hbm>>) target(%dma_start3A_1960 : memref<16x128xf32, #tpu.memory_space<vmem>>) target_semaphore(%arg21 : memref<!tpu.dma_semaphore, #tpu.memory_space<semaphore_mem>>)
        %slice3A_1963 = vector.extract_strided_slice %and3A_1898 {offsets = [4], sizes = [1], strides = [1]} : vector<16xi32> to vector<1xi32>
        %squeeze3A_1964 = vector.extract %slice3A_1963[0] : i32 from vector<1xi32>
        %multiple_of3A_1965 = tpu.assume_multiple %squeeze3A_1964, 128 : i32
        %dma_start3A_1966 = arith.constant 4 : i32
        %dma_start3A_1967 = arith.constant 0 : i32
        %dma_start3A_1968 = arith.constant 0 : i32
        %dma_start3A_1969 = tpu.memref_slice %arg18[%dma_start3A_1966, %dma_start3A_1967, %dma_start3A_1968] : memref<32x16x128xf32, #tpu.memory_space<vmem>> -> memref<1x16x128xf32, #tpu.memory_space<vmem>>
        %dma_start3A_1970 = tpu.memref_squeeze %dma_start3A_1969 : memref<1x16x128xf32, #tpu.memory_space<vmem>> -> memref<16x128xf32, #tpu.memory_space<vmem>>
        %dma_start3A_1971 = arith.constant 0 : i32
        %dma_start3A_1972 = tpu.memref_slice %arg6[%dma_start3A_1971, %multiple_of3A_1965] : memref<16x1000001xf32, #tpu.memory_space<hbm>> -> memref<16x128xf32, #tpu.memory_space<hbm>>
        %dma_start3A_1973 = arith.constant 0 : i32
        %dma_start3A_1974 = arith.constant 0 : i32
        %dma_start3A_1975 = tpu.memref_slice %arg18[%dma_start3A_1966, %dma_start3A_1973, %dma_start3A_1974] : memref<32x16x128xf32, #tpu.memory_space<vmem>> -> memref<1x16x128xf32, #tpu.memory_space<vmem>>
        %dma_start3A_1976 = tpu.memref_squeeze %dma_start3A_1975 : memref<1x16x128xf32, #tpu.memory_space<vmem>> -> memref<16x128xf32, #tpu.memory_space<vmem>>
        %dma_start3A_1977 = arith.constant 0 : i32
        %dma_start3A_1978 = tpu.memref_slice %arg6[%dma_start3A_1977, %multiple_of3A_1965] : memref<16x1000001xf32, #tpu.memory_space<hbm>> -> memref<16x128xf32, #tpu.memory_space<hbm>>
        tpu.enqueue_dma source(%dma_start3A_1978 : memref<16x128xf32, #tpu.memory_space<hbm>>) target(%dma_start3A_1976 : memref<16x128xf32, #tpu.memory_space<vmem>>) target_semaphore(%arg21 : memref<!tpu.dma_semaphore, #tpu.memory_space<semaphore_mem>>)
        %slice3A_1979 = vector.extract_strided_slice %and3A_1898 {offsets = [5], sizes = [1], strides = [1]} : vector<16xi32> to vector<1xi32>
        %squeeze3A_1980 = vector.extract %slice3A_1979[0] : i32 from vector<1xi32>
        %multiple_of3A_1981 = tpu.assume_multiple %squeeze3A_1980, 128 : i32
        %dma_start3A_1982 = arith.constant 5 : i32
        %dma_start3A_1983 = arith.constant 0 : i32
        %dma_start3A_1984 = arith.constant 0 : i32
        %dma_start3A_1985 = tpu.memref_slice %arg18[%dma_start3A_1982, %dma_start3A_1983, %dma_start3A_1984] : memref<32x16x128xf32, #tpu.memory_space<vmem>> -> memref<1x16x128xf32, #tpu.memory_space<vmem>>
        %dma_start3A_1986 = tpu.memref_squeeze %dma_start3A_1985 : memref<1x16x128xf32, #tpu.memory_space<vmem>> -> memref<16x128xf32, #tpu.memory_space<vmem>>
        %dma_start3A_1987 = arith.constant 0 : i32
        %dma_start3A_1988 = tpu.memref_slice %arg6[%dma_start3A_1987, %multiple_of3A_1981] : memref<16x1000001xf32, #tpu.memory_space<hbm>> -> memref<16x128xf32, #tpu.memory_space<hbm>>
        %dma_start3A_1989 = arith.constant 0 : i32
        %dma_start3A_1990 = arith.constant 0 : i32
        %dma_start3A_1991 = tpu.memref_slice %arg18[%dma_start3A_1982, %dma_start3A_1989, %dma_start3A_1990] : memref<32x16x128xf32, #tpu.memory_space<vmem>> -> memref<1x16x128xf32, #tpu.memory_space<vmem>>
        %dma_start3A_1992 = tpu.memref_squeeze %dma_start3A_1991 : memref<1x16x128xf32, #tpu.memory_space<vmem>> -> memref<16x128xf32, #tpu.memory_space<vmem>>
        %dma_start3A_1993 = arith.constant 0 : i32
        %dma_start3A_1994 = tpu.memref_slice %arg6[%dma_start3A_1993, %multiple_of3A_1981] : memref<16x1000001xf32, #tpu.memory_space<hbm>> -> memref<16x128xf32, #tpu.memory_space<hbm>>
        tpu.enqueue_dma source(%dma_start3A_1994 : memref<16x128xf32, #tpu.memory_space<hbm>>) target(%dma_start3A_1992 : memref<16x128xf32, #tpu.memory_space<vmem>>) target_semaphore(%arg21 : memref<!tpu.dma_semaphore, #tpu.memory_space<semaphore_mem>>)
        %slice3A_1995 = vector.extract_strided_slice %and3A_1898 {offsets = [6], sizes = [1], strides = [1]} : vector<16xi32> to vector<1xi32>
        %squeeze3A_1996 = vector.extract %slice3A_1995[0] : i32 from vector<1xi32>
        %multiple_of3A_1997 = tpu.assume_multiple %squeeze3A_1996, 128 : i32
        %dma_start3A_1998 = arith.constant 6 : i32
        %dma_start3A_1999 = arith.constant 0 : i32
        %dma_start3A_2000 = arith.constant 0 : i32
        %dma_start3A_2001 = tpu.memref_slice %arg18[%dma_start3A_1998, %dma_start3A_1999, %dma_start3A_2000] : memref<32x16x128xf32, #tpu.memory_space<vmem>> -> memref<1x16x128xf32, #tpu.memory_space<vmem>>
        %dma_start3A_2002 = tpu.memref_squeeze %dma_start3A_2001 : memref<1x16x128xf32, #tpu.memory_space<vmem>> -> memref<16x128xf32, #tpu.memory_space<vmem>>
        %dma_start3A_2003 = arith.constant 0 : i32
        %dma_start3A_2004 = tpu.memref_slice %arg6[%dma_start3A_2003, %multiple_of3A_1997] : memref<16x1000001xf32, #tpu.memory_space<hbm>> -> memref<16x128xf32, #tpu.memory_space<hbm>>
        %dma_start3A_2005 = arith.constant 0 : i32
        %dma_start3A_2006 = arith.constant 0 : i32
        %dma_start3A_2007 = tpu.memref_slice %arg18[%dma_start3A_1998, %dma_start3A_2005, %dma_start3A_2006] : memref<32x16x128xf32, #tpu.memory_space<vmem>> -> memref<1x16x128xf32, #tpu.memory_space<vmem>>
        %dma_start3A_2008 = tpu.memref_squeeze %dma_start3A_2007 : memref<1x16x128xf32, #tpu.memory_space<vmem>> -> memref<16x128xf32, #tpu.memory_space<vmem>>
        %dma_start3A_2009 = arith.constant 0 : i32
        %dma_start3A_2010 = tpu.memref_slice %arg6[%dma_start3A_2009, %multiple_of3A_1997] : memref<16x1000001xf32, #tpu.memory_space<hbm>> -> memref<16x128xf32, #tpu.memory_space<hbm>>
        tpu.enqueue_dma source(%dma_start3A_2010 : memref<16x128xf32, #tpu.memory_space<hbm>>) target(%dma_start3A_2008 : memref<16x128xf32, #tpu.memory_space<vmem>>) target_semaphore(%arg21 : memref<!tpu.dma_semaphore, #tpu.memory_space<semaphore_mem>>)
        %slice3A_2011 = vector.extract_strided_slice %and3A_1898 {offsets = [7], sizes = [1], strides = [1]} : vector<16xi32> to vector<1xi32>
        %squeeze3A_2012 = vector.extract %slice3A_2011[0] : i32 from vector<1xi32>
        %multiple_of3A_2013 = tpu.assume_multiple %squeeze3A_2012, 128 : i32
        %dma_start3A_2014 = arith.constant 7 : i32
        %dma_start3A_2015 = arith.constant 0 : i32
        %dma_start3A_2016 = arith.constant 0 : i32
        %dma_start3A_2017 = tpu.memref_slice %arg18[%dma_start3A_2014, %dma_start3A_2015, %dma_start3A_2016] : memref<32x16x128xf32, #tpu.memory_space<vmem>> -> memref<1x16x128xf32, #tpu.memory_space<vmem>>
        %dma_start3A_2018 = tpu.memref_squeeze %dma_start3A_2017 : memref<1x16x128xf32, #tpu.memory_space<vmem>> -> memref<16x128xf32, #tpu.memory_space<vmem>>
        %dma_start3A_2019 = arith.constant 0 : i32
        %dma_start3A_2020 = tpu.memref_slice %arg6[%dma_start3A_2019, %multiple_of3A_2013] : memref<16x1000001xf32, #tpu.memory_space<hbm>> -> memref<16x128xf32, #tpu.memory_space<hbm>>
        %dma_start3A_2021 = arith.constant 0 : i32
        %dma_start3A_2022 = arith.constant 0 : i32
        %dma_start3A_2023 = tpu.memref_slice %arg18[%dma_start3A_2014, %dma_start3A_2021, %dma_start3A_2022] : memref<32x16x128xf32, #tpu.memory_space<vmem>> -> memref<1x16x128xf32, #tpu.memory_space<vmem>>
        %dma_start3A_2024 = tpu.memref_squeeze %dma_start3A_2023 : memref<1x16x128xf32, #tpu.memory_space<vmem>> -> memref<16x128xf32, #tpu.memory_space<vmem>>
        %dma_start3A_2025 = arith.constant 0 : i32
        %dma_start3A_2026 = tpu.memref_slice %arg6[%dma_start3A_2025, %multiple_of3A_2013] : memref<16x1000001xf32, #tpu.memory_space<hbm>> -> memref<16x128xf32, #tpu.memory_space<hbm>>
        tpu.enqueue_dma source(%dma_start3A_2026 : memref<16x128xf32, #tpu.memory_space<hbm>>) target(%dma_start3A_2024 : memref<16x128xf32, #tpu.memory_space<vmem>>) target_semaphore(%arg21 : memref<!tpu.dma_semaphore, #tpu.memory_space<semaphore_mem>>)
        %slice3A_2027 = vector.extract_strided_slice %and3A_1898 {offsets = [8], sizes = [1], strides = [1]} : vector<16xi32> to vector<1xi32>
        %squeeze3A_2028 = vector.extract %slice3A_2027[0] : i32 from vector<1xi32>
        %multiple_of3A_2029 = tpu.assume_multiple %squeeze3A_2028, 128 : i32
        %dma_start3A_2030 = arith.constant 8 : i32
        %dma_start3A_2031 = arith.constant 0 : i32
        %dma_start3A_2032 = arith.constant 0 : i32
        %dma_start3A_2033 = tpu.memref_slice %arg18[%dma_start3A_2030, %dma_start3A_2031, %dma_start3A_2032] : memref<32x16x128xf32, #tpu.memory_space<vmem>> -> memref<1x16x128xf32, #tpu.memory_space<vmem>>
        %dma_start3A_2034 = tpu.memref_squeeze %dma_start3A_2033 : memref<1x16x128xf32, #tpu.memory_space<vmem>> -> memref<16x128xf32, #tpu.memory_space<vmem>>
        %dma_start3A_2035 = arith.constant 0 : i32
        %dma_start3A_2036 = tpu.memref_slice %arg6[%dma_start3A_2035, %multiple_of3A_2029] : memref<16x1000001xf32, #tpu.memory_space<hbm>> -> memref<16x128xf32, #tpu.memory_space<hbm>>
        %dma_start3A_2037 = arith.constant 0 : i32
        %dma_start3A_2038 = arith.constant 0 : i32
        %dma_start3A_2039 = tpu.memref_slice %arg18[%dma_start3A_2030, %dma_start3A_2037, %dma_start3A_2038] : memref<32x16x128xf32, #tpu.memory_space<vmem>> -> memref<1x16x128xf32, #tpu.memory_space<vmem>>
        %dma_start3A_2040 = tpu.memref_squeeze %dma_start3A_2039 : memref<1x16x128xf32, #tpu.memory_space<vmem>> -> memref<16x128xf32, #tpu.memory_space<vmem>>
        %dma_start3A_2041 = arith.constant 0 : i32
        %dma_start3A_2042 = tpu.memref_slice %arg6[%dma_start3A_2041, %multiple_of3A_2029] : memref<16x1000001xf32, #tpu.memory_space<hbm>> -> memref<16x128xf32, #tpu.memory_space<hbm>>
        tpu.enqueue_dma source(%dma_start3A_2042 : memref<16x128xf32, #tpu.memory_space<hbm>>) target(%dma_start3A_2040 : memref<16x128xf32, #tpu.memory_space<vmem>>) target_semaphore(%arg21 : memref<!tpu.dma_semaphore, #tpu.memory_space<semaphore_mem>>)
        %slice3A_2043 = vector.extract_strided_slice %and3A_1898 {offsets = [9], sizes = [1], strides = [1]} : vector<16xi32> to vector<1xi32>
        %squeeze3A_2044 = vector.extract %slice3A_2043[0] : i32 from vector<1xi32>
        %multiple_of3A_2045 = tpu.assume_multiple %squeeze3A_2044, 128 : i32
        %dma_start3A_2046 = arith.constant 9 : i32
        %dma_start3A_2047 = arith.constant 0 : i32
        %dma_start3A_2048 = arith.constant 0 : i32
        %dma_start3A_2049 = tpu.memref_slice %arg18[%dma_start3A_2046, %dma_start3A_2047, %dma_start3A_2048] : memref<32x16x128xf32, #tpu.memory_space<vmem>> -> memref<1x16x128xf32, #tpu.memory_space<vmem>>
        %dma_start3A_2050 = tpu.memref_squeeze %dma_start3A_2049 : memref<1x16x128xf32, #tpu.memory_space<vmem>> -> memref<16x128xf32, #tpu.memory_space<vmem>>
        %dma_start3A_2051 = arith.constant 0 : i32
        %dma_start3A_2052 = tpu.memref_slice %arg6[%dma_start3A_2051, %multiple_of3A_2045] : memref<16x1000001xf32, #tpu.memory_space<hbm>> -> memref<16x128xf32, #tpu.memory_space<hbm>>
        %dma_start3A_2053 = arith.constant 0 : i32
        %dma_start3A_2054 = arith.constant 0 : i32
        %dma_start3A_2055 = tpu.memref_slice %arg18[%dma_start3A_2046, %dma_start3A_2053, %dma_start3A_2054] : memref<32x16x128xf32, #tpu.memory_space<vmem>> -> memref<1x16x128xf32, #tpu.memory_space<vmem>>
        %dma_start3A_2056 = tpu.memref_squeeze %dma_start3A_2055 : memref<1x16x128xf32, #tpu.memory_space<vmem>> -> memref<16x128xf32, #tpu.memory_space<vmem>>
        %dma_start3A_2057 = arith.constant 0 : i32
        %dma_start3A_2058 = tpu.memref_slice %arg6[%dma_start3A_2057, %multiple_of3A_2045] : memref<16x1000001xf32, #tpu.memory_space<hbm>> -> memref<16x128xf32, #tpu.memory_space<hbm>>
        tpu.enqueue_dma source(%dma_start3A_2058 : memref<16x128xf32, #tpu.memory_space<hbm>>) target(%dma_start3A_2056 : memref<16x128xf32, #tpu.memory_space<vmem>>) target_semaphore(%arg21 : memref<!tpu.dma_semaphore, #tpu.memory_space<semaphore_mem>>)
        %slice3A_2059 = vector.extract_strided_slice %and3A_1898 {offsets = [10], sizes = [1], strides = [1]} : vector<16xi32> to vector<1xi32>
        %squeeze3A_2060 = vector.extract %slice3A_2059[0] : i32 from vector<1xi32>
        %multiple_of3A_2061 = tpu.assume_multiple %squeeze3A_2060, 128 : i32
        %dma_start3A_2062 = arith.constant 10 : i32
        %dma_start3A_2063 = arith.constant 0 : i32
        %dma_start3A_2064 = arith.constant 0 : i32
        %dma_start3A_2065 = tpu.memref_slice %arg18[%dma_start3A_2062, %dma_start3A_2063, %dma_start3A_2064] : memref<32x16x128xf32, #tpu.memory_space<vmem>> -> memref<1x16x128xf32, #tpu.memory_space<vmem>>
        %dma_start3A_2066 = tpu.memref_squeeze %dma_start3A_2065 : memref<1x16x128xf32, #tpu.memory_space<vmem>> -> memref<16x128xf32, #tpu.memory_space<vmem>>
        %dma_start3A_2067 = arith.constant 0 : i32
        %dma_start3A_2068 = tpu.memref_slice %arg6[%dma_start3A_2067, %multiple_of3A_2061] : memref<16x1000001xf32, #tpu.memory_space<hbm>> -> memref<16x128xf32, #tpu.memory_space<hbm>>
        %dma_start3A_2069 = arith.constant 0 : i32
        %dma_start3A_2070 = arith.constant 0 : i32
        %dma_start3A_2071 = tpu.memref_slice %arg18[%dma_start3A_2062, %dma_start3A_2069, %dma_start3A_2070] : memref<32x16x128xf32, #tpu.memory_space<vmem>> -> memref<1x16x128xf32, #tpu.memory_space<vmem>>
        %dma_start3A_2072 = tpu.memref_squeeze %dma_start3A_2071 : memref<1x16x128xf32, #tpu.memory_space<vmem>> -> memref<16x128xf32, #tpu.memory_space<vmem>>
        %dma_start3A_2073 = arith.constant 0 : i32
        %dma_start3A_2074 = tpu.memref_slice %arg6[%dma_start3A_2073, %multiple_of3A_2061] : memref<16x1000001xf32, #tpu.memory_space<hbm>> -> memref<16x128xf32, #tpu.memory_space<hbm>>
        tpu.enqueue_dma source(%dma_start3A_2074 : memref<16x128xf32, #tpu.memory_space<hbm>>) target(%dma_start3A_2072 : memref<16x128xf32, #tpu.memory_space<vmem>>) target_semaphore(%arg21 : memref<!tpu.dma_semaphore, #tpu.memory_space<semaphore_mem>>)
        %slice3A_2075 = vector.extract_strided_slice %and3A_1898 {offsets = [11], sizes = [1], strides = [1]} : vector<16xi32> to vector<1xi32>
        %squeeze3A_2076 = vector.extract %slice3A_2075[0] : i32 from vector<1xi32>
        %multiple_of3A_2077 = tpu.assume_multiple %squeeze3A_2076, 128 : i32
        %dma_start3A_2078 = arith.constant 11 : i32
        %dma_start3A_2079 = arith.constant 0 : i32
        %dma_start3A_2080 = arith.constant 0 : i32
        %dma_start3A_2081 = tpu.memref_slice %arg18[%dma_start3A_2078, %dma_start3A_2079, %dma_start3A_2080] : memref<32x16x128xf32, #tpu.memory_space<vmem>> -> memref<1x16x128xf32, #tpu.memory_space<vmem>>
        %dma_start3A_2082 = tpu.memref_squeeze %dma_start3A_2081 : memref<1x16x128xf32, #tpu.memory_space<vmem>> -> memref<16x128xf32, #tpu.memory_space<vmem>>
        %dma_start3A_2083 = arith.constant 0 : i32
        %dma_start3A_2084 = tpu.memref_slice %arg6[%dma_start3A_2083, %multiple_of3A_2077] : memref<16x1000001xf32, #tpu.memory_space<hbm>> -> memref<16x128xf32, #tpu.memory_space<hbm>>
        %dma_start3A_2085 = arith.constant 0 : i32
        %dma_start3A_2086 = arith.constant 0 : i32
        %dma_start3A_2087 = tpu.memref_slice %arg18[%dma_start3A_2078, %dma_start3A_2085, %dma_start3A_2086] : memref<32x16x128xf32, #tpu.memory_space<vmem>> -> memref<1x16x128xf32, #tpu.memory_space<vmem>>
        %dma_start3A_2088 = tpu.memref_squeeze %dma_start3A_2087 : memref<1x16x128xf32, #tpu.memory_space<vmem>> -> memref<16x128xf32, #tpu.memory_space<vmem>>
        %dma_start3A_2089 = arith.constant 0 : i32
        %dma_start3A_2090 = tpu.memref_slice %arg6[%dma_start3A_2089, %multiple_of3A_2077] : memref<16x1000001xf32, #tpu.memory_space<hbm>> -> memref<16x128xf32, #tpu.memory_space<hbm>>
        tpu.enqueue_dma source(%dma_start3A_2090 : memref<16x128xf32, #tpu.memory_space<hbm>>) target(%dma_start3A_2088 : memref<16x128xf32, #tpu.memory_space<vmem>>) target_semaphore(%arg21 : memref<!tpu.dma_semaphore, #tpu.memory_space<semaphore_mem>>)
        %slice3A_2091 = vector.extract_strided_slice %and3A_1898 {offsets = [12], sizes = [1], strides = [1]} : vector<16xi32> to vector<1xi32>
        %squeeze3A_2092 = vector.extract %slice3A_2091[0] : i32 from vector<1xi32>
        %multiple_of3A_2093 = tpu.assume_multiple %squeeze3A_2092, 128 : i32
        %dma_start3A_2094 = arith.constant 12 : i32
        %dma_start3A_2095 = arith.constant 0 : i32
        %dma_start3A_2096 = arith.constant 0 : i32
        %dma_start3A_2097 = tpu.memref_slice %arg18[%dma_start3A_2094, %dma_start3A_2095, %dma_start3A_2096] : memref<32x16x128xf32, #tpu.memory_space<vmem>> -> memref<1x16x128xf32, #tpu.memory_space<vmem>>
        %dma_start3A_2098 = tpu.memref_squeeze %dma_start3A_2097 : memref<1x16x128xf32, #tpu.memory_space<vmem>> -> memref<16x128xf32, #tpu.memory_space<vmem>>
        %dma_start3A_2099 = arith.constant 0 : i32
        %dma_start3A_2100 = tpu.memref_slice %arg6[%dma_start3A_2099, %multiple_of3A_2093] : memref<16x1000001xf32, #tpu.memory_space<hbm>> -> memref<16x128xf32, #tpu.memory_space<hbm>>
        %dma_start3A_2101 = arith.constant 0 : i32
        %dma_start3A_2102 = arith.constant 0 : i32
        %dma_start3A_2103 = tpu.memref_slice %arg18[%dma_start3A_2094, %dma_start3A_2101, %dma_start3A_2102] : memref<32x16x128xf32, #tpu.memory_space<vmem>> -> memref<1x16x128xf32, #tpu.memory_space<vmem>>
        %dma_start3A_2104 = tpu.memref_squeeze %dma_start3A_2103 : memref<1x16x128xf32, #tpu.memory_space<vmem>> -> memref<16x128xf32, #tpu.memory_space<vmem>>
        %dma_start3A_2105 = arith.constant 0 : i32
        %dma_start3A_2106 = tpu.memref_slice %arg6[%dma_start3A_2105, %multiple_of3A_2093] : memref<16x1000001xf32, #tpu.memory_space<hbm>> -> memref<16x128xf32, #tpu.memory_space<hbm>>
        tpu.enqueue_dma source(%dma_start3A_2106 : memref<16x128xf32, #tpu.memory_space<hbm>>) target(%dma_start3A_2104 : memref<16x128xf32, #tpu.memory_space<vmem>>) target_semaphore(%arg21 : memref<!tpu.dma_semaphore, #tpu.memory_space<semaphore_mem>>)
        %slice3A_2107 = vector.extract_strided_slice %and3A_1898 {offsets = [13], sizes = [1], strides = [1]} : vector<16xi32> to vector<1xi32>
        %squeeze3A_2108 = vector.extract %slice3A_2107[0] : i32 from vector<1xi32>
        %multiple_of3A_2109 = tpu.assume_multiple %squeeze3A_2108, 128 : i32
        %dma_start3A_2110 = arith.constant 13 : i32
        %dma_start3A_2111 = arith.constant 0 : i32
        %dma_start3A_2112 = arith.constant 0 : i32
        %dma_start3A_2113 = tpu.memref_slice %arg18[%dma_start3A_2110, %dma_start3A_2111, %dma_start3A_2112] : memref<32x16x128xf32, #tpu.memory_space<vmem>> -> memref<1x16x128xf32, #tpu.memory_space<vmem>>
        %dma_start3A_2114 = tpu.memref_squeeze %dma_start3A_2113 : memref<1x16x128xf32, #tpu.memory_space<vmem>> -> memref<16x128xf32, #tpu.memory_space<vmem>>
        %dma_start3A_2115 = arith.constant 0 : i32
        %dma_start3A_2116 = tpu.memref_slice %arg6[%dma_start3A_2115, %multiple_of3A_2109] : memref<16x1000001xf32, #tpu.memory_space<hbm>> -> memref<16x128xf32, #tpu.memory_space<hbm>>
        %dma_start3A_2117 = arith.constant 0 : i32
        %dma_start3A_2118 = arith.constant 0 : i32
        %dma_start3A_2119 = tpu.memref_slice %arg18[%dma_start3A_2110, %dma_start3A_2117, %dma_start3A_2118] : memref<32x16x128xf32, #tpu.memory_space<vmem>> -> memref<1x16x128xf32, #tpu.memory_space<vmem>>
        %dma_start3A_2120 = tpu.memref_squeeze %dma_start3A_2119 : memref<1x16x128xf32, #tpu.memory_space<vmem>> -> memref<16x128xf32, #tpu.memory_space<vmem>>
        %dma_start3A_2121 = arith.constant 0 : i32
        %dma_start3A_2122 = tpu.memref_slice %arg6[%dma_start3A_2121, %multiple_of3A_2109] : memref<16x1000001xf32, #tpu.memory_space<hbm>> -> memref<16x128xf32, #tpu.memory_space<hbm>>
        tpu.enqueue_dma source(%dma_start3A_2122 : memref<16x128xf32, #tpu.memory_space<hbm>>) target(%dma_start3A_2120 : memref<16x128xf32, #tpu.memory_space<vmem>>) target_semaphore(%arg21 : memref<!tpu.dma_semaphore, #tpu.memory_space<semaphore_mem>>)
        %slice3A_2123 = vector.extract_strided_slice %and3A_1898 {offsets = [14], sizes = [1], strides = [1]} : vector<16xi32> to vector<1xi32>
        %squeeze3A_2124 = vector.extract %slice3A_2123[0] : i32 from vector<1xi32>
        %multiple_of3A_2125 = tpu.assume_multiple %squeeze3A_2124, 128 : i32
        %dma_start3A_2126 = arith.constant 14 : i32
        %dma_start3A_2127 = arith.constant 0 : i32
        %dma_start3A_2128 = arith.constant 0 : i32
        %dma_start3A_2129 = tpu.memref_slice %arg18[%dma_start3A_2126, %dma_start3A_2127, %dma_start3A_2128] : memref<32x16x128xf32, #tpu.memory_space<vmem>> -> memref<1x16x128xf32, #tpu.memory_space<vmem>>
        %dma_start3A_2130 = tpu.memref_squeeze %dma_start3A_2129 : memref<1x16x128xf32, #tpu.memory_space<vmem>> -> memref<16x128xf32, #tpu.memory_space<vmem>>
        %dma_start3A_2131 = arith.constant 0 : i32
        %dma_start3A_2132 = tpu.memref_slice %arg6[%dma_start3A_2131, %multiple_of3A_2125] : memref<16x1000001xf32, #tpu.memory_space<hbm>> -> memref<16x128xf32, #tpu.memory_space<hbm>>
        %dma_start3A_2133 = arith.constant 0 : i32
        %dma_start3A_2134 = arith.constant 0 : i32
        %dma_start3A_2135 = tpu.memref_slice %arg18[%dma_start3A_2126, %dma_start3A_2133, %dma_start3A_2134] : memref<32x16x128xf32, #tpu.memory_space<vmem>> -> memref<1x16x128xf32, #tpu.memory_space<vmem>>
        %dma_start3A_2136 = tpu.memref_squeeze %dma_start3A_2135 : memref<1x16x128xf32, #tpu.memory_space<vmem>> -> memref<16x128xf32, #tpu.memory_space<vmem>>
        %dma_start3A_2137 = arith.constant 0 : i32
        %dma_start3A_2138 = tpu.memref_slice %arg6[%dma_start3A_2137, %multiple_of3A_2125] : memref<16x1000001xf32, #tpu.memory_space<hbm>> -> memref<16x128xf32, #tpu.memory_space<hbm>>
        tpu.enqueue_dma source(%dma_start3A_2138 : memref<16x128xf32, #tpu.memory_space<hbm>>) target(%dma_start3A_2136 : memref<16x128xf32, #tpu.memory_space<vmem>>) target_semaphore(%arg21 : memref<!tpu.dma_semaphore, #tpu.memory_space<semaphore_mem>>)
        %slice3A_2139 = vector.extract_strided_slice %and3A_1898 {offsets = [15], sizes = [1], strides = [1]} : vector<16xi32> to vector<1xi32>
        %squeeze3A_2140 = vector.extract %slice3A_2139[0] : i32 from vector<1xi32>
        %multiple_of3A_2141 = tpu.assume_multiple %squeeze3A_2140, 128 : i32
        %dma_start3A_2142 = arith.constant 15 : i32
        %dma_start3A_2143 = arith.constant 0 : i32
        %dma_start3A_2144 = arith.constant 0 : i32
        %dma_start3A_2145 = tpu.memref_slice %arg18[%dma_start3A_2142, %dma_start3A_2143, %dma_start3A_2144] : memref<32x16x128xf32, #tpu.memory_space<vmem>> -> memref<1x16x128xf32, #tpu.memory_space<vmem>>
        %dma_start3A_2146 = tpu.memref_squeeze %dma_start3A_2145 : memref<1x16x128xf32, #tpu.memory_space<vmem>> -> memref<16x128xf32, #tpu.memory_space<vmem>>
        %dma_start3A_2147 = arith.constant 0 : i32
        %dma_start3A_2148 = tpu.memref_slice %arg6[%dma_start3A_2147, %multiple_of3A_2141] : memref<16x1000001xf32, #tpu.memory_space<hbm>> -> memref<16x128xf32, #tpu.memory_space<hbm>>
        %dma_start3A_2149 = arith.constant 0 : i32
        %dma_start3A_2150 = arith.constant 0 : i32
        %dma_start3A_2151 = tpu.memref_slice %arg18[%dma_start3A_2142, %dma_start3A_2149, %dma_start3A_2150] : memref<32x16x128xf32, #tpu.memory_space<vmem>> -> memref<1x16x128xf32, #tpu.memory_space<vmem>>
        %dma_start3A_2152 = tpu.memref_squeeze %dma_start3A_2151 : memref<1x16x128xf32, #tpu.memory_space<vmem>> -> memref<16x128xf32, #tpu.memory_space<vmem>>
        %dma_start3A_2153 = arith.constant 0 : i32
        %dma_start3A_2154 = tpu.memref_slice %arg6[%dma_start3A_2153, %multiple_of3A_2141] : memref<16x1000001xf32, #tpu.memory_space<hbm>> -> memref<16x128xf32, #tpu.memory_space<hbm>>
        tpu.enqueue_dma source(%dma_start3A_2154 : memref<16x128xf32, #tpu.memory_space<hbm>>) target(%dma_start3A_2152 : memref<16x128xf32, #tpu.memory_space<vmem>>) target_semaphore(%arg21 : memref<!tpu.dma_semaphore, #tpu.memory_space<semaphore_mem>>)
      } else {
      }
      %dma_wait3A_1209 = arith.constant 16 : i32
      %dma_wait3A_1210 = arith.constant 0 : i32
      %dma_wait3A_1211 = arith.constant 0 : i32
      %dma_wait3A_1212 = tpu.memref_slice %arg18[%dma_wait3A_1209, %dma_wait3A_1210, %dma_wait3A_1211] : memref<32x16x128xf32, #tpu.memory_space<vmem>> -> memref<1x16x128xf32, #tpu.memory_space<vmem>>
      %dma_wait3A_1213 = tpu.memref_squeeze %dma_wait3A_1212 : memref<1x16x128xf32, #tpu.memory_space<vmem>> -> memref<16x128xf32, #tpu.memory_space<vmem>>
      %dma_wait3A_1214 = arith.constant 0 : i32
      %dma_wait3A_1215 = arith.constant 0 : i32
      %dma_wait3A_1216 = tpu.memref_slice %arg6[%dma_wait3A_1214, %dma_wait3A_1215] : memref<16x1000001xf32, #tpu.memory_space<hbm>> -> memref<16x128xf32, #tpu.memory_space<hbm>>
      %dma_wait3A_1217 = arith.constant 0 : i32
      %dma_wait3A_1218 = arith.constant 0 : i32
      %dma_wait3A_1219 = tpu.memref_slice %arg18[%dma_wait3A_1209, %dma_wait3A_1217, %dma_wait3A_1218] : memref<32x16x128xf32, #tpu.memory_space<vmem>> -> memref<1x16x128xf32, #tpu.memory_space<vmem>>
      %dma_wait3A_1220 = tpu.memref_squeeze %dma_wait3A_1219 : memref<1x16x128xf32, #tpu.memory_space<vmem>> -> memref<16x128xf32, #tpu.memory_space<vmem>>
      %dma_wait3A_1221 = arith.constant 0 : i32
      %dma_wait3A_1222 = arith.constant 0 : i32
      %dma_wait3A_1223 = tpu.memref_slice %arg6[%dma_wait3A_1221, %dma_wait3A_1222] : memref<16x1000001xf32, #tpu.memory_space<hbm>> -> memref<16x128xf32, #tpu.memory_space<hbm>>
      tpu.wait_dma2 semaphore(%arg22 : memref<!tpu.dma_semaphore, #tpu.memory_space<semaphore_mem>>) src(%dma_wait3A_1223 : memref<16x128xf32, #tpu.memory_space<hbm>>) dst(%dma_wait3A_1220 : memref<16x128xf32, #tpu.memory_space<vmem>>)
      %dma_wait3A_1224 = arith.constant 17 : i32
      %dma_wait3A_1225 = arith.constant 0 : i32
      %dma_wait3A_1226 = arith.constant 0 : i32
      %dma_wait3A_1227 = tpu.memref_slice %arg18[%dma_wait3A_1224, %dma_wait3A_1225, %dma_wait3A_1226] : memref<32x16x128xf32, #tpu.memory_space<vmem>> -> memref<1x16x128xf32, #tpu.memory_space<vmem>>
      %dma_wait3A_1228 = tpu.memref_squeeze %dma_wait3A_1227 : memref<1x16x128xf32, #tpu.memory_space<vmem>> -> memref<16x128xf32, #tpu.memory_space<vmem>>
      %dma_wait3A_1229 = arith.constant 0 : i32
      %dma_wait3A_1230 = arith.constant 0 : i32
      %dma_wait3A_1231 = tpu.memref_slice %arg6[%dma_wait3A_1229, %dma_wait3A_1230] : memref<16x1000001xf32, #tpu.memory_space<hbm>> -> memref<16x128xf32, #tpu.memory_space<hbm>>
      %dma_wait3A_1232 = arith.constant 0 : i32
      %dma_wait3A_1233 = arith.constant 0 : i32
      %dma_wait3A_1234 = tpu.memref_slice %arg18[%dma_wait3A_1224, %dma_wait3A_1232, %dma_wait3A_1233] : memref<32x16x128xf32, #tpu.memory_space<vmem>> -> memref<1x16x128xf32, #tpu.memory_space<vmem>>
      %dma_wait3A_1235 = tpu.memref_squeeze %dma_wait3A_1234 : memref<1x16x128xf32, #tpu.memory_space<vmem>> -> memref<16x128xf32, #tpu.memory_space<vmem>>
      %dma_wait3A_1236 = arith.constant 0 : i32
      %dma_wait3A_1237 = arith.constant 0 : i32
      %dma_wait3A_1238 = tpu.memref_slice %arg6[%dma_wait3A_1236, %dma_wait3A_1237] : memref<16x1000001xf32, #tpu.memory_space<hbm>> -> memref<16x128xf32, #tpu.memory_space<hbm>>
      tpu.wait_dma2 semaphore(%arg22 : memref<!tpu.dma_semaphore, #tpu.memory_space<semaphore_mem>>) src(%dma_wait3A_1238 : memref<16x128xf32, #tpu.memory_space<hbm>>) dst(%dma_wait3A_1235 : memref<16x128xf32, #tpu.memory_space<vmem>>)
      %dma_wait3A_1239 = arith.constant 18 : i32
      %dma_wait3A_1240 = arith.constant 0 : i32
      %dma_wait3A_1241 = arith.constant 0 : i32
      %dma_wait3A_1242 = tpu.memref_slice %arg18[%dma_wait3A_1239, %dma_wait3A_1240, %dma_wait3A_1241] : memref<32x16x128xf32, #tpu.memory_space<vmem>> -> memref<1x16x128xf32, #tpu.memory_space<vmem>>
      %dma_wait3A_1243 = tpu.memref_squeeze %dma_wait3A_1242 : memref<1x16x128xf32, #tpu.memory_space<vmem>> -> memref<16x128xf32, #tpu.memory_space<vmem>>
      %dma_wait3A_1244 = arith.constant 0 : i32
      %dma_wait3A_1245 = arith.constant 0 : i32
      %dma_wait3A_1246 = tpu.memref_slice %arg6[%dma_wait3A_1244, %dma_wait3A_1245] : memref<16x1000001xf32, #tpu.memory_space<hbm>> -> memref<16x128xf32, #tpu.memory_space<hbm>>
      %dma_wait3A_1247 = arith.constant 0 : i32
      %dma_wait3A_1248 = arith.constant 0 : i32
      %dma_wait3A_1249 = tpu.memref_slice %arg18[%dma_wait3A_1239, %dma_wait3A_1247, %dma_wait3A_1248] : memref<32x16x128xf32, #tpu.memory_space<vmem>> -> memref<1x16x128xf32, #tpu.memory_space<vmem>>
      %dma_wait3A_1250 = tpu.memref_squeeze %dma_wait3A_1249 : memref<1x16x128xf32, #tpu.memory_space<vmem>> -> memref<16x128xf32, #tpu.memory_space<vmem>>
      %dma_wait3A_1251 = arith.constant 0 : i32
      %dma_wait3A_1252 = arith.constant 0 : i32
      %dma_wait3A_1253 = tpu.memref_slice %arg6[%dma_wait3A_1251, %dma_wait3A_1252] : memref<16x1000001xf32, #tpu.memory_space<hbm>> -> memref<16x128xf32, #tpu.memory_space<hbm>>
      tpu.wait_dma2 semaphore(%arg22 : memref<!tpu.dma_semaphore, #tpu.memory_space<semaphore_mem>>) src(%dma_wait3A_1253 : memref<16x128xf32, #tpu.memory_space<hbm>>) dst(%dma_wait3A_1250 : memref<16x128xf32, #tpu.memory_space<vmem>>)
      %dma_wait3A_1254 = arith.constant 19 : i32
      %dma_wait3A_1255 = arith.constant 0 : i32
      %dma_wait3A_1256 = arith.constant 0 : i32
      %dma_wait3A_1257 = tpu.memref_slice %arg18[%dma_wait3A_1254, %dma_wait3A_1255, %dma_wait3A_1256] : memref<32x16x128xf32, #tpu.memory_space<vmem>> -> memref<1x16x128xf32, #tpu.memory_space<vmem>>
      %dma_wait3A_1258 = tpu.memref_squeeze %dma_wait3A_1257 : memref<1x16x128xf32, #tpu.memory_space<vmem>> -> memref<16x128xf32, #tpu.memory_space<vmem>>
      %dma_wait3A_1259 = arith.constant 0 : i32
      %dma_wait3A_1260 = arith.constant 0 : i32
      %dma_wait3A_1261 = tpu.memref_slice %arg6[%dma_wait3A_1259, %dma_wait3A_1260] : memref<16x1000001xf32, #tpu.memory_space<hbm>> -> memref<16x128xf32, #tpu.memory_space<hbm>>
      %dma_wait3A_1262 = arith.constant 0 : i32
      %dma_wait3A_1263 = arith.constant 0 : i32
      %dma_wait3A_1264 = tpu.memref_slice %arg18[%dma_wait3A_1254, %dma_wait3A_1262, %dma_wait3A_1263] : memref<32x16x128xf32, #tpu.memory_space<vmem>> -> memref<1x16x128xf32, #tpu.memory_space<vmem>>
      %dma_wait3A_1265 = tpu.memref_squeeze %dma_wait3A_1264 : memref<1x16x128xf32, #tpu.memory_space<vmem>> -> memref<16x128xf32, #tpu.memory_space<vmem>>
      %dma_wait3A_1266 = arith.constant 0 : i32
      %dma_wait3A_1267 = arith.constant 0 : i32
      %dma_wait3A_1268 = tpu.memref_slice %arg6[%dma_wait3A_1266, %dma_wait3A_1267] : memref<16x1000001xf32, #tpu.memory_space<hbm>> -> memref<16x128xf32, #tpu.memory_space<hbm>>
      tpu.wait_dma2 semaphore(%arg22 : memref<!tpu.dma_semaphore, #tpu.memory_space<semaphore_mem>>) src(%dma_wait3A_1268 : memref<16x128xf32, #tpu.memory_space<hbm>>) dst(%dma_wait3A_1265 : memref<16x128xf32, #tpu.memory_space<vmem>>)
      %dma_wait3A_1269 = arith.constant 20 : i32
      %dma_wait3A_1270 = arith.constant 0 : i32
      %dma_wait3A_1271 = arith.constant 0 : i32
      %dma_wait3A_1272 = tpu.memref_slice %arg18[%dma_wait3A_1269, %dma_wait3A_1270, %dma_wait3A_1271] : memref<32x16x128xf32, #tpu.memory_space<vmem>> -> memref<1x16x128xf32, #tpu.memory_space<vmem>>
      %dma_wait3A_1273 = tpu.memref_squeeze %dma_wait3A_1272 : memref<1x16x128xf32, #tpu.memory_space<vmem>> -> memref<16x128xf32, #tpu.memory_space<vmem>>
      %dma_wait3A_1274 = arith.constant 0 : i32
      %dma_wait3A_1275 = arith.constant 0 : i32
      %dma_wait3A_1276 = tpu.memref_slice %arg6[%dma_wait3A_1274, %dma_wait3A_1275] : memref<16x1000001xf32, #tpu.memory_space<hbm>> -> memref<16x128xf32, #tpu.memory_space<hbm>>
      %dma_wait3A_1277 = arith.constant 0 : i32
      %dma_wait3A_1278 = arith.constant 0 : i32
      %dma_wait3A_1279 = tpu.memref_slice %arg18[%dma_wait3A_1269, %dma_wait3A_1277, %dma_wait3A_1278] : memref<32x16x128xf32, #tpu.memory_space<vmem>> -> memref<1x16x128xf32, #tpu.memory_space<vmem>>
      %dma_wait3A_1280 = tpu.memref_squeeze %dma_wait3A_1279 : memref<1x16x128xf32, #tpu.memory_space<vmem>> -> memref<16x128xf32, #tpu.memory_space<vmem>>
      %dma_wait3A_1281 = arith.constant 0 : i32
      %dma_wait3A_1282 = arith.constant 0 : i32
      %dma_wait3A_1283 = tpu.memref_slice %arg6[%dma_wait3A_1281, %dma_wait3A_1282] : memref<16x1000001xf32, #tpu.memory_space<hbm>> -> memref<16x128xf32, #tpu.memory_space<hbm>>
      tpu.wait_dma2 semaphore(%arg22 : memref<!tpu.dma_semaphore, #tpu.memory_space<semaphore_mem>>) src(%dma_wait3A_1283 : memref<16x128xf32, #tpu.memory_space<hbm>>) dst(%dma_wait3A_1280 : memref<16x128xf32, #tpu.memory_space<vmem>>)
      %dma_wait3A_1284 = arith.constant 21 : i32
      %dma_wait3A_1285 = arith.constant 0 : i32
      %dma_wait3A_1286 = arith.constant 0 : i32
      %dma_wait3A_1287 = tpu.memref_slice %arg18[%dma_wait3A_1284, %dma_wait3A_1285, %dma_wait3A_1286] : memref<32x16x128xf32, #tpu.memory_space<vmem>> -> memref<1x16x128xf32, #tpu.memory_space<vmem>>
      %dma_wait3A_1288 = tpu.memref_squeeze %dma_wait3A_1287 : memref<1x16x128xf32, #tpu.memory_space<vmem>> -> memref<16x128xf32, #tpu.memory_space<vmem>>
      %dma_wait3A_1289 = arith.constant 0 : i32
      %dma_wait3A_1290 = arith.constant 0 : i32
      %dma_wait3A_1291 = tpu.memref_slice %arg6[%dma_wait3A_1289, %dma_wait3A_1290] : memref<16x1000001xf32, #tpu.memory_space<hbm>> -> memref<16x128xf32, #tpu.memory_space<hbm>>
      %dma_wait3A_1292 = arith.constant 0 : i32
      %dma_wait3A_1293 = arith.constant 0 : i32
      %dma_wait3A_1294 = tpu.memref_slice %arg18[%dma_wait3A_1284, %dma_wait3A_1292, %dma_wait3A_1293] : memref<32x16x128xf32, #tpu.memory_space<vmem>> -> memref<1x16x128xf32, #tpu.memory_space<vmem>>
      %dma_wait3A_1295 = tpu.memref_squeeze %dma_wait3A_1294 : memref<1x16x128xf32, #tpu.memory_space<vmem>> -> memref<16x128xf32, #tpu.memory_space<vmem>>
      %dma_wait3A_1296 = arith.constant 0 : i32
      %dma_wait3A_1297 = arith.constant 0 : i32
      %dma_wait3A_1298 = tpu.memref_slice %arg6[%dma_wait3A_1296, %dma_wait3A_1297] : memref<16x1000001xf32, #tpu.memory_space<hbm>> -> memref<16x128xf32, #tpu.memory_space<hbm>>
      tpu.wait_dma2 semaphore(%arg22 : memref<!tpu.dma_semaphore, #tpu.memory_space<semaphore_mem>>) src(%dma_wait3A_1298 : memref<16x128xf32, #tpu.memory_space<hbm>>) dst(%dma_wait3A_1295 : memref<16x128xf32, #tpu.memory_space<vmem>>)
      %dma_wait3A_1299 = arith.constant 22 : i32
      %dma_wait3A_1300 = arith.constant 0 : i32
      %dma_wait3A_1301 = arith.constant 0 : i32
      %dma_wait3A_1302 = tpu.memref_slice %arg18[%dma_wait3A_1299, %dma_wait3A_1300, %dma_wait3A_1301] : memref<32x16x128xf32, #tpu.memory_space<vmem>> -> memref<1x16x128xf32, #tpu.memory_space<vmem>>
      %dma_wait3A_1303 = tpu.memref_squeeze %dma_wait3A_1302 : memref<1x16x128xf32, #tpu.memory_space<vmem>> -> memref<16x128xf32, #tpu.memory_space<vmem>>
      %dma_wait3A_1304 = arith.constant 0 : i32
      %dma_wait3A_1305 = arith.constant 0 : i32
      %dma_wait3A_1306 = tpu.memref_slice %arg6[%dma_wait3A_1304, %dma_wait3A_1305] : memref<16x1000001xf32, #tpu.memory_space<hbm>> -> memref<16x128xf32, #tpu.memory_space<hbm>>
      %dma_wait3A_1307 = arith.constant 0 : i32
      %dma_wait3A_1308 = arith.constant 0 : i32
      %dma_wait3A_1309 = tpu.memref_slice %arg18[%dma_wait3A_1299, %dma_wait3A_1307, %dma_wait3A_1308] : memref<32x16x128xf32, #tpu.memory_space<vmem>> -> memref<1x16x128xf32, #tpu.memory_space<vmem>>
      %dma_wait3A_1310 = tpu.memref_squeeze %dma_wait3A_1309 : memref<1x16x128xf32, #tpu.memory_space<vmem>> -> memref<16x128xf32, #tpu.memory_space<vmem>>
      %dma_wait3A_1311 = arith.constant 0 : i32
      %dma_wait3A_1312 = arith.constant 0 : i32
      %dma_wait3A_1313 = tpu.memref_slice %arg6[%dma_wait3A_1311, %dma_wait3A_1312] : memref<16x1000001xf32, #tpu.memory_space<hbm>> -> memref<16x128xf32, #tpu.memory_space<hbm>>
      tpu.wait_dma2 semaphore(%arg22 : memref<!tpu.dma_semaphore, #tpu.memory_space<semaphore_mem>>) src(%dma_wait3A_1313 : memref<16x128xf32, #tpu.memory_space<hbm>>) dst(%dma_wait3A_1310 : memref<16x128xf32, #tpu.memory_space<vmem>>)
      %dma_wait3A_1314 = arith.constant 23 : i32
      %dma_wait3A_1315 = arith.constant 0 : i32
      %dma_wait3A_1316 = arith.constant 0 : i32
      %dma_wait3A_1317 = tpu.memref_slice %arg18[%dma_wait3A_1314, %dma_wait3A_1315, %dma_wait3A_1316] : memref<32x16x128xf32, #tpu.memory_space<vmem>> -> memref<1x16x128xf32, #tpu.memory_space<vmem>>
      %dma_wait3A_1318 = tpu.memref_squeeze %dma_wait3A_1317 : memref<1x16x128xf32, #tpu.memory_space<vmem>> -> memref<16x128xf32, #tpu.memory_space<vmem>>
      %dma_wait3A_1319 = arith.constant 0 : i32
      %dma_wait3A_1320 = arith.constant 0 : i32
      %dma_wait3A_1321 = tpu.memref_slice %arg6[%dma_wait3A_1319, %dma_wait3A_1320] : memref<16x1000001xf32, #tpu.memory_space<hbm>> -> memref<16x128xf32, #tpu.memory_space<hbm>>
      %dma_wait3A_1322 = arith.constant 0 : i32
      %dma_wait3A_1323 = arith.constant 0 : i32
      %dma_wait3A_1324 = tpu.memref_slice %arg18[%dma_wait3A_1314, %dma_wait3A_1322, %dma_wait3A_1323] : memref<32x16x128xf32, #tpu.memory_space<vmem>> -> memref<1x16x128xf32, #tpu.memory_space<vmem>>
      %dma_wait3A_1325 = tpu.memref_squeeze %dma_wait3A_1324 : memref<1x16x128xf32, #tpu.memory_space<vmem>> -> memref<16x128xf32, #tpu.memory_space<vmem>>
      %dma_wait3A_1326 = arith.constant 0 : i32
      %dma_wait3A_1327 = arith.constant 0 : i32
      %dma_wait3A_1328 = tpu.memref_slice %arg6[%dma_wait3A_1326, %dma_wait3A_1327] : memref<16x1000001xf32, #tpu.memory_space<hbm>> -> memref<16x128xf32, #tpu.memory_space<hbm>>
      tpu.wait_dma2 semaphore(%arg22 : memref<!tpu.dma_semaphore, #tpu.memory_space<semaphore_mem>>) src(%dma_wait3A_1328 : memref<16x128xf32, #tpu.memory_space<hbm>>) dst(%dma_wait3A_1325 : memref<16x128xf32, #tpu.memory_space<vmem>>)
      %dma_wait3A_1329 = arith.constant 24 : i32
      %dma_wait3A_1330 = arith.constant 0 : i32
      %dma_wait3A_1331 = arith.constant 0 : i32
      %dma_wait3A_1332 = tpu.memref_slice %arg18[%dma_wait3A_1329, %dma_wait3A_1330, %dma_wait3A_1331] : memref<32x16x128xf32, #tpu.memory_space<vmem>> -> memref<1x16x128xf32, #tpu.memory_space<vmem>>
      %dma_wait3A_1333 = tpu.memref_squeeze %dma_wait3A_1332 : memref<1x16x128xf32, #tpu.memory_space<vmem>> -> memref<16x128xf32, #tpu.memory_space<vmem>>
      %dma_wait3A_1334 = arith.constant 0 : i32
      %dma_wait3A_1335 = arith.constant 0 : i32
      %dma_wait3A_1336 = tpu.memref_slice %arg6[%dma_wait3A_1334, %dma_wait3A_1335] : memref<16x1000001xf32, #tpu.memory_space<hbm>> -> memref<16x128xf32, #tpu.memory_space<hbm>>
      %dma_wait3A_1337 = arith.constant 0 : i32
      %dma_wait3A_1338 = arith.constant 0 : i32
      %dma_wait3A_1339 = tpu.memref_slice %arg18[%dma_wait3A_1329, %dma_wait3A_1337, %dma_wait3A_1338] : memref<32x16x128xf32, #tpu.memory_space<vmem>> -> memref<1x16x128xf32, #tpu.memory_space<vmem>>
      %dma_wait3A_1340 = tpu.memref_squeeze %dma_wait3A_1339 : memref<1x16x128xf32, #tpu.memory_space<vmem>> -> memref<16x128xf32, #tpu.memory_space<vmem>>
      %dma_wait3A_1341 = arith.constant 0 : i32
      %dma_wait3A_1342 = arith.constant 0 : i32
      %dma_wait3A_1343 = tpu.memref_slice %arg6[%dma_wait3A_1341, %dma_wait3A_1342] : memref<16x1000001xf32, #tpu.memory_space<hbm>> -> memref<16x128xf32, #tpu.memory_space<hbm>>
      tpu.wait_dma2 semaphore(%arg22 : memref<!tpu.dma_semaphore, #tpu.memory_space<semaphore_mem>>) src(%dma_wait3A_1343 : memref<16x128xf32, #tpu.memory_space<hbm>>) dst(%dma_wait3A_1340 : memref<16x128xf32, #tpu.memory_space<vmem>>)
      %dma_wait3A_1344 = arith.constant 25 : i32
      %dma_wait3A_1345 = arith.constant 0 : i32
      %dma_wait3A_1346 = arith.constant 0 : i32
      %dma_wait3A_1347 = tpu.memref_slice %arg18[%dma_wait3A_1344, %dma_wait3A_1345, %dma_wait3A_1346] : memref<32x16x128xf32, #tpu.memory_space<vmem>> -> memref<1x16x128xf32, #tpu.memory_space<vmem>>
      %dma_wait3A_1348 = tpu.memref_squeeze %dma_wait3A_1347 : memref<1x16x128xf32, #tpu.memory_space<vmem>> -> memref<16x128xf32, #tpu.memory_space<vmem>>
      %dma_wait3A_1349 = arith.constant 0 : i32
      %dma_wait3A_1350 = arith.constant 0 : i32
      %dma_wait3A_1351 = tpu.memref_slice %arg6[%dma_wait3A_1349, %dma_wait3A_1350] : memref<16x1000001xf32, #tpu.memory_space<hbm>> -> memref<16x128xf32, #tpu.memory_space<hbm>>
      %dma_wait3A_1352 = arith.constant 0 : i32
      %dma_wait3A_1353 = arith.constant 0 : i32
      %dma_wait3A_1354 = tpu.memref_slice %arg18[%dma_wait3A_1344, %dma_wait3A_1352, %dma_wait3A_1353] : memref<32x16x128xf32, #tpu.memory_space<vmem>> -> memref<1x16x128xf32, #tpu.memory_space<vmem>>
      %dma_wait3A_1355 = tpu.memref_squeeze %dma_wait3A_1354 : memref<1x16x128xf32, #tpu.memory_space<vmem>> -> memref<16x128xf32, #tpu.memory_space<vmem>>
      %dma_wait3A_1356 = arith.constant 0 : i32
      %dma_wait3A_1357 = arith.constant 0 : i32
      %dma_wait3A_1358 = tpu.memref_slice %arg6[%dma_wait3A_1356, %dma_wait3A_1357] : memref<16x1000001xf32, #tpu.memory_space<hbm>> -> memref<16x128xf32, #tpu.memory_space<hbm>>
      tpu.wait_dma2 semaphore(%arg22 : memref<!tpu.dma_semaphore, #tpu.memory_space<semaphore_mem>>) src(%dma_wait3A_1358 : memref<16x128xf32, #tpu.memory_space<hbm>>) dst(%dma_wait3A_1355 : memref<16x128xf32, #tpu.memory_space<vmem>>)
      %dma_wait3A_1359 = arith.constant 26 : i32
      %dma_wait3A_1360 = arith.constant 0 : i32
      %dma_wait3A_1361 = arith.constant 0 : i32
      %dma_wait3A_1362 = tpu.memref_slice %arg18[%dma_wait3A_1359, %dma_wait3A_1360, %dma_wait3A_1361] : memref<32x16x128xf32, #tpu.memory_space<vmem>> -> memref<1x16x128xf32, #tpu.memory_space<vmem>>
      %dma_wait3A_1363 = tpu.memref_squeeze %dma_wait3A_1362 : memref<1x16x128xf32, #tpu.memory_space<vmem>> -> memref<16x128xf32, #tpu.memory_space<vmem>>
      %dma_wait3A_1364 = arith.constant 0 : i32
      %dma_wait3A_1365 = arith.constant 0 : i32
      %dma_wait3A_1366 = tpu.memref_slice %arg6[%dma_wait3A_1364, %dma_wait3A_1365] : memref<16x1000001xf32, #tpu.memory_space<hbm>> -> memref<16x128xf32, #tpu.memory_space<hbm>>
      %dma_wait3A_1367 = arith.constant 0 : i32
      %dma_wait3A_1368 = arith.constant 0 : i32
      %dma_wait3A_1369 = tpu.memref_slice %arg18[%dma_wait3A_1359, %dma_wait3A_1367, %dma_wait3A_1368] : memref<32x16x128xf32, #tpu.memory_space<vmem>> -> memref<1x16x128xf32, #tpu.memory_space<vmem>>
      %dma_wait3A_1370 = tpu.memref_squeeze %dma_wait3A_1369 : memref<1x16x128xf32, #tpu.memory_space<vmem>> -> memref<16x128xf32, #tpu.memory_space<vmem>>
      %dma_wait3A_1371 = arith.constant 0 : i32
      %dma_wait3A_1372 = arith.constant 0 : i32
      %dma_wait3A_1373 = tpu.memref_slice %arg6[%dma_wait3A_1371, %dma_wait3A_1372] : memref<16x1000001xf32, #tpu.memory_space<hbm>> -> memref<16x128xf32, #tpu.memory_space<hbm>>
      tpu.wait_dma2 semaphore(%arg22 : memref<!tpu.dma_semaphore, #tpu.memory_space<semaphore_mem>>) src(%dma_wait3A_1373 : memref<16x128xf32, #tpu.memory_space<hbm>>) dst(%dma_wait3A_1370 : memref<16x128xf32, #tpu.memory_space<vmem>>)
      %dma_wait3A_1374 = arith.constant 27 : i32
      %dma_wait3A_1375 = arith.constant 0 : i32
      %dma_wait3A_1376 = arith.constant 0 : i32
      %dma_wait3A_1377 = tpu.memref_slice %arg18[%dma_wait3A_1374, %dma_wait3A_1375, %dma_wait3A_1376] : memref<32x16x128xf32, #tpu.memory_space<vmem>> -> memref<1x16x128xf32, #tpu.memory_space<vmem>>
      %dma_wait3A_1378 = tpu.memref_squeeze %dma_wait3A_1377 : memref<1x16x128xf32, #tpu.memory_space<vmem>> -> memref<16x128xf32, #tpu.memory_space<vmem>>
      %dma_wait3A_1379 = arith.constant 0 : i32
      %dma_wait3A_1380 = arith.constant 0 : i32
      %dma_wait3A_1381 = tpu.memref_slice %arg6[%dma_wait3A_1379, %dma_wait3A_1380] : memref<16x1000001xf32, #tpu.memory_space<hbm>> -> memref<16x128xf32, #tpu.memory_space<hbm>>
      %dma_wait3A_1382 = arith.constant 0 : i32
      %dma_wait3A_1383 = arith.constant 0 : i32
      %dma_wait3A_1384 = tpu.memref_slice %arg18[%dma_wait3A_1374, %dma_wait3A_1382, %dma_wait3A_1383] : memref<32x16x128xf32, #tpu.memory_space<vmem>> -> memref<1x16x128xf32, #tpu.memory_space<vmem>>
      %dma_wait3A_1385 = tpu.memref_squeeze %dma_wait3A_1384 : memref<1x16x128xf32, #tpu.memory_space<vmem>> -> memref<16x128xf32, #tpu.memory_space<vmem>>
      %dma_wait3A_1386 = arith.constant 0 : i32
      %dma_wait3A_1387 = arith.constant 0 : i32
      %dma_wait3A_1388 = tpu.memref_slice %arg6[%dma_wait3A_1386, %dma_wait3A_1387] : memref<16x1000001xf32, #tpu.memory_space<hbm>> -> memref<16x128xf32, #tpu.memory_space<hbm>>
      tpu.wait_dma2 semaphore(%arg22 : memref<!tpu.dma_semaphore, #tpu.memory_space<semaphore_mem>>) src(%dma_wait3A_1388 : memref<16x128xf32, #tpu.memory_space<hbm>>) dst(%dma_wait3A_1385 : memref<16x128xf32, #tpu.memory_space<vmem>>)
      %dma_wait3A_1389 = arith.constant 28 : i32
      %dma_wait3A_1390 = arith.constant 0 : i32
      %dma_wait3A_1391 = arith.constant 0 : i32
      %dma_wait3A_1392 = tpu.memref_slice %arg18[%dma_wait3A_1389, %dma_wait3A_1390, %dma_wait3A_1391] : memref<32x16x128xf32, #tpu.memory_space<vmem>> -> memref<1x16x128xf32, #tpu.memory_space<vmem>>
      %dma_wait3A_1393 = tpu.memref_squeeze %dma_wait3A_1392 : memref<1x16x128xf32, #tpu.memory_space<vmem>> -> memref<16x128xf32, #tpu.memory_space<vmem>>
      %dma_wait3A_1394 = arith.constant 0 : i32
      %dma_wait3A_1395 = arith.constant 0 : i32
      %dma_wait3A_1396 = tpu.memref_slice %arg6[%dma_wait3A_1394, %dma_wait3A_1395] : memref<16x1000001xf32, #tpu.memory_space<hbm>> -> memref<16x128xf32, #tpu.memory_space<hbm>>
      %dma_wait3A_1397 = arith.constant 0 : i32
      %dma_wait3A_1398 = arith.constant 0 : i32
      %dma_wait3A_1399 = tpu.memref_slice %arg18[%dma_wait3A_1389, %dma_wait3A_1397, %dma_wait3A_1398] : memref<32x16x128xf32, #tpu.memory_space<vmem>> -> memref<1x16x128xf32, #tpu.memory_space<vmem>>
      %dma_wait3A_1400 = tpu.memref_squeeze %dma_wait3A_1399 : memref<1x16x128xf32, #tpu.memory_space<vmem>> -> memref<16x128xf32, #tpu.memory_space<vmem>>
      %dma_wait3A_1401 = arith.constant 0 : i32
      %dma_wait3A_1402 = arith.constant 0 : i32
      %dma_wait3A_1403 = tpu.memref_slice %arg6[%dma_wait3A_1401, %dma_wait3A_1402] : memref<16x1000001xf32, #tpu.memory_space<hbm>> -> memref<16x128xf32, #tpu.memory_space<hbm>>
      tpu.wait_dma2 semaphore(%arg22 : memref<!tpu.dma_semaphore, #tpu.memory_space<semaphore_mem>>) src(%dma_wait3A_1403 : memref<16x128xf32, #tpu.memory_space<hbm>>) dst(%dma_wait3A_1400 : memref<16x128xf32, #tpu.memory_space<vmem>>)
      %dma_wait3A_1404 = arith.constant 29 : i32
      %dma_wait3A_1405 = arith.constant 0 : i32
      %dma_wait3A_1406 = arith.constant 0 : i32
      %dma_wait3A_1407 = tpu.memref_slice %arg18[%dma_wait3A_1404, %dma_wait3A_1405, %dma_wait3A_1406] : memref<32x16x128xf32, #tpu.memory_space<vmem>> -> memref<1x16x128xf32, #tpu.memory_space<vmem>>
      %dma_wait3A_1408 = tpu.memref_squeeze %dma_wait3A_1407 : memref<1x16x128xf32, #tpu.memory_space<vmem>> -> memref<16x128xf32, #tpu.memory_space<vmem>>
      %dma_wait3A_1409 = arith.constant 0 : i32
      %dma_wait3A_1410 = arith.constant 0 : i32
      %dma_wait3A_1411 = tpu.memref_slice %arg6[%dma_wait3A_1409, %dma_wait3A_1410] : memref<16x1000001xf32, #tpu.memory_space<hbm>> -> memref<16x128xf32, #tpu.memory_space<hbm>>
      %dma_wait3A_1412 = arith.constant 0 : i32
      %dma_wait3A_1413 = arith.constant 0 : i32
      %dma_wait3A_1414 = tpu.memref_slice %arg18[%dma_wait3A_1404, %dma_wait3A_1412, %dma_wait3A_1413] : memref<32x16x128xf32, #tpu.memory_space<vmem>> -> memref<1x16x128xf32, #tpu.memory_space<vmem>>
      %dma_wait3A_1415 = tpu.memref_squeeze %dma_wait3A_1414 : memref<1x16x128xf32, #tpu.memory_space<vmem>> -> memref<16x128xf32, #tpu.memory_space<vmem>>
      %dma_wait3A_1416 = arith.constant 0 : i32
      %dma_wait3A_1417 = arith.constant 0 : i32
      %dma_wait3A_1418 = tpu.memref_slice %arg6[%dma_wait3A_1416, %dma_wait3A_1417] : memref<16x1000001xf32, #tpu.memory_space<hbm>> -> memref<16x128xf32, #tpu.memory_space<hbm>>
      tpu.wait_dma2 semaphore(%arg22 : memref<!tpu.dma_semaphore, #tpu.memory_space<semaphore_mem>>) src(%dma_wait3A_1418 : memref<16x128xf32, #tpu.memory_space<hbm>>) dst(%dma_wait3A_1415 : memref<16x128xf32, #tpu.memory_space<vmem>>)
      %dma_wait3A_1419 = arith.constant 30 : i32
      %dma_wait3A_1420 = arith.constant 0 : i32
      %dma_wait3A_1421 = arith.constant 0 : i32
      %dma_wait3A_1422 = tpu.memref_slice %arg18[%dma_wait3A_1419, %dma_wait3A_1420, %dma_wait3A_1421] : memref<32x16x128xf32, #tpu.memory_space<vmem>> -> memref<1x16x128xf32, #tpu.memory_space<vmem>>
      %dma_wait3A_1423 = tpu.memref_squeeze %dma_wait3A_1422 : memref<1x16x128xf32, #tpu.memory_space<vmem>> -> memref<16x128xf32, #tpu.memory_space<vmem>>
      %dma_wait3A_1424 = arith.constant 0 : i32
      %dma_wait3A_1425 = arith.constant 0 : i32
      %dma_wait3A_1426 = tpu.memref_slice %arg6[%dma_wait3A_1424, %dma_wait3A_1425] : memref<16x1000001xf32, #tpu.memory_space<hbm>> -> memref<16x128xf32, #tpu.memory_space<hbm>>
      %dma_wait3A_1427 = arith.constant 0 : i32
      %dma_wait3A_1428 = arith.constant 0 : i32
      %dma_wait3A_1429 = tpu.memref_slice %arg18[%dma_wait3A_1419, %dma_wait3A_1427, %dma_wait3A_1428] : memref<32x16x128xf32, #tpu.memory_space<vmem>> -> memref<1x16x128xf32, #tpu.memory_space<vmem>>
      %dma_wait3A_1430 = tpu.memref_squeeze %dma_wait3A_1429 : memref<1x16x128xf32, #tpu.memory_space<vmem>> -> memref<16x128xf32, #tpu.memory_space<vmem>>
      %dma_wait3A_1431 = arith.constant 0 : i32
      %dma_wait3A_1432 = arith.constant 0 : i32
      %dma_wait3A_1433 = tpu.memref_slice %arg6[%dma_wait3A_1431, %dma_wait3A_1432] : memref<16x1000001xf32, #tpu.memory_space<hbm>> -> memref<16x128xf32, #tpu.memory_space<hbm>>
      tpu.wait_dma2 semaphore(%arg22 : memref<!tpu.dma_semaphore, #tpu.memory_space<semaphore_mem>>) src(%dma_wait3A_1433 : memref<16x128xf32, #tpu.memory_space<hbm>>) dst(%dma_wait3A_1430 : memref<16x128xf32, #tpu.memory_space<vmem>>)
      %dma_wait3A_1434 = arith.constant 31 : i32
      %dma_wait3A_1435 = arith.constant 0 : i32
      %dma_wait3A_1436 = arith.constant 0 : i32
      %dma_wait3A_1437 = tpu.memref_slice %arg18[%dma_wait3A_1434, %dma_wait3A_1435, %dma_wait3A_1436] : memref<32x16x128xf32, #tpu.memory_space<vmem>> -> memref<1x16x128xf32, #tpu.memory_space<vmem>>
      %dma_wait3A_1438 = tpu.memref_squeeze %dma_wait3A_1437 : memref<1x16x128xf32, #tpu.memory_space<vmem>> -> memref<16x128xf32, #tpu.memory_space<vmem>>
      %dma_wait3A_1439 = arith.constant 0 : i32
      %dma_wait3A_1440 = arith.constant 0 : i32
      %dma_wait3A_1441 = tpu.memref_slice %arg6[%dma_wait3A_1439, %dma_wait3A_1440] : memref<16x1000001xf32, #tpu.memory_space<hbm>> -> memref<16x128xf32, #tpu.memory_space<hbm>>
      %dma_wait3A_1442 = arith.constant 0 : i32
      %dma_wait3A_1443 = arith.constant 0 : i32
      %dma_wait3A_1444 = tpu.memref_slice %arg18[%dma_wait3A_1434, %dma_wait3A_1442, %dma_wait3A_1443] : memref<32x16x128xf32, #tpu.memory_space<vmem>> -> memref<1x16x128xf32, #tpu.memory_space<vmem>>
      %dma_wait3A_1445 = tpu.memref_squeeze %dma_wait3A_1444 : memref<1x16x128xf32, #tpu.memory_space<vmem>> -> memref<16x128xf32, #tpu.memory_space<vmem>>
      %dma_wait3A_1446 = arith.constant 0 : i32
      %dma_wait3A_1447 = arith.constant 0 : i32
      %dma_wait3A_1448 = tpu.memref_slice %arg6[%dma_wait3A_1446, %dma_wait3A_1447] : memref<16x1000001xf32, #tpu.memory_space<hbm>> -> memref<16x128xf32, #tpu.memory_space<hbm>>
      tpu.wait_dma2 semaphore(%arg22 : memref<!tpu.dma_semaphore, #tpu.memory_space<semaphore_mem>>) src(%dma_wait3A_1448 : memref<16x128xf32, #tpu.memory_space<hbm>>) dst(%dma_wait3A_1445 : memref<16x128xf32, #tpu.memory_space<vmem>>)
      %add3A_1449 = arith.constant 1 : i32
      %add3A_1450 = arith.addi %mul3A_267, %add3A_1449 : i32
      %mul3A_1451 = arith.constant 16 : i32
      %mul3A_1452 = arith.muli %add3A_1450, %mul3A_1451 : i32
      %get3A_1453 = arith.index_cast %mul3A_1452 : i32 to index
      %get3A_1454 = tpu.vector_load %arg11[%get3A_1453] {strides = array<i32>} : memref<512xi32, #tpu.memory_space<vmem>>, vector<16xi32>,
      %and3A_1455 = arith.constant 127 : i32
      %and3A_1456 = vector.broadcast %and3A_1455 : i32 to vector<16xi32>
      %and3A_1457 = arith.andi %get3A_1454, %and3A_1456 : vector<16xi32>
      %mul3A_1458 = arith.constant 16 : i32
      %mul3A_1459 = arith.muli %add3A_1450, %mul3A_1458 : i32
      %get3A_1460 = arith.index_cast %mul3A_1459 : i32 to index
      %get3A_1461 = tpu.vector_load %arg12[%get3A_1460] {strides = array<i32>} : memref<512xi32, #tpu.memory_space<vmem>>, vector<16xi32>,
      %mul3A_1462 = arith.constant 16 : i32
      %mul3A_1463 = arith.muli %add3A_1450, %mul3A_1462 : i32
      %get3A_1464 = arith.index_cast %mul3A_1463 : i32 to index
      %get3A_1465 = tpu.vector_load %arg13[%get3A_1464] {strides = array<i32>} : memref<512xi32, #tpu.memory_space<vmem>>, vector<16xi32>,
      %mul3A_1466 = arith.constant 16 : i32
      %mul3A_1467 = arith.muli %add3A_1450, %mul3A_1466 : i32
      %get3A_1468 = arith.index_cast %mul3A_1467 : i32 to index
      %get3A_1469 = tpu.vector_load %arg14[%get3A_1468] {strides = array<i32>} : memref<512xi32, #tpu.memory_space<vmem>>, vector<16xi32>,
      %mul3A_1470 = arith.constant 16 : i32
      %mul3A_1471 = arith.muli %add3A_1450, %mul3A_1470 : i32
      %multiple_of3A_1472 = tpu.assume_multiple %mul3A_1471, 16 : i32
      %broadcast_in_dim3A_1473 = arith.constant 0 : i32
      %broadcast_in_dim3A_1474 = vector.broadcast %broadcast_in_dim3A_1473 : i32 to vector<16xi32>
      %gather3A_1475 = arith.constant 16 : i32
      %gather3A_1476 = arith.constant 0 : i32
      %gather3A_1477 = arith.constant 0 : i32
      %gather3A_1478 = tpu.memref_slice %arg18[%gather3A_1475, %gather3A_1476, %gather3A_1477] : memref<32x16x128xf32, #tpu.memory_space<vmem>> -> memref<16x16x128xf32, #tpu.memory_space<vmem>>
      %gather3A_1479 = tpu.vector_load_idx %gather3A_1478[%iota3A, %broadcast_in_dim3A_1474, %and3A_1457] : memref<16x16x128xf32, #tpu.memory_space<vmem>>[vector<16xi32>, vector<16xi32>, vector<16xi32>], vector<16xf32>,
      %swap3A_1480 = arith.constant 0 : i32
      %swap3A_1481 = arith.index_cast %swap3A_1480 : i32 to index
      %swap3A_1482 = arith.index_cast %multiple_of3A_1472 : i32 to index
      %swap3A_1483 = tpu.vector_load %arg19[%swap3A_1481, %swap3A_1482] {strides = array<i32>} : memref<64x512xf32, #tpu.memory_space<vmem>>, vector<16xf32>,
      tpu.vector_store %arg19[%swap3A_1481, %swap3A_1482], %gather3A_1479 {strides = array<i32>} : memref<64x512xf32, #tpu.memory_space<vmem>>, vector<16xf32>,
      %gather3A_1484 = tpu.vector_load_idx %arg15[%broadcast_in_dim3A_1474, %get3A_1461] : memref<16x1001xf32, #tpu.memory_space<vmem>>[vector<16xi32>, vector<16xi32>], vector<16xf32>,
      %swap3A_1485 = arith.constant 16 : i32
      %swap3A_1486 = arith.index_cast %swap3A_1485 : i32 to index
      %swap3A_1487 = arith.index_cast %multiple_of3A_1472 : i32 to index
      %swap3A_1488 = tpu.vector_load %arg19[%swap3A_1486, %swap3A_1487] {strides = array<i32>} : memref<64x512xf32, #tpu.memory_space<vmem>>, vector<16xf32>,
      tpu.vector_store %arg19[%swap3A_1486, %swap3A_1487], %gather3A_1484 {strides = array<i32>} : memref<64x512xf32, #tpu.memory_space<vmem>>, vector<16xf32>,
      %gather3A_1489 = tpu.vector_load_idx %arg16[%broadcast_in_dim3A_1474, %get3A_1465] : memref<16x8xf32, #tpu.memory_space<vmem>>[vector<16xi32>, vector<16xi32>], vector<16xf32>,
      %swap3A_1490 = arith.constant 32 : i32
      %swap3A_1491 = arith.index_cast %swap3A_1490 : i32 to index
      %swap3A_1492 = arith.index_cast %multiple_of3A_1472 : i32 to index
      %swap3A_1493 = tpu.vector_load %arg19[%swap3A_1491, %swap3A_1492] {strides = array<i32>} : memref<64x512xf32, #tpu.memory_space<vmem>>, vector<16xf32>,
      tpu.vector_store %arg19[%swap3A_1491, %swap3A_1492], %gather3A_1489 {strides = array<i32>} : memref<64x512xf32, #tpu.memory_space<vmem>>, vector<16xf32>,
      %gather3A_1494 = tpu.vector_load_idx %arg17[%broadcast_in_dim3A_1474, %get3A_1469] : memref<16x25xf32, #tpu.memory_space<vmem>>[vector<16xi32>, vector<16xi32>], vector<16xf32>,
      %swap3A_1495 = arith.constant 48 : i32
      %swap3A_1496 = arith.index_cast %swap3A_1495 : i32 to index
      %swap3A_1497 = arith.index_cast %multiple_of3A_1472 : i32 to index
      %swap3A_1498 = tpu.vector_load %arg19[%swap3A_1496, %swap3A_1497] {strides = array<i32>} : memref<64x512xf32, #tpu.memory_space<vmem>>, vector<16xf32>,
      tpu.vector_store %arg19[%swap3A_1496, %swap3A_1497], %gather3A_1494 {strides = array<i32>} : memref<64x512xf32, #tpu.memory_space<vmem>>, vector<16xf32>,
      %broadcast_in_dim3A_1499 = arith.constant 1 : i32
      %broadcast_in_dim3A_1500 = vector.broadcast %broadcast_in_dim3A_1499 : i32 to vector<16xi32>
      %gather3A_1501 = arith.constant 16 : i32
      %gather3A_1502 = arith.constant 0 : i32
      %gather3A_1503 = arith.constant 0 : i32
      %gather3A_1504 = tpu.memref_slice %arg18[%gather3A_1501, %gather3A_1502, %gather3A_1503] : memref<32x16x128xf32, #tpu.memory_space<vmem>> -> memref<16x16x128xf32, #tpu.memory_space<vmem>>
      %gather3A_1505 = tpu.vector_load_idx %gather3A_1504[%iota3A, %broadcast_in_dim3A_1500, %and3A_1457] : memref<16x16x128xf32, #tpu.memory_space<vmem>>[vector<16xi32>, vector<16xi32>, vector<16xi32>], vector<16xf32>,
      %swap3A_1506 = arith.constant 1 : i32
      %swap3A_1507 = arith.index_cast %swap3A_1506 : i32 to index
      %swap3A_1508 = arith.index_cast %multiple_of3A_1472 : i32 to index
      %swap3A_1509 = tpu.vector_load %arg19[%swap3A_1507, %swap3A_1508] {strides = array<i32>} : memref<64x512xf32, #tpu.memory_space<vmem>>, vector<16xf32>,
      tpu.vector_store %arg19[%swap3A_1507, %swap3A_1508], %gather3A_1505 {strides = array<i32>} : memref<64x512xf32, #tpu.memory_space<vmem>>, vector<16xf32>,
      %gather3A_1510 = tpu.vector_load_idx %arg15[%broadcast_in_dim3A_1500, %get3A_1461] : memref<16x1001xf32, #tpu.memory_space<vmem>>[vector<16xi32>, vector<16xi32>], vector<16xf32>,
      %swap3A_1511 = arith.constant 17 : i32
      %swap3A_1512 = arith.index_cast %swap3A_1511 : i32 to index
      %swap3A_1513 = arith.index_cast %multiple_of3A_1472 : i32 to index
      %swap3A_1514 = tpu.vector_load %arg19[%swap3A_1512, %swap3A_1513] {strides = array<i32>} : memref<64x512xf32, #tpu.memory_space<vmem>>, vector<16xf32>,
      tpu.vector_store %arg19[%swap3A_1512, %swap3A_1513], %gather3A_1510 {strides = array<i32>} : memref<64x512xf32, #tpu.memory_space<vmem>>, vector<16xf32>,
      %gather3A_1515 = tpu.vector_load_idx %arg16[%broadcast_in_dim3A_1500, %get3A_1465] : memref<16x8xf32, #tpu.memory_space<vmem>>[vector<16xi32>, vector<16xi32>], vector<16xf32>,
      %swap3A_1516 = arith.constant 33 : i32
      %swap3A_1517 = arith.index_cast %swap3A_1516 : i32 to index
      %swap3A_1518 = arith.index_cast %multiple_of3A_1472 : i32 to index
      %swap3A_1519 = tpu.vector_load %arg19[%swap3A_1517, %swap3A_1518] {strides = array<i32>} : memref<64x512xf32, #tpu.memory_space<vmem>>, vector<16xf32>,
      tpu.vector_store %arg19[%swap3A_1517, %swap3A_1518], %gather3A_1515 {strides = array<i32>} : memref<64x512xf32, #tpu.memory_space<vmem>>, vector<16xf32>,
      %gather3A_1520 = tpu.vector_load_idx %arg17[%broadcast_in_dim3A_1500, %get3A_1469] : memref<16x25xf32, #tpu.memory_space<vmem>>[vector<16xi32>, vector<16xi32>], vector<16xf32>,
      %swap3A_1521 = arith.constant 49 : i32
      %swap3A_1522 = arith.index_cast %swap3A_1521 : i32 to index
      %swap3A_1523 = arith.index_cast %multiple_of3A_1472 : i32 to index
      %swap3A_1524 = tpu.vector_load %arg19[%swap3A_1522, %swap3A_1523] {strides = array<i32>} : memref<64x512xf32, #tpu.memory_space<vmem>>, vector<16xf32>,
      tpu.vector_store %arg19[%swap3A_1522, %swap3A_1523], %gather3A_1520 {strides = array<i32>} : memref<64x512xf32, #tpu.memory_space<vmem>>, vector<16xf32>,
      %broadcast_in_dim3A_1525 = arith.constant 2 : i32
      %broadcast_in_dim3A_1526 = vector.broadcast %broadcast_in_dim3A_1525 : i32 to vector<16xi32>
      %gather3A_1527 = arith.constant 16 : i32
      %gather3A_1528 = arith.constant 0 : i32
      %gather3A_1529 = arith.constant 0 : i32
      %gather3A_1530 = tpu.memref_slice %arg18[%gather3A_1527, %gather3A_1528, %gather3A_1529] : memref<32x16x128xf32, #tpu.memory_space<vmem>> -> memref<16x16x128xf32, #tpu.memory_space<vmem>>
      %gather3A_1531 = tpu.vector_load_idx %gather3A_1530[%iota3A, %broadcast_in_dim3A_1526, %and3A_1457] : memref<16x16x128xf32, #tpu.memory_space<vmem>>[vector<16xi32>, vector<16xi32>, vector<16xi32>], vector<16xf32>,
      %swap3A_1532 = arith.constant 2 : i32
      %swap3A_1533 = arith.index_cast %swap3A_1532 : i32 to index
      %swap3A_1534 = arith.index_cast %multiple_of3A_1472 : i32 to index
      %swap3A_1535 = tpu.vector_load %arg19[%swap3A_1533, %swap3A_1534] {strides = array<i32>} : memref<64x512xf32, #tpu.memory_space<vmem>>, vector<16xf32>,
      tpu.vector_store %arg19[%swap3A_1533, %swap3A_1534], %gather3A_1531 {strides = array<i32>} : memref<64x512xf32, #tpu.memory_space<vmem>>, vector<16xf32>,
      %gather3A_1536 = tpu.vector_load_idx %arg15[%broadcast_in_dim3A_1526, %get3A_1461] : memref<16x1001xf32, #tpu.memory_space<vmem>>[vector<16xi32>, vector<16xi32>], vector<16xf32>,
      %swap3A_1537 = arith.constant 18 : i32
      %swap3A_1538 = arith.index_cast %swap3A_1537 : i32 to index
      %swap3A_1539 = arith.index_cast %multiple_of3A_1472 : i32 to index
      %swap3A_1540 = tpu.vector_load %arg19[%swap3A_1538, %swap3A_1539] {strides = array<i32>} : memref<64x512xf32, #tpu.memory_space<vmem>>, vector<16xf32>,
      tpu.vector_store %arg19[%swap3A_1538, %swap3A_1539], %gather3A_1536 {strides = array<i32>} : memref<64x512xf32, #tpu.memory_space<vmem>>, vector<16xf32>,
      %gather3A_1541 = tpu.vector_load_idx %arg16[%broadcast_in_dim3A_1526, %get3A_1465] : memref<16x8xf32, #tpu.memory_space<vmem>>[vector<16xi32>, vector<16xi32>], vector<16xf32>,
      %swap3A_1542 = arith.constant 34 : i32
      %swap3A_1543 = arith.index_cast %swap3A_1542 : i32 to index
      %swap3A_1544 = arith.index_cast %multiple_of3A_1472 : i32 to index
      %swap3A_1545 = tpu.vector_load %arg19[%swap3A_1543, %swap3A_1544] {strides = array<i32>} : memref<64x512xf32, #tpu.memory_space<vmem>>, vector<16xf32>,
      tpu.vector_store %arg19[%swap3A_1543, %swap3A_1544], %gather3A_1541 {strides = array<i32>} : memref<64x512xf32, #tpu.memory_space<vmem>>, vector<16xf32>,
      %gather3A_1546 = tpu.vector_load_idx %arg17[%broadcast_in_dim3A_1526, %get3A_1469] : memref<16x25xf32, #tpu.memory_space<vmem>>[vector<16xi32>, vector<16xi32>], vector<16xf32>,
      %swap3A_1547 = arith.constant 50 : i32
      %swap3A_1548 = arith.index_cast %swap3A_1547 : i32 to index
      %swap3A_1549 = arith.index_cast %multiple_of3A_1472 : i32 to index
      %swap3A_1550 = tpu.vector_load %arg19[%swap3A_1548, %swap3A_1549] {strides = array<i32>} : memref<64x512xf32, #tpu.memory_space<vmem>>, vector<16xf32>,
      tpu.vector_store %arg19[%swap3A_1548, %swap3A_1549], %gather3A_1546 {strides = array<i32>} : memref<64x512xf32, #tpu.memory_space<vmem>>, vector<16xf32>,
      %broadcast_in_dim3A_1551 = arith.constant 3 : i32
      %broadcast_in_dim3A_1552 = vector.broadcast %broadcast_in_dim3A_1551 : i32 to vector<16xi32>
      %gather3A_1553 = arith.constant 16 : i32
      %gather3A_1554 = arith.constant 0 : i32
      %gather3A_1555 = arith.constant 0 : i32
      %gather3A_1556 = tpu.memref_slice %arg18[%gather3A_1553, %gather3A_1554, %gather3A_1555] : memref<32x16x128xf32, #tpu.memory_space<vmem>> -> memref<16x16x128xf32, #tpu.memory_space<vmem>>
      %gather3A_1557 = tpu.vector_load_idx %gather3A_1556[%iota3A, %broadcast_in_dim3A_1552, %and3A_1457] : memref<16x16x128xf32, #tpu.memory_space<vmem>>[vector<16xi32>, vector<16xi32>, vector<16xi32>], vector<16xf32>,
      %swap3A_1558 = arith.constant 3 : i32
      %swap3A_1559 = arith.index_cast %swap3A_1558 : i32 to index
      %swap3A_1560 = arith.index_cast %multiple_of3A_1472 : i32 to index
      %swap3A_1561 = tpu.vector_load %arg19[%swap3A_1559, %swap3A_1560] {strides = array<i32>} : memref<64x512xf32, #tpu.memory_space<vmem>>, vector<16xf32>,
      tpu.vector_store %arg19[%swap3A_1559, %swap3A_1560], %gather3A_1557 {strides = array<i32>} : memref<64x512xf32, #tpu.memory_space<vmem>>, vector<16xf32>,
      %gather3A_1562 = tpu.vector_load_idx %arg15[%broadcast_in_dim3A_1552, %get3A_1461] : memref<16x1001xf32, #tpu.memory_space<vmem>>[vector<16xi32>, vector<16xi32>], vector<16xf32>,
      %swap3A_1563 = arith.constant 19 : i32
      %swap3A_1564 = arith.index_cast %swap3A_1563 : i32 to index
      %swap3A_1565 = arith.index_cast %multiple_of3A_1472 : i32 to index
      %swap3A_1566 = tpu.vector_load %arg19[%swap3A_1564, %swap3A_1565] {strides = array<i32>} : memref<64x512xf32, #tpu.memory_space<vmem>>, vector<16xf32>,
      tpu.vector_store %arg19[%swap3A_1564, %swap3A_1565], %gather3A_1562 {strides = array<i32>} : memref<64x512xf32, #tpu.memory_space<vmem>>, vector<16xf32>,
      %gather3A_1567 = tpu.vector_load_idx %arg16[%broadcast_in_dim3A_1552, %get3A_1465] : memref<16x8xf32, #tpu.memory_space<vmem>>[vector<16xi32>, vector<16xi32>], vector<16xf32>,
      %swap3A_1568 = arith.constant 35 : i32
      %swap3A_1569 = arith.index_cast %swap3A_1568 : i32 to index
      %swap3A_1570 = arith.index_cast %multiple_of3A_1472 : i32 to index
      %swap3A_1571 = tpu.vector_load %arg19[%swap3A_1569, %swap3A_1570] {strides = array<i32>} : memref<64x512xf32, #tpu.memory_space<vmem>>, vector<16xf32>,
      tpu.vector_store %arg19[%swap3A_1569, %swap3A_1570], %gather3A_1567 {strides = array<i32>} : memref<64x512xf32, #tpu.memory_space<vmem>>, vector<16xf32>,
      %gather3A_1572 = tpu.vector_load_idx %arg17[%broadcast_in_dim3A_1552, %get3A_1469] : memref<16x25xf32, #tpu.memory_space<vmem>>[vector<16xi32>, vector<16xi32>], vector<16xf32>,
      %swap3A_1573 = arith.constant 51 : i32
      %swap3A_1574 = arith.index_cast %swap3A_1573 : i32 to index
      %swap3A_1575 = arith.index_cast %multiple_of3A_1472 : i32 to index
      %swap3A_1576 = tpu.vector_load %arg19[%swap3A_1574, %swap3A_1575] {strides = array<i32>} : memref<64x512xf32, #tpu.memory_space<vmem>>, vector<16xf32>,
      tpu.vector_store %arg19[%swap3A_1574, %swap3A_1575], %gather3A_1572 {strides = array<i32>} : memref<64x512xf32, #tpu.memory_space<vmem>>, vector<16xf32>,
      %broadcast_in_dim3A_1577 = arith.constant 4 : i32
      %broadcast_in_dim3A_1578 = vector.broadcast %broadcast_in_dim3A_1577 : i32 to vector<16xi32>
      %gather3A_1579 = arith.constant 16 : i32
      %gather3A_1580 = arith.constant 0 : i32
      %gather3A_1581 = arith.constant 0 : i32
      %gather3A_1582 = tpu.memref_slice %arg18[%gather3A_1579, %gather3A_1580, %gather3A_1581] : memref<32x16x128xf32, #tpu.memory_space<vmem>> -> memref<16x16x128xf32, #tpu.memory_space<vmem>>
      %gather3A_1583 = tpu.vector_load_idx %gather3A_1582[%iota3A, %broadcast_in_dim3A_1578, %and3A_1457] : memref<16x16x128xf32, #tpu.memory_space<vmem>>[vector<16xi32>, vector<16xi32>, vector<16xi32>], vector<16xf32>,
      %swap3A_1584 = arith.constant 4 : i32
      %swap3A_1585 = arith.index_cast %swap3A_1584 : i32 to index
      %swap3A_1586 = arith.index_cast %multiple_of3A_1472 : i32 to index
      %swap3A_1587 = tpu.vector_load %arg19[%swap3A_1585, %swap3A_1586] {strides = array<i32>} : memref<64x512xf32, #tpu.memory_space<vmem>>, vector<16xf32>,
      tpu.vector_store %arg19[%swap3A_1585, %swap3A_1586], %gather3A_1583 {strides = array<i32>} : memref<64x512xf32, #tpu.memory_space<vmem>>, vector<16xf32>,
      %gather3A_1588 = tpu.vector_load_idx %arg15[%broadcast_in_dim3A_1578, %get3A_1461] : memref<16x1001xf32, #tpu.memory_space<vmem>>[vector<16xi32>, vector<16xi32>], vector<16xf32>,
      %swap3A_1589 = arith.constant 20 : i32
      %swap3A_1590 = arith.index_cast %swap3A_1589 : i32 to index
      %swap3A_1591 = arith.index_cast %multiple_of3A_1472 : i32 to index
      %swap3A_1592 = tpu.vector_load %arg19[%swap3A_1590, %swap3A_1591] {strides = array<i32>} : memref<64x512xf32, #tpu.memory_space<vmem>>, vector<16xf32>,
      tpu.vector_store %arg19[%swap3A_1590, %swap3A_1591], %gather3A_1588 {strides = array<i32>} : memref<64x512xf32, #tpu.memory_space<vmem>>, vector<16xf32>,
      %gather3A_1593 = tpu.vector_load_idx %arg16[%broadcast_in_dim3A_1578, %get3A_1465] : memref<16x8xf32, #tpu.memory_space<vmem>>[vector<16xi32>, vector<16xi32>], vector<16xf32>,
      %swap3A_1594 = arith.constant 36 : i32
      %swap3A_1595 = arith.index_cast %swap3A_1594 : i32 to index
      %swap3A_1596 = arith.index_cast %multiple_of3A_1472 : i32 to index
      %swap3A_1597 = tpu.vector_load %arg19[%swap3A_1595, %swap3A_1596] {strides = array<i32>} : memref<64x512xf32, #tpu.memory_space<vmem>>, vector<16xf32>,
      tpu.vector_store %arg19[%swap3A_1595, %swap3A_1596], %gather3A_1593 {strides = array<i32>} : memref<64x512xf32, #tpu.memory_space<vmem>>, vector<16xf32>,
      %gather3A_1598 = tpu.vector_load_idx %arg17[%broadcast_in_dim3A_1578, %get3A_1469] : memref<16x25xf32, #tpu.memory_space<vmem>>[vector<16xi32>, vector<16xi32>], vector<16xf32>,
      %swap3A_1599 = arith.constant 52 : i32
      %swap3A_1600 = arith.index_cast %swap3A_1599 : i32 to index
      %swap3A_1601 = arith.index_cast %multiple_of3A_1472 : i32 to index
      %swap3A_1602 = tpu.vector_load %arg19[%swap3A_1600, %swap3A_1601] {strides = array<i32>} : memref<64x512xf32, #tpu.memory_space<vmem>>, vector<16xf32>,
      tpu.vector_store %arg19[%swap3A_1600, %swap3A_1601], %gather3A_1598 {strides = array<i32>} : memref<64x512xf32, #tpu.memory_space<vmem>>, vector<16xf32>,
      %broadcast_in_dim3A_1603 = arith.constant 5 : i32
      %broadcast_in_dim3A_1604 = vector.broadcast %broadcast_in_dim3A_1603 : i32 to vector<16xi32>
      %gather3A_1605 = arith.constant 16 : i32
      %gather3A_1606 = arith.constant 0 : i32
      %gather3A_1607 = arith.constant 0 : i32
      %gather3A_1608 = tpu.memref_slice %arg18[%gather3A_1605, %gather3A_1606, %gather3A_1607] : memref<32x16x128xf32, #tpu.memory_space<vmem>> -> memref<16x16x128xf32, #tpu.memory_space<vmem>>
      %gather3A_1609 = tpu.vector_load_idx %gather3A_1608[%iota3A, %broadcast_in_dim3A_1604, %and3A_1457] : memref<16x16x128xf32, #tpu.memory_space<vmem>>[vector<16xi32>, vector<16xi32>, vector<16xi32>], vector<16xf32>,
      %swap3A_1610 = arith.constant 5 : i32
      %swap3A_1611 = arith.index_cast %swap3A_1610 : i32 to index
      %swap3A_1612 = arith.index_cast %multiple_of3A_1472 : i32 to index
      %swap3A_1613 = tpu.vector_load %arg19[%swap3A_1611, %swap3A_1612] {strides = array<i32>} : memref<64x512xf32, #tpu.memory_space<vmem>>, vector<16xf32>,
      tpu.vector_store %arg19[%swap3A_1611, %swap3A_1612], %gather3A_1609 {strides = array<i32>} : memref<64x512xf32, #tpu.memory_space<vmem>>, vector<16xf32>,
      %gather3A_1614 = tpu.vector_load_idx %arg15[%broadcast_in_dim3A_1604, %get3A_1461] : memref<16x1001xf32, #tpu.memory_space<vmem>>[vector<16xi32>, vector<16xi32>], vector<16xf32>,
      %swap3A_1615 = arith.constant 21 : i32
      %swap3A_1616 = arith.index_cast %swap3A_1615 : i32 to index
      %swap3A_1617 = arith.index_cast %multiple_of3A_1472 : i32 to index
      %swap3A_1618 = tpu.vector_load %arg19[%swap3A_1616, %swap3A_1617] {strides = array<i32>} : memref<64x512xf32, #tpu.memory_space<vmem>>, vector<16xf32>,
      tpu.vector_store %arg19[%swap3A_1616, %swap3A_1617], %gather3A_1614 {strides = array<i32>} : memref<64x512xf32, #tpu.memory_space<vmem>>, vector<16xf32>,
      %gather3A_1619 = tpu.vector_load_idx %arg16[%broadcast_in_dim3A_1604, %get3A_1465] : memref<16x8xf32, #tpu.memory_space<vmem>>[vector<16xi32>, vector<16xi32>], vector<16xf32>,
      %swap3A_1620 = arith.constant 37 : i32
      %swap3A_1621 = arith.index_cast %swap3A_1620 : i32 to index
      %swap3A_1622 = arith.index_cast %multiple_of3A_1472 : i32 to index
      %swap3A_1623 = tpu.vector_load %arg19[%swap3A_1621, %swap3A_1622] {strides = array<i32>} : memref<64x512xf32, #tpu.memory_space<vmem>>, vector<16xf32>,
      tpu.vector_store %arg19[%swap3A_1621, %swap3A_1622], %gather3A_1619 {strides = array<i32>} : memref<64x512xf32, #tpu.memory_space<vmem>>, vector<16xf32>,
      %gather3A_1624 = tpu.vector_load_idx %arg17[%broadcast_in_dim3A_1604, %get3A_1469] : memref<16x25xf32, #tpu.memory_space<vmem>>[vector<16xi32>, vector<16xi32>], vector<16xf32>,
      %swap3A_1625 = arith.constant 53 : i32
      %swap3A_1626 = arith.index_cast %swap3A_1625 : i32 to index
      %swap3A_1627 = arith.index_cast %multiple_of3A_1472 : i32 to index
      %swap3A_1628 = tpu.vector_load %arg19[%swap3A_1626, %swap3A_1627] {strides = array<i32>} : memref<64x512xf32, #tpu.memory_space<vmem>>, vector<16xf32>,
      tpu.vector_store %arg19[%swap3A_1626, %swap3A_1627], %gather3A_1624 {strides = array<i32>} : memref<64x512xf32, #tpu.memory_space<vmem>>, vector<16xf32>,
      %broadcast_in_dim3A_1629 = arith.constant 6 : i32
      %broadcast_in_dim3A_1630 = vector.broadcast %broadcast_in_dim3A_1629 : i32 to vector<16xi32>
      %gather3A_1631 = arith.constant 16 : i32
      %gather3A_1632 = arith.constant 0 : i32
      %gather3A_1633 = arith.constant 0 : i32
      %gather3A_1634 = tpu.memref_slice %arg18[%gather3A_1631, %gather3A_1632, %gather3A_1633] : memref<32x16x128xf32, #tpu.memory_space<vmem>> -> memref<16x16x128xf32, #tpu.memory_space<vmem>>
      %gather3A_1635 = tpu.vector_load_idx %gather3A_1634[%iota3A, %broadcast_in_dim3A_1630, %and3A_1457] : memref<16x16x128xf32, #tpu.memory_space<vmem>>[vector<16xi32>, vector<16xi32>, vector<16xi32>], vector<16xf32>,
      %swap3A_1636 = arith.constant 6 : i32
      %swap3A_1637 = arith.index_cast %swap3A_1636 : i32 to index
      %swap3A_1638 = arith.index_cast %multiple_of3A_1472 : i32 to index
      %swap3A_1639 = tpu.vector_load %arg19[%swap3A_1637, %swap3A_1638] {strides = array<i32>} : memref<64x512xf32, #tpu.memory_space<vmem>>, vector<16xf32>,
      tpu.vector_store %arg19[%swap3A_1637, %swap3A_1638], %gather3A_1635 {strides = array<i32>} : memref<64x512xf32, #tpu.memory_space<vmem>>, vector<16xf32>,
      %gather3A_1640 = tpu.vector_load_idx %arg15[%broadcast_in_dim3A_1630, %get3A_1461] : memref<16x1001xf32, #tpu.memory_space<vmem>>[vector<16xi32>, vector<16xi32>], vector<16xf32>,
      %swap3A_1641 = arith.constant 22 : i32
      %swap3A_1642 = arith.index_cast %swap3A_1641 : i32 to index
      %swap3A_1643 = arith.index_cast %multiple_of3A_1472 : i32 to index
      %swap3A_1644 = tpu.vector_load %arg19[%swap3A_1642, %swap3A_1643] {strides = array<i32>} : memref<64x512xf32, #tpu.memory_space<vmem>>, vector<16xf32>,
      tpu.vector_store %arg19[%swap3A_1642, %swap3A_1643], %gather3A_1640 {strides = array<i32>} : memref<64x512xf32, #tpu.memory_space<vmem>>, vector<16xf32>,
      %gather3A_1645 = tpu.vector_load_idx %arg16[%broadcast_in_dim3A_1630, %get3A_1465] : memref<16x8xf32, #tpu.memory_space<vmem>>[vector<16xi32>, vector<16xi32>], vector<16xf32>,
      %swap3A_1646 = arith.constant 38 : i32
      %swap3A_1647 = arith.index_cast %swap3A_1646 : i32 to index
      %swap3A_1648 = arith.index_cast %multiple_of3A_1472 : i32 to index
      %swap3A_1649 = tpu.vector_load %arg19[%swap3A_1647, %swap3A_1648] {strides = array<i32>} : memref<64x512xf32, #tpu.memory_space<vmem>>, vector<16xf32>,
      tpu.vector_store %arg19[%swap3A_1647, %swap3A_1648], %gather3A_1645 {strides = array<i32>} : memref<64x512xf32, #tpu.memory_space<vmem>>, vector<16xf32>,
      %gather3A_1650 = tpu.vector_load_idx %arg17[%broadcast_in_dim3A_1630, %get3A_1469] : memref<16x25xf32, #tpu.memory_space<vmem>>[vector<16xi32>, vector<16xi32>], vector<16xf32>,
      %swap3A_1651 = arith.constant 54 : i32
      %swap3A_1652 = arith.index_cast %swap3A_1651 : i32 to index
      %swap3A_1653 = arith.index_cast %multiple_of3A_1472 : i32 to index
      %swap3A_1654 = tpu.vector_load %arg19[%swap3A_1652, %swap3A_1653] {strides = array<i32>} : memref<64x512xf32, #tpu.memory_space<vmem>>, vector<16xf32>,
      tpu.vector_store %arg19[%swap3A_1652, %swap3A_1653], %gather3A_1650 {strides = array<i32>} : memref<64x512xf32, #tpu.memory_space<vmem>>, vector<16xf32>,
      %broadcast_in_dim3A_1655 = arith.constant 7 : i32
      %broadcast_in_dim3A_1656 = vector.broadcast %broadcast_in_dim3A_1655 : i32 to vector<16xi32>
      %gather3A_1657 = arith.constant 16 : i32
      %gather3A_1658 = arith.constant 0 : i32
      %gather3A_1659 = arith.constant 0 : i32
      %gather3A_1660 = tpu.memref_slice %arg18[%gather3A_1657, %gather3A_1658, %gather3A_1659] : memref<32x16x128xf32, #tpu.memory_space<vmem>> -> memref<16x16x128xf32, #tpu.memory_space<vmem>>
      %gather3A_1661 = tpu.vector_load_idx %gather3A_1660[%iota3A, %broadcast_in_dim3A_1656, %and3A_1457] : memref<16x16x128xf32, #tpu.memory_space<vmem>>[vector<16xi32>, vector<16xi32>, vector<16xi32>], vector<16xf32>,
      %swap3A_1662 = arith.constant 7 : i32
      %swap3A_1663 = arith.index_cast %swap3A_1662 : i32 to index
      %swap3A_1664 = arith.index_cast %multiple_of3A_1472 : i32 to index
      %swap3A_1665 = tpu.vector_load %arg19[%swap3A_1663, %swap3A_1664] {strides = array<i32>} : memref<64x512xf32, #tpu.memory_space<vmem>>, vector<16xf32>,
      tpu.vector_store %arg19[%swap3A_1663, %swap3A_1664], %gather3A_1661 {strides = array<i32>} : memref<64x512xf32, #tpu.memory_space<vmem>>, vector<16xf32>,
      %gather3A_1666 = tpu.vector_load_idx %arg15[%broadcast_in_dim3A_1656, %get3A_1461] : memref<16x1001xf32, #tpu.memory_space<vmem>>[vector<16xi32>, vector<16xi32>], vector<16xf32>,
      %swap3A_1667 = arith.constant 23 : i32
      %swap3A_1668 = arith.index_cast %swap3A_1667 : i32 to index
      %swap3A_1669 = arith.index_cast %multiple_of3A_1472 : i32 to index
      %swap3A_1670 = tpu.vector_load %arg19[%swap3A_1668, %swap3A_1669] {strides = array<i32>} : memref<64x512xf32, #tpu.memory_space<vmem>>, vector<16xf32>,
      tpu.vector_store %arg19[%swap3A_1668, %swap3A_1669], %gather3A_1666 {strides = array<i32>} : memref<64x512xf32, #tpu.memory_space<vmem>>, vector<16xf32>,
      %gather3A_1671 = tpu.vector_load_idx %arg16[%broadcast_in_dim3A_1656, %get3A_1465] : memref<16x8xf32, #tpu.memory_space<vmem>>[vector<16xi32>, vector<16xi32>], vector<16xf32>,
      %swap3A_1672 = arith.constant 39 : i32
      %swap3A_1673 = arith.index_cast %swap3A_1672 : i32 to index
      %swap3A_1674 = arith.index_cast %multiple_of3A_1472 : i32 to index
      %swap3A_1675 = tpu.vector_load %arg19[%swap3A_1673, %swap3A_1674] {strides = array<i32>} : memref<64x512xf32, #tpu.memory_space<vmem>>, vector<16xf32>,
      tpu.vector_store %arg19[%swap3A_1673, %swap3A_1674], %gather3A_1671 {strides = array<i32>} : memref<64x512xf32, #tpu.memory_space<vmem>>, vector<16xf32>,
      %gather3A_1676 = tpu.vector_load_idx %arg17[%broadcast_in_dim3A_1656, %get3A_1469] : memref<16x25xf32, #tpu.memory_space<vmem>>[vector<16xi32>, vector<16xi32>], vector<16xf32>,
      %swap3A_1677 = arith.constant 55 : i32
      %swap3A_1678 = arith.index_cast %swap3A_1677 : i32 to index
      %swap3A_1679 = arith.index_cast %multiple_of3A_1472 : i32 to index
      %swap3A_1680 = tpu.vector_load %arg19[%swap3A_1678, %swap3A_1679] {strides = array<i32>} : memref<64x512xf32, #tpu.memory_space<vmem>>, vector<16xf32>,
      tpu.vector_store %arg19[%swap3A_1678, %swap3A_1679], %gather3A_1676 {strides = array<i32>} : memref<64x512xf32, #tpu.memory_space<vmem>>, vector<16xf32>,
      %broadcast_in_dim3A_1681 = arith.constant 8 : i32
      %broadcast_in_dim3A_1682 = vector.broadcast %broadcast_in_dim3A_1681 : i32 to vector<16xi32>
      %gather3A_1683 = arith.constant 16 : i32
      %gather3A_1684 = arith.constant 0 : i32
      %gather3A_1685 = arith.constant 0 : i32
      %gather3A_1686 = tpu.memref_slice %arg18[%gather3A_1683, %gather3A_1684, %gather3A_1685] : memref<32x16x128xf32, #tpu.memory_space<vmem>> -> memref<16x16x128xf32, #tpu.memory_space<vmem>>
      %gather3A_1687 = tpu.vector_load_idx %gather3A_1686[%iota3A, %broadcast_in_dim3A_1682, %and3A_1457] : memref<16x16x128xf32, #tpu.memory_space<vmem>>[vector<16xi32>, vector<16xi32>, vector<16xi32>], vector<16xf32>,
      %swap3A_1688 = arith.constant 8 : i32
      %swap3A_1689 = arith.index_cast %swap3A_1688 : i32 to index
      %swap3A_1690 = arith.index_cast %multiple_of3A_1472 : i32 to index
      %swap3A_1691 = tpu.vector_load %arg19[%swap3A_1689, %swap3A_1690] {strides = array<i32>} : memref<64x512xf32, #tpu.memory_space<vmem>>, vector<16xf32>,
      tpu.vector_store %arg19[%swap3A_1689, %swap3A_1690], %gather3A_1687 {strides = array<i32>} : memref<64x512xf32, #tpu.memory_space<vmem>>, vector<16xf32>,
      %gather3A_1692 = tpu.vector_load_idx %arg15[%broadcast_in_dim3A_1682, %get3A_1461] : memref<16x1001xf32, #tpu.memory_space<vmem>>[vector<16xi32>, vector<16xi32>], vector<16xf32>,
      %swap3A_1693 = arith.constant 24 : i32
      %swap3A_1694 = arith.index_cast %swap3A_1693 : i32 to index
      %swap3A_1695 = arith.index_cast %multiple_of3A_1472 : i32 to index
      %swap3A_1696 = tpu.vector_load %arg19[%swap3A_1694, %swap3A_1695] {strides = array<i32>} : memref<64x512xf32, #tpu.memory_space<vmem>>, vector<16xf32>,
      tpu.vector_store %arg19[%swap3A_1694, %swap3A_1695], %gather3A_1692 {strides = array<i32>} : memref<64x512xf32, #tpu.memory_space<vmem>>, vector<16xf32>,
      %gather3A_1697 = tpu.vector_load_idx %arg16[%broadcast_in_dim3A_1682, %get3A_1465] : memref<16x8xf32, #tpu.memory_space<vmem>>[vector<16xi32>, vector<16xi32>], vector<16xf32>,
      %swap3A_1698 = arith.constant 40 : i32
      %swap3A_1699 = arith.index_cast %swap3A_1698 : i32 to index
      %swap3A_1700 = arith.index_cast %multiple_of3A_1472 : i32 to index
      %swap3A_1701 = tpu.vector_load %arg19[%swap3A_1699, %swap3A_1700] {strides = array<i32>} : memref<64x512xf32, #tpu.memory_space<vmem>>, vector<16xf32>,
      tpu.vector_store %arg19[%swap3A_1699, %swap3A_1700], %gather3A_1697 {strides = array<i32>} : memref<64x512xf32, #tpu.memory_space<vmem>>, vector<16xf32>,
      %gather3A_1702 = tpu.vector_load_idx %arg17[%broadcast_in_dim3A_1682, %get3A_1469] : memref<16x25xf32, #tpu.memory_space<vmem>>[vector<16xi32>, vector<16xi32>], vector<16xf32>,
      %swap3A_1703 = arith.constant 56 : i32
      %swap3A_1704 = arith.index_cast %swap3A_1703 : i32 to index
      %swap3A_1705 = arith.index_cast %multiple_of3A_1472 : i32 to index
      %swap3A_1706 = tpu.vector_load %arg19[%swap3A_1704, %swap3A_1705] {strides = array<i32>} : memref<64x512xf32, #tpu.memory_space<vmem>>, vector<16xf32>,
      tpu.vector_store %arg19[%swap3A_1704, %swap3A_1705], %gather3A_1702 {strides = array<i32>} : memref<64x512xf32, #tpu.memory_space<vmem>>, vector<16xf32>,
      %broadcast_in_dim3A_1707 = arith.constant 9 : i32
      %broadcast_in_dim3A_1708 = vector.broadcast %broadcast_in_dim3A_1707 : i32 to vector<16xi32>
      %gather3A_1709 = arith.constant 16 : i32
      %gather3A_1710 = arith.constant 0 : i32
      %gather3A_1711 = arith.constant 0 : i32
      %gather3A_1712 = tpu.memref_slice %arg18[%gather3A_1709, %gather3A_1710, %gather3A_1711] : memref<32x16x128xf32, #tpu.memory_space<vmem>> -> memref<16x16x128xf32, #tpu.memory_space<vmem>>
      %gather3A_1713 = tpu.vector_load_idx %gather3A_1712[%iota3A, %broadcast_in_dim3A_1708, %and3A_1457] : memref<16x16x128xf32, #tpu.memory_space<vmem>>[vector<16xi32>, vector<16xi32>, vector<16xi32>], vector<16xf32>,
      %swap3A_1714 = arith.constant 9 : i32
      %swap3A_1715 = arith.index_cast %swap3A_1714 : i32 to index
      %swap3A_1716 = arith.index_cast %multiple_of3A_1472 : i32 to index
      %swap3A_1717 = tpu.vector_load %arg19[%swap3A_1715, %swap3A_1716] {strides = array<i32>} : memref<64x512xf32, #tpu.memory_space<vmem>>, vector<16xf32>,
      tpu.vector_store %arg19[%swap3A_1715, %swap3A_1716], %gather3A_1713 {strides = array<i32>} : memref<64x512xf32, #tpu.memory_space<vmem>>, vector<16xf32>,
      %gather3A_1718 = tpu.vector_load_idx %arg15[%broadcast_in_dim3A_1708, %get3A_1461] : memref<16x1001xf32, #tpu.memory_space<vmem>>[vector<16xi32>, vector<16xi32>], vector<16xf32>,
      %swap3A_1719 = arith.constant 25 : i32
      %swap3A_1720 = arith.index_cast %swap3A_1719 : i32 to index
      %swap3A_1721 = arith.index_cast %multiple_of3A_1472 : i32 to index
      %swap3A_1722 = tpu.vector_load %arg19[%swap3A_1720, %swap3A_1721] {strides = array<i32>} : memref<64x512xf32, #tpu.memory_space<vmem>>, vector<16xf32>,
      tpu.vector_store %arg19[%swap3A_1720, %swap3A_1721], %gather3A_1718 {strides = array<i32>} : memref<64x512xf32, #tpu.memory_space<vmem>>, vector<16xf32>,
      %gather3A_1723 = tpu.vector_load_idx %arg16[%broadcast_in_dim3A_1708, %get3A_1465] : memref<16x8xf32, #tpu.memory_space<vmem>>[vector<16xi32>, vector<16xi32>], vector<16xf32>,
      %swap3A_1724 = arith.constant 41 : i32
      %swap3A_1725 = arith.index_cast %swap3A_1724 : i32 to index
      %swap3A_1726 = arith.index_cast %multiple_of3A_1472 : i32 to index
      %swap3A_1727 = tpu.vector_load %arg19[%swap3A_1725, %swap3A_1726] {strides = array<i32>} : memref<64x512xf32, #tpu.memory_space<vmem>>, vector<16xf32>,
      tpu.vector_store %arg19[%swap3A_1725, %swap3A_1726], %gather3A_1723 {strides = array<i32>} : memref<64x512xf32, #tpu.memory_space<vmem>>, vector<16xf32>,
      %gather3A_1728 = tpu.vector_load_idx %arg17[%broadcast_in_dim3A_1708, %get3A_1469] : memref<16x25xf32, #tpu.memory_space<vmem>>[vector<16xi32>, vector<16xi32>], vector<16xf32>,
      %swap3A_1729 = arith.constant 57 : i32
      %swap3A_1730 = arith.index_cast %swap3A_1729 : i32 to index
      %swap3A_1731 = arith.index_cast %multiple_of3A_1472 : i32 to index
      %swap3A_1732 = tpu.vector_load %arg19[%swap3A_1730, %swap3A_1731] {strides = array<i32>} : memref<64x512xf32, #tpu.memory_space<vmem>>, vector<16xf32>,
      tpu.vector_store %arg19[%swap3A_1730, %swap3A_1731], %gather3A_1728 {strides = array<i32>} : memref<64x512xf32, #tpu.memory_space<vmem>>, vector<16xf32>,
      %broadcast_in_dim3A_1733 = arith.constant 10 : i32
      %broadcast_in_dim3A_1734 = vector.broadcast %broadcast_in_dim3A_1733 : i32 to vector<16xi32>
      %gather3A_1735 = arith.constant 16 : i32
      %gather3A_1736 = arith.constant 0 : i32
      %gather3A_1737 = arith.constant 0 : i32
      %gather3A_1738 = tpu.memref_slice %arg18[%gather3A_1735, %gather3A_1736, %gather3A_1737] : memref<32x16x128xf32, #tpu.memory_space<vmem>> -> memref<16x16x128xf32, #tpu.memory_space<vmem>>
      %gather3A_1739 = tpu.vector_load_idx %gather3A_1738[%iota3A, %broadcast_in_dim3A_1734, %and3A_1457] : memref<16x16x128xf32, #tpu.memory_space<vmem>>[vector<16xi32>, vector<16xi32>, vector<16xi32>], vector<16xf32>,
      %swap3A_1740 = arith.constant 10 : i32
      %swap3A_1741 = arith.index_cast %swap3A_1740 : i32 to index
      %swap3A_1742 = arith.index_cast %multiple_of3A_1472 : i32 to index
      %swap3A_1743 = tpu.vector_load %arg19[%swap3A_1741, %swap3A_1742] {strides = array<i32>} : memref<64x512xf32, #tpu.memory_space<vmem>>, vector<16xf32>,
      tpu.vector_store %arg19[%swap3A_1741, %swap3A_1742], %gather3A_1739 {strides = array<i32>} : memref<64x512xf32, #tpu.memory_space<vmem>>, vector<16xf32>,
      %gather3A_1744 = tpu.vector_load_idx %arg15[%broadcast_in_dim3A_1734, %get3A_1461] : memref<16x1001xf32, #tpu.memory_space<vmem>>[vector<16xi32>, vector<16xi32>], vector<16xf32>,
      %swap3A_1745 = arith.constant 26 : i32
      %swap3A_1746 = arith.index_cast %swap3A_1745 : i32 to index
      %swap3A_1747 = arith.index_cast %multiple_of3A_1472 : i32 to index
      %swap3A_1748 = tpu.vector_load %arg19[%swap3A_1746, %swap3A_1747] {strides = array<i32>} : memref<64x512xf32, #tpu.memory_space<vmem>>, vector<16xf32>,
      tpu.vector_store %arg19[%swap3A_1746, %swap3A_1747], %gather3A_1744 {strides = array<i32>} : memref<64x512xf32, #tpu.memory_space<vmem>>, vector<16xf32>,
      %gather3A_1749 = tpu.vector_load_idx %arg16[%broadcast_in_dim3A_1734, %get3A_1465] : memref<16x8xf32, #tpu.memory_space<vmem>>[vector<16xi32>, vector<16xi32>], vector<16xf32>,
      %swap3A_1750 = arith.constant 42 : i32
      %swap3A_1751 = arith.index_cast %swap3A_1750 : i32 to index
      %swap3A_1752 = arith.index_cast %multiple_of3A_1472 : i32 to index
      %swap3A_1753 = tpu.vector_load %arg19[%swap3A_1751, %swap3A_1752] {strides = array<i32>} : memref<64x512xf32, #tpu.memory_space<vmem>>, vector<16xf32>,
      tpu.vector_store %arg19[%swap3A_1751, %swap3A_1752], %gather3A_1749 {strides = array<i32>} : memref<64x512xf32, #tpu.memory_space<vmem>>, vector<16xf32>,
      %gather3A_1754 = tpu.vector_load_idx %arg17[%broadcast_in_dim3A_1734, %get3A_1469] : memref<16x25xf32, #tpu.memory_space<vmem>>[vector<16xi32>, vector<16xi32>], vector<16xf32>,
      %swap3A_1755 = arith.constant 58 : i32
      %swap3A_1756 = arith.index_cast %swap3A_1755 : i32 to index
      %swap3A_1757 = arith.index_cast %multiple_of3A_1472 : i32 to index
      %swap3A_1758 = tpu.vector_load %arg19[%swap3A_1756, %swap3A_1757] {strides = array<i32>} : memref<64x512xf32, #tpu.memory_space<vmem>>, vector<16xf32>,
      tpu.vector_store %arg19[%swap3A_1756, %swap3A_1757], %gather3A_1754 {strides = array<i32>} : memref<64x512xf32, #tpu.memory_space<vmem>>, vector<16xf32>,
      %broadcast_in_dim3A_1759 = arith.constant 11 : i32
      %broadcast_in_dim3A_1760 = vector.broadcast %broadcast_in_dim3A_1759 : i32 to vector<16xi32>
      %gather3A_1761 = arith.constant 16 : i32
      %gather3A_1762 = arith.constant 0 : i32
      %gather3A_1763 = arith.constant 0 : i32
      %gather3A_1764 = tpu.memref_slice %arg18[%gather3A_1761, %gather3A_1762, %gather3A_1763] : memref<32x16x128xf32, #tpu.memory_space<vmem>> -> memref<16x16x128xf32, #tpu.memory_space<vmem>>
      %gather3A_1765 = tpu.vector_load_idx %gather3A_1764[%iota3A, %broadcast_in_dim3A_1760, %and3A_1457] : memref<16x16x128xf32, #tpu.memory_space<vmem>>[vector<16xi32>, vector<16xi32>, vector<16xi32>], vector<16xf32>,
      %swap3A_1766 = arith.constant 11 : i32
      %swap3A_1767 = arith.index_cast %swap3A_1766 : i32 to index
      %swap3A_1768 = arith.index_cast %multiple_of3A_1472 : i32 to index
      %swap3A_1769 = tpu.vector_load %arg19[%swap3A_1767, %swap3A_1768] {strides = array<i32>} : memref<64x512xf32, #tpu.memory_space<vmem>>, vector<16xf32>,
      tpu.vector_store %arg19[%swap3A_1767, %swap3A_1768], %gather3A_1765 {strides = array<i32>} : memref<64x512xf32, #tpu.memory_space<vmem>>, vector<16xf32>,
      %gather3A_1770 = tpu.vector_load_idx %arg15[%broadcast_in_dim3A_1760, %get3A_1461] : memref<16x1001xf32, #tpu.memory_space<vmem>>[vector<16xi32>, vector<16xi32>], vector<16xf32>,
      %swap3A_1771 = arith.constant 27 : i32
      %swap3A_1772 = arith.index_cast %swap3A_1771 : i32 to index
      %swap3A_1773 = arith.index_cast %multiple_of3A_1472 : i32 to index
      %swap3A_1774 = tpu.vector_load %arg19[%swap3A_1772, %swap3A_1773] {strides = array<i32>} : memref<64x512xf32, #tpu.memory_space<vmem>>, vector<16xf32>,
      tpu.vector_store %arg19[%swap3A_1772, %swap3A_1773], %gather3A_1770 {strides = array<i32>} : memref<64x512xf32, #tpu.memory_space<vmem>>, vector<16xf32>,
      %gather3A_1775 = tpu.vector_load_idx %arg16[%broadcast_in_dim3A_1760, %get3A_1465] : memref<16x8xf32, #tpu.memory_space<vmem>>[vector<16xi32>, vector<16xi32>], vector<16xf32>,
      %swap3A_1776 = arith.constant 43 : i32
      %swap3A_1777 = arith.index_cast %swap3A_1776 : i32 to index
      %swap3A_1778 = arith.index_cast %multiple_of3A_1472 : i32 to index
      %swap3A_1779 = tpu.vector_load %arg19[%swap3A_1777, %swap3A_1778] {strides = array<i32>} : memref<64x512xf32, #tpu.memory_space<vmem>>, vector<16xf32>,
      tpu.vector_store %arg19[%swap3A_1777, %swap3A_1778], %gather3A_1775 {strides = array<i32>} : memref<64x512xf32, #tpu.memory_space<vmem>>, vector<16xf32>,
      %gather3A_1780 = tpu.vector_load_idx %arg17[%broadcast_in_dim3A_1760, %get3A_1469] : memref<16x25xf32, #tpu.memory_space<vmem>>[vector<16xi32>, vector<16xi32>], vector<16xf32>,
      %swap3A_1781 = arith.constant 59 : i32
      %swap3A_1782 = arith.index_cast %swap3A_1781 : i32 to index
      %swap3A_1783 = arith.index_cast %multiple_of3A_1472 : i32 to index
      %swap3A_1784 = tpu.vector_load %arg19[%swap3A_1782, %swap3A_1783] {strides = array<i32>} : memref<64x512xf32, #tpu.memory_space<vmem>>, vector<16xf32>,
      tpu.vector_store %arg19[%swap3A_1782, %swap3A_1783], %gather3A_1780 {strides = array<i32>} : memref<64x512xf32, #tpu.memory_space<vmem>>, vector<16xf32>,
      %broadcast_in_dim3A_1785 = arith.constant 12 : i32
      %broadcast_in_dim3A_1786 = vector.broadcast %broadcast_in_dim3A_1785 : i32 to vector<16xi32>
      %gather3A_1787 = arith.constant 16 : i32
      %gather3A_1788 = arith.constant 0 : i32
      %gather3A_1789 = arith.constant 0 : i32
      %gather3A_1790 = tpu.memref_slice %arg18[%gather3A_1787, %gather3A_1788, %gather3A_1789] : memref<32x16x128xf32, #tpu.memory_space<vmem>> -> memref<16x16x128xf32, #tpu.memory_space<vmem>>
      %gather3A_1791 = tpu.vector_load_idx %gather3A_1790[%iota3A, %broadcast_in_dim3A_1786, %and3A_1457] : memref<16x16x128xf32, #tpu.memory_space<vmem>>[vector<16xi32>, vector<16xi32>, vector<16xi32>], vector<16xf32>,
      %swap3A_1792 = arith.constant 12 : i32
      %swap3A_1793 = arith.index_cast %swap3A_1792 : i32 to index
      %swap3A_1794 = arith.index_cast %multiple_of3A_1472 : i32 to index
      %swap3A_1795 = tpu.vector_load %arg19[%swap3A_1793, %swap3A_1794] {strides = array<i32>} : memref<64x512xf32, #tpu.memory_space<vmem>>, vector<16xf32>,
      tpu.vector_store %arg19[%swap3A_1793, %swap3A_1794], %gather3A_1791 {strides = array<i32>} : memref<64x512xf32, #tpu.memory_space<vmem>>, vector<16xf32>,
      %gather3A_1796 = tpu.vector_load_idx %arg15[%broadcast_in_dim3A_1786, %get3A_1461] : memref<16x1001xf32, #tpu.memory_space<vmem>>[vector<16xi32>, vector<16xi32>], vector<16xf32>,
      %swap3A_1797 = arith.constant 28 : i32
      %swap3A_1798 = arith.index_cast %swap3A_1797 : i32 to index
      %swap3A_1799 = arith.index_cast %multiple_of3A_1472 : i32 to index
      %swap3A_1800 = tpu.vector_load %arg19[%swap3A_1798, %swap3A_1799] {strides = array<i32>} : memref<64x512xf32, #tpu.memory_space<vmem>>, vector<16xf32>,
      tpu.vector_store %arg19[%swap3A_1798, %swap3A_1799], %gather3A_1796 {strides = array<i32>} : memref<64x512xf32, #tpu.memory_space<vmem>>, vector<16xf32>,
      %gather3A_1801 = tpu.vector_load_idx %arg16[%broadcast_in_dim3A_1786, %get3A_1465] : memref<16x8xf32, #tpu.memory_space<vmem>>[vector<16xi32>, vector<16xi32>], vector<16xf32>,
      %swap3A_1802 = arith.constant 44 : i32
      %swap3A_1803 = arith.index_cast %swap3A_1802 : i32 to index
      %swap3A_1804 = arith.index_cast %multiple_of3A_1472 : i32 to index
      %swap3A_1805 = tpu.vector_load %arg19[%swap3A_1803, %swap3A_1804] {strides = array<i32>} : memref<64x512xf32, #tpu.memory_space<vmem>>, vector<16xf32>,
      tpu.vector_store %arg19[%swap3A_1803, %swap3A_1804], %gather3A_1801 {strides = array<i32>} : memref<64x512xf32, #tpu.memory_space<vmem>>, vector<16xf32>,
      %gather3A_1806 = tpu.vector_load_idx %arg17[%broadcast_in_dim3A_1786, %get3A_1469] : memref<16x25xf32, #tpu.memory_space<vmem>>[vector<16xi32>, vector<16xi32>], vector<16xf32>,
      %swap3A_1807 = arith.constant 60 : i32
      %swap3A_1808 = arith.index_cast %swap3A_1807 : i32 to index
      %swap3A_1809 = arith.index_cast %multiple_of3A_1472 : i32 to index
      %swap3A_1810 = tpu.vector_load %arg19[%swap3A_1808, %swap3A_1809] {strides = array<i32>} : memref<64x512xf32, #tpu.memory_space<vmem>>, vector<16xf32>,
      tpu.vector_store %arg19[%swap3A_1808, %swap3A_1809], %gather3A_1806 {strides = array<i32>} : memref<64x512xf32, #tpu.memory_space<vmem>>, vector<16xf32>,
      %broadcast_in_dim3A_1811 = arith.constant 13 : i32
      %broadcast_in_dim3A_1812 = vector.broadcast %broadcast_in_dim3A_1811 : i32 to vector<16xi32>
      %gather3A_1813 = arith.constant 16 : i32
      %gather3A_1814 = arith.constant 0 : i32
      %gather3A_1815 = arith.constant 0 : i32
      %gather3A_1816 = tpu.memref_slice %arg18[%gather3A_1813, %gather3A_1814, %gather3A_1815] : memref<32x16x128xf32, #tpu.memory_space<vmem>> -> memref<16x16x128xf32, #tpu.memory_space<vmem>>
      %gather3A_1817 = tpu.vector_load_idx %gather3A_1816[%iota3A, %broadcast_in_dim3A_1812, %and3A_1457] : memref<16x16x128xf32, #tpu.memory_space<vmem>>[vector<16xi32>, vector<16xi32>, vector<16xi32>], vector<16xf32>,
      %swap3A_1818 = arith.constant 13 : i32
      %swap3A_1819 = arith.index_cast %swap3A_1818 : i32 to index
      %swap3A_1820 = arith.index_cast %multiple_of3A_1472 : i32 to index
      %swap3A_1821 = tpu.vector_load %arg19[%swap3A_1819, %swap3A_1820] {strides = array<i32>} : memref<64x512xf32, #tpu.memory_space<vmem>>, vector<16xf32>,
      tpu.vector_store %arg19[%swap3A_1819, %swap3A_1820], %gather3A_1817 {strides = array<i32>} : memref<64x512xf32, #tpu.memory_space<vmem>>, vector<16xf32>,
      %gather3A_1822 = tpu.vector_load_idx %arg15[%broadcast_in_dim3A_1812, %get3A_1461] : memref<16x1001xf32, #tpu.memory_space<vmem>>[vector<16xi32>, vector<16xi32>], vector<16xf32>,
      %swap3A_1823 = arith.constant 29 : i32
      %swap3A_1824 = arith.index_cast %swap3A_1823 : i32 to index
      %swap3A_1825 = arith.index_cast %multiple_of3A_1472 : i32 to index
      %swap3A_1826 = tpu.vector_load %arg19[%swap3A_1824, %swap3A_1825] {strides = array<i32>} : memref<64x512xf32, #tpu.memory_space<vmem>>, vector<16xf32>,
      tpu.vector_store %arg19[%swap3A_1824, %swap3A_1825], %gather3A_1822 {strides = array<i32>} : memref<64x512xf32, #tpu.memory_space<vmem>>, vector<16xf32>,
      %gather3A_1827 = tpu.vector_load_idx %arg16[%broadcast_in_dim3A_1812, %get3A_1465] : memref<16x8xf32, #tpu.memory_space<vmem>>[vector<16xi32>, vector<16xi32>], vector<16xf32>,
      %swap3A_1828 = arith.constant 45 : i32
      %swap3A_1829 = arith.index_cast %swap3A_1828 : i32 to index
      %swap3A_1830 = arith.index_cast %multiple_of3A_1472 : i32 to index
      %swap3A_1831 = tpu.vector_load %arg19[%swap3A_1829, %swap3A_1830] {strides = array<i32>} : memref<64x512xf32, #tpu.memory_space<vmem>>, vector<16xf32>,
      tpu.vector_store %arg19[%swap3A_1829, %swap3A_1830], %gather3A_1827 {strides = array<i32>} : memref<64x512xf32, #tpu.memory_space<vmem>>, vector<16xf32>,
      %gather3A_1832 = tpu.vector_load_idx %arg17[%broadcast_in_dim3A_1812, %get3A_1469] : memref<16x25xf32, #tpu.memory_space<vmem>>[vector<16xi32>, vector<16xi32>], vector<16xf32>,
      %swap3A_1833 = arith.constant 61 : i32
      %swap3A_1834 = arith.index_cast %swap3A_1833 : i32 to index
      %swap3A_1835 = arith.index_cast %multiple_of3A_1472 : i32 to index
      %swap3A_1836 = tpu.vector_load %arg19[%swap3A_1834, %swap3A_1835] {strides = array<i32>} : memref<64x512xf32, #tpu.memory_space<vmem>>, vector<16xf32>,
      tpu.vector_store %arg19[%swap3A_1834, %swap3A_1835], %gather3A_1832 {strides = array<i32>} : memref<64x512xf32, #tpu.memory_space<vmem>>, vector<16xf32>,
      %broadcast_in_dim3A_1837 = arith.constant 14 : i32
      %broadcast_in_dim3A_1838 = vector.broadcast %broadcast_in_dim3A_1837 : i32 to vector<16xi32>
      %gather3A_1839 = arith.constant 16 : i32
      %gather3A_1840 = arith.constant 0 : i32
      %gather3A_1841 = arith.constant 0 : i32
      %gather3A_1842 = tpu.memref_slice %arg18[%gather3A_1839, %gather3A_1840, %gather3A_1841] : memref<32x16x128xf32, #tpu.memory_space<vmem>> -> memref<16x16x128xf32, #tpu.memory_space<vmem>>
      %gather3A_1843 = tpu.vector_load_idx %gather3A_1842[%iota3A, %broadcast_in_dim3A_1838, %and3A_1457] : memref<16x16x128xf32, #tpu.memory_space<vmem>>[vector<16xi32>, vector<16xi32>, vector<16xi32>], vector<16xf32>,
      %swap3A_1844 = arith.constant 14 : i32
      %swap3A_1845 = arith.index_cast %swap3A_1844 : i32 to index
      %swap3A_1846 = arith.index_cast %multiple_of3A_1472 : i32 to index
      %swap3A_1847 = tpu.vector_load %arg19[%swap3A_1845, %swap3A_1846] {strides = array<i32>} : memref<64x512xf32, #tpu.memory_space<vmem>>, vector<16xf32>,
      tpu.vector_store %arg19[%swap3A_1845, %swap3A_1846], %gather3A_1843 {strides = array<i32>} : memref<64x512xf32, #tpu.memory_space<vmem>>, vector<16xf32>,
      %gather3A_1848 = tpu.vector_load_idx %arg15[%broadcast_in_dim3A_1838, %get3A_1461] : memref<16x1001xf32, #tpu.memory_space<vmem>>[vector<16xi32>, vector<16xi32>], vector<16xf32>,
      %swap3A_1849 = arith.constant 30 : i32
      %swap3A_1850 = arith.index_cast %swap3A_1849 : i32 to index
      %swap3A_1851 = arith.index_cast %multiple_of3A_1472 : i32 to index
      %swap3A_1852 = tpu.vector_load %arg19[%swap3A_1850, %swap3A_1851] {strides = array<i32>} : memref<64x512xf32, #tpu.memory_space<vmem>>, vector<16xf32>,
      tpu.vector_store %arg19[%swap3A_1850, %swap3A_1851], %gather3A_1848 {strides = array<i32>} : memref<64x512xf32, #tpu.memory_space<vmem>>, vector<16xf32>,
      %gather3A_1853 = tpu.vector_load_idx %arg16[%broadcast_in_dim3A_1838, %get3A_1465] : memref<16x8xf32, #tpu.memory_space<vmem>>[vector<16xi32>, vector<16xi32>], vector<16xf32>,
      %swap3A_1854 = arith.constant 46 : i32
      %swap3A_1855 = arith.index_cast %swap3A_1854 : i32 to index
      %swap3A_1856 = arith.index_cast %multiple_of3A_1472 : i32 to index
      %swap3A_1857 = tpu.vector_load %arg19[%swap3A_1855, %swap3A_1856] {strides = array<i32>} : memref<64x512xf32, #tpu.memory_space<vmem>>, vector<16xf32>,
      tpu.vector_store %arg19[%swap3A_1855, %swap3A_1856], %gather3A_1853 {strides = array<i32>} : memref<64x512xf32, #tpu.memory_space<vmem>>, vector<16xf32>,
      %gather3A_1858 = tpu.vector_load_idx %arg17[%broadcast_in_dim3A_1838, %get3A_1469] : memref<16x25xf32, #tpu.memory_space<vmem>>[vector<16xi32>, vector<16xi32>], vector<16xf32>,
      %swap3A_1859 = arith.constant 62 : i32
      %swap3A_1860 = arith.index_cast %swap3A_1859 : i32 to index
      %swap3A_1861 = arith.index_cast %multiple_of3A_1472 : i32 to index
      %swap3A_1862 = tpu.vector_load %arg19[%swap3A_1860, %swap3A_1861] {strides = array<i32>} : memref<64x512xf32, #tpu.memory_space<vmem>>, vector<16xf32>,
      tpu.vector_store %arg19[%swap3A_1860, %swap3A_1861], %gather3A_1858 {strides = array<i32>} : memref<64x512xf32, #tpu.memory_space<vmem>>, vector<16xf32>,
      %broadcast_in_dim3A_1863 = arith.constant 15 : i32
      %broadcast_in_dim3A_1864 = vector.broadcast %broadcast_in_dim3A_1863 : i32 to vector<16xi32>
      %gather3A_1865 = arith.constant 16 : i32
      %gather3A_1866 = arith.constant 0 : i32
      %gather3A_1867 = arith.constant 0 : i32
      %gather3A_1868 = tpu.memref_slice %arg18[%gather3A_1865, %gather3A_1866, %gather3A_1867] : memref<32x16x128xf32, #tpu.memory_space<vmem>> -> memref<16x16x128xf32, #tpu.memory_space<vmem>>
      %gather3A_1869 = tpu.vector_load_idx %gather3A_1868[%iota3A, %broadcast_in_dim3A_1864, %and3A_1457] : memref<16x16x128xf32, #tpu.memory_space<vmem>>[vector<16xi32>, vector<16xi32>, vector<16xi32>], vector<16xf32>,
      %swap3A_1870 = arith.constant 15 : i32
      %swap3A_1871 = arith.index_cast %swap3A_1870 : i32 to index
      %swap3A_1872 = arith.index_cast %multiple_of3A_1472 : i32 to index
      %swap3A_1873 = tpu.vector_load %arg19[%swap3A_1871, %swap3A_1872] {strides = array<i32>} : memref<64x512xf32, #tpu.memory_space<vmem>>, vector<16xf32>,
      tpu.vector_store %arg19[%swap3A_1871, %swap3A_1872], %gather3A_1869 {strides = array<i32>} : memref<64x512xf32, #tpu.memory_space<vmem>>, vector<16xf32>,
      %gather3A_1874 = tpu.vector_load_idx %arg15[%broadcast_in_dim3A_1864, %get3A_1461] : memref<16x1001xf32, #tpu.memory_space<vmem>>[vector<16xi32>, vector<16xi32>], vector<16xf32>,
      %swap3A_1875 = arith.constant 31 : i32
      %swap3A_1876 = arith.index_cast %swap3A_1875 : i32 to index
      %swap3A_1877 = arith.index_cast %multiple_of3A_1472 : i32 to index
      %swap3A_1878 = tpu.vector_load %arg19[%swap3A_1876, %swap3A_1877] {strides = array<i32>} : memref<64x512xf32, #tpu.memory_space<vmem>>, vector<16xf32>,
      tpu.vector_store %arg19[%swap3A_1876, %swap3A_1877], %gather3A_1874 {strides = array<i32>} : memref<64x512xf32, #tpu.memory_space<vmem>>, vector<16xf32>,
      %gather3A_1879 = tpu.vector_load_idx %arg16[%broadcast_in_dim3A_1864, %get3A_1465] : memref<16x8xf32, #tpu.memory_space<vmem>>[vector<16xi32>, vector<16xi32>], vector<16xf32>,
      %swap3A_1880 = arith.constant 47 : i32
      %swap3A_1881 = arith.index_cast %swap3A_1880 : i32 to index
      %swap3A_1882 = arith.index_cast %multiple_of3A_1472 : i32 to index
      %swap3A_1883 = tpu.vector_load %arg19[%swap3A_1881, %swap3A_1882] {strides = array<i32>} : memref<64x512xf32, #tpu.memory_space<vmem>>, vector<16xf32>,
      tpu.vector_store %arg19[%swap3A_1881, %swap3A_1882], %gather3A_1879 {strides = array<i32>} : memref<64x512xf32, #tpu.memory_space<vmem>>, vector<16xf32>,
      %gather3A_1884 = tpu.vector_load_idx %arg17[%broadcast_in_dim3A_1864, %get3A_1469] : memref<16x25xf32, #tpu.memory_space<vmem>>[vector<16xi32>, vector<16xi32>], vector<16xf32>,
      %swap3A_1885 = arith.constant 63 : i32
      %swap3A_1886 = arith.index_cast %swap3A_1885 : i32 to index
      %swap3A_1887 = arith.index_cast %multiple_of3A_1472 : i32 to index
      %swap3A_1888 = tpu.vector_load %arg19[%swap3A_1886, %swap3A_1887] {strides = array<i32>} : memref<64x512xf32, #tpu.memory_space<vmem>>, vector<16xf32>,
      tpu.vector_store %arg19[%swap3A_1886, %swap3A_1887], %gather3A_1884 {strides = array<i32>} : memref<64x512xf32, #tpu.memory_space<vmem>>, vector<16xf32>,
      %scan3A_1889 = arith.constant 0 : i32
      scf.yield %scan3A_1889 : i32
    }
    %scan3A_263 = arith.constant 16 : i32
    "tpu.region"() ({
      %run_scoped3A = tpu.sem_alloc : memref<!tpu.dma_semaphore, #tpu.memory_space<semaphore_mem>>
      %dma_start3A_264 = arith.constant 0 : i32
      %dma_start3A_265 = tpu.memref_slice %arg10[%dma_start3A_264, %mul3A_2] : memref<64x16384xf32, #tpu.memory_space<hbm>> -> memref<64x512xf32, #tpu.memory_space<hbm>>
      %dma_start3A_266 = arith.constant 0 : i32
      %dma_start3A_267 = tpu.memref_slice %arg10[%dma_start3A_266, %mul3A_2] : memref<64x16384xf32, #tpu.memory_space<hbm>> -> memref<64x512xf32, #tpu.memory_space<hbm>>
      tpu.enqueue_dma source(%arg19 : memref<64x512xf32, #tpu.memory_space<vmem>>) target(%dma_start3A_267 : memref<64x512xf32, #tpu.memory_space<hbm>>) target_semaphore(%run_scoped3A : memref<!tpu.dma_semaphore, #tpu.memory_space<semaphore_mem>>)
      %dma_wait3A = arith.constant 0 : i32
      %dma_wait3A_268 = tpu.memref_slice %arg10[%dma_wait3A, %mul3A_2] : memref<64x16384xf32, #tpu.memory_space<hbm>> -> memref<64x512xf32, #tpu.memory_space<hbm>>
      %dma_wait3A_269 = arith.constant 0 : i32
      %dma_wait3A_270 = tpu.memref_slice %arg10[%dma_wait3A_269, %mul3A_2] : memref<64x16384xf32, #tpu.memory_space<hbm>> -> memref<64x512xf32, #tpu.memory_space<hbm>>
      tpu.wait_dma2 semaphore(%run_scoped3A : memref<!tpu.dma_semaphore, #tpu.memory_space<semaphore_mem>>) src(%arg19 : memref<64x512xf32, #tpu.memory_space<vmem>>) dst(%dma_wait3A_270 : memref<64x512xf32, #tpu.memory_space<hbm>>)
      tpu.yield
    }) : () -> ()
    return
  }
}

</mosaic_0001>

<sc_bundles>
// kernel: _run.3.cloned.1.call-start
scs
__scs_entry_jumppad:
0x0: {  	(pc) =	sbr.rel $0x88, $3  }
0x1: {  	(tag) =	ssettag $0x0;
	lr =	simm.s32 $0x1  }
0x2: {  	[smem:$0x3F99] =	sst lr;
	_ =	strace $0xD0000000  }
0x3: {  	_ = 	snop  }
0x4: {  	_ = 	snop  }
0x5: {  	_ = 	snop  }
0x6: {  	_ = 	snop  }
0x7: {  	_ = 	snop  }
__scs_overlays_trampoline_lowered:
0x8: {  	[smem:$0x3FA8] =	sst s0  }
0x9: {  	[smem:$0x3FA9] =	sst s1  }
0xa: {  	[smem:$0x3FAA] =	sst s2  }
0xb: {  	[smem:$0x3FAB] =	sst s3  }
0xc: {  	[smem:$0x3FAC] =	sst s4  }
0xd: {  	[smem:$0x3FAD] =	sst s5  }
0xe: {  	[smem:$0x3FAE] =	sst s6  }
0xf: {  	[smem:$0x3FAF] =	sst s7  }
0x10: {  	[smem:$0x3FB0] =	sst s8  }
0x11: {  	[smem:$0x3FB1] =	sst s9;
	s0 =	simm.s32 @!p0 $0x0  }
0x12: {  	s1 =	sld [smem:$0x3F97];
	s0 =	simm.s32 @p0 $0x1  }
0x13: {  	[smem:$0x3FB2] =	sst s0;
	s0 =	simm.s32 @!p1 $0x0  }
0x14: {  	s2 =	sld [smem:$0x3F96];
	s0 =	simm.s32 @p1 $0x1  }
0x15: {  	[smem:$0x3FB3] =	sst s0;
	s0 =	simm.s32 @!p2 $0x0  }
0x16: {  	s3 =	sld [smem:$0x3FDB];
	s0 =	simm.s32 @p2 $0x1  }
0x17: {  	s4 =	simm.s32 $0x1BF5;
	[smem:$0x3FB5] =	sst s0  }
0x18: {  	s0 =	sld [smem:$0x3F98];
	_ =	swait.ge [sflag:s4], $0x0  }
0x19: {  	s7 =	sld [smem:$0x3F99]  }
0x1a: {  	s8 =	sadd.s32 $0xFFFFE003, lr  }
0x1b: {  	s9 =	sadd.s32 $0xFFFFFEF7, lr;
	s5 =	simm.s32 $0xFFFFFFFF;
	p2 =	slt.u32 s8, $0xFFFFF086  }
0x1c: {  	p1 =	slt.u32 s9, $0xF7A;
	s5 =	simm.s32 @!p2 $0x0  }
0x1d: {  	s5 =	simm.s32 @p1 $0x1;
	p0 =	seq.s32 s7, s2  }
0x1e: {  	s7 =	smul.u32 @!p0 $0xF7A, s2;
	p2 =	seq.s32 @!p0 s5, $0x0  }
0x1f: {  	s9 =	smul.u32 $0xF7A, s1;
	s8 =	simm.s32 @!p0 $0x1BF5;
	p2 =	por !p2, p0  }
0x20: {  	[sflag:s8] =	ssyncset.s32 @!p0 $0xFFFFF086;
	s6 =	sadd.s32 @!p0 s3, s7;
	s7 =	simm.s32 @!p0 $0x108  }
0x21: {  	s3 =	sadd.s32 s3, s9;
	s6 =	sadd.s32 @!p0 $0x88, s6;
	s7 =	simm.s32 @p2 $0x1082  }
0x22: {  	[simem:s7], [sflag:s8] =	dma.local @!p0 [hbm:s6], $0xF7A  }
0x23: {  	s9 =	sor.u32 $0xD0000000, s2;
	s6 =	simm.s32 $0x108;
	_ =	swait.ge @!p0 [sflag:s8], $0x0  }
0x24: {  	s3 =	sadd.s32 $0x88, s3;
	s6 =	simm.s32 @!p1 $0x1082;
	[sflag:s4] =	ssyncset.s32 $0xFFFFF086  }
0x25: {  	[simem:s6], [sflag:s4] =	dma.local [hbm:s3], $0xF7A  }
0x26: {  	[smem:$0x3F99] =	sst s1;
	(tag) =	ssettag s2;
	_ =	strace s9  }
0x27: {  	s1 =	sld [smem:$0x3FA9]  }
0x28: {  	s2 =	sld [smem:$0x3FAA]  }
0x29: {  	s4 =	sld [smem:$0x3FAC]  }
0x2a: {  	p0 =	seq.s32 s5, $0x0;
	s5 =	sld [smem:$0x3FAD]  }
0x2b: {  	s6 =	sld [smem:$0x3FAE]  }
0x2c: {  	s7 =	sld [smem:$0x3FAF]  }
0x2d: {  	s3 =	simm.s32 $0x108;
	s8 =	sld [smem:$0x3FB0]  }
0x2e: {  	s3 =	simm.s32 @!p0 $0x1082;
	s9 =	sld [smem:$0x3FB1]  }
0x2f: {  	lr =	sadd.s32 s0, s3;
	s0 =	sld [smem:$0x3FA8]  }
0x30: {  	s3 =	sld [smem:$0x3FAB]  }
0x31: {  	[smem:$0x3FB4] =	sst s10  }
0x32: {  	s10 =	sld [smem:$0x3FB2];
	_ =	sdelay $0x3  }
0x33: {  	p0 =	seq.s32 s10, $0x1;
	s10 =	sld [smem:$0x3FB4];
	_ =	sdelay $0x3  }
0x34: {  	[smem:$0x3FB4] =	sst s10  }
0x35: {  	s10 =	sld [smem:$0x3FB3];
	_ =	sdelay $0x3  }
0x36: {  	p1 =	seq.s32 s10, $0x1;
	s10 =	sld [smem:$0x3FB4];
	_ =	sdelay $0x3  }
0x37: {  	[smem:$0x3FB4] =	sst s10  }
0x38: {  	s10 =	sld [smem:$0x3FB5]  }
0x39: {  	_ = 	snop;
	(pc) =	sbr.ind lr, $3  }
0x3a: {  	_ = 	snop  }
0x3b: {  	_ = 	snop  }
0x3c: {  	p2 =	seq.s32 s10, $0x1;
	s10 =	sld [smem:$0x3FB4]  }
0x3d: {  	_ =	shalt  }
0x3e: {  	_ =	shalt  }
0x3f: {  	_ =	shalt  }
0x40: {  	_ =	shalt  }
0x41: {  	_ =	shalt  }
0x42: {  	_ =	shalt  }
0x43: {  	_ =	shalt  }
0x44: {  	_ =	shalt  }
0x45: {  	_ =	shalt  }
0x46: {  	_ =	shalt  }
0x47: {  	_ =	shalt  }
0x48: {  	_ =	shalt  }
0x49: {  	_ =	shalt  }
0x4a: {  	_ =	shalt  }
0x4b: {  	_ =	shalt  }
0x4c: {  	_ =	shalt  }
0x4d: {  	_ =	shalt  }
0x4e: {  	_ =	shalt  }
0x4f: {  	_ =	shalt  }
0x50: {  	_ =	shalt  }
0x51: {  	_ =	shalt  }
0x52: {  	_ =	shalt  }
0x53: {  	_ =	shalt  }
0x54: {  	_ =	shalt  }
0x55: {  	_ =	shalt  }
0x56: {  	_ =	shalt  }
0x57: {  	_ =	shalt  }
0x58: {  	_ =	shalt  }
0x59: {  	_ =	shalt  }
0x5a: {  	_ =	shalt  }
0x5b: {  	_ =	shalt  }
0x5c: {  	_ =	shalt  }
0x5d: {  	_ =	shalt  }
0x5e: {  	_ =	shalt  }
0x5f: {  	_ =	shalt  }
0x60: {  	_ =	shalt  }
0x61: {  	_ =	shalt  }
0x62: {  	_ =	shalt  }
0x63: {  	_ =	shalt  }
0x64: {  	_ =	shalt  }
0x65: {  	_ =	shalt  }
0x66: {  	_ =	shalt  }
0x67: {  	_ =	shalt  }
0x68: {  	_ =	shalt  }
0x69: {  	_ =	shalt  }
0x6a: {  	_ =	shalt  }
0x6b: {  	_ =	shalt  }
0x6c: {  	_ =	shalt  }
0x6d: {  	_ =	shalt  }
0x6e: {  	_ =	shalt  }
0x6f: {  	_ =	shalt  }
0x70: {  	_ =	shalt  }
0x71: {  	_ =	shalt  }
0x72: {  	_ =	shalt  }
0x73: {  	_ =	shalt  }
0x74: {  	_ =	shalt  }
0x75: {  	_ =	shalt  }
0x76: {  	_ =	shalt  }
0x77: {  	_ =	shalt  }
0x78: {  	_ =	shalt  }
0x79: {  	_ =	shalt  }
0x7a: {  	_ =	shalt  }
0x7b: {  	_ =	shalt  }
0x7c: {  	_ =	shalt  }
0x7d: {  	_ =	shalt  }
0x7e: {  	_ =	shalt  }
0x7f: {  	_ =	shalt  }
0x80: {  	_ =	shalt  }
0x81: {  	_ =	shalt  }
0x82: {  	_ =	shalt  }
0x83: {  	_ =	shalt  }
0x84: {  	_ =	shalt  }
0x85: {  	_ =	shalt  }
0x86: {  	_ =	shalt  }
0x87: {  	_ =	shalt  }
.Lfunc_end0:
.L_simem_size_0:
called_computation_lowered:
.L_overlay_start_0:
0x88: {  	s2 =	sld [smem:$0x3FD9]  }
0x89: {  	s3 =	sld [smem:$0x3FFE];
	_ =	sdelay $0x1  }
0x8a: {  	s1 =	srdreg.scid  }
0x8b: {  	s0 =	sand.u32 $0x1, s1  }
0x8c: {  	s17 =	sshll.u32 s0, $0xA;
	s2 =	sadd.s32 s3, s2  }
0x8d: {  	s2 =	sadd.s32 s2, s17  }
0x8e: {  	[smem:$0x3FC0] =	sst s2  }
0x8f: {  	_ = 	snop  }
0x90: {  	s2 =	sld [smem:$0x3FC9]  }
0x91: {  	s18 =	sld [smem:$0x3FC8]  }
0x92: {  	s4 =	sld [smem:$0x3FC7]  }
0x93: {  	s5 =	sld [smem:$0x3FC6]  }
0x94: {  	s6 =	sld [smem:$0x3FC5]  }
0x95: {  	s7 =	sld [smem:$0x3FC4]  }
0x96: {  	s8 =	sld [smem:$0x3FC2]  }
0x97: {  	s9 =	sld [smem:$0x3FD0];
	(tm) =	ssettm $0x1  }
0x98: {  	s10 =	sld [smem:$0x3FFB];
	_ =	sdelay $0x3  }
0x99: {  	_ =	strace s10  }
0x9a: {  	s10 =	sld [smem:$0x3FFC];
	_ =	sdelay $0x3  }
0x9b: {  	_ =	strace s10  }
0x9c: {  	s10 =	sld [smem:$0x3FFD];
	_ =	sdelay $0x3  }
0x9d: {  	_ =	strace s10  }
0x9e: {  	_ =	strace $0x8FFFFFFF  }
0x9f: {  	s19 =	sld [smem:$0x3FDB];
	_ =	sdelay $0x1  }
0xa0: {  	s11 =	simm.s32 $_scs_section_size  }
0xa1: {  	s12 =	simm.s32 $_size__tile_overlayer_lowered;
	s13 =	simm.s32 $_tile_overlayer_lowered  }
0xa2: {  	s22 =	simm.s32 $0x1BFF;
	s21 =	sshll.u32 s13, $0x1;
	s10 =	sadd.s32 s11, s19  }
0xa3: {  	s14 =	simm.s32 $0x0;
	s20 =	sshll.u32 s12, $0x1;
	s12 =	sadd.s32 s21, s10  }
0xa4: {  	[timem:s14], [sflag:s22] =	dma.local [hbm:s12], s20  }
0xa5: {  	_ =	swait.ge [sflag:s22], s20  }
0xa6: {  	s11 =	ssub.s32 $0x0, s20;
	[sflag:s22] =	ssyncset.done $0x0  }
0xa7: {  	[sflag:s22] =	ssyncadd.s32 s11;
	_ =	sdelay $0x1  }
0xa8: {  	s23 =	simm.s32 $0x1B8B  }
0xa9: {  	_ =	swait.ge [sflag:s23], $0x1  }
0xaa: {  	[sflag:s23] =	ssyncset.done $0x0  }
0xab: {  	s25 =	simm.s32 $0x1B8E;
	s24 =	sld [smem:$0x3FFE];
	[sflag:s23] =	ssyncadd.s32 $0xFFFFFFFF  }
0xac: {  	s26 =	simm.s32 $execute0_lowered;
	[smem:$0x3FD2] =	sst s25  }
0xad: {  	s12 =	sshll.u32 s26, $0x1;
	_ =	strace $0x80000046;
	[dreg:$0x1] =	wrdreg $0xFFFFFFFF  }
0xae: {  	s28 =	simm.s32 $_size_execute0_lowered;
	s10 =	sadd.s32 s10, s12;
	[dreg:$0x0] =	wrdreg $0x0  }
0xaf: {  	s12 =	sshll.u32 s28, $0x1;
	[dreg:$0x2] =	wrdreg s10  }
0xb0: {  	[dreg:$0x3] =	wrdreg s12  }
0xb1: {  	[dreg:$0x4] =	wrdreg $0xC0  }
0xb2: {  	_ =	task [dreg:s14], $0x5FFFF  }
0xb3: {  	[dreg:$0x1] =	wrdreg $0xFFFFFFFF  }
0xb4: {  	[dreg:$0x0] =	wrdreg $0x60  }
0xb5: {  	[dreg:$0x2] =	wrdreg s2  }
0xb6: {  	[dreg:$0x3] =	wrdreg s18  }
0xb7: {  	[dreg:$0x4] =	wrdreg s4  }
0xb8: {  	[dreg:$0x5] =	wrdreg s5  }
0xb9: {  	[dreg:$0x6] =	wrdreg s6  }
0xba: {  	[dreg:$0x7] =	wrdreg s7  }
0xbb: {  	[dreg:$0x8] =	wrdreg s24  }
0xbc: {  	[dreg:$0x9] =	wrdreg s8  }
0xbd: {  	[dreg:$0xa] =	wrdreg s9  }
0xbe: {  	[dreg:$0xb] =	wrdreg $0x9  }
0xbf: {  	_ =	task.clear_ibuf [dreg:s14], $0xCFFFF;
	_ =	strace $0x90000046  }
0xc0: {  	s29 =	simm.s32 $0x9;
	_ =	strace $0x80000048  }
0xc1: {  	_ =	swait.ge [sflag:s29], $0x1  }
0xc2: {  	[sflag:s29] =	ssyncadd.s32 $0xFFFFFFFF  }
0xc3: {  	_ =	strace $0x90000048  }
0xc4: {  	_ =	sfence  }
0xc5: {  	s30 =	sld [smem:$0x0];
	_ =	sdelay $0x2  }
0xc6: {  	s31 =	sshll.u32 s1, $0xD;
	s1 =	sshrl.u32 s1, $0x2  }
0xc7: {  	s3 =	sand.u32 $0x4000, s31;
	s1 =	sadd.s32 s1, s30  }
0xc8: {  	s0 =	sor.u32 s3, s0;
	s1 =	sshll.u32 s1, $0x11  }
0xc9: {  	s0 =	sor.u32 s1, s0  }
0xca: {  	s0 =	sadd.s32 $0x8F2B, s0  }
0xcb: {  	[sflag:s0] =	ssyncadd.remote.s32 $0x1  }
0xcc: {  	_ =	sfence.sel $0xFFFF  }
0xcd: {  	[dreg:$0x0] =	wrdreg $0xFFFFFFFF;
	(pc) =	sbr.abs _section_cstart, $3  }
0xce: {  	[dreg:$0x1] =	wrdreg $0xFFFFFFFF  }
0xcf: {  	_ =	task.clear_ibuf [dreg:s14], $0x2FFFF;
	_ =	strace $0x9FFFFFFF  }
0xd0: {  	(tm) =	ssettm $0x7FFFFFFF  }
0xd1: {  	_ =	shalt  }
tec
execute0_lowered:
.L_overlay_start_1:
0x0: {  	(tag) =	ssettag $0x1  }
0x1: {  	s0 =	rddreg [dreg:$0x0]  }
0x2: {  	s1 =	rddreg [dreg:$0x1]  }
0x3: {  	s2 =	rddreg [dreg:$0x2]  }
0x4: {  	s3 =	rddreg [dreg:$0x3]  }
0x5: {  	s4 =	rddreg [dreg:$0x6]  }
0x6: {  	s5 =	rddreg [dreg:$0x8]  }
0x7: {  	s6 =	srdreg.scid;
	s8 =	simm.s32 $0x0;
	s7 =	stileid.u32  }
0x8: {  	s15 =	simm.s32 $0x400;
	s17 =	simm.s32 $0x800;
	s18 =	simm.s32 $0x4800  }
0x9: {  	s19 =	simm.s32 $0x5000;
	s21 =	simm.s32 $0x7A1400;
	s22 =	simm.s32 $0x5800  }
0xa: {  	s31 =	simm.s32 $0x2;
	s6 =	sand.u32 $0x1, s6;
	[smem:$0x7FF] =	sst s8  }
0xb: {  	s7 =	sshll.u32 s7, $0xA;
	s4 =	sadd.s32 $0x400, s4;
	s23 =	sshll.u32 s6, $0x9  }
0xc: {  	v0 =	vlaneseq.u32;
	_ =	strace $0x80000047;
	s6 =	ssub.s32 $0x2, s6;
	s7 =	sor.u32 s23, s7  }
0xd: {  	v0 =	vmul.u32 $0x800, v0;
	[dreg:$0xa] =	wrdreg s4;
	s8 =	sshrl.u32 s7, $0x3;
	s29 =	sadd.s32 s5, s7  }
0xe: {  	s24 =	sshrl.u32 s6, $0x1;
	s0 =	sadd.s32 s0, s8;
	[dreg:$0xf] =	wrdreg s29  }
.Ltmp0:
0xf: {  	v1 =	vor.u32 $0x80, v0;
	v2 =	vor.u32 $0x100, v0;
	v3 =	vor.u32 $0x180, v0;
	s25 =	sadd.s32 s1, s8;
	[dreg:$0xb] =	wrdreg s0;
	(pc) =	sbr.rel .LBB2_1-.Ltmp0, $4  }
0x10: {  	v4 =	vor.u32 $0x200, v0;
	v5 =	vor.u32 $0x280, v0;
	v6 =	vor.u32 $0x300, v0;
	s4 =	ssub.s32 s6, s24;
	s26 =	sadd.s32 s2, s8;
	[dreg:$0xc] =	wrdreg s25  }
0x11: {  	v7 =	vor.u32 $0x380, v0;
	v8 =	vor.u32 $0x400, v0;
	v9 =	vor.u32 $0x480, v0;
	s7 =	simm.s32 $0xD800;
	s28 =	sadd.s32 s3, s8;
	[dreg:$0xd] =	wrdreg s26  }
0x12: {  	v10 =	vor.u32 $0x500, v0;
	v11 =	vor.u32 $0x580, v0;
	v12 =	vor.u32 $0x600, v0;
	s30 =	smax.u32 s4, $0x1;
	s3 =	simm.s32 $0x4;
	[dreg:$0xe] =	wrdreg s28  }
0x13: {  	v13 =	vor.u32 $0x680, v0;
	v14 =	vor.u32 $0x700, v0;
	v15 =	vor.u32 $0x780, v0;
	s2 =	simm.s32 $0x0;
	[dreg:$0x10] =	wrdreg s30;
	s0 =	simm.s32 $0x3  }
.LBB2_5:
0x14: {  	s1 =	rddreg [dreg:$0xf]  }
0x15: {  	s2 =	simm.s32 $0x1000;
	s3 =	simm.s32 $0x20000;
	s4 =	simm.s32 $0x15800  }
0x16: {  	[hbm4b:s1+s2] =	stream.strided.scatter [tilespmem:s4], [sflag:$0x4], $0x8000, s3, s2, $0x38;
	[tilespmem:$0x1D800] =	vst v63  }
0x17: {  	s3 =	simm.s32 $0x4  }
0x18: {  	_ =	swait.ge [sflag:s3], $0x8000  }
0x19: {  	s29 =	rddreg [dreg:$0x11]  }
0x1a: {  	s30 =	rddreg [dreg:$0x10];
	s2 =	sadd.s32 $0x1, s29  }
0x1b: {  	p0 =	sne.s32 s2, s30  }
.Ltmp1:
0x1c: {  	_ = 	snop;
	(pc) =	sbr.rel @!p0 .LBB2_6-.Ltmp1, $3  }
0x1d: {  	_ =	sdelay $0x1  }
0x1e: {  	[sflag:s3] =	ssyncset.done $0x0  }
0x1f: {  	[sflag:s3] =	ssyncadd.s32 $0xFFFF8000  }
.LBB2_1:
0x20: {  	[dreg:$0x11] =	wrdreg s2  }
0x21: {  	s29 =	simm.s32 $0x0;
	s1 =	rddreg [dreg:$0xb]  }
0x22: {  	[tilespmem:s29], [sflag:$0x4] =	stream.linear.gather [hbm4b:s1+s29], $0x200, $0x38;
	[tilespmem:$0x1D800] =	vst v63  }
0x23: {  	_ =	swait.ge [sflag:s3], $0x200  }
0x24: {  	[sflag:s3] =	ssyncset.done $0x0  }
0x25: {  	s4 =	simm.s32 $0x200;
	s30 =	rddreg [dreg:$0xc];
	[sflag:s3] =	ssyncadd.s32 $0xFFFFFE00  }
0x26: {  	[tilespmem:s4], [sflag:$0x4] =	stream.linear.gather [hbm4b:s30+s29], $0x200, $0x38;
	[tilespmem:$0x1D800] =	vst v63  }
0x27: {  	_ =	swait.ge [sflag:s3], $0x200  }
0x28: {  	[sflag:s3] =	ssyncset.done $0x0  }
0x29: {  	s5 =	rddreg [dreg:$0xd];
	[sflag:s3] =	ssyncadd.s32 $0xFFFFFE00  }
0x2a: {  	[tilespmem:s15], [sflag:$0x4] =	stream.linear.gather [hbm4b:s5+s29], $0x200, $0x38;
	[tilespmem:$0x1D800] =	vst v63  }
0x2b: {  	_ =	swait.ge [sflag:s3], $0x200  }
0x2c: {  	[sflag:s3] =	ssyncset.done $0x0  }
0x2d: {  	s8 =	simm.s32 $0x600;
	s6 =	rddreg [dreg:$0xe];
	[sflag:s3] =	ssyncadd.s32 $0xFFFFFE00  }
0x2e: {  	[tilespmem:s8], [sflag:$0x4] =	stream.linear.gather [hbm4b:s6+s29], $0x200, $0x38;
	[tilespmem:$0x1D800] =	vst v63  }
0x2f: {  	_ =	swait.ge [sflag:s3], $0x200  }
0x30: {  	[sflag:s3] =	ssyncset.done $0x0  }
0x31: {  	[sflag:s3] =	ssyncadd.s32 $0xFFFFFE00  }
0x32: {  	s9 =	rddreg [dreg:$0x5]  }
0x33: {  	[tilespmem:s17], [sflag:$0x1] =	stream.linear.gather [hbm4b:s9+s29], $0x4000, $0x38;
	[tilespmem:$0x1D800] =	vst v63  }
0x34: {  	s10 =	rddreg [dreg:$0xa]  }
0x35: {  	[tilespmem:s18], [sflag:$0x1] =	stream.linear.gather [hbm4b:s10+s29], $0x800, $0x38;
	[tilespmem:$0x1D800] =	vst v63  }
0x36: {  	s12 =	simm.s32 $0x1;
	s11 =	rddreg [dreg:$0x7]  }
0x37: {  	[tilespmem:s19], [sflag:$0x1] =	stream.linear.gather [hbm4b:s11+s29], $0x800, $0x38;
	[tilespmem:$0x1D800] =	vst v63  }
0x38: {  	_ =	swait.ge [sflag:s12], $0x4000  }
0x39: {  	[sflag:s12] =	ssyncset.done $0x0  }
0x3a: {  	[sflag:s12] =	ssyncadd.s32 $0xFFFFC000  }
0x3b: {  	_ =	swait.ge [sflag:s12], $0x800  }
0x3c: {  	[sflag:s12] =	ssyncset.done $0x0  }
0x3d: {  	[sflag:s12] =	ssyncadd.s32 $0xFFFFF800  }
0x3e: {  	_ =	swait.ge [sflag:s12], $0x800  }
0x3f: {  	[sflag:s12] =	ssyncset.done $0x0  }
0x40: {  	[sflag:s12] =	ssyncadd.s32 $0xFFFFF800  }
0x41: {  	v16 =	vld [tilespmem:$0x0];
	_ =	sdelay $0x4  }
0x42: {  	s1 =	rddreg [dreg:$0x4];
	v16 =	vand.u32 $0xFFFFFF80, v16  }
0x43: {  	v16 =	vadd.s32 s1, v16  }
0x44: {  	(v2sf) =	vpush v16, $0x0;
	_ =	sdelay $0x1  }
0x45: {  	(v2sf) =	vpush v16, $0x1;
	_ =	sdelay $0x1  }
0x46: {  	(v2sf) =	vpush v16, $0x2;
	_ =	sdelay $0x1  }
0x47: {  	(v2sf) =	vpush v16, $0x3;
	_ =	sdelay $0x1  }
0x48: {  	(v2sf) =	vpush v16, $0x4;
	_ =	sdelay $0x1  }
0x49: {  	(v2sf) =	vpush v16, $0x5;
	_ =	sdelay $0x1  }
0x4a: {  	(v2sf) =	vpush v16, $0x6;
	_ =	sdelay $0x1  }
0x4b: {  	(v2sf) =	vpush v16, $0x7  }
0x4c: {  	s13 =	spop (v2sf)  }
0x4d: {  	(v2sf) =	vpush v16, $0x8;
	[tilespmem:s22], [sflag:$0x2] =	stream.strided.gather [hbm4b:s13+s15], $0x800, s21, s15, $0x38;
	[tilespmem:$0x1D800] =	vst v63  }
0x4e: {  	s16 =	simm.s32 $0x6000;
	s14 =	spop (v2sf)  }
0x4f: {  	(v2sf) =	vpush v16, $0x9;
	[tilespmem:s16], [sflag:$0x2] =	stream.strided.gather [hbm4b:s14+s15], $0x800, s21, s15, $0x38;
	[tilespmem:$0x1D800] =	vst v63  }
0x50: {  	s23 =	simm.s32 $0x6800;
	s20 =	spop (v2sf)  }
0x51: {  	(v2sf) =	vpush v16, $0xA;
	[tilespmem:s23], [sflag:$0x2] =	stream.strided.gather [hbm4b:s20+s15], $0x800, s21, s15, $0x38;
	[tilespmem:$0x1D800] =	vst v63  }
0x52: {  	s25 =	simm.s32 $0x7000;
	s24 =	spop (v2sf)  }
0x53: {  	(v2sf) =	vpush v16, $0xB;
	[tilespmem:s25], [sflag:$0x2] =	stream.strided.gather [hbm4b:s24+s15], $0x800, s21, s15, $0x38;
	[tilespmem:$0x1D800] =	vst v63  }
0x54: {  	s28 =	simm.s32 $0x7800;
	s26 =	spop (v2sf)  }
0x55: {  	(v2sf) =	vpush v16, $0xC;
	[tilespmem:s28], [sflag:$0x2] =	stream.strided.gather [hbm4b:s26+s15], $0x800, s21, s15, $0x38;
	[tilespmem:$0x1D800] =	vst v63  }
0x56: {  	s30 =	simm.s32 $0x8000;
	s29 =	spop (v2sf)  }
0x57: {  	(v2sf) =	vpush v16, $0xD;
	[tilespmem:s30], [sflag:$0x2] =	stream.strided.gather [hbm4b:s29+s15], $0x800, s21, s15, $0x38;
	[tilespmem:$0x1D800] =	vst v63  }
0x58: {  	s4 =	simm.s32 $0x8800;
	s3 =	spop (v2sf)  }
0x59: {  	[tilespmem:s4], [sflag:$0x2] =	stream.strided.gather [hbm4b:s3+s15], $0x800, s21, s15, $0x38;
	[tilespmem:$0x1D800] =	vst v63  }
0x5a: {  	s6 =	simm.s32 $0x9000;
	(v2sf) =	vpush v16, $0xE;
	s5 =	spop (v2sf)  }
0x5b: {  	[tilespmem:s6], [sflag:$0x2] =	stream.strided.gather [hbm4b:s5+s15], $0x800, s21, s15, $0x38;
	[tilespmem:$0x1D800] =	vst v63  }
0x5c: {  	s9 =	simm.s32 $0x9800;
	(v2sf) =	vpush v16, $0xF;
	s8 =	spop (v2sf)  }
0x5d: {  	[tilespmem:s9], [sflag:$0x2] =	stream.strided.gather [hbm4b:s8+s15], $0x800, s21, s15, $0x38;
	[tilespmem:$0x1D800] =	vst v63  }
0x5e: {  	s11 =	simm.s32 $0xA000;
	s10 =	spop (v2sf)  }
0x5f: {  	[tilespmem:s11], [sflag:$0x2] =	stream.strided.gather [hbm4b:s10+s15], $0x800, s21, s15, $0x38;
	[tilespmem:$0x1D800] =	vst v63  }
0x60: {  	s13 =	simm.s32 $0xA800;
	s12 =	spop (v2sf)  }
0x61: {  	[tilespmem:s13], [sflag:$0x2] =	stream.strided.gather [hbm4b:s12+s15], $0x800, s21, s15, $0x38;
	[tilespmem:$0x1D800] =	vst v63  }
0x62: {  	s16 =	simm.s32 $0xB000;
	s14 =	spop (v2sf)  }
0x63: {  	[tilespmem:s16], [sflag:$0x2] =	stream.strided.gather [hbm4b:s14+s15], $0x800, s21, s15, $0x38;
	[tilespmem:$0x1D800] =	vst v63  }
0x64: {  	s2 =	simm.s32 $0xFFFFF000;
	s23 =	simm.s32 $0xB800;
	s20 =	spop (v2sf)  }
0x65: {  	[tilespmem:s23], [sflag:$0x2] =	stream.strided.gather [hbm4b:s20+s15], $0x800, s21, s15, $0x38;
	[tilespmem:$0x1D800] =	vst v63  }
0x66: {  	s25 =	simm.s32 $0xC000;
	s28 =	simm.s32 $0xC800;
	s24 =	spop (v2sf)  }
0x67: {  	[tilespmem:s25], [sflag:$0x2] =	stream.strided.gather [hbm4b:s24+s15], $0x800, s21, s15, $0x38;
	[tilespmem:$0x1D800] =	vst v63  }
.Ltmp2:
0x68: {  	s30 =	simm.s32 $0xD000;
	s4 =	simm.s32 $0x10;
	(pc) =	sbr.rel .LBB2_2-.Ltmp2, $4  }
0x69: {  	s3 =	simm.s32 $0x0;
	s6 =	simm.s32 $0x0;
	s26 =	spop (v2sf)  }
0x6a: {  	[tilespmem:s28], [sflag:$0x2] =	stream.strided.gather [hbm4b:s26+s15], $0x800, s21, s15, $0x38;
	[tilespmem:$0x1D800] =	vst v63  }
0x6b: {  	s29 =	spop (v2sf);
	s14 =	simm.s32 $0x0;
	s16 =	simm.s32 $0x0  }
0x6c: {  	[tilespmem:s30], [sflag:$0x2] =	stream.strided.gather [hbm4b:s29+s15], $0x800, s21, s15, $0x38;
	[tilespmem:$0x1D800] =	vst v63  }
.LBB2_4:
0x6d: {  	_ =	swait.ge [sflag:s0], $0x800  }
0x6e: {  	[sflag:s0] =	ssyncset.done $0x0  }
0x6f: {  	[sflag:s0] =	ssyncadd.s32 $0xFFFFF800  }
0x70: {  	_ =	swait.ge [sflag:s0], $0x800  }
0x71: {  	[sflag:s0] =	ssyncset.done $0x0  }
0x72: {  	[sflag:s0] =	ssyncadd.s32 $0xFFFFF800  }
0x73: {  	_ =	swait.ge [sflag:s0], $0x800  }
0x74: {  	[sflag:s0] =	ssyncset.done $0x0  }
0x75: {  	[sflag:s0] =	ssyncadd.s32 $0xFFFFF800  }
0x76: {  	_ =	swait.ge [sflag:s0], $0x800  }
0x77: {  	[sflag:s0] =	ssyncset.done $0x0  }
0x78: {  	[sflag:s0] =	ssyncadd.s32 $0xFFFFF800  }
0x79: {  	_ =	swait.ge [sflag:s0], $0x800  }
0x7a: {  	[sflag:s0] =	ssyncset.done $0x0  }
0x7b: {  	[sflag:s0] =	ssyncadd.s32 $0xFFFFF800  }
0x7c: {  	_ =	swait.ge [sflag:s0], $0x800  }
0x7d: {  	[sflag:s0] =	ssyncset.done $0x0  }
0x7e: {  	[sflag:s0] =	ssyncadd.s32 $0xFFFFF800  }
0x7f: {  	_ =	swait.ge [sflag:s0], $0x800  }
0x80: {  	[sflag:s0] =	ssyncset.done $0x0  }
0x81: {  	[sflag:s0] =	ssyncadd.s32 $0xFFFFF800  }
0x82: {  	_ =	swait.ge [sflag:s0], $0x800  }
0x83: {  	[sflag:s0] =	ssyncset.done $0x0  }
0x84: {  	[sflag:s0] =	ssyncadd.s32 $0xFFFFF800  }
0x85: {  	_ =	swait.ge [sflag:s0], $0x800  }
0x86: {  	[sflag:s0] =	ssyncset.done $0x0  }
0x87: {  	[sflag:s0] =	ssyncadd.s32 $0xFFFFF800  }
0x88: {  	_ =	swait.ge [sflag:s0], $0x800  }
0x89: {  	[sflag:s0] =	ssyncset.done $0x0  }
0x8a: {  	[sflag:s0] =	ssyncadd.s32 $0xFFFFF800  }
0x8b: {  	_ =	swait.ge [sflag:s0], $0x800  }
0x8c: {  	[sflag:s0] =	ssyncset.done $0x0  }
0x8d: {  	[sflag:s0] =	ssyncadd.s32 $0xFFFFF800  }
0x8e: {  	_ =	swait.ge [sflag:s0], $0x800  }
0x8f: {  	[sflag:s0] =	ssyncset.done $0x0  }
0x90: {  	[sflag:s0] =	ssyncadd.s32 $0xFFFFF800  }
0x91: {  	_ =	swait.ge [sflag:s0], $0x800  }
0x92: {  	[sflag:s0] =	ssyncset.done $0x0  }
0x93: {  	[sflag:s0] =	ssyncadd.s32 $0xFFFFF800  }
0x94: {  	_ =	swait.ge [sflag:s0], $0x800  }
0x95: {  	[sflag:s0] =	ssyncset.done $0x0  }
0x96: {  	[sflag:s0] =	ssyncadd.s32 $0xFFFFF800  }
0x97: {  	_ =	swait.ge [sflag:s0], $0x800  }
0x98: {  	[sflag:s0] =	ssyncset.done $0x0  }
0x99: {  	[sflag:s0] =	ssyncadd.s32 $0xFFFFF800  }
0x9a: {  	_ =	swait.ge [sflag:s0], $0x800  }
0x9b: {  	[sflag:s0] =	ssyncset.done $0x0  }
0x9c: {  	[sflag:s0] =	ssyncadd.s32 $0xFFFFF800  }
0x9d: {  	v16 =	vld [tilespmem:s8+$0x10];
	_ =	sdelay $0x4  }
0x9e: {  	v17 =	vand.u32 $0x7F, v16;
	v16 =	vld [tilespmem:s8+$0x210]  }
0x9f: {  	v18 =	vor.u32 v0, v17;
	_ =	sdelay $0x3  }
0xa0: {  	v19 =	vshll.u32 v16, $0x3  }
0xa1: {  	v16 =	vand.u32 $0x7F, v16;
	v20 =	vld.idx.msk [tilespmem:v18+s7+$0x0], $0xffff;
	v48 =	vand.u32 $0xFFFFFC00, v19  }
0xa2: {  	v19 =	vor.u32 v16, v48;
	_ =	sdelay $0x1  }
0xa3: {  	s1 =	sand.u32 $0x70, s4;
	s11 =	rddreg [dreg:$0x13];
	v18 =	vld [tilespmem:s8+$0x410]  }
0xa4: {  	v16 =	vld [tilespmem:s8+$0x610];
	s8 =	sadd.s32 s1, s11  }
0xa5: {  	[tilespmem:s8+$0x0] =	vst v20  }
0xa6: {  	v20 =	vld.idx.msk [tilespmem:v19+s17+$0x0], $0xffff;
	_ =	sdelay $0x2  }
0xa7: {  	s11 =	rddreg [dreg:$0x14]  }
0xa8: {  	s11 =	sadd.s32 s1, s11  }
0xa9: {  	[tilespmem:s11+$0x0] =	vst v20  }
0xaa: {  	v20 =	vld.idx.msk [tilespmem:v18+s18+$0x0], $0xffff;
	_ =	sdelay $0x2  }
0xab: {  	s11 =	rddreg [dreg:$0x15]  }
0xac: {  	s11 =	sadd.s32 s1, s11  }
0xad: {  	[tilespmem:s11+$0x0] =	vst v20  }
0xae: {  	v20 =	vld.idx.msk [tilespmem:v16+s19+$0x0], $0xffff  }
0xaf: {  	v21 =	vor.u32 v1, v17;
	_ =	sdelay $0x1  }
0xb0: {  	s11 =	rddreg [dreg:$0x16]  }
0xb1: {  	s11 =	sadd.s32 s1, s11  }
0xb2: {  	[tilespmem:s11+$0x0] =	vst v20  }
0xb3: {  	v20 =	vld.idx.msk [tilespmem:v21+s7+$0x0], $0xffff  }
0xb4: {  	v49 =	vor.u32 $0x80, v19;
	_ =	sdelay $0x3  }
0xb5: {  	[tilespmem:s8+$0x80] =	vst v20  }
0xb6: {  	v20 =	vld.idx.msk [tilespmem:v49+s17+$0x0], $0xffff  }
0xb7: {  	v50 =	vadd.s32 $0x80, v18;
	_ =	sdelay $0x1  }
0xb8: {  	s11 =	rddreg [dreg:$0x17]  }
0xb9: {  	s11 =	sadd.s32 s1, s11  }
0xba: {  	[tilespmem:s11+$0x0] =	vst v20  }
0xbb: {  	v20 =	vld.idx.msk [tilespmem:v50+s18+$0x0], $0xffff  }
0xbc: {  	v51 =	vadd.s32 $0x80, v16;
	_ =	sdelay $0x1  }
0xbd: {  	s11 =	rddreg [dreg:$0x18]  }
0xbe: {  	s11 =	sadd.s32 s1, s11  }
0xbf: {  	[tilespmem:s11+$0x0] =	vst v20  }
0xc0: {  	v20 =	vld.idx.msk [tilespmem:v51+s19+$0x0], $0xffff  }
0xc1: {  	v52 =	vor.u32 v2, v17;
	_ =	sdelay $0x1  }
0xc2: {  	s11 =	rddreg [dreg:$0x19]  }
0xc3: {  	s11 =	sadd.s32 s1, s11  }
0xc4: {  	[tilespmem:s11+$0x0] =	vst v20  }
0xc5: {  	v20 =	vld.idx.msk [tilespmem:v52+s7+$0x0], $0xffff  }
0xc6: {  	v53 =	vor.u32 $0x100, v19;
	_ =	sdelay $0x3  }
0xc7: {  	[tilespmem:s8+$0x100] =	vst v20  }
0xc8: {  	v20 =	vld.idx.msk [tilespmem:v53+s17+$0x0], $0xffff  }
0xc9: {  	v54 =	vadd.s32 $0x100, v18;
	_ =	sdelay $0x1  }
0xca: {  	s11 =	rddreg [dreg:$0x1a]  }
0xcb: {  	s11 =	sadd.s32 s1, s11  }
0xcc: {  	[tilespmem:s11+$0x0] =	vst v20  }
0xcd: {  	v20 =	vld.idx.msk [tilespmem:v54+s18+$0x0], $0xffff  }
0xce: {  	v55 =	vadd.s32 $0x100, v16;
	_ =	sdelay $0x1  }
0xcf: {  	s11 =	rddreg [dreg:$0x1b]  }
0xd0: {  	s11 =	sadd.s32 s1, s11  }
0xd1: {  	[tilespmem:s11+$0x0] =	vst v20  }
0xd2: {  	v20 =	vld.idx.msk [tilespmem:v55+s19+$0x0], $0xffff  }
0xd3: {  	v56 =	vor.u32 v3, v17;
	_ =	sdelay $0x1  }
0xd4: {  	s11 =	rddreg [dreg:$0x1c]  }
0xd5: {  	s11 =	sadd.s32 s1, s11  }
0xd6: {  	[tilespmem:s11+$0x0] =	vst v20  }
0xd7: {  	v20 =	vld.idx.msk [tilespmem:v56+s7+$0x0], $0xffff  }
0xd8: {  	v57 =	vor.u32 $0x180, v19;
	_ =	sdelay $0x3  }
0xd9: {  	[tilespmem:s8+$0x180] =	vst v20  }
0xda: {  	v20 =	vld.idx.msk [tilespmem:v57+s17+$0x0], $0xffff  }
0xdb: {  	v58 =	vadd.s32 $0x180, v18;
	_ =	sdelay $0x1  }
0xdc: {  	s11 =	rddreg [dreg:$0x1d]  }
0xdd: {  	s11 =	sadd.s32 s1, s11  }
0xde: {  	[tilespmem:s11+$0x0] =	vst v20  }
0xdf: {  	v20 =	vld.idx.msk [tilespmem:v58+s18+$0x0], $0xffff  }
0xe0: {  	v59 =	vadd.s32 $0x180, v16;
	_ =	sdelay $0x1  }
0xe1: {  	s11 =	rddreg [dreg:$0x1e]  }
0xe2: {  	s11 =	sadd.s32 s1, s11  }
0xe3: {  	[tilespmem:s11+$0x0] =	vst v20  }
0xe4: {  	v20 =	vld.idx.msk [tilespmem:v59+s19+$0x0], $0xffff  }
0xe5: {  	v60 =	vor.u32 v4, v17;
	_ =	sdelay $0x1  }
0xe6: {  	s11 =	rddreg [dreg:$0x1f]  }
0xe7: {  	s11 =	sadd.s32 s1, s11  }
0xe8: {  	[tilespmem:s11+$0x0] =	vst v20  }
0xe9: {  	v20 =	vld.idx.msk [tilespmem:v60+s7+$0x0], $0xffff  }
0xea: {  	v61 =	vor.u32 $0x200, v19;
	_ =	sdelay $0x3  }
0xeb: {  	[tilespmem:s8+$0x200] =	vst v20  }
0xec: {  	v20 =	vld.idx.msk [tilespmem:v61+s17+$0x0], $0xffff  }
0xed: {  	v62 =	vadd.s32 $0x200, v18;
	s11 =	sld [smem:$0x7DE];
	_ =	sdelay $0x2  }
0xee: {  	s11 =	sadd.s32 s1, s11  }
0xef: {  	[tilespmem:s11+$0x0] =	vst v20  }
0xf0: {  	v20 =	vld.idx.msk [tilespmem:v62+s18+$0x0], $0xffff  }
0xf1: {  	v63 =	vadd.s32 $0x200, v16;
	s11 =	sld [smem:$0x7DF];
	_ =	sdelay $0x2  }
0xf2: {  	s11 =	sadd.s32 s1, s11  }
0xf3: {  	[tilespmem:s11+$0x0] =	vst v20  }
0xf4: {  	v20 =	vld.idx.msk [tilespmem:v63+s19+$0x0], $0xffff  }
0xf5: {  	v24 =	vor.u32 v5, v17;
	s11 =	sld [smem:$0x7E0];
	_ =	sdelay $0x2  }
0xf6: {  	s11 =	sadd.s32 s1, s11  }
0xf7: {  	[tilespmem:s11+$0x0] =	vst v20  }
0xf8: {  	v20 =	vld.idx.msk [tilespmem:v24+s7+$0x0], $0xffff  }
0xf9: {  	v25 =	vor.u32 $0x280, v19;
	_ =	sdelay $0x3  }
0xfa: {  	[tilespmem:s8+$0x280] =	vst v20  }
0xfb: {  	v20 =	vld.idx.msk [tilespmem:v25+s17+$0x0], $0xffff  }
0xfc: {  	v26 =	vadd.s32 $0x280, v18;
	s11 =	sld [smem:$0x7E1];
	_ =	sdelay $0x2  }
0xfd: {  	s8 =	sadd.s32 s1, s11  }
0xfe: {  	[tilespmem:s8+$0x0] =	vst v20  }
0xff: {  	v20 =	vld.idx.msk [tilespmem:v26+s18+$0x0], $0xffff  }
0x100: {  	v27 =	vadd.s32 $0x280, v16;
	s11 =	sld [smem:$0x7E2];
	_ =	sdelay $0x2  }
0x101: {  	s8 =	sadd.s32 s1, s11  }
0x102: {  	[tilespmem:s8+$0x0] =	vst v20  }
0x103: {  	v20 =	vld.idx.msk [tilespmem:v27+s19+$0x0], $0xffff  }
0x104: {  	v28 =	vor.u32 v6, v17;
	s11 =	sld [smem:$0x7E3];
	_ =	sdelay $0x2  }
0x105: {  	s8 =	sadd.s32 s1, s11  }
0x106: {  	[tilespmem:s8+$0x0] =	vst v20  }
0x107: {  	v20 =	vld.idx.msk [tilespmem:v28+s7+$0x0], $0xffff  }
0x108: {  	v29 =	vor.u32 $0x300, v19  }
0x109: {  	s11 =	sadd.s32 s10, s2  }
0x10a: {  	s8 =	sadd.s32 $0x1000, s11  }
0x10b: {  	s8 =	sor.u32 $0x300, s8  }
0x10c: {  	[tilespmem:s8+$0x15800] =	vst v20  }
0x10d: {  	v20 =	vld.idx.msk [tilespmem:v29+s17+$0x0], $0xffff  }
0x10e: {  	v30 =	vadd.s32 $0x300, v18;
	s10 =	sld [smem:$0x7E4];
	_ =	sdelay $0x2  }
0x10f: {  	s8 =	sadd.s32 s1, s10  }
0x110: {  	[tilespmem:s8+$0x0] =	vst v20  }
0x111: {  	v20 =	vld.idx.msk [tilespmem:v30+s18+$0x0], $0xffff  }
0x112: {  	v31 =	vadd.s32 $0x300, v16;
	s11 =	sld [smem:$0x7E5];
	_ =	sdelay $0x2  }
0x113: {  	s8 =	sadd.s32 s1, s11  }
0x114: {  	[tilespmem:s8+$0x0] =	vst v20  }
0x115: {  	v20 =	vld.idx.msk [tilespmem:v31+s19+$0x0], $0xffff  }
0x116: {  	v32 =	vor.u32 v7, v17;
	s10 =	sld [smem:$0x7E6];
	_ =	sdelay $0x2  }
0x117: {  	s8 =	sadd.s32 s1, s10  }
0x118: {  	[tilespmem:s8+$0x0] =	vst v20  }
0x119: {  	v20 =	vld.idx.msk [tilespmem:v32+s7+$0x0], $0xffff  }
0x11a: {  	v33 =	vor.u32 $0x380, v19  }
0x11b: {  	s11 =	rddreg [dreg:$0x12]  }
0x11c: {  	s8 =	sor.u32 s4, s11  }
0x11d: {  	s8 =	sor.u32 $0x380, s8  }
0x11e: {  	[tilespmem:s8+$0x15800] =	vst v20  }
0x11f: {  	v20 =	vld.idx.msk [tilespmem:v33+s17+$0x0], $0xffff  }
0x120: {  	v34 =	vadd.s32 $0x380, v18;
	s10 =	sld [smem:$0x7E7];
	_ =	sdelay $0x2  }
0x121: {  	s8 =	sadd.s32 s1, s10  }
0x122: {  	[tilespmem:s8+$0x0] =	vst v20  }
0x123: {  	v20 =	vld.idx.msk [tilespmem:v34+s18+$0x0], $0xffff  }
0x124: {  	v35 =	vadd.s32 $0x380, v16;
	s11 =	sld [smem:$0x7E8];
	_ =	sdelay $0x2  }
0x125: {  	s8 =	sadd.s32 s1, s11  }
0x126: {  	[tilespmem:s8+$0x0] =	vst v20  }
0x127: {  	v20 =	vld.idx.msk [tilespmem:v35+s19+$0x0], $0xffff  }
0x128: {  	v36 =	vor.u32 v8, v17;
	s10 =	sld [smem:$0x7E9];
	_ =	sdelay $0x2  }
0x129: {  	s8 =	sadd.s32 s1, s10  }
0x12a: {  	[tilespmem:s8+$0x0] =	vst v20  }
0x12b: {  	v20 =	vld.idx.msk [tilespmem:v36+s7+$0x0], $0xffff  }
0x12c: {  	v37 =	vadd.s32 $0x2000, v19;
	s11 =	sld [smem:$0x7EA];
	_ =	sdelay $0x2  }
0x12d: {  	s8 =	sadd.s32 s1, s11  }
0x12e: {  	[tilespmem:s8+$0x0] =	vst v20  }
0x12f: {  	v20 =	vld.idx.msk [tilespmem:v37+s17+$0x0], $0xffff  }
0x130: {  	v38 =	vadd.s32 $0x400, v18;
	s10 =	sld [smem:$0x7EB];
	_ =	sdelay $0x2  }
0x131: {  	s8 =	sadd.s32 s1, s10  }
0x132: {  	[tilespmem:s8+$0x0] =	vst v20  }
0x133: {  	v20 =	vld.idx.msk [tilespmem:v38+s18+$0x0], $0xffff  }
0x134: {  	v39 =	vadd.s32 $0x400, v16;
	s11 =	sld [smem:$0x7EC];
	_ =	sdelay $0x2  }
0x135: {  	s8 =	sadd.s32 s1, s11  }
0x136: {  	[tilespmem:s8+$0x0] =	vst v20  }
0x137: {  	v20 =	vld.idx.msk [tilespmem:v39+s19+$0x0], $0xffff  }
0x138: {  	v40 =	vor.u32 v9, v17;
	s10 =	sld [smem:$0x7ED];
	_ =	sdelay $0x2  }
0x139: {  	s8 =	sadd.s32 s1, s10  }
0x13a: {  	[tilespmem:s8+$0x0] =	vst v20  }
0x13b: {  	v20 =	vld.idx.msk [tilespmem:v40+s7+$0x0], $0xffff  }
0x13c: {  	v41 =	vadd.s32 $0x2080, v19;
	s11 =	sld [smem:$0x7EE];
	_ =	sdelay $0x2  }
0x13d: {  	s8 =	sadd.s32 s1, s11  }
0x13e: {  	[tilespmem:s8+$0x0] =	vst v20  }
0x13f: {  	v20 =	vld.idx.msk [tilespmem:v41+s17+$0x0], $0xffff  }
0x140: {  	v42 =	vadd.s32 $0x480, v18;
	s10 =	sld [smem:$0x7EF];
	_ =	sdelay $0x2  }
0x141: {  	s8 =	sadd.s32 s1, s10  }
0x142: {  	[tilespmem:s8+$0x0] =	vst v20  }
0x143: {  	v20 =	vld.idx.msk [tilespmem:v42+s18+$0x0], $0xffff  }
0x144: {  	v43 =	vadd.s32 $0x480, v16;
	s11 =	sld [smem:$0x7F0];
	_ =	sdelay $0x2  }
0x145: {  	s8 =	sadd.s32 s1, s11  }
0x146: {  	[tilespmem:s8+$0x0] =	vst v20  }
0x147: {  	v20 =	vld.idx.msk [tilespmem:v43+s19+$0x0], $0xffff  }
0x148: {  	v44 =	vor.u32 v10, v17;
	s10 =	sld [smem:$0x7F1];
	_ =	sdelay $0x2  }
0x149: {  	s8 =	sadd.s32 s1, s10  }
0x14a: {  	[tilespmem:s8+$0x0] =	vst v20  }
0x14b: {  	v20 =	vld.idx.msk [tilespmem:v44+s7+$0x0], $0xffff  }
0x14c: {  	v45 =	vadd.s32 $0x2100, v19;
	s11 =	sld [smem:$0x7F2];
	_ =	sdelay $0x2  }
0x14d: {  	s8 =	sadd.s32 s1, s11  }
0x14e: {  	[tilespmem:s8+$0x0] =	vst v20  }
0x14f: {  	v20 =	vld.idx.msk [tilespmem:v45+s17+$0x0], $0xffff  }
0x150: {  	v46 =	vadd.s32 $0x500, v18;
	s10 =	sld [smem:$0x7F3];
	_ =	sdelay $0x2  }
0x151: {  	s8 =	sadd.s32 s1, s10  }
0x152: {  	[tilespmem:s8+$0x0] =	vst v20  }
0x153: {  	v20 =	vld.idx.msk [tilespmem:v46+s18+$0x0], $0xffff  }
0x154: {  	v47 =	vadd.s32 $0x500, v16;
	s11 =	sld [smem:$0x7F4];
	_ =	sdelay $0x2  }
0x155: {  	s8 =	sadd.s32 s1, s11  }
0x156: {  	[tilespmem:s8+$0x0] =	vst v20  }
0x157: {  	v20 =	vld.idx.msk [tilespmem:v47+s19+$0x0], $0xffff  }
0x158: {  	v48 =	vor.u32 v11, v17;
	s10 =	sld [smem:$0x7F5];
	_ =	sdelay $0x2  }
0x159: {  	s8 =	sadd.s32 s1, s10  }
0x15a: {  	[tilespmem:s8+$0x0] =	vst v20  }
0x15b: {  	v20 =	vld.idx.msk [tilespmem:v48+s7+$0x0], $0xffff  }
0x15c: {  	v49 =	vadd.s32 $0x2180, v19;
	s11 =	sld [smem:$0x7F6];
	_ =	sdelay $0x2  }
0x15d: {  	s8 =	sadd.s32 s1, s11  }
0x15e: {  	[tilespmem:s8+$0x0] =	vst v20  }
0x15f: {  	v20 =	vld.idx.msk [tilespmem:v49+s17+$0x0], $0xffff  }
0x160: {  	v50 =	vadd.s32 $0x580, v18;
	s10 =	sld [smem:$0x7F7];
	_ =	sdelay $0x2  }
0x161: {  	s8 =	sadd.s32 s1, s10  }
0x162: {  	[tilespmem:s8+$0x0] =	vst v20  }
0x163: {  	v20 =	vld.idx.msk [tilespmem:v50+s18+$0x0], $0xffff  }
0x164: {  	v51 =	vadd.s32 $0x580, v16;
	s11 =	sld [smem:$0x7F8];
	_ =	sdelay $0x2  }
0x165: {  	s8 =	sadd.s32 s1, s11  }
0x166: {  	[tilespmem:s8+$0x0] =	vst v20  }
0x167: {  	v20 =	vld.idx.msk [tilespmem:v51+s19+$0x0], $0xffff  }
0x168: {  	v52 =	vor.u32 v12, v17;
	s10 =	sld [smem:$0x7F9];
	_ =	sdelay $0x2  }
0x169: {  	s8 =	sadd.s32 s1, s10  }
0x16a: {  	[tilespmem:s8+$0x0] =	vst v20  }
0x16b: {  	v20 =	vld.idx.msk [tilespmem:v52+s7+$0x0], $0xffff  }
0x16c: {  	v53 =	vadd.s32 $0x2200, v19;
	s11 =	sld [smem:$0x7FA];
	_ =	sdelay $0x2  }
0x16d: {  	s8 =	sadd.s32 s1, s11  }
0x16e: {  	[tilespmem:s8+$0x0] =	vst v20  }
0x16f: {  	v20 =	vld.idx.msk [tilespmem:v53+s17+$0x0], $0xffff  }
0x170: {  	v54 =	vadd.s32 $0x600, v18;
	s10 =	sld [smem:$0x7FB];
	_ =	sdelay $0x2  }
0x171: {  	s8 =	sadd.s32 s1, s10  }
0x172: {  	[tilespmem:s8+$0x0] =	vst v20  }
0x173: {  	v20 =	vld.idx.msk [tilespmem:v54+s18+$0x0], $0xffff  }
0x174: {  	v55 =	vadd.s32 $0x600, v16;
	s11 =	sld [smem:$0x7FC];
	_ =	sdelay $0x2  }
0x175: {  	s8 =	sadd.s32 s1, s11  }
0x176: {  	[tilespmem:s8+$0x0] =	vst v20  }
0x177: {  	v20 =	vld.idx.msk [tilespmem:v55+s19+$0x0], $0xffff  }
0x178: {  	v56 =	vor.u32 v13, v17;
	s10 =	sld [smem:$0x7FD];
	_ =	sdelay $0x2  }
0x179: {  	s8 =	sadd.s32 s1, s10  }
0x17a: {  	[tilespmem:s8+$0x0] =	vst v20  }
0x17b: {  	v20 =	vld.idx.msk [tilespmem:v56+s7+$0x0], $0xffff  }
0x17c: {  	v57 =	vadd.s32 $0x2280, v19;
	_ =	sdelay $0x2  }
0x17d: {  	s11 =	sadd.s32 s1, s12  }
0x17e: {  	[tilespmem:s11+$0x0] =	vst v20  }
0x17f: {  	v20 =	vld.idx.msk [tilespmem:v57+s17+$0x0], $0xffff  }
0x180: {  	v58 =	vadd.s32 $0x680, v18;
	_ =	sdelay $0x2  }
0x181: {  	s5 =	sadd.s32 s1, s5  }
0x182: {  	[tilespmem:s5+$0x0] =	vst v20  }
0x183: {  	v20 =	vld.idx.msk [tilespmem:v58+s18+$0x0], $0xffff  }
0x184: {  	v59 =	vadd.s32 $0x680, v16;
	_ =	sdelay $0x2  }
0x185: {  	s12 =	sadd.s32 s1, s20  }
0x186: {  	[tilespmem:s12+$0x0] =	vst v20  }
0x187: {  	v20 =	vld.idx.msk [tilespmem:v59+s19+$0x0], $0xffff  }
0x188: {  	v60 =	vor.u32 v14, v17;
	_ =	sdelay $0x2  }
0x189: {  	s20 =	sadd.s32 s1, s13  }
0x18a: {  	[tilespmem:s20+$0x0] =	vst v20  }
0x18b: {  	v20 =	vld.idx.msk [tilespmem:v60+s7+$0x0], $0xffff  }
0x18c: {  	v61 =	vadd.s32 $0x2300, v19;
	_ =	sdelay $0x2  }
0x18d: {  	s23 =	sadd.s32 s1, s23  }
0x18e: {  	[tilespmem:s23+$0x0] =	vst v20  }
0x18f: {  	v20 =	vld.idx.msk [tilespmem:v61+s17+$0x0], $0xffff  }
0x190: {  	v62 =	vadd.s32 $0x700, v18;
	_ =	sdelay $0x2  }
0x191: {  	s24 =	sadd.s32 s1, s24  }
0x192: {  	[tilespmem:s24+$0x0] =	vst v20  }
0x193: {  	v20 =	vld.idx.msk [tilespmem:v62+s18+$0x0], $0xffff  }
0x194: {  	v63 =	vadd.s32 $0x700, v16;
	_ =	sdelay $0x2  }
0x195: {  	s25 =	sadd.s32 s1, s25  }
0x196: {  	[tilespmem:s25+$0x0] =	vst v20  }
0x197: {  	v20 =	vld.idx.msk [tilespmem:v63+s19+$0x0], $0xffff  }
0x198: {  	v17 =	vor.u32 v15, v17;
	_ =	sdelay $0x2  }
0x199: {  	s26 =	sadd.s32 s1, s26  }
0x19a: {  	[tilespmem:s26+$0x0] =	vst v20  }
0x19b: {  	v17 =	vld.idx.msk [tilespmem:v17+s7+$0x0], $0xffff  }
0x19c: {  	v19 =	vadd.s32 $0x2380, v19;
	_ =	sdelay $0x2  }
0x19d: {  	s28 =	sadd.s32 s1, s28  }
0x19e: {  	[tilespmem:s28+$0x0] =	vst v17  }
0x19f: {  	v17 =	vld.idx.msk [tilespmem:v19+s17+$0x0], $0xffff  }
0x1a0: {  	v18 =	vadd.s32 $0x780, v18;
	_ =	sdelay $0x2  }
0x1a1: {  	s29 =	sadd.s32 s1, s29  }
0x1a2: {  	[tilespmem:s29+$0x0] =	vst v17  }
0x1a3: {  	v17 =	vld.idx.msk [tilespmem:v18+s18+$0x0], $0xffff  }
0x1a4: {  	v16 =	vadd.s32 $0x780, v16;
	_ =	sdelay $0x2  }
0x1a5: {  	s30 =	sadd.s32 s1, s30  }
0x1a6: {  	s6 =	sadd.s32 $0x80, s6;
	[tilespmem:s30+$0x0] =	vst v17  }
0x1a7: {  	p0 =	sne.s32 s6, $0x800;
	v16 =	vld.idx.msk [tilespmem:v16+s19+$0x0], $0xffff  }
.Ltmp3:
0x1a8: {  	_ = 	snop;
	(pc) =	sbr.rel @!p0 .LBB2_5-.Ltmp3, $3  }
0x1a9: {  	_ =	sdelay $0x1  }
0x1aa: {  	s16 =	sadd.s32 $0x2, s16;
	s14 =	sadd.s32 $0x100, s14;
	s1 =	sadd.s32 s1, s9  }
0x1ab: {  	s3 =	sadd.s32 $0x1, s3;
	s2 =	sadd.s32 $0x100, s2;
	s4 =	sadd.s32 $0x20, s4;
	[tilespmem:s1+$0x0] =	vst v16  }
.LBB2_2:
0x1ac: {  	s8 =	sshra.s32 s6, $0x2  }
0x1ad: {  	v16 =	vld [tilespmem:s8+$0x10];
	_ =	sdelay $0x4  }
0x1ae: {  	s1 =	rddreg [dreg:$0x4];
	v16 =	vand.u32 $0xFFFFFF80, v16  }
0x1af: {  	v16 =	vadd.s32 s1, v16  }
0x1b0: {  	(v2sf) =	vpush v16, $0x0;
	_ =	sdelay $0x1  }
0x1b1: {  	(v2sf) =	vpush v16, $0x1;
	_ =	sdelay $0x1  }
0x1b2: {  	(v2sf) =	vpush v16, $0x2;
	_ =	sdelay $0x1  }
0x1b3: {  	(v2sf) =	vpush v16, $0x3;
	_ =	sdelay $0x1  }
0x1b4: {  	(v2sf) =	vpush v16, $0x4;
	_ =	sdelay $0x1  }
0x1b5: {  	(v2sf) =	vpush v16, $0x5;
	_ =	sdelay $0x1  }
0x1b6: {  	(v2sf) =	vpush v16, $0x6;
	_ =	sdelay $0x1  }
0x1b7: {  	(v2sf) =	vpush v16, $0x7  }
0x1b8: {  	s9 =	spop (v2sf)  }
0x1b9: {  	(v2sf) =	vpush v16, $0x8;
	[tilespmem:s7], [sflag:$0x3] =	stream.strided.gather [hbm4b:s9+s15], $0x800, s21, s15, $0x38;
	[tilespmem:$0x1D800] =	vst v63  }
0x1ba: {  	s5 =	simm.s32 $0xE000;
	s10 =	spop (v2sf)  }
0x1bb: {  	(v2sf) =	vpush v16, $0x9;
	[tilespmem:s5], [sflag:$0x3] =	stream.strided.gather [hbm4b:s10+s15], $0x800, s21, s15, $0x38;
	[tilespmem:$0x1D800] =	vst v63  }
0x1bc: {  	s12 =	simm.s32 $0xE800;
	s11 =	spop (v2sf)  }
0x1bd: {  	(v2sf) =	vpush v16, $0xA;
	[tilespmem:s12], [sflag:$0x3] =	stream.strided.gather [hbm4b:s11+s15], $0x800, s21, s15, $0x38;
	[tilespmem:$0x1D800] =	vst v63  }
0x1be: {  	s20 =	simm.s32 $0xF000;
	s13 =	spop (v2sf)  }
0x1bf: {  	(v2sf) =	vpush v16, $0xB;
	[tilespmem:s20], [sflag:$0x3] =	stream.strided.gather [hbm4b:s13+s15], $0x800, s21, s15, $0x38;
	[tilespmem:$0x1D800] =	vst v63  }
0x1c0: {  	s24 =	simm.s32 $0xF800;
	s23 =	spop (v2sf)  }
0x1c1: {  	(v2sf) =	vpush v16, $0xC;
	[tilespmem:s24], [sflag:$0x3] =	stream.strided.gather [hbm4b:s23+s15], $0x800, s21, s15, $0x38;
	[tilespmem:$0x1D800] =	vst v63  }
0x1c2: {  	s26 =	simm.s32 $0x10000;
	s25 =	spop (v2sf)  }
0x1c3: {  	(v2sf) =	vpush v16, $0xD;
	[tilespmem:s26], [sflag:$0x3] =	stream.strided.gather [hbm4b:s25+s15], $0x800, s21, s15, $0x38;
	[tilespmem:$0x1D800] =	vst v63  }
0x1c4: {  	s10 =	simm.s32 $0x10800;
	s9 =	spop (v2sf)  }
0x1c5: {  	(v2sf) =	vpush v16, $0xE;
	[tilespmem:s10], [sflag:$0x3] =	stream.strided.gather [hbm4b:s9+s15], $0x800, s21, s15, $0x38;
	[tilespmem:$0x1D800] =	vst v63  }
0x1c6: {  	s12 =	simm.s32 $0x11000;
	s11 =	spop (v2sf)  }
0x1c7: {  	(v2sf) =	vpush v16, $0xF;
	[tilespmem:s12], [sflag:$0x3] =	stream.strided.gather [hbm4b:s11+s15], $0x800, s21, s15, $0x38;
	[tilespmem:$0x1D800] =	vst v63  }
0x1c8: {  	s20 =	simm.s32 $0x11800;
	s13 =	spop (v2sf)  }
0x1c9: {  	[tilespmem:s20], [sflag:$0x3] =	stream.strided.gather [hbm4b:s13+s15], $0x800, s21, s15, $0x38;
	[tilespmem:$0x1D800] =	vst v63  }
0x1ca: {  	s24 =	simm.s32 $0x12000;
	s23 =	spop (v2sf)  }
0x1cb: {  	[tilespmem:s24], [sflag:$0x3] =	stream.strided.gather [hbm4b:s23+s15], $0x800, s21, s15, $0x38;
	[tilespmem:$0x1D800] =	vst v63  }
0x1cc: {  	s26 =	simm.s32 $0x12800;
	s25 =	spop (v2sf)  }
0x1cd: {  	[tilespmem:s26], [sflag:$0x3] =	stream.strided.gather [hbm4b:s25+s15], $0x800, s21, s15, $0x38;
	[tilespmem:$0x1D800] =	vst v63  }
0x1ce: {  	s9 =	simm.s32 $0x13000;
	s5 =	spop (v2sf)  }
0x1cf: {  	[tilespmem:s9], [sflag:$0x3] =	stream.strided.gather [hbm4b:s5+s15], $0x800, s21, s15, $0x38;
	[tilespmem:$0x1D800] =	vst v63  }
0x1d0: {  	s11 =	simm.s32 $0x13800;
	s10 =	spop (v2sf)  }
0x1d1: {  	[tilespmem:s11], [sflag:$0x3] =	stream.strided.gather [hbm4b:s10+s15], $0x800, s21, s15, $0x38;
	[tilespmem:$0x1D800] =	vst v63  }
0x1d2: {  	s13 =	simm.s32 $0x14000;
	s12 =	spop (v2sf)  }
0x1d3: {  	[tilespmem:s13], [sflag:$0x3] =	stream.strided.gather [hbm4b:s12+s15], $0x800, s21, s15, $0x38;
	[tilespmem:$0x1D800] =	vst v63  }
0x1d4: {  	s23 =	simm.s32 $0x14800;
	s20 =	spop (v2sf)  }
0x1d5: {  	[tilespmem:s23], [sflag:$0x3] =	stream.strided.gather [hbm4b:s20+s15], $0x800, s21, s15, $0x38;
	[tilespmem:$0x1D800] =	vst v63  }
0x1d6: {  	s25 =	simm.s32 $0x15000;
	s24 =	spop (v2sf)  }
0x1d7: {  	[tilespmem:s25], [sflag:$0x3] =	stream.strided.gather [hbm4b:s24+s15], $0x800, s21, s15, $0x38;
	[tilespmem:$0x1D800] =	vst v63  }
0x1d8: {  	_ =	swait.ge [sflag:s31], $0x800  }
0x1d9: {  	[sflag:s31] =	ssyncset.done $0x0  }
0x1da: {  	[sflag:s31] =	ssyncadd.s32 $0xFFFFF800  }
0x1db: {  	_ =	swait.ge [sflag:s31], $0x800  }
0x1dc: {  	[sflag:s31] =	ssyncset.done $0x0  }
0x1dd: {  	[sflag:s31] =	ssyncadd.s32 $0xFFFFF800  }
0x1de: {  	_ =	swait.ge [sflag:s31], $0x800  }
0x1df: {  	[sflag:s31] =	ssyncset.done $0x0  }
0x1e0: {  	[sflag:s31] =	ssyncadd.s32 $0xFFFFF800  }
0x1e1: {  	_ =	swait.ge [sflag:s31], $0x800  }
0x1e2: {  	[sflag:s31] =	ssyncset.done $0x0  }
0x1e3: {  	[sflag:s31] =	ssyncadd.s32 $0xFFFFF800  }
0x1e4: {  	_ =	swait.ge [sflag:s31], $0x800  }
0x1e5: {  	[sflag:s31] =	ssyncset.done $0x0  }
0x1e6: {  	[sflag:s31] =	ssyncadd.s32 $0xFFFFF800  }
0x1e7: {  	_ =	swait.ge [sflag:s31], $0x800  }
0x1e8: {  	[sflag:s31] =	ssyncset.done $0x0  }
0x1e9: {  	[sflag:s31] =	ssyncadd.s32 $0xFFFFF800  }
0x1ea: {  	_ =	swait.ge [sflag:s31], $0x800  }
0x1eb: {  	[sflag:s31] =	ssyncset.done $0x0  }
0x1ec: {  	[sflag:s31] =	ssyncadd.s32 $0xFFFFF800  }
0x1ed: {  	_ =	swait.ge [sflag:s31], $0x800  }
0x1ee: {  	[sflag:s31] =	ssyncset.done $0x0  }
0x1ef: {  	[sflag:s31] =	ssyncadd.s32 $0xFFFFF800  }
0x1f0: {  	_ =	swait.ge [sflag:s31], $0x800  }
0x1f1: {  	[sflag:s31] =	ssyncset.done $0x0  }
0x1f2: {  	[sflag:s31] =	ssyncadd.s32 $0xFFFFF800  }
0x1f3: {  	_ =	swait.ge [sflag:s31], $0x800  }
0x1f4: {  	[sflag:s31] =	ssyncset.done $0x0  }
0x1f5: {  	[sflag:s31] =	ssyncadd.s32 $0xFFFFF800  }
0x1f6: {  	_ =	swait.ge [sflag:s31], $0x800  }
0x1f7: {  	[sflag:s31] =	ssyncset.done $0x0  }
0x1f8: {  	[sflag:s31] =	ssyncadd.s32 $0xFFFFF800  }
0x1f9: {  	_ =	swait.ge [sflag:s31], $0x800  }
0x1fa: {  	[sflag:s31] =	ssyncset.done $0x0  }
0x1fb: {  	[sflag:s31] =	ssyncadd.s32 $0xFFFFF800  }
0x1fc: {  	_ =	swait.ge [sflag:s31], $0x800  }
0x1fd: {  	[sflag:s31] =	ssyncset.done $0x0  }
0x1fe: {  	[sflag:s31] =	ssyncadd.s32 $0xFFFFF800  }
0x1ff: {  	_ =	swait.ge [sflag:s31], $0x800  }
0x200: {  	[sflag:s31] =	ssyncset.done $0x0  }
0x201: {  	[sflag:s31] =	ssyncadd.s32 $0xFFFFF800  }
0x202: {  	_ =	swait.ge [sflag:s31], $0x800  }
0x203: {  	[sflag:s31] =	ssyncset.done $0x0  }
0x204: {  	[sflag:s31] =	ssyncadd.s32 $0xFFFFF800  }
0x205: {  	_ =	swait.ge [sflag:s31], $0x800  }
0x206: {  	[sflag:s31] =	ssyncset.done $0x0  }
0x207: {  	[sflag:s31] =	ssyncadd.s32 $0xFFFFF800  }
0x208: {  	v16 =	vld [tilespmem:s8+$0x0];
	_ =	sdelay $0x4  }
0x209: {  	v17 =	vand.u32 $0x7F, v16;
	v16 =	vld [tilespmem:s8+$0x200]  }
0x20a: {  	v18 =	vor.u32 v0, v17;
	_ =	sdelay $0x3  }
0x20b: {  	v19 =	vshll.u32 v16, $0x3  }
0x20c: {  	v16 =	vand.u32 $0x7F, v16;
	v20 =	vld.idx.msk [tilespmem:v18+s22+$0x0], $0xffff;
	v48 =	vand.u32 $0xFFFFFC00, v19  }
0x20d: {  	s12 =	sadd.s32 $0x1000, s2;
	v19 =	vor.u32 v16, v48  }
0x20e: {  	s5 =	sadd.s32 $0xFFFFFFF0, s4;
	s9 =	sand.u32 $0xC00, s12  }
0x20f: {  	s1 =	sand.u32 $0x60, s5;
	s10 =	sadd.s32 $0x15800, s9  }
0x210: {  	[dreg:$0x13] =	wrdreg s10;
	s10 =	sor.u32 s1, s10;
	v18 =	vld [tilespmem:s8+$0x400]  }
0x211: {  	v16 =	vld [tilespmem:s8+$0x600];
	[tilespmem:s10+$0x0] =	vst v20  }
0x212: {  	v20 =	vld.idx.msk [tilespmem:v19+s17+$0x0], $0xffff;
	_ =	sdelay $0x2  }
0x213: {  	s11 =	sadd.s32 $0x17800, s9  }
0x214: {  	[dreg:$0x14] =	wrdreg s11;
	s11 =	sor.u32 s1, s11  }
0x215: {  	[tilespmem:s11+$0x0] =	vst v20  }
0x216: {  	v20 =	vld.idx.msk [tilespmem:v18+s18+$0x0], $0xffff;
	_ =	sdelay $0x2  }
0x217: {  	s26 =	sadd.s32 $0x19800, s9  }
0x218: {  	s11 =	sor.u32 s1, s26  }
0x219: {  	[tilespmem:s11+$0x0] =	vst v20  }
0x21a: {  	v20 =	vld.idx.msk [tilespmem:v16+s19+$0x0], $0xffff  }
0x21b: {  	v21 =	vor.u32 v1, v17;
	_ =	sdelay $0x1  }
0x21c: {  	s13 =	sadd.s32 $0x1B800, s9  }
0x21d: {  	s11 =	sor.u32 s1, s13  }
0x21e: {  	[tilespmem:s11+$0x0] =	vst v20  }
0x21f: {  	v20 =	vld.idx.msk [tilespmem:v21+s22+$0x0], $0xffff  }
0x220: {  	v49 =	vor.u32 $0x80, v19;
	_ =	sdelay $0x3  }
0x221: {  	[tilespmem:s10+$0x80] =	vst v20  }
0x222: {  	v20 =	vld.idx.msk [tilespmem:v49+s17+$0x0], $0xffff  }
0x223: {  	v50 =	vadd.s32 $0x80, v18;
	_ =	sdelay $0x1  }
0x224: {  	s20 =	sadd.s32 $0x17880, s9  }
0x225: {  	s11 =	sor.u32 s1, s20  }
0x226: {  	[tilespmem:s11+$0x0] =	vst v20  }
0x227: {  	v20 =	vld.idx.msk [tilespmem:v50+s18+$0x0], $0xffff  }
0x228: {  	v51 =	vadd.s32 $0x80, v16;
	_ =	sdelay $0x1  }
0x229: {  	s23 =	sadd.s32 $0x19880, s9  }
0x22a: {  	s11 =	sor.u32 s1, s23  }
0x22b: {  	[tilespmem:s11+$0x0] =	vst v20  }
0x22c: {  	v20 =	vld.idx.msk [tilespmem:v51+s19+$0x0], $0xffff  }
0x22d: {  	v52 =	vor.u32 v2, v17;
	_ =	sdelay $0x1  }
0x22e: {  	s24 =	sadd.s32 $0x1B880, s9  }
0x22f: {  	s11 =	sor.u32 s1, s24  }
0x230: {  	[tilespmem:s11+$0x0] =	vst v20  }
0x231: {  	v20 =	vld.idx.msk [tilespmem:v52+s22+$0x0], $0xffff  }
0x232: {  	v53 =	vor.u32 $0x100, v19;
	_ =	sdelay $0x3  }
0x233: {  	[tilespmem:s10+$0x100] =	vst v20  }
0x234: {  	v20 =	vld.idx.msk [tilespmem:v53+s17+$0x0], $0xffff  }
0x235: {  	v54 =	vadd.s32 $0x100, v18;
	_ =	sdelay $0x1  }
0x236: {  	s25 =	sadd.s32 $0x17900, s9  }
0x237: {  	s11 =	sor.u32 s1, s25  }
0x238: {  	[tilespmem:s11+$0x0] =	vst v20  }
0x239: {  	v20 =	vld.idx.msk [tilespmem:v54+s18+$0x0], $0xffff  }
0x23a: {  	v55 =	vadd.s32 $0x100, v16;
	_ =	sdelay $0x1  }
0x23b: {  	[dreg:$0x15] =	wrdreg s26;
	s26 =	sadd.s32 $0x19900, s9  }
0x23c: {  	s11 =	sor.u32 s1, s26  }
0x23d: {  	[tilespmem:s11+$0x0] =	vst v20  }
0x23e: {  	v20 =	vld.idx.msk [tilespmem:v55+s19+$0x0], $0xffff  }
0x23f: {  	v56 =	vor.u32 v3, v17;
	_ =	sdelay $0x1  }
0x240: {  	[dreg:$0x16] =	wrdreg s13;
	s13 =	sadd.s32 $0x1B900, s9  }
0x241: {  	s11 =	sor.u32 s1, s13  }
0x242: {  	[tilespmem:s11+$0x0] =	vst v20  }
0x243: {  	v20 =	vld.idx.msk [tilespmem:v56+s22+$0x0], $0xffff  }
0x244: {  	v57 =	vor.u32 $0x180, v19;
	_ =	sdelay $0x3  }
0x245: {  	[tilespmem:s10+$0x180] =	vst v20  }
0x246: {  	v20 =	vld.idx.msk [tilespmem:v57+s17+$0x0], $0xffff  }
0x247: {  	v58 =	vadd.s32 $0x180, v18;
	_ =	sdelay $0x1  }
0x248: {  	[dreg:$0x17] =	wrdreg s20;
	s20 =	sadd.s32 $0x17980, s9  }
0x249: {  	s11 =	sor.u32 s1, s20  }
0x24a: {  	[tilespmem:s11+$0x0] =	vst v20  }
0x24b: {  	v20 =	vld.idx.msk [tilespmem:v58+s18+$0x0], $0xffff  }
0x24c: {  	v59 =	vadd.s32 $0x180, v16;
	_ =	sdelay $0x1  }
0x24d: {  	[dreg:$0x18] =	wrdreg s23;
	s23 =	sadd.s32 $0x19980, s9  }
0x24e: {  	s11 =	sor.u32 s1, s23  }
0x24f: {  	[tilespmem:s11+$0x0] =	vst v20  }
0x250: {  	v20 =	vld.idx.msk [tilespmem:v59+s19+$0x0], $0xffff  }
0x251: {  	v60 =	vor.u32 v4, v17;
	_ =	sdelay $0x1  }
0x252: {  	[dreg:$0x19] =	wrdreg s24;
	s24 =	sadd.s32 $0x1B980, s9  }
0x253: {  	s11 =	sor.u32 s1, s24  }
0x254: {  	[tilespmem:s11+$0x0] =	vst v20  }
0x255: {  	v20 =	vld.idx.msk [tilespmem:v60+s22+$0x0], $0xffff  }
0x256: {  	v61 =	vor.u32 $0x200, v19;
	_ =	sdelay $0x3  }
0x257: {  	[tilespmem:s10+$0x200] =	vst v20  }
0x258: {  	v20 =	vld.idx.msk [tilespmem:v61+s17+$0x0], $0xffff  }
0x259: {  	v62 =	vadd.s32 $0x200, v18;
	_ =	sdelay $0x1  }
0x25a: {  	[dreg:$0x1a] =	wrdreg s25;
	s25 =	sadd.s32 $0x17A00, s9  }
0x25b: {  	s11 =	sor.u32 s1, s25  }
0x25c: {  	[tilespmem:s11+$0x0] =	vst v20  }
0x25d: {  	v20 =	vld.idx.msk [tilespmem:v62+s18+$0x0], $0xffff  }
0x25e: {  	v63 =	vadd.s32 $0x200, v16;
	_ =	sdelay $0x1  }
0x25f: {  	[dreg:$0x1b] =	wrdreg s26;
	s26 =	sadd.s32 $0x19A00, s9  }
0x260: {  	s11 =	sor.u32 s1, s26  }
0x261: {  	[tilespmem:s11+$0x0] =	vst v20  }
0x262: {  	v20 =	vld.idx.msk [tilespmem:v63+s19+$0x0], $0xffff  }
0x263: {  	v24 =	vor.u32 v5, v17;
	_ =	sdelay $0x1  }
0x264: {  	[dreg:$0x1c] =	wrdreg s13;
	s13 =	sadd.s32 $0x1BA00, s9  }
0x265: {  	s11 =	sor.u32 s1, s13  }
0x266: {  	[tilespmem:s11+$0x0] =	vst v20  }
0x267: {  	v20 =	vld.idx.msk [tilespmem:v24+s22+$0x0], $0xffff  }
0x268: {  	v25 =	vor.u32 $0x280, v19;
	_ =	sdelay $0x3  }
0x269: {  	[tilespmem:s10+$0x280] =	vst v20  }
0x26a: {  	v20 =	vld.idx.msk [tilespmem:v25+s17+$0x0], $0xffff  }
0x26b: {  	v26 =	vadd.s32 $0x280, v18;
	_ =	sdelay $0x1  }
0x26c: {  	[dreg:$0x1d] =	wrdreg s20;
	s20 =	sadd.s32 $0x17A80, s9  }
0x26d: {  	s10 =	sor.u32 s1, s20  }
0x26e: {  	[tilespmem:s10+$0x0] =	vst v20  }
0x26f: {  	v20 =	vld.idx.msk [tilespmem:v26+s18+$0x0], $0xffff  }
0x270: {  	v27 =	vadd.s32 $0x280, v16;
	_ =	sdelay $0x1  }
0x271: {  	[dreg:$0x1e] =	wrdreg s23;
	s23 =	sadd.s32 $0x19A80, s9  }
0x272: {  	s10 =	sor.u32 s1, s23  }
0x273: {  	[tilespmem:s10+$0x0] =	vst v20  }
0x274: {  	v20 =	vld.idx.msk [tilespmem:v27+s19+$0x0], $0xffff  }
0x275: {  	v28 =	vor.u32 v6, v17;
	_ =	sdelay $0x1  }
0x276: {  	[dreg:$0x1f] =	wrdreg s24;
	s24 =	sadd.s32 $0x1BA80, s9  }
0x277: {  	s10 =	sor.u32 s1, s24  }
0x278: {  	[tilespmem:s10+$0x0] =	vst v20  }
0x279: {  	v20 =	vld.idx.msk [tilespmem:v28+s22+$0x0], $0xffff  }
0x27a: {  	v29 =	vor.u32 $0x300, v19;
	[smem:$0x7DE] =	sst s25;
	s25 =	sand.u32 $0x3, s3  }
0x27b: {  	s10 =	sshll.u32 s25, $0x5  }
0x27c: {  	s10 =	sadd.s32 s10, s14  }
0x27d: {  	s10 =	sor.u32 $0x300, s10  }
0x27e: {  	[tilespmem:s10+$0x15800] =	vst v20  }
0x27f: {  	v20 =	vld.idx.msk [tilespmem:v29+s17+$0x0], $0xffff  }
0x280: {  	v30 =	vadd.s32 $0x300, v18;
	_ =	sdelay $0x1  }
0x281: {  	[smem:$0x7DF] =	sst s26;
	s26 =	sadd.s32 $0x17B00, s9  }
0x282: {  	s10 =	sor.u32 s1, s26  }
0x283: {  	[tilespmem:s10+$0x0] =	vst v20  }
0x284: {  	v20 =	vld.idx.msk [tilespmem:v30+s18+$0x0], $0xffff  }
0x285: {  	v31 =	vadd.s32 $0x300, v16;
	_ =	sdelay $0x1  }
0x286: {  	s11 =	sadd.s32 $0x19B00, s9  }
0x287: {  	s10 =	sor.u32 s1, s11  }
0x288: {  	[tilespmem:s10+$0x0] =	vst v20  }
0x289: {  	v20 =	vld.idx.msk [tilespmem:v31+s19+$0x0], $0xffff  }
0x28a: {  	v32 =	vor.u32 v7, v17;
	_ =	sdelay $0x1  }
0x28b: {  	[smem:$0x7E0] =	sst s13;
	s13 =	sadd.s32 $0x1BB00, s9  }
0x28c: {  	s10 =	sor.u32 s1, s13  }
0x28d: {  	[tilespmem:s10+$0x0] =	vst v20  }
0x28e: {  	v20 =	vld.idx.msk [tilespmem:v32+s22+$0x0], $0xffff  }
0x28f: {  	v33 =	vor.u32 $0x380, v19;
	_ =	sdelay $0x1  }
0x290: {  	s5 =	sor.u32 s5, s12  }
0x291: {  	s5 =	sor.u32 $0x380, s5  }
0x292: {  	[tilespmem:s5+$0x15800] =	vst v20  }
0x293: {  	v20 =	vld.idx.msk [tilespmem:v33+s17+$0x0], $0xffff  }
0x294: {  	v34 =	vadd.s32 $0x380, v18;
	_ =	sdelay $0x1  }
0x295: {  	[smem:$0x7E1] =	sst s20;
	s20 =	sadd.s32 $0x17B80, s9  }
0x296: {  	s5 =	sor.u32 s1, s20  }
0x297: {  	[tilespmem:s5+$0x0] =	vst v20  }
0x298: {  	v20 =	vld.idx.msk [tilespmem:v34+s18+$0x0], $0xffff  }
0x299: {  	v35 =	vadd.s32 $0x380, v16;
	_ =	sdelay $0x1  }
0x29a: {  	[smem:$0x7E2] =	sst s23;
	s23 =	sadd.s32 $0x19B80, s9  }
0x29b: {  	s5 =	sor.u32 s1, s23  }
0x29c: {  	[tilespmem:s5+$0x0] =	vst v20  }
0x29d: {  	v20 =	vld.idx.msk [tilespmem:v35+s19+$0x0], $0xffff  }
0x29e: {  	v36 =	vor.u32 v8, v17;
	_ =	sdelay $0x1  }
0x29f: {  	[smem:$0x7E3] =	sst s24;
	s24 =	sadd.s32 $0x1BB80, s9  }
0x2a0: {  	s5 =	sor.u32 s1, s24  }
0x2a1: {  	[tilespmem:s5+$0x0] =	vst v20  }
0x2a2: {  	v20 =	vld.idx.msk [tilespmem:v36+s22+$0x0], $0xffff  }
0x2a3: {  	v37 =	vadd.s32 $0x2000, v19;
	_ =	sdelay $0x1  }
0x2a4: {  	s25 =	sadd.s32 $0x16800, s9  }
0x2a5: {  	s5 =	sor.u32 s1, s25  }
0x2a6: {  	[tilespmem:s5+$0x0] =	vst v20  }
0x2a7: {  	v20 =	vld.idx.msk [tilespmem:v37+s17+$0x0], $0xffff  }
0x2a8: {  	v38 =	vadd.s32 $0x400, v18;
	_ =	sdelay $0x1  }
0x2a9: {  	[smem:$0x7E4] =	sst s26;
	s26 =	sadd.s32 $0x18800, s9  }
0x2aa: {  	s5 =	sor.u32 s1, s26  }
0x2ab: {  	[tilespmem:s5+$0x0] =	vst v20  }
0x2ac: {  	v20 =	vld.idx.msk [tilespmem:v38+s18+$0x0], $0xffff  }
0x2ad: {  	v39 =	vadd.s32 $0x400, v16;
	_ =	sdelay $0x1  }
0x2ae: {  	s10 =	sadd.s32 $0x1A800, s9  }
0x2af: {  	s5 =	sor.u32 s1, s10  }
0x2b0: {  	[tilespmem:s5+$0x0] =	vst v20  }
0x2b1: {  	v20 =	vld.idx.msk [tilespmem:v39+s19+$0x0], $0xffff  }
0x2b2: {  	v40 =	vor.u32 v9, v17;
	_ =	sdelay $0x1  }
0x2b3: {  	[smem:$0x7E5] =	sst s11;
	s11 =	sadd.s32 $0x1C800, s9  }
0x2b4: {  	s5 =	sor.u32 s1, s11  }
0x2b5: {  	[tilespmem:s5+$0x0] =	vst v20  }
0x2b6: {  	v20 =	vld.idx.msk [tilespmem:v40+s22+$0x0], $0xffff  }
0x2b7: {  	v41 =	vadd.s32 $0x2080, v19;
	_ =	sdelay $0x1  }
0x2b8: {  	[dreg:$0x12] =	wrdreg s12;
	s12 =	sadd.s32 $0x16880, s9  }
0x2b9: {  	s5 =	sor.u32 s1, s12  }
0x2ba: {  	[tilespmem:s5+$0x0] =	vst v20  }
0x2bb: {  	v20 =	vld.idx.msk [tilespmem:v41+s17+$0x0], $0xffff  }
0x2bc: {  	v42 =	vadd.s32 $0x480, v18;
	_ =	sdelay $0x1  }
0x2bd: {  	[smem:$0x7E6] =	sst s13;
	s13 =	sadd.s32 $0x18880, s9  }
0x2be: {  	s5 =	sor.u32 s1, s13  }
0x2bf: {  	[tilespmem:s5+$0x0] =	vst v20  }
0x2c0: {  	v20 =	vld.idx.msk [tilespmem:v42+s18+$0x0], $0xffff  }
0x2c1: {  	v43 =	vadd.s32 $0x480, v16;
	_ =	sdelay $0x1  }
0x2c2: {  	[smem:$0x7E7] =	sst s20;
	s20 =	sadd.s32 $0x1A880, s9  }
0x2c3: {  	s5 =	sor.u32 s1, s20  }
0x2c4: {  	[tilespmem:s5+$0x0] =	vst v20  }
0x2c5: {  	v20 =	vld.idx.msk [tilespmem:v43+s19+$0x0], $0xffff  }
0x2c6: {  	v44 =	vor.u32 v10, v17;
	_ =	sdelay $0x1  }
0x2c7: {  	[smem:$0x7E8] =	sst s23;
	s23 =	sadd.s32 $0x1C880, s9  }
0x2c8: {  	s5 =	sor.u32 s1, s23  }
0x2c9: {  	[tilespmem:s5+$0x0] =	vst v20  }
0x2ca: {  	v20 =	vld.idx.msk [tilespmem:v44+s22+$0x0], $0xffff  }
0x2cb: {  	v45 =	vadd.s32 $0x2100, v19;
	_ =	sdelay $0x1  }
0x2cc: {  	[smem:$0x7E9] =	sst s24;
	s24 =	sadd.s32 $0x16900, s9  }
0x2cd: {  	s5 =	sor.u32 s1, s24  }
0x2ce: {  	[tilespmem:s5+$0x0] =	vst v20  }
0x2cf: {  	v20 =	vld.idx.msk [tilespmem:v45+s17+$0x0], $0xffff  }
0x2d0: {  	v46 =	vadd.s32 $0x500, v18;
	_ =	sdelay $0x1  }
0x2d1: {  	[smem:$0x7EA] =	sst s25;
	s25 =	sadd.s32 $0x18900, s9  }
0x2d2: {  	s5 =	sor.u32 s1, s25  }
0x2d3: {  	[tilespmem:s5+$0x0] =	vst v20  }
0x2d4: {  	v20 =	vld.idx.msk [tilespmem:v46+s18+$0x0], $0xffff  }
0x2d5: {  	v47 =	vadd.s32 $0x500, v16;
	_ =	sdelay $0x1  }
0x2d6: {  	[smem:$0x7EB] =	sst s26;
	s26 =	sadd.s32 $0x1A900, s9  }
0x2d7: {  	s5 =	sor.u32 s1, s26  }
0x2d8: {  	[tilespmem:s5+$0x0] =	vst v20  }
0x2d9: {  	v20 =	vld.idx.msk [tilespmem:v47+s19+$0x0], $0xffff  }
0x2da: {  	v48 =	vor.u32 v11, v17;
	_ =	sdelay $0x1  }
0x2db: {  	[smem:$0x7EC] =	sst s10;
	s10 =	sadd.s32 $0x1C900, s9  }
0x2dc: {  	s5 =	sor.u32 s1, s10  }
0x2dd: {  	[tilespmem:s5+$0x0] =	vst v20  }
0x2de: {  	v20 =	vld.idx.msk [tilespmem:v48+s22+$0x0], $0xffff  }
0x2df: {  	v49 =	vadd.s32 $0x2180, v19;
	_ =	sdelay $0x1  }
0x2e0: {  	[smem:$0x7ED] =	sst s11;
	s11 =	sadd.s32 $0x16980, s9  }
0x2e1: {  	s5 =	sor.u32 s1, s11  }
0x2e2: {  	[tilespmem:s5+$0x0] =	vst v20  }
0x2e3: {  	v20 =	vld.idx.msk [tilespmem:v49+s17+$0x0], $0xffff  }
0x2e4: {  	v50 =	vadd.s32 $0x580, v18;
	_ =	sdelay $0x1  }
0x2e5: {  	[smem:$0x7EE] =	sst s12;
	s12 =	sadd.s32 $0x18980, s9  }
0x2e6: {  	s5 =	sor.u32 s1, s12  }
0x2e7: {  	[tilespmem:s5+$0x0] =	vst v20  }
0x2e8: {  	v20 =	vld.idx.msk [tilespmem:v50+s18+$0x0], $0xffff  }
0x2e9: {  	v51 =	vadd.s32 $0x580, v16;
	_ =	sdelay $0x1  }
0x2ea: {  	[smem:$0x7EF] =	sst s13;
	s13 =	sadd.s32 $0x1A980, s9  }
0x2eb: {  	s5 =	sor.u32 s1, s13  }
0x2ec: {  	[tilespmem:s5+$0x0] =	vst v20  }
0x2ed: {  	v20 =	vld.idx.msk [tilespmem:v51+s19+$0x0], $0xffff  }
0x2ee: {  	v52 =	vor.u32 v12, v17;
	_ =	sdelay $0x1  }
0x2ef: {  	[smem:$0x7F0] =	sst s20;
	s20 =	sadd.s32 $0x1C980, s9  }
0x2f0: {  	s5 =	sor.u32 s1, s20  }
0x2f1: {  	[tilespmem:s5+$0x0] =	vst v20  }
0x2f2: {  	v20 =	vld.idx.msk [tilespmem:v52+s22+$0x0], $0xffff  }
0x2f3: {  	v53 =	vadd.s32 $0x2200, v19;
	_ =	sdelay $0x1  }
0x2f4: {  	[smem:$0x7F1] =	sst s23;
	s23 =	sadd.s32 $0x16A00, s9  }
0x2f5: {  	s5 =	sor.u32 s1, s23  }
0x2f6: {  	[tilespmem:s5+$0x0] =	vst v20  }
0x2f7: {  	v20 =	vld.idx.msk [tilespmem:v53+s17+$0x0], $0xffff  }
0x2f8: {  	v54 =	vadd.s32 $0x600, v18;
	_ =	sdelay $0x1  }
0x2f9: {  	[smem:$0x7F2] =	sst s24;
	s24 =	sadd.s32 $0x18A00, s9  }
0x2fa: {  	s5 =	sor.u32 s1, s24  }
0x2fb: {  	[tilespmem:s5+$0x0] =	vst v20  }
0x2fc: {  	v20 =	vld.idx.msk [tilespmem:v54+s18+$0x0], $0xffff  }
0x2fd: {  	v55 =	vadd.s32 $0x600, v16;
	_ =	sdelay $0x1  }
0x2fe: {  	[smem:$0x7F3] =	sst s25;
	s25 =	sadd.s32 $0x1AA00, s9  }
0x2ff: {  	s5 =	sor.u32 s1, s25  }
0x300: {  	[tilespmem:s5+$0x0] =	vst v20  }
0x301: {  	v20 =	vld.idx.msk [tilespmem:v55+s19+$0x0], $0xffff  }
0x302: {  	v56 =	vor.u32 v13, v17;
	_ =	sdelay $0x1  }
0x303: {  	[smem:$0x7F4] =	sst s26;
	s26 =	sadd.s32 $0x1CA00, s9  }
0x304: {  	s5 =	sor.u32 s1, s26  }
0x305: {  	[tilespmem:s5+$0x0] =	vst v20  }
0x306: {  	v20 =	vld.idx.msk [tilespmem:v56+s22+$0x0], $0xffff  }
0x307: {  	v57 =	vadd.s32 $0x2280, v19;
	_ =	sdelay $0x1  }
0x308: {  	[smem:$0x7F7] =	sst s12;
	s12 =	sadd.s32 $0x16A80, s9  }
0x309: {  	[smem:$0x7F5] =	sst s10;
	s10 =	sor.u32 s1, s12  }
0x30a: {  	[tilespmem:s10+$0x0] =	vst v20  }
0x30b: {  	v20 =	vld.idx.msk [tilespmem:v57+s17+$0x0], $0xffff  }
0x30c: {  	v58 =	vadd.s32 $0x680, v18;
	_ =	sdelay $0x1  }
0x30d: {  	s5 =	sadd.s32 $0x18A80, s9  }
0x30e: {  	[smem:$0x7F6] =	sst s11;
	s11 =	sor.u32 s1, s5  }
0x30f: {  	[tilespmem:s11+$0x0] =	vst v20  }
0x310: {  	v20 =	vld.idx.msk [tilespmem:v58+s18+$0x0], $0xffff  }
0x311: {  	v59 =	vadd.s32 $0x680, v16;
	_ =	sdelay $0x1  }
0x312: {  	[smem:$0x7F9] =	sst s20;
	s20 =	sadd.s32 $0x1AA80, s9  }
0x313: {  	[smem:$0x7F8] =	sst s13;
	s13 =	sor.u32 s1, s20  }
0x314: {  	[tilespmem:s13+$0x0] =	vst v20  }
0x315: {  	v20 =	vld.idx.msk [tilespmem:v59+s19+$0x0], $0xffff  }
0x316: {  	v60 =	vor.u32 v14, v17;
	_ =	sdelay $0x1  }
0x317: {  	s13 =	sadd.s32 $0x1CA80, s9  }
0x318: {  	[smem:$0x7FA] =	sst s23;
	s23 =	sor.u32 s1, s13  }
0x319: {  	[tilespmem:s23+$0x0] =	vst v20  }
0x31a: {  	v20 =	vld.idx.msk [tilespmem:v60+s22+$0x0], $0xffff  }
0x31b: {  	v61 =	vadd.s32 $0x2300, v19;
	_ =	sdelay $0x1  }
0x31c: {  	s23 =	sadd.s32 $0x16B00, s9  }
0x31d: {  	[smem:$0x7FB] =	sst s24;
	s24 =	sor.u32 s1, s23  }
0x31e: {  	[tilespmem:s24+$0x0] =	vst v20  }
0x31f: {  	v20 =	vld.idx.msk [tilespmem:v61+s17+$0x0], $0xffff  }
0x320: {  	v62 =	vadd.s32 $0x700, v18;
	_ =	sdelay $0x1  }
0x321: {  	s24 =	sadd.s32 $0x18B00, s9  }
0x322: {  	[smem:$0x7FC] =	sst s25;
	s25 =	sor.u32 s1, s24  }
0x323: {  	[tilespmem:s25+$0x0] =	vst v20  }
0x324: {  	v20 =	vld.idx.msk [tilespmem:v62+s18+$0x0], $0xffff  }
0x325: {  	v63 =	vadd.s32 $0x700, v16;
	_ =	sdelay $0x1  }
0x326: {  	s25 =	sadd.s32 $0x1AB00, s9  }
0x327: {  	[smem:$0x7FD] =	sst s26;
	s26 =	sor.u32 s1, s25  }
0x328: {  	[tilespmem:s26+$0x0] =	vst v20  }
0x329: {  	v20 =	vld.idx.msk [tilespmem:v63+s19+$0x0], $0xffff  }
0x32a: {  	v17 =	vor.u32 v15, v17;
	_ =	sdelay $0x1  }
0x32b: {  	s26 =	sadd.s32 $0x1CB00, s9  }
0x32c: {  	s11 =	sor.u32 s1, s26  }
0x32d: {  	[tilespmem:s11+$0x0] =	vst v20  }
0x32e: {  	v17 =	vld.idx.msk [tilespmem:v17+s22+$0x0], $0xffff  }
0x32f: {  	v19 =	vadd.s32 $0x2380, v19;
	_ =	sdelay $0x1  }
0x330: {  	s28 =	sadd.s32 $0x16B80, s9  }
0x331: {  	s11 =	sor.u32 s1, s28  }
0x332: {  	[tilespmem:s11+$0x0] =	vst v17  }
0x333: {  	v17 =	vld.idx.msk [tilespmem:v19+s17+$0x0], $0xffff  }
0x334: {  	v18 =	vadd.s32 $0x780, v18;
	_ =	sdelay $0x1  }
0x335: {  	s29 =	sadd.s32 $0x18B80, s9  }
0x336: {  	s11 =	sor.u32 s1, s29  }
0x337: {  	[tilespmem:s11+$0x0] =	vst v17  }
0x338: {  	v17 =	vld.idx.msk [tilespmem:v18+s18+$0x0], $0xffff  }
0x339: {  	v16 =	vadd.s32 $0x780, v16;
	_ =	sdelay $0x1  }
0x33a: {  	s30 =	sadd.s32 $0x1AB80, s9  }
0x33b: {  	s11 =	sor.u32 s1, s30  }
0x33c: {  	[tilespmem:s11+$0x0] =	vst v17  }
0x33d: {  	p0 =	seq.s32 s6, $0x780;
	v16 =	vld.idx.msk [tilespmem:v16+s19+$0x0], $0xffff  }
.Ltmp4:
0x33e: {  	_ = 	snop;
	(pc) =	sbr.rel @p0 .LBB2_4-.Ltmp4, $4  }
0x33f: {  	_ = 	snop  }
0x340: {  	s9 =	sadd.s32 $0x1CB80, s9;
	s11 =	sand.u32 $0x7, s16  }
0x341: {  	s1 =	sor.u32 s1, s9;
	s10 =	sshll.u32 s11, $0x4  }
0x342: {  	s10 =	sadd.s32 $0x10, s10;
	[tilespmem:s1+$0x0] =	vst v16  }
0x343: {  	v16 =	vld [tilespmem:s8+$0x20];
	_ =	sdelay $0x4  }
0x344: {  	s1 =	rddreg [dreg:$0x4];
	v16 =	vand.u32 $0xFFFFFF80, v16  }
0x345: {  	v16 =	vadd.s32 s1, v16  }
0x346: {  	(v2sf) =	vpush v16, $0x0;
	_ =	sdelay $0x1  }
0x347: {  	(v2sf) =	vpush v16, $0x1;
	_ =	sdelay $0x1  }
0x348: {  	(v2sf) =	vpush v16, $0x2;
	_ =	sdelay $0x1  }
0x349: {  	(v2sf) =	vpush v16, $0x3;
	_ =	sdelay $0x1  }
0x34a: {  	(v2sf) =	vpush v16, $0x4;
	_ =	sdelay $0x1  }
0x34b: {  	(v2sf) =	vpush v16, $0x5;
	_ =	sdelay $0x1  }
0x34c: {  	(v2sf) =	vpush v16, $0x6;
	_ =	sdelay $0x1  }
0x34d: {  	(v2sf) =	vpush v16, $0x7  }
0x34e: {  	s11 =	spop (v2sf)  }
0x34f: {  	(v2sf) =	vpush v16, $0x8;
	[tilespmem:s22], [sflag:$0x2] =	stream.strided.gather [hbm4b:s11+s15], $0x800, s21, s15, $0x38;
	[tilespmem:$0x1D800] =	vst v63  }
0x350: {  	s1 =	spop (v2sf);
	s11 =	simm.s32 $0x6000  }
0x351: {  	(v2sf) =	vpush v16, $0x9;
	[tilespmem:s11], [sflag:$0x2] =	stream.strided.gather [hbm4b:s1+s15], $0x800, s21, s15, $0x38;
	[tilespmem:$0x1D800] =	vst v63  }
0x352: {  	s1 =	spop (v2sf);
	s11 =	simm.s32 $0x6800  }
0x353: {  	(v2sf) =	vpush v16, $0xA;
	[tilespmem:s11], [sflag:$0x2] =	stream.strided.gather [hbm4b:s1+s15], $0x800, s21, s15, $0x38;
	[tilespmem:$0x1D800] =	vst v63  }
0x354: {  	s1 =	spop (v2sf);
	s11 =	simm.s32 $0x7000  }
0x355: {  	(v2sf) =	vpush v16, $0xB;
	[tilespmem:s11], [sflag:$0x2] =	stream.strided.gather [hbm4b:s1+s15], $0x800, s21, s15, $0x38;
	[tilespmem:$0x1D800] =	vst v63  }
0x356: {  	s1 =	spop (v2sf);
	s11 =	simm.s32 $0x7800  }
0x357: {  	(v2sf) =	vpush v16, $0xC;
	[tilespmem:s11], [sflag:$0x2] =	stream.strided.gather [hbm4b:s1+s15], $0x800, s21, s15, $0x38;
	[tilespmem:$0x1D800] =	vst v63  }
0x358: {  	s1 =	spop (v2sf);
	s11 =	simm.s32 $0x8000  }
0x359: {  	(v2sf) =	vpush v16, $0xD;
	[tilespmem:s11], [sflag:$0x2] =	stream.strided.gather [hbm4b:s1+s15], $0x800, s21, s15, $0x38;
	[tilespmem:$0x1D800] =	vst v63  }
0x35a: {  	s1 =	spop (v2sf);
	s11 =	simm.s32 $0x8800  }
0x35b: {  	[tilespmem:s11], [sflag:$0x2] =	stream.strided.gather [hbm4b:s1+s15], $0x800, s21, s15, $0x38;
	[tilespmem:$0x1D800] =	vst v63  }
0x35c: {  	(v2sf) =	vpush v16, $0xE;
	s1 =	spop (v2sf);
	s11 =	simm.s32 $0x9000  }
0x35d: {  	[tilespmem:s11], [sflag:$0x2] =	stream.strided.gather [hbm4b:s1+s15], $0x800, s21, s15, $0x38;
	[tilespmem:$0x1D800] =	vst v63  }
0x35e: {  	(v2sf) =	vpush v16, $0xF;
	s1 =	spop (v2sf);
	s11 =	simm.s32 $0x9800  }
0x35f: {  	[tilespmem:s11], [sflag:$0x2] =	stream.strided.gather [hbm4b:s1+s15], $0x800, s21, s15, $0x38;
	[tilespmem:$0x1D800] =	vst v63  }
0x360: {  	s1 =	spop (v2sf);
	s11 =	simm.s32 $0xA000  }
0x361: {  	[tilespmem:s11], [sflag:$0x2] =	stream.strided.gather [hbm4b:s1+s15], $0x800, s21, s15, $0x38;
	[tilespmem:$0x1D800] =	vst v63  }
0x362: {  	s1 =	spop (v2sf);
	s11 =	simm.s32 $0xA800  }
0x363: {  	[tilespmem:s11], [sflag:$0x2] =	stream.strided.gather [hbm4b:s1+s15], $0x800, s21, s15, $0x38;
	[tilespmem:$0x1D800] =	vst v63  }
0x364: {  	s1 =	spop (v2sf);
	s11 =	simm.s32 $0xB000  }
0x365: {  	[tilespmem:s11], [sflag:$0x2] =	stream.strided.gather [hbm4b:s1+s15], $0x800, s21, s15, $0x38;
	[tilespmem:$0x1D800] =	vst v63  }
0x366: {  	s1 =	spop (v2sf);
	s11 =	simm.s32 $0xB800  }
0x367: {  	[tilespmem:s11], [sflag:$0x2] =	stream.strided.gather [hbm4b:s1+s15], $0x800, s21, s15, $0x38;
	[tilespmem:$0x1D800] =	vst v63  }
0x368: {  	s1 =	spop (v2sf);
	s11 =	simm.s32 $0xC000  }
0x369: {  	[tilespmem:s11], [sflag:$0x2] =	stream.strided.gather [hbm4b:s1+s15], $0x800, s21, s15, $0x38;
	[tilespmem:$0x1D800] =	vst v63  }
.Ltmp5:
0x36a: {  	_ = 	snop;
	(pc) =	sbr.rel .LBB2_4-.Ltmp5, $4  }
0x36b: {  	s1 =	spop (v2sf);
	s11 =	simm.s32 $0xC800  }
0x36c: {  	[tilespmem:s11], [sflag:$0x2] =	stream.strided.gather [hbm4b:s1+s15], $0x800, s21, s15, $0x38;
	[tilespmem:$0x1D800] =	vst v63  }
0x36d: {  	s1 =	spop (v2sf);
	s11 =	simm.s32 $0xD000  }
0x36e: {  	[tilespmem:s11], [sflag:$0x2] =	stream.strided.gather [hbm4b:s1+s15], $0x800, s21, s15, $0x38;
	[tilespmem:$0x1D800] =	vst v63  }
.LBB2_6:
0x36f: {  	_ =	sfence.sel $0x180000  }
0x370: {  	[bflag:$0x0] =	sbarrier.arrive $0xFFFF  }
0x371: {  	_ =	strace $0x90000047  }
0x372: {  	s0 =	stileid.u32;
	[bflag:$0x2] =	sbarrier.arrive $0xFFFF  }
0x373: {  	p0 =	sne.s32 s0, $0x0;
	s0 =	rddreg [dreg:$0x9]  }
0x374: {  	s0 =	sadd.s32 @!p0 $0x100000, s0  }
0x375: {  	[sflag:s0] =	ssyncadd.tile.s32 @!p0 $0x1;
	_ =	shalt  }
.Lfunc_end2:
_tile_overlayer_lowered:
.L_overlay_start_2:
0x376: {  	(tag) =	ssettag $0x2  }
0x377: {  	s0 =	rddreg [dreg:$0x0];
	s2 =	stileid.u32  }
0x378: {  	s1 =	rddreg [dreg:$0x1];
	p0 =	sne.s32 s2, $0x0  }
0x379: {  	s3 =	rddreg [dreg:$0x2];
	[bflag:$0x3] =	sbarrier.arrive $0xFFFF;
	s2 =	simm.s32 @!p0 $0x1C04  }
0x37a: {  	[timem:s3], [sflag:s2] =	dma.local @!p0 [hbm:s0], s1  }
0x37b: {  	s0 =	simm.s32 @!p0 $0x4  }
0x37c: {  	_ =	swait.ge @!p0 [sflag:s0], s1  }
0x37d: {  	s1 =	ssub.s32 @!p0 $0x0, s1;
	[sflag:s0] =	ssyncset.done @!p0 $0x0  }
0x37e: {  	[sflag:s0] =	ssyncadd.s32 @!p0 s1  }
0x37f: {  	[bflag:$0x3] =	sbarrier.arrive $0xFFFF  }
0x380: {  	_ =	shalt  }

</sc_bundles>
